<compile_context>
chip_gen: v7x
topology: tpu7x:2x2x1
jax: 0.10.2.dev20260603
libtpu: 0.0.44.dev20260713+nightly
codegen_flags: <defaults>
</compile_context>

<pallas_src>
import functools

import jax
import jax.numpy as jnp
from jax import lax
from jax.experimental import pallas as pl
from jax.experimental.pallas import tpu as pltpu
from jax.experimental.pallas import tpu_sc as plsc

HEADS_ = 8
POINTS_ = 4


def _val_proj_body(YB, GY, Wd, da_ref, db_ref, w_ref, b_ref, o_ref):
    dh = o_ref.shape[1] // 2
    bias = b_ref[...][None, :]
    wv = w_ref[...].astype(jnp.bfloat16)

    def proj(col):
        return lax.dot_general(col.astype(jnp.bfloat16), wv,
                               (((0,), (0,)), ((), ())),
                               preferred_element_type=jnp.float32) + bias

    va = [proj(da_ref[0, :, yy, :]) for yy in range(YB)]
    is_last = pl.program_id(1) == GY - 1
    edge_col = jnp.where(is_last, da_ref[0, :, YB - 1, :], db_ref[0, :, 0, :])
    va.append(proj(edge_col))

    def pack_x_pair(v):
        vb = lax.bitcast_convert_type(v.astype(jnp.bfloat16), jnp.uint16)
        lo = vb.astype(jnp.int32)
        sh = jnp.concatenate([lo[1:], lo[-1:]], axis=0)
        return lo | lax.shift_left(sh, 16)

    pk = [pack_x_pair(v) for v in va]
    for yy in range(YB):
        for h in range(HEADS_):
            rb = (yy * HEADS_ + h) * Wd
            o_ref[pl.ds(rb, Wd), pl.ds(0, dh)] = pk[yy][:, h * dh:(h + 1) * dh]
            o_ref[pl.ds(rb, Wd), pl.ds(dh, dh)] = \
                pk[yy + 1][:, h * dh:(h + 1) * dh]


def _val_proj(dense4, w_val, b_val):
    B, C, Hd, Wd = dense4.shape
    YB = 8
    GY = Hd // YB
    return pl.pallas_call(
        functools.partial(_val_proj_body, YB, GY, Wd),
        grid=(B, GY),
        in_specs=[
            pl.BlockSpec((1, C, YB, Wd), lambda b, i: (b, 0, i, 0)),
            pl.BlockSpec((1, C, YB, Wd),
                         lambda b, i: (b, 0, jnp.minimum(i + 1, GY - 1), 0)),
            pl.BlockSpec((C, C), lambda b, i: (0, 0)),
            pl.BlockSpec((C,), lambda b, i: (0,)),
        ],
        out_specs=pl.BlockSpec((YB * HEADS_ * Wd, 2 * (C // HEADS_)),
                               lambda b, i: (b * GY + i, 0)),
        out_shape=jax.ShapeDtypeStruct(
            (B * Hd * HEADS_ * Wd, 2 * (C // HEADS_)), jnp.int32),
    )(dense4, dense4, w_val, b_val)


def _addr_body(Hd, Wd, s_ref, x_ref, y_ref, b_ref, wo_ref, bo_ref,
               wa_ref, ba_ref, idx_ref, w_ref):
    s = s_ref[...]
    offm = lax.dot_general(s, wo_ref[...], (((1,), (0,)), ((), ())),
                           preferred_element_type=jnp.float32) + bo_ref[...][None, :]
    attn = lax.dot_general(s, wa_ref[...], (((1,), (0,)), ((), ())),
                           preferred_element_type=jnp.float32) + ba_ref[...][None, :]
    a = [attn[:, p * 8:(p + 1) * 8] for p in range(POINTS_)]
    m = jnp.maximum(jnp.maximum(a[0], a[1]), jnp.maximum(a[2], a[3]))
    e = [jnp.exp(v - m) for v in a]
    ssum = e[0] + e[1] + e[2] + e[3]
    aw = [v / ssum for v in e]

    xq = x_ref[...].astype(jnp.float32)
    yq = y_ref[...].astype(jnp.float32)
    bq = b_ref[...]
    TN = s.shape[0]
    h_arr = lax.broadcasted_iota(jnp.int32, (TN, 8), 1)
    ref_x = xq / Hd
    ref_y = yq / Wd
    idx_parts, wa_p, wb_p, wc_p, wd_p = [], [], [], [], []
    for p in range(POINTS_):
        off_x = offm[:, p * 8:(p + 1) * 8]
        off_y = offm[:, 32 + p * 8:32 + (p + 1) * 8]
        ix = (ref_x + off_x / Wd) * Wd - 0.5
        iy = (ref_y + off_y / Hd) * Hd - 0.5
        x0 = jnp.floor(ix)
        y0 = jnp.floor(iy)
        wx1 = ix - x0
        wx0 = 1.0 - wx1
        wy1 = iy - y0
        wy0 = 1.0 - wy1
        inb_y0 = ((y0 >= 0) & (y0 <= Hd - 1)).astype(jnp.float32)
        inb_y1 = ((y0 + 1.0 >= 0) & (y0 + 1.0 <= Hd - 1)).astype(jnp.float32)
        fy0 = wy0 * inb_y0 + wy1 * (y0 == -1.0).astype(jnp.float32)
        fy1 = wy1 * inb_y1 * (y0 >= 0).astype(jnp.float32)
        inb_x0 = ((x0 >= 0) & (x0 <= Wd - 1)).astype(jnp.float32)
        inb_x1 = ((x0 + 1.0 >= 0) & (x0 + 1.0 <= Wd - 1)).astype(jnp.float32)
        fx0 = wx0 * inb_x0 + wx1 * (x0 == -1.0).astype(jnp.float32)
        fx1 = wx1 * inb_x1 * (x0 >= 0).astype(jnp.float32)
        ybase = jnp.clip(y0, 0, Hd - 1).astype(jnp.int32)
        xbase = jnp.clip(x0, 0, Wd - 1).astype(jnp.int32)
        idx_parts.append(((bq * Hd + ybase) * HEADS_ + h_arr) * Wd + xbase)
        wa_p.append(aw[p] * fx0 * fy0)
        wb_p.append(aw[p] * fx1 * fy0)
        wc_p.append(aw[p] * fx0 * fy1)
        wd_p.append(aw[p] * fx1 * fy1)
    idx_ref[...] = jnp.concatenate(idx_parts, axis=1)
    w_ref[...] = jnp.concatenate(wa_p + wb_p + wc_p + wd_p, axis=1)


def _addresses(sparse, xcol, ycol, bcol, w_off2, b_off2, w_attn2, b_attn2,
               Hd, Wd):
    N, C = sparse.shape
    TN = 1000
    grid = N // TN
    return pl.pallas_call(
        functools.partial(_addr_body, Hd, Wd),
        grid=(grid,),
        in_specs=[
            pl.BlockSpec((TN, C), lambda i: (i, 0)),
            pl.BlockSpec((TN, 1), lambda i: (i, 0)),
            pl.BlockSpec((TN, 1), lambda i: (i, 0)),
            pl.BlockSpec((TN, 1), lambda i: (i, 0)),
            pl.BlockSpec((C, 64), lambda i: (0, 0)),
            pl.BlockSpec((64,), lambda i: (0,)),
            pl.BlockSpec((C, 32), lambda i: (0, 0)),
            pl.BlockSpec((32,), lambda i: (0,)),
        ],
        out_specs=[
            pl.BlockSpec((TN, 32), lambda i: (i, 0)),
            pl.BlockSpec((TN, 128), lambda i: (i, 0)),
        ],
        out_shape=[
            jax.ShapeDtypeStruct((N, 32), jnp.int32),
            jax.ShapeDtypeStruct((N, 128), jnp.float32),
        ],
    )(sparse, xcol, ycol, bcol, w_off2, b_off2, w_attn2, b_attn2)


def _bf16_pair(words):
    even = lax.bitcast_convert_type(
        lax.shift_left(words, 16), jnp.float32)
    odd = lax.bitcast_convert_type(
        jnp.bitwise_and(words, jnp.int32(-65536)), jnp.float32)
    return even, odd


def _splat_lane(vec16, lane):
    idx = jnp.full((16, 1), lane, jnp.int32)
    return lax.gather(
        vec16, idx,
        dimension_numbers=lax.GatherDimensionNumbers(
            offset_dims=(), collapsed_slice_dims=(0,), start_index_map=(0,)),
        slice_sizes=(1,),
        mode=lax.GatherScatterMode.PROMISE_IN_BOUNDS)


def _gather_combine(table, cidx, cw, Np, dh):
    NW = 32
    NQW = Np // NW
    Q = 8
    RPQ = 32
    R = Q * RPQ
    NCH = NQW // Q

    mesh = plsc.VectorSubcoreMesh(core_axis_name="c", subcore_axis_name="s")

    @functools.partial(
        pl.kernel, mesh=mesh,
        out_type=jax.ShapeDtypeStruct((Np, HEADS_ * dh), jnp.float32),
        scratch_types=[
            pltpu.VMEM((Q, RPQ), jnp.int32),
            pltpu.VMEM((Q, 4 * RPQ), jnp.float32),
            pltpu.VMEM((R, 2 * dh), jnp.int32),
            pltpu.VMEM((Q, HEADS_ * dh), jnp.float32),
            pltpu.SemaphoreType.DMA,
        ],
    )
    def sc_kernel(table_hbm, idx_hbm, w_hbm, out_hbm, idx_v, w_v, rows_v,
                  out_v, gsem):
        wid = lax.axis_index("s") * 2 + lax.axis_index("c")
        qw0 = wid * NQW

        def step(g, carry):
            q0 = qw0 + g * Q
            pltpu.sync_copy(idx_hbm.at[pl.ds(q0, Q)], idx_v)
            pltpu.sync_copy(w_hbm.at[pl.ds(q0, Q)], w_v)
            handles = [
                pltpu.async_copy(table_hbm.at[idx_v.at[qi]],
                                 rows_v.at[pl.ds(qi * RPQ, RPQ)], gsem)
                for qi in range(Q)]
            for hd in handles:
                hd.wait()

            def q_body(qi, cq):
                base = qi * RPQ

                def jj_body(jj, acc):
                    wb = jj * 16
                    w16a = w_v[qi, pl.ds(wb, 16)]
                    w16b = w_v[qi, pl.ds(RPQ + wb, 16)]
                    w16c = w_v[qi, pl.ds(2 * RPQ + wb, 16)]
                    w16d = w_v[qi, pl.ds(3 * RPQ + wb, 16)]
                    acc = list(acc)
                    for k in range(2):
                        for h in range(HEADS_):
                            lane = k * 8 + h
                            r = base + wb + lane
                            wa = _splat_lane(w16a, lane)
                            wb_ = _splat_lane(w16b, lane)
                            wc = _splat_lane(w16c, lane)
                            wd = _splat_lane(w16d, lane)
                            for gg in range(4):
                                a, b = _bf16_pair(
                                    rows_v[r, pl.ds(gg * 16, 16)])
                                c, d = _bf16_pair(
                                    rows_v[r, pl.ds(dh + gg * 16, 16)])
                                acc[h * 4 + gg] = acc[h * 4 + gg] + \
                                    wa * a + wb_ * b + wc * c + wd * d
                    return tuple(acc)

                acc0 = tuple(jnp.zeros((16,), jnp.float32)
                             for _ in range(HEADS_ * 4))
                acc = lax.fori_loop(0, RPQ // 16, jj_body, acc0)
                for h in range(HEADS_):
                    for gg in range(4):
                        out_v[qi, pl.ds(h * dh + gg * 16, 16)] = \
                            acc[h * 4 + gg]
                return cq

            lax.fori_loop(0, Q, q_body, 0)
            pltpu.sync_copy(out_v, out_hbm.at[pl.ds(q0, Q)])
            return carry

        lax.fori_loop(0, NCH, step, 0)

    return sc_kernel(table, cidx, cw)


def _out_proj_body(a_ref, w_ref, b_ref, s_ref, o_ref):
    o_ref[...] = s_ref[...] + lax.dot_general(
        a_ref[...], w_ref[...], (((1,), (0,)), ((), ())),
        preferred_element_type=jnp.float32) + b_ref[...][None, :]


def _out_proj(agg, w_out, b_out, sparse):
    N, C = sparse.shape
    TN = 1000
    return pl.pallas_call(
        _out_proj_body,
        grid=(N // TN,),
        in_specs=[
            pl.BlockSpec((TN, C), lambda i: (i, 0)),
            pl.BlockSpec((C, C), lambda i: (0, 0)),
            pl.BlockSpec((C,), lambda i: (0,)),
            pl.BlockSpec((TN, C), lambda i: (i, 0)),
        ],
        out_specs=pl.BlockSpec((TN, C), lambda i: (i, 0)),
        out_shape=jax.ShapeDtypeStruct((N, C), jnp.float32),
    )(agg, w_out, b_out, sparse)


def kernel(sparse_features, voxel_batch_idx, voxel_xy, dense_tensor,
           W_val, b_val, W_off, b_off, W_attn, b_attn, W_out, b_out):
    B, C, Hd, Wd = dense_tensor.shape
    N = sparse_features.shape[0]
    HW = Hd * Wd
    dh = C // HEADS_

    table = _val_proj(dense_tensor, W_val, b_val)

    W_off2 = W_off.reshape(C, HEADS_, POINTS_, 2).transpose(0, 3, 2, 1).reshape(C, 64)
    b_off2 = b_off.reshape(HEADS_, POINTS_, 2).transpose(2, 1, 0).reshape(64)
    W_attn2 = W_attn.reshape(C, HEADS_, POINTS_).transpose(0, 2, 1).reshape(C, 32)
    b_attn2 = b_attn.reshape(HEADS_, POINTS_).transpose(1, 0).reshape(32)
    xcol = voxel_xy[:, 0:1].astype(jnp.int32)
    ycol = voxel_xy[:, 1:2].astype(jnp.int32)
    bcol = voxel_batch_idx[:, None].astype(jnp.int32)
    cidx, cw = _addresses(sparse_features, xcol, ycol, bcol,
                          W_off2, b_off2, W_attn2, b_attn2, Hd, Wd)

    Np = ((N + 255) // 256) * 256
    cidx_p = jnp.pad(cidx, ((0, Np - N), (0, 0)))
    cw_p = jnp.pad(cw, ((0, Np - N), (0, 0)))
    agg = _gather_combine(table, cidx_p, cw_p, Np, dh)

    return _out_proj(agg, W_out, b_out, sparse_features)

# --- scband reference (transcript-rebuilt; emitter-appended) ---
"""Pipeline reference for scband-dca-input-stacom-45964740001824 (READ-ONLY COPY).

The authoritative reference and input builder live on the scoring server;
editing this copy changes nothing except your own understanding.
"""

import jax, jax.numpy as jnp
import numpy as np

HEADS = 8
POINTS = 4


def setup_inputs(seed: int = 0) -> dict:
    key = jax.random.key(seed)
    ks = jax.random.split(key, 12)
    N, C, B, Hd, Wd = 10000, 512, 2, 200, 200
    s = 1.0 / np.sqrt(C)
    inp = {}
    inp["sparse_features"] = jax.random.normal(ks[0], (N, C), dtype=jnp.float32)
    inp["voxel_batch_idx"] = jax.random.randint(ks[1], (N,), 0, B)
    inp["voxel_xy"] = jax.random.randint(ks[2], (N, 2), 0, Hd)
    inp["dense_tensor"] = jax.random.normal(ks[3], (B, C, Hd, Wd), dtype=jnp.float32)
    inp["W_val"] = jax.random.normal(ks[4], (C, C), dtype=jnp.float32) * s
    inp["b_val"] = jnp.zeros((C,), dtype=jnp.float32)
    inp["W_off"] = jax.random.normal(ks[5], (C, HEADS * POINTS * 2), dtype=jnp.float32) * (s * 0.1)
    inp["b_off"] = jax.random.normal(ks[6], (HEADS * POINTS * 2,), dtype=jnp.float32) * 0.5
    inp["W_attn"] = jax.random.normal(ks[7], (C, HEADS * POINTS), dtype=jnp.float32) * s
    inp["b_attn"] = jnp.zeros((HEADS * POINTS,), dtype=jnp.float32)
    inp["W_out"] = jax.random.normal(ks[8], (C, C), dtype=jnp.float32) * s
    inp["b_out"] = jnp.zeros((C,), dtype=jnp.float32)
    return inp


def reference(sparse_features, voxel_batch_idx, voxel_xy, dense_tensor,
              W_val, b_val, W_off, b_off, W_attn, b_attn, W_out, b_out):
    B, C, Hd, Wd = dense_tensor.shape
    N = sparse_features.shape[0]
    dh = C // HEADS
    # reference points: ref[:,0] /= W_sp, ref[:,1] /= H_sp with (W_sp, H_sp) = spatial_shape = (Hd, Wd)
    ref = voxel_xy.astype(jnp.float32)
    ref_x = ref[:, 0] / Hd
    ref_y = ref[:, 1] / Wd
    # value projection over the flattened dense map (key/value path)
    v = dense_tensor.reshape(B, C, Hd * Wd).transpose(0, 2, 1)
    v = v @ W_val + b_val
    val_map = v.reshape(B, Hd, Wd, HEADS, dh)
    # per-query sampling offsets and attention weights
    off = (sparse_features @ W_off + b_off).reshape(N, HEADS, POINTS, 2)
    aw = (sparse_features @ W_attn + b_attn).reshape(N, HEADS, POINTS)
    aw = jax.nn.softmax(aw, axis=-1)
    # sampling locations in [0,1]; offset normalizer = (W_d, H_d)
    loc_x = ref_x[:, None, None] + off[..., 0] / Wd
    loc_y = ref_y[:, None, None] + off[..., 1] / Hd
    # bilinear grid_sample, align_corners=False, zero padding
    ix = loc_x * Wd - 0.5
    iy = loc_y * Hd - 0.5
    x0 = jnp.floor(ix)
    y0 = jnp.floor(iy)
    x1 = x0 + 1.0
    y1 = y0 + 1.0
    wx1 = ix - x0
    wx0 = 1.0 - wx1
    wy1 = iy - y0
    wy0 = 1.0 - wy1
    b_idx = jnp.broadcast_to(voxel_batch_idx[:, None, None], (N, HEADS, POINTS))
    h_idx = jnp.broadcast_to(jnp.arange(HEADS)[None, :, None], (N, HEADS, POINTS))

    def gather(yc, xc):
        inb = ((xc >= 0) & (xc <= Wd - 1) & (yc >= 0) & (yc <= Hd - 1)).astype(jnp.float32)
        xi = jnp.clip(xc, 0, Wd - 1).astype(jnp.int32)
        yi = jnp.clip(yc, 0, Hd - 1).astype(jnp.int32)
        vals = val_map[b_idx, yi, xi, h_idx]  # [N, HEADS, POINTS, dh]
        return vals * inb[..., None]

    s00 = gather(y0, x0)
    s01 = gather(y0, x1)
    s10 = gather(y1, x0)
    s11 = gather(y1, x1)
    sampled = (s00 * (wy0 * wx0)[..., None] + s01 * (wy0 * wx1)[..., None]
               + s10 * (wy1 * wx0)[..., None] + s11 * (wy1 * wx1)[..., None])
    out = (sampled * aw[..., None]).sum(axis=2).reshape(N, C)
    out = out @ W_out + b_out
    # tem_feat = agg_feat_list[0] + agg_feat_list[1]
    return sparse_features + out

if __name__ == "__main__":
    import jax
    _d = setup_inputs()
    print(jax.jit(kernel)(*tuple(_d.values())))

</pallas_src>

<mosaic_0001>
#map = affine_map<(d0, d1) -> (0, 0)>
module attributes {stable_mosaic.version = 14 : i64} {
  func.func @sc_kernel(%arg0: i32, %arg1: i32, %arg2: memref<640000x128xi32, #tpu.memory_space<hbm>>, %arg3: memref<10240x32xi32, #tpu.memory_space<hbm>>, %arg4: memref<10240x128xf32, #tpu.memory_space<hbm>>, %arg5: memref<10240x512xf32, #tpu.memory_space<hbm>>, %arg6: memref<8x32xi32, #tpu.memory_space<vmem>>, %arg7: memref<8x128xf32, #tpu.memory_space<vmem>>, %arg8: memref<256x128xi32, #tpu.memory_space<vmem>>, %arg9: memref<8x512xf32, #tpu.memory_space<vmem>>, %arg10: memref<!tpu.dma_semaphore, #tpu.memory_space<semaphore_mem>>) attributes {dimension_semantics = [#tpu.dimension_semantics<core_parallel>, #tpu.dimension_semantics<subcore_parallel>], iteration_bounds = array<i64: 2, 16>, scalar_prefetch = 0 : i64, scratch_operands = 5 : i64, tpu.core_type = #tpu.core_type<sc_vector_subcore>, window_params = [{transform_indices = #map}, {transform_indices = #map}, {transform_indices = #map}, {transform_indices = #map}]} {
    %mul3A = arith.constant 2 : i32
    %mul3A_0 = arith.muli %arg1, %mul3A : i32
    %add3A = arith.addi %mul3A_0, %arg0 : i32
    %mul3A_1 = arith.constant 320 : i32
    %mul3A_2 = arith.muli %add3A, %mul3A_1 : i32
    %scan3A = arith.constant 0 : i32
    %scan3A_3 = arith.constant 0 : i32
    %scan3A_4 = arith.constant 40 : i32
    %scan3A_5 = arith.addi %scan3A_3, %scan3A_4 : i32
    %scan3A_6 = arith.constant 1 : i32
    scf.for %scan3A_8 = %scan3A_3 to %scan3A_5 step %scan3A_6  : i32 {
      %mul3A_9 = arith.constant 8 : i32
      %mul3A_10 = arith.muli %scan3A_8, %mul3A_9 : i32
      %add3A_11 = arith.addi %mul3A_2, %mul3A_10 : i32
      "tpu.region"() ({
        %run_scoped3A = tpu.sem_alloc : memref<!tpu.dma_semaphore, #tpu.memory_space<semaphore_mem>>
        %dma_start3A_176 = arith.constant 0 : i32
        %dma_start3A_177 = tpu.memref_slice %arg3[%add3A_11, %dma_start3A_176] : memref<10240x32xi32, #tpu.memory_space<hbm>> -> memref<8x32xi32, #tpu.memory_space<hbm>>
        %dma_start3A_178 = arith.constant 0 : i32
        %dma_start3A_179 = tpu.memref_slice %arg3[%add3A_11, %dma_start3A_178] : memref<10240x32xi32, #tpu.memory_space<hbm>> -> memref<8x32xi32, #tpu.memory_space<hbm>>
        tpu.enqueue_dma source(%dma_start3A_179 : memref<8x32xi32, #tpu.memory_space<hbm>>) target(%arg6 : memref<8x32xi32, #tpu.memory_space<vmem>>) target_semaphore(%run_scoped3A : memref<!tpu.dma_semaphore, #tpu.memory_space<semaphore_mem>>)
        %dma_wait3A_180 = arith.constant 0 : i32
        %dma_wait3A_181 = tpu.memref_slice %arg3[%add3A_11, %dma_wait3A_180] : memref<10240x32xi32, #tpu.memory_space<hbm>> -> memref<8x32xi32, #tpu.memory_space<hbm>>
        %dma_wait3A_182 = arith.constant 0 : i32
        %dma_wait3A_183 = tpu.memref_slice %arg3[%add3A_11, %dma_wait3A_182] : memref<10240x32xi32, #tpu.memory_space<hbm>> -> memref<8x32xi32, #tpu.memory_space<hbm>>
        tpu.wait_dma2 semaphore(%run_scoped3A : memref<!tpu.dma_semaphore, #tpu.memory_space<semaphore_mem>>) src(%dma_wait3A_183 : memref<8x32xi32, #tpu.memory_space<hbm>>) dst(%arg6 : memref<8x32xi32, #tpu.memory_space<vmem>>)
        tpu.yield
      }) : () -> ()
      "tpu.region"() ({
        %run_scoped3A = tpu.sem_alloc : memref<!tpu.dma_semaphore, #tpu.memory_space<semaphore_mem>>
        %dma_start3A_176 = arith.constant 0 : i32
        %dma_start3A_177 = tpu.memref_slice %arg4[%add3A_11, %dma_start3A_176] : memref<10240x128xf32, #tpu.memory_space<hbm>> -> memref<8x128xf32, #tpu.memory_space<hbm>>
        %dma_start3A_178 = arith.constant 0 : i32
        %dma_start3A_179 = tpu.memref_slice %arg4[%add3A_11, %dma_start3A_178] : memref<10240x128xf32, #tpu.memory_space<hbm>> -> memref<8x128xf32, #tpu.memory_space<hbm>>
        tpu.enqueue_dma source(%dma_start3A_179 : memref<8x128xf32, #tpu.memory_space<hbm>>) target(%arg7 : memref<8x128xf32, #tpu.memory_space<vmem>>) target_semaphore(%run_scoped3A : memref<!tpu.dma_semaphore, #tpu.memory_space<semaphore_mem>>)
        %dma_wait3A_180 = arith.constant 0 : i32
        %dma_wait3A_181 = tpu.memref_slice %arg4[%add3A_11, %dma_wait3A_180] : memref<10240x128xf32, #tpu.memory_space<hbm>> -> memref<8x128xf32, #tpu.memory_space<hbm>>
        %dma_wait3A_182 = arith.constant 0 : i32
        %dma_wait3A_183 = tpu.memref_slice %arg4[%add3A_11, %dma_wait3A_182] : memref<10240x128xf32, #tpu.memory_space<hbm>> -> memref<8x128xf32, #tpu.memory_space<hbm>>
        tpu.wait_dma2 semaphore(%run_scoped3A : memref<!tpu.dma_semaphore, #tpu.memory_space<semaphore_mem>>) src(%dma_wait3A_183 : memref<8x128xf32, #tpu.memory_space<hbm>>) dst(%arg7 : memref<8x128xf32, #tpu.memory_space<vmem>>)
        tpu.yield
      }) : () -> ()
      %dma_start3A = arith.constant 0 : i32
      %dma_start3A_12 = arith.constant 0 : i32
      %dma_start3A_13 = arith.constant 0 : i32
      %dma_start3A_14 = tpu.memref_slice %arg8[%dma_start3A_12, %dma_start3A_13] : memref<256x128xi32, #tpu.memory_space<vmem>> -> memref<32x128xi32, #tpu.memory_space<vmem>>
      %dma_start3A_15 = arith.constant 0 : i32
      %dma_start3A_16 = tpu.memref_slice %arg6[%dma_start3A, %dma_start3A_15] : memref<8x32xi32, #tpu.memory_space<vmem>> -> memref<1x32xi32, #tpu.memory_space<vmem>>
      %dma_start3A_17 = tpu.memref_squeeze %dma_start3A_16 : memref<1x32xi32, #tpu.memory_space<vmem>> -> memref<32xi32, #tpu.memory_space<vmem>>
      %dma_start3A_18 = arith.constant 0 : i32
      %dma_start3A_19 = arith.constant 0 : i32
      %dma_start3A_20 = tpu.memref_slice %arg2[%dma_start3A_18, %dma_start3A_19] : memref<640000x128xi32, #tpu.memory_space<hbm>> -> memref<640000x128xi32, #tpu.memory_space<hbm>>
      tpu.enqueue_indirect_dma source(%dma_start3A_20 : memref<640000x128xi32, #tpu.memory_space<hbm>>) target(%dma_start3A_14 : memref<32x128xi32, #tpu.memory_space<vmem>>) offsets(%dma_start3A_17 : memref<32xi32, #tpu.memory_space<vmem>>) semaphore(%arg10 : memref<!tpu.dma_semaphore, #tpu.memory_space<semaphore_mem>>)
      %dma_start3A_21 = arith.constant 1 : i32
      %dma_start3A_22 = arith.constant 32 : i32
      %dma_start3A_23 = arith.constant 0 : i32
      %dma_start3A_24 = tpu.memref_slice %arg8[%dma_start3A_22, %dma_start3A_23] : memref<256x128xi32, #tpu.memory_space<vmem>> -> memref<32x128xi32, #tpu.memory_space<vmem>>
      %dma_start3A_25 = arith.constant 0 : i32
      %dma_start3A_26 = tpu.memref_slice %arg6[%dma_start3A_21, %dma_start3A_25] : memref<8x32xi32, #tpu.memory_space<vmem>> -> memref<1x32xi32, #tpu.memory_space<vmem>>
      %dma_start3A_27 = tpu.memref_squeeze %dma_start3A_26 : memref<1x32xi32, #tpu.memory_space<vmem>> -> memref<32xi32, #tpu.memory_space<vmem>>
      %dma_start3A_28 = arith.constant 0 : i32
      %dma_start3A_29 = arith.constant 0 : i32
      %dma_start3A_30 = tpu.memref_slice %arg2[%dma_start3A_28, %dma_start3A_29] : memref<640000x128xi32, #tpu.memory_space<hbm>> -> memref<640000x128xi32, #tpu.memory_space<hbm>>
      tpu.enqueue_indirect_dma source(%dma_start3A_30 : memref<640000x128xi32, #tpu.memory_space<hbm>>) target(%dma_start3A_24 : memref<32x128xi32, #tpu.memory_space<vmem>>) offsets(%dma_start3A_27 : memref<32xi32, #tpu.memory_space<vmem>>) semaphore(%arg10 : memref<!tpu.dma_semaphore, #tpu.memory_space<semaphore_mem>>)
      %dma_start3A_31 = arith.constant 2 : i32
      %dma_start3A_32 = arith.constant 64 : i32
      %dma_start3A_33 = arith.constant 0 : i32
      %dma_start3A_34 = tpu.memref_slice %arg8[%dma_start3A_32, %dma_start3A_33] : memref<256x128xi32, #tpu.memory_space<vmem>> -> memref<32x128xi32, #tpu.memory_space<vmem>>
      %dma_start3A_35 = arith.constant 0 : i32
      %dma_start3A_36 = tpu.memref_slice %arg6[%dma_start3A_31, %dma_start3A_35] : memref<8x32xi32, #tpu.memory_space<vmem>> -> memref<1x32xi32, #tpu.memory_space<vmem>>
      %dma_start3A_37 = tpu.memref_squeeze %dma_start3A_36 : memref<1x32xi32, #tpu.memory_space<vmem>> -> memref<32xi32, #tpu.memory_space<vmem>>
      %dma_start3A_38 = arith.constant 0 : i32
      %dma_start3A_39 = arith.constant 0 : i32
      %dma_start3A_40 = tpu.memref_slice %arg2[%dma_start3A_38, %dma_start3A_39] : memref<640000x128xi32, #tpu.memory_space<hbm>> -> memref<640000x128xi32, #tpu.memory_space<hbm>>
      tpu.enqueue_indirect_dma source(%dma_start3A_40 : memref<640000x128xi32, #tpu.memory_space<hbm>>) target(%dma_start3A_34 : memref<32x128xi32, #tpu.memory_space<vmem>>) offsets(%dma_start3A_37 : memref<32xi32, #tpu.memory_space<vmem>>) semaphore(%arg10 : memref<!tpu.dma_semaphore, #tpu.memory_space<semaphore_mem>>)
      %dma_start3A_41 = arith.constant 3 : i32
      %dma_start3A_42 = arith.constant 96 : i32
      %dma_start3A_43 = arith.constant 0 : i32
      %dma_start3A_44 = tpu.memref_slice %arg8[%dma_start3A_42, %dma_start3A_43] : memref<256x128xi32, #tpu.memory_space<vmem>> -> memref<32x128xi32, #tpu.memory_space<vmem>>
      %dma_start3A_45 = arith.constant 0 : i32
      %dma_start3A_46 = tpu.memref_slice %arg6[%dma_start3A_41, %dma_start3A_45] : memref<8x32xi32, #tpu.memory_space<vmem>> -> memref<1x32xi32, #tpu.memory_space<vmem>>
      %dma_start3A_47 = tpu.memref_squeeze %dma_start3A_46 : memref<1x32xi32, #tpu.memory_space<vmem>> -> memref<32xi32, #tpu.memory_space<vmem>>
      %dma_start3A_48 = arith.constant 0 : i32
      %dma_start3A_49 = arith.constant 0 : i32
      %dma_start3A_50 = tpu.memref_slice %arg2[%dma_start3A_48, %dma_start3A_49] : memref<640000x128xi32, #tpu.memory_space<hbm>> -> memref<640000x128xi32, #tpu.memory_space<hbm>>
      tpu.enqueue_indirect_dma source(%dma_start3A_50 : memref<640000x128xi32, #tpu.memory_space<hbm>>) target(%dma_start3A_44 : memref<32x128xi32, #tpu.memory_space<vmem>>) offsets(%dma_start3A_47 : memref<32xi32, #tpu.memory_space<vmem>>) semaphore(%arg10 : memref<!tpu.dma_semaphore, #tpu.memory_space<semaphore_mem>>)
      %dma_start3A_51 = arith.constant 4 : i32
      %dma_start3A_52 = arith.constant 128 : i32
      %dma_start3A_53 = arith.constant 0 : i32
      %dma_start3A_54 = tpu.memref_slice %arg8[%dma_start3A_52, %dma_start3A_53] : memref<256x128xi32, #tpu.memory_space<vmem>> -> memref<32x128xi32, #tpu.memory_space<vmem>>
      %dma_start3A_55 = arith.constant 0 : i32
      %dma_start3A_56 = tpu.memref_slice %arg6[%dma_start3A_51, %dma_start3A_55] : memref<8x32xi32, #tpu.memory_space<vmem>> -> memref<1x32xi32, #tpu.memory_space<vmem>>
      %dma_start3A_57 = tpu.memref_squeeze %dma_start3A_56 : memref<1x32xi32, #tpu.memory_space<vmem>> -> memref<32xi32, #tpu.memory_space<vmem>>
      %dma_start3A_58 = arith.constant 0 : i32
      %dma_start3A_59 = arith.constant 0 : i32
      %dma_start3A_60 = tpu.memref_slice %arg2[%dma_start3A_58, %dma_start3A_59] : memref<640000x128xi32, #tpu.memory_space<hbm>> -> memref<640000x128xi32, #tpu.memory_space<hbm>>
      tpu.enqueue_indirect_dma source(%dma_start3A_60 : memref<640000x128xi32, #tpu.memory_space<hbm>>) target(%dma_start3A_54 : memref<32x128xi32, #tpu.memory_space<vmem>>) offsets(%dma_start3A_57 : memref<32xi32, #tpu.memory_space<vmem>>) semaphore(%arg10 : memref<!tpu.dma_semaphore, #tpu.memory_space<semaphore_mem>>)
      %dma_start3A_61 = arith.constant 5 : i32
      %dma_start3A_62 = arith.constant 160 : i32
      %dma_start3A_63 = arith.constant 0 : i32
      %dma_start3A_64 = tpu.memref_slice %arg8[%dma_start3A_62, %dma_start3A_63] : memref<256x128xi32, #tpu.memory_space<vmem>> -> memref<32x128xi32, #tpu.memory_space<vmem>>
      %dma_start3A_65 = arith.constant 0 : i32
      %dma_start3A_66 = tpu.memref_slice %arg6[%dma_start3A_61, %dma_start3A_65] : memref<8x32xi32, #tpu.memory_space<vmem>> -> memref<1x32xi32, #tpu.memory_space<vmem>>
      %dma_start3A_67 = tpu.memref_squeeze %dma_start3A_66 : memref<1x32xi32, #tpu.memory_space<vmem>> -> memref<32xi32, #tpu.memory_space<vmem>>
      %dma_start3A_68 = arith.constant 0 : i32
      %dma_start3A_69 = arith.constant 0 : i32
      %dma_start3A_70 = tpu.memref_slice %arg2[%dma_start3A_68, %dma_start3A_69] : memref<640000x128xi32, #tpu.memory_space<hbm>> -> memref<640000x128xi32, #tpu.memory_space<hbm>>
      tpu.enqueue_indirect_dma source(%dma_start3A_70 : memref<640000x128xi32, #tpu.memory_space<hbm>>) target(%dma_start3A_64 : memref<32x128xi32, #tpu.memory_space<vmem>>) offsets(%dma_start3A_67 : memref<32xi32, #tpu.memory_space<vmem>>) semaphore(%arg10 : memref<!tpu.dma_semaphore, #tpu.memory_space<semaphore_mem>>)
      %dma_start3A_71 = arith.constant 6 : i32
      %dma_start3A_72 = arith.constant 192 : i32
      %dma_start3A_73 = arith.constant 0 : i32
      %dma_start3A_74 = tpu.memref_slice %arg8[%dma_start3A_72, %dma_start3A_73] : memref<256x128xi32, #tpu.memory_space<vmem>> -> memref<32x128xi32, #tpu.memory_space<vmem>>
      %dma_start3A_75 = arith.constant 0 : i32
      %dma_start3A_76 = tpu.memref_slice %arg6[%dma_start3A_71, %dma_start3A_75] : memref<8x32xi32, #tpu.memory_space<vmem>> -> memref<1x32xi32, #tpu.memory_space<vmem>>
      %dma_start3A_77 = tpu.memref_squeeze %dma_start3A_76 : memref<1x32xi32, #tpu.memory_space<vmem>> -> memref<32xi32, #tpu.memory_space<vmem>>
      %dma_start3A_78 = arith.constant 0 : i32
      %dma_start3A_79 = arith.constant 0 : i32
      %dma_start3A_80 = tpu.memref_slice %arg2[%dma_start3A_78, %dma_start3A_79] : memref<640000x128xi32, #tpu.memory_space<hbm>> -> memref<640000x128xi32, #tpu.memory_space<hbm>>
      tpu.enqueue_indirect_dma source(%dma_start3A_80 : memref<640000x128xi32, #tpu.memory_space<hbm>>) target(%dma_start3A_74 : memref<32x128xi32, #tpu.memory_space<vmem>>) offsets(%dma_start3A_77 : memref<32xi32, #tpu.memory_space<vmem>>) semaphore(%arg10 : memref<!tpu.dma_semaphore, #tpu.memory_space<semaphore_mem>>)
      %dma_start3A_81 = arith.constant 7 : i32
      %dma_start3A_82 = arith.constant 224 : i32
      %dma_start3A_83 = arith.constant 0 : i32
      %dma_start3A_84 = tpu.memref_slice %arg8[%dma_start3A_82, %dma_start3A_83] : memref<256x128xi32, #tpu.memory_space<vmem>> -> memref<32x128xi32, #tpu.memory_space<vmem>>
      %dma_start3A_85 = arith.constant 0 : i32
      %dma_start3A_86 = tpu.memref_slice %arg6[%dma_start3A_81, %dma_start3A_85] : memref<8x32xi32, #tpu.memory_space<vmem>> -> memref<1x32xi32, #tpu.memory_space<vmem>>
      %dma_start3A_87 = tpu.memref_squeeze %dma_start3A_86 : memref<1x32xi32, #tpu.memory_space<vmem>> -> memref<32xi32, #tpu.memory_space<vmem>>
      %dma_start3A_88 = arith.constant 0 : i32
      %dma_start3A_89 = arith.constant 0 : i32
      %dma_start3A_90 = tpu.memref_slice %arg2[%dma_start3A_88, %dma_start3A_89] : memref<640000x128xi32, #tpu.memory_space<hbm>> -> memref<640000x128xi32, #tpu.memory_space<hbm>>
      tpu.enqueue_indirect_dma source(%dma_start3A_90 : memref<640000x128xi32, #tpu.memory_space<hbm>>) target(%dma_start3A_84 : memref<32x128xi32, #tpu.memory_space<vmem>>) offsets(%dma_start3A_87 : memref<32xi32, #tpu.memory_space<vmem>>) semaphore(%arg10 : memref<!tpu.dma_semaphore, #tpu.memory_space<semaphore_mem>>)
      %dma_wait3A = arith.constant 0 : i32
      %dma_wait3A_91 = arith.constant 0 : i32
      %dma_wait3A_92 = arith.constant 0 : i32
      %dma_wait3A_93 = tpu.memref_slice %arg8[%dma_wait3A_91, %dma_wait3A_92] : memref<256x128xi32, #tpu.memory_space<vmem>> -> memref<32x128xi32, #tpu.memory_space<vmem>>
      %dma_wait3A_94 = arith.constant 0 : i32
      %dma_wait3A_95 = tpu.memref_slice %arg6[%dma_wait3A, %dma_wait3A_94] : memref<8x32xi32, #tpu.memory_space<vmem>> -> memref<1x32xi32, #tpu.memory_space<vmem>>
      %dma_wait3A_96 = tpu.memref_squeeze %dma_wait3A_95 : memref<1x32xi32, #tpu.memory_space<vmem>> -> memref<32xi32, #tpu.memory_space<vmem>>
      %dma_wait3A_97 = arith.constant 0 : i32
      %dma_wait3A_98 = arith.constant 0 : i32
      %dma_wait3A_99 = tpu.memref_slice %arg2[%dma_wait3A_97, %dma_wait3A_98] : memref<640000x128xi32, #tpu.memory_space<hbm>> -> memref<640000x128xi32, #tpu.memory_space<hbm>>
      tpu.wait_indirect_dma semaphore(%arg10 : memref<!tpu.dma_semaphore, #tpu.memory_space<semaphore_mem>>) src(%dma_wait3A_99 : memref<640000x128xi32, #tpu.memory_space<hbm>>) dst(%dma_wait3A_93 : memref<32x128xi32, #tpu.memory_space<vmem>>)
      %dma_wait3A_100 = arith.constant 1 : i32
      %dma_wait3A_101 = arith.constant 32 : i32
      %dma_wait3A_102 = arith.constant 0 : i32
      %dma_wait3A_103 = tpu.memref_slice %arg8[%dma_wait3A_101, %dma_wait3A_102] : memref<256x128xi32, #tpu.memory_space<vmem>> -> memref<32x128xi32, #tpu.memory_space<vmem>>
      %dma_wait3A_104 = arith.constant 0 : i32
      %dma_wait3A_105 = tpu.memref_slice %arg6[%dma_wait3A_100, %dma_wait3A_104] : memref<8x32xi32, #tpu.memory_space<vmem>> -> memref<1x32xi32, #tpu.memory_space<vmem>>
      %dma_wait3A_106 = tpu.memref_squeeze %dma_wait3A_105 : memref<1x32xi32, #tpu.memory_space<vmem>> -> memref<32xi32, #tpu.memory_space<vmem>>
      %dma_wait3A_107 = arith.constant 0 : i32
      %dma_wait3A_108 = arith.constant 0 : i32
      %dma_wait3A_109 = tpu.memref_slice %arg2[%dma_wait3A_107, %dma_wait3A_108] : memref<640000x128xi32, #tpu.memory_space<hbm>> -> memref<640000x128xi32, #tpu.memory_space<hbm>>
      tpu.wait_indirect_dma semaphore(%arg10 : memref<!tpu.dma_semaphore, #tpu.memory_space<semaphore_mem>>) src(%dma_wait3A_109 : memref<640000x128xi32, #tpu.memory_space<hbm>>) dst(%dma_wait3A_103 : memref<32x128xi32, #tpu.memory_space<vmem>>)
      %dma_wait3A_110 = arith.constant 2 : i32
      %dma_wait3A_111 = arith.constant 64 : i32
      %dma_wait3A_112 = arith.constant 0 : i32
      %dma_wait3A_113 = tpu.memref_slice %arg8[%dma_wait3A_111, %dma_wait3A_112] : memref<256x128xi32, #tpu.memory_space<vmem>> -> memref<32x128xi32, #tpu.memory_space<vmem>>
      %dma_wait3A_114 = arith.constant 0 : i32
      %dma_wait3A_115 = tpu.memref_slice %arg6[%dma_wait3A_110, %dma_wait3A_114] : memref<8x32xi32, #tpu.memory_space<vmem>> -> memref<1x32xi32, #tpu.memory_space<vmem>>
      %dma_wait3A_116 = tpu.memref_squeeze %dma_wait3A_115 : memref<1x32xi32, #tpu.memory_space<vmem>> -> memref<32xi32, #tpu.memory_space<vmem>>
      %dma_wait3A_117 = arith.constant 0 : i32
      %dma_wait3A_118 = arith.constant 0 : i32
      %dma_wait3A_119 = tpu.memref_slice %arg2[%dma_wait3A_117, %dma_wait3A_118] : memref<640000x128xi32, #tpu.memory_space<hbm>> -> memref<640000x128xi32, #tpu.memory_space<hbm>>
      tpu.wait_indirect_dma semaphore(%arg10 : memref<!tpu.dma_semaphore, #tpu.memory_space<semaphore_mem>>) src(%dma_wait3A_119 : memref<640000x128xi32, #tpu.memory_space<hbm>>) dst(%dma_wait3A_113 : memref<32x128xi32, #tpu.memory_space<vmem>>)
      %dma_wait3A_120 = arith.constant 3 : i32
      %dma_wait3A_121 = arith.constant 96 : i32
      %dma_wait3A_122 = arith.constant 0 : i32
      %dma_wait3A_123 = tpu.memref_slice %arg8[%dma_wait3A_121, %dma_wait3A_122] : memref<256x128xi32, #tpu.memory_space<vmem>> -> memref<32x128xi32, #tpu.memory_space<vmem>>
      %dma_wait3A_124 = arith.constant 0 : i32
      %dma_wait3A_125 = tpu.memref_slice %arg6[%dma_wait3A_120, %dma_wait3A_124] : memref<8x32xi32, #tpu.memory_space<vmem>> -> memref<1x32xi32, #tpu.memory_space<vmem>>
      %dma_wait3A_126 = tpu.memref_squeeze %dma_wait3A_125 : memref<1x32xi32, #tpu.memory_space<vmem>> -> memref<32xi32, #tpu.memory_space<vmem>>
      %dma_wait3A_127 = arith.constant 0 : i32
      %dma_wait3A_128 = arith.constant 0 : i32
      %dma_wait3A_129 = tpu.memref_slice %arg2[%dma_wait3A_127, %dma_wait3A_128] : memref<640000x128xi32, #tpu.memory_space<hbm>> -> memref<640000x128xi32, #tpu.memory_space<hbm>>
      tpu.wait_indirect_dma semaphore(%arg10 : memref<!tpu.dma_semaphore, #tpu.memory_space<semaphore_mem>>) src(%dma_wait3A_129 : memref<640000x128xi32, #tpu.memory_space<hbm>>) dst(%dma_wait3A_123 : memref<32x128xi32, #tpu.memory_space<vmem>>)
      %dma_wait3A_130 = arith.constant 4 : i32
      %dma_wait3A_131 = arith.constant 128 : i32
      %dma_wait3A_132 = arith.constant 0 : i32
      %dma_wait3A_133 = tpu.memref_slice %arg8[%dma_wait3A_131, %dma_wait3A_132] : memref<256x128xi32, #tpu.memory_space<vmem>> -> memref<32x128xi32, #tpu.memory_space<vmem>>
      %dma_wait3A_134 = arith.constant 0 : i32
      %dma_wait3A_135 = tpu.memref_slice %arg6[%dma_wait3A_130, %dma_wait3A_134] : memref<8x32xi32, #tpu.memory_space<vmem>> -> memref<1x32xi32, #tpu.memory_space<vmem>>
      %dma_wait3A_136 = tpu.memref_squeeze %dma_wait3A_135 : memref<1x32xi32, #tpu.memory_space<vmem>> -> memref<32xi32, #tpu.memory_space<vmem>>
      %dma_wait3A_137 = arith.constant 0 : i32
      %dma_wait3A_138 = arith.constant 0 : i32
      %dma_wait3A_139 = tpu.memref_slice %arg2[%dma_wait3A_137, %dma_wait3A_138] : memref<640000x128xi32, #tpu.memory_space<hbm>> -> memref<640000x128xi32, #tpu.memory_space<hbm>>
      tpu.wait_indirect_dma semaphore(%arg10 : memref<!tpu.dma_semaphore, #tpu.memory_space<semaphore_mem>>) src(%dma_wait3A_139 : memref<640000x128xi32, #tpu.memory_space<hbm>>) dst(%dma_wait3A_133 : memref<32x128xi32, #tpu.memory_space<vmem>>)
      %dma_wait3A_140 = arith.constant 5 : i32
      %dma_wait3A_141 = arith.constant 160 : i32
      %dma_wait3A_142 = arith.constant 0 : i32
      %dma_wait3A_143 = tpu.memref_slice %arg8[%dma_wait3A_141, %dma_wait3A_142] : memref<256x128xi32, #tpu.memory_space<vmem>> -> memref<32x128xi32, #tpu.memory_space<vmem>>
      %dma_wait3A_144 = arith.constant 0 : i32
      %dma_wait3A_145 = tpu.memref_slice %arg6[%dma_wait3A_140, %dma_wait3A_144] : memref<8x32xi32, #tpu.memory_space<vmem>> -> memref<1x32xi32, #tpu.memory_space<vmem>>
      %dma_wait3A_146 = tpu.memref_squeeze %dma_wait3A_145 : memref<1x32xi32, #tpu.memory_space<vmem>> -> memref<32xi32, #tpu.memory_space<vmem>>
      %dma_wait3A_147 = arith.constant 0 : i32
      %dma_wait3A_148 = arith.constant 0 : i32
      %dma_wait3A_149 = tpu.memref_slice %arg2[%dma_wait3A_147, %dma_wait3A_148] : memref<640000x128xi32, #tpu.memory_space<hbm>> -> memref<640000x128xi32, #tpu.memory_space<hbm>>
      tpu.wait_indirect_dma semaphore(%arg10 : memref<!tpu.dma_semaphore, #tpu.memory_space<semaphore_mem>>) src(%dma_wait3A_149 : memref<640000x128xi32, #tpu.memory_space<hbm>>) dst(%dma_wait3A_143 : memref<32x128xi32, #tpu.memory_space<vmem>>)
      %dma_wait3A_150 = arith.constant 6 : i32
      %dma_wait3A_151 = arith.constant 192 : i32
      %dma_wait3A_152 = arith.constant 0 : i32
      %dma_wait3A_153 = tpu.memref_slice %arg8[%dma_wait3A_151, %dma_wait3A_152] : memref<256x128xi32, #tpu.memory_space<vmem>> -> memref<32x128xi32, #tpu.memory_space<vmem>>
      %dma_wait3A_154 = arith.constant 0 : i32
      %dma_wait3A_155 = tpu.memref_slice %arg6[%dma_wait3A_150, %dma_wait3A_154] : memref<8x32xi32, #tpu.memory_space<vmem>> -> memref<1x32xi32, #tpu.memory_space<vmem>>
      %dma_wait3A_156 = tpu.memref_squeeze %dma_wait3A_155 : memref<1x32xi32, #tpu.memory_space<vmem>> -> memref<32xi32, #tpu.memory_space<vmem>>
      %dma_wait3A_157 = arith.constant 0 : i32
      %dma_wait3A_158 = arith.constant 0 : i32
      %dma_wait3A_159 = tpu.memref_slice %arg2[%dma_wait3A_157, %dma_wait3A_158] : memref<640000x128xi32, #tpu.memory_space<hbm>> -> memref<640000x128xi32, #tpu.memory_space<hbm>>
      tpu.wait_indirect_dma semaphore(%arg10 : memref<!tpu.dma_semaphore, #tpu.memory_space<semaphore_mem>>) src(%dma_wait3A_159 : memref<640000x128xi32, #tpu.memory_space<hbm>>) dst(%dma_wait3A_153 : memref<32x128xi32, #tpu.memory_space<vmem>>)
      %dma_wait3A_160 = arith.constant 7 : i32
      %dma_wait3A_161 = arith.constant 224 : i32
      %dma_wait3A_162 = arith.constant 0 : i32
      %dma_wait3A_163 = tpu.memref_slice %arg8[%dma_wait3A_161, %dma_wait3A_162] : memref<256x128xi32, #tpu.memory_space<vmem>> -> memref<32x128xi32, #tpu.memory_space<vmem>>
      %dma_wait3A_164 = arith.constant 0 : i32
      %dma_wait3A_165 = tpu.memref_slice %arg6[%dma_wait3A_160, %dma_wait3A_164] : memref<8x32xi32, #tpu.memory_space<vmem>> -> memref<1x32xi32, #tpu.memory_space<vmem>>
      %dma_wait3A_166 = tpu.memref_squeeze %dma_wait3A_165 : memref<1x32xi32, #tpu.memory_space<vmem>> -> memref<32xi32, #tpu.memory_space<vmem>>
      %dma_wait3A_167 = arith.constant 0 : i32
      %dma_wait3A_168 = arith.constant 0 : i32
      %dma_wait3A_169 = tpu.memref_slice %arg2[%dma_wait3A_167, %dma_wait3A_168] : memref<640000x128xi32, #tpu.memory_space<hbm>> -> memref<640000x128xi32, #tpu.memory_space<hbm>>
      tpu.wait_indirect_dma semaphore(%arg10 : memref<!tpu.dma_semaphore, #tpu.memory_space<semaphore_mem>>) src(%dma_wait3A_169 : memref<640000x128xi32, #tpu.memory_space<hbm>>) dst(%dma_wait3A_163 : memref<32x128xi32, #tpu.memory_space<vmem>>)
      %scan3A_170 = arith.constant 0 : i32
      %scan3A_171 = arith.constant 0 : i32
      %scan3A_172 = arith.constant 8 : i32
      %scan3A_173 = arith.addi %scan3A_171, %scan3A_172 : i32
      %scan3A_174 = arith.constant 1 : i32
      scf.for %scan3A_176 = %scan3A_171 to %scan3A_173 step %scan3A_174  : i32 {
        %mul3A_177 = arith.constant 32 : i32
        %mul3A_178 = arith.muli %scan3A_176, %mul3A_177 : i32
        %broadcast_in_dim3A = arith.constant 0.000000e+00 : f32
        %broadcast_in_dim3A_179 = vector.broadcast %broadcast_in_dim3A : f32 to vector<16xf32>
        %broadcast_in_dim3A_180 = arith.constant 0.000000e+00 : f32
        %broadcast_in_dim3A_181 = vector.broadcast %broadcast_in_dim3A_180 : f32 to vector<16xf32>
        %broadcast_in_dim3A_182 = arith.constant 0.000000e+00 : f32
        %broadcast_in_dim3A_183 = vector.broadcast %broadcast_in_dim3A_182 : f32 to vector<16xf32>
        %broadcast_in_dim3A_184 = arith.constant 0.000000e+00 : f32
        %broadcast_in_dim3A_185 = vector.broadcast %broadcast_in_dim3A_184 : f32 to vector<16xf32>
        %broadcast_in_dim3A_186 = arith.constant 0.000000e+00 : f32
        %broadcast_in_dim3A_187 = vector.broadcast %broadcast_in_dim3A_186 : f32 to vector<16xf32>
        %broadcast_in_dim3A_188 = arith.constant 0.000000e+00 : f32
        %broadcast_in_dim3A_189 = vector.broadcast %broadcast_in_dim3A_188 : f32 to vector<16xf32>
        %broadcast_in_dim3A_190 = arith.constant 0.000000e+00 : f32
        %broadcast_in_dim3A_191 = vector.broadcast %broadcast_in_dim3A_190 : f32 to vector<16xf32>
        %broadcast_in_dim3A_192 = arith.constant 0.000000e+00 : f32
        %broadcast_in_dim3A_193 = vector.broadcast %broadcast_in_dim3A_192 : f32 to vector<16xf32>
        %broadcast_in_dim3A_194 = arith.constant 0.000000e+00 : f32
        %broadcast_in_dim3A_195 = vector.broadcast %broadcast_in_dim3A_194 : f32 to vector<16xf32>
        %broadcast_in_dim3A_196 = arith.constant 0.000000e+00 : f32
        %broadcast_in_dim3A_197 = vector.broadcast %broadcast_in_dim3A_196 : f32 to vector<16xf32>
        %broadcast_in_dim3A_198 = arith.constant 0.000000e+00 : f32
        %broadcast_in_dim3A_199 = vector.broadcast %broadcast_in_dim3A_198 : f32 to vector<16xf32>
        %broadcast_in_dim3A_200 = arith.constant 0.000000e+00 : f32
        %broadcast_in_dim3A_201 = vector.broadcast %broadcast_in_dim3A_200 : f32 to vector<16xf32>
        %broadcast_in_dim3A_202 = arith.constant 0.000000e+00 : f32
        %broadcast_in_dim3A_203 = vector.broadcast %broadcast_in_dim3A_202 : f32 to vector<16xf32>
        %broadcast_in_dim3A_204 = arith.constant 0.000000e+00 : f32
        %broadcast_in_dim3A_205 = vector.broadcast %broadcast_in_dim3A_204 : f32 to vector<16xf32>
        %broadcast_in_dim3A_206 = arith.constant 0.000000e+00 : f32
        %broadcast_in_dim3A_207 = vector.broadcast %broadcast_in_dim3A_206 : f32 to vector<16xf32>
        %broadcast_in_dim3A_208 = arith.constant 0.000000e+00 : f32
        %broadcast_in_dim3A_209 = vector.broadcast %broadcast_in_dim3A_208 : f32 to vector<16xf32>
        %broadcast_in_dim3A_210 = arith.constant 0.000000e+00 : f32
        %broadcast_in_dim3A_211 = vector.broadcast %broadcast_in_dim3A_210 : f32 to vector<16xf32>
        %broadcast_in_dim3A_212 = arith.constant 0.000000e+00 : f32
        %broadcast_in_dim3A_213 = vector.broadcast %broadcast_in_dim3A_212 : f32 to vector<16xf32>
        %broadcast_in_dim3A_214 = arith.constant 0.000000e+00 : f32
        %broadcast_in_dim3A_215 = vector.broadcast %broadcast_in_dim3A_214 : f32 to vector<16xf32>
        %broadcast_in_dim3A_216 = arith.constant 0.000000e+00 : f32
        %broadcast_in_dim3A_217 = vector.broadcast %broadcast_in_dim3A_216 : f32 to vector<16xf32>
        %broadcast_in_dim3A_218 = arith.constant 0.000000e+00 : f32
        %broadcast_in_dim3A_219 = vector.broadcast %broadcast_in_dim3A_218 : f32 to vector<16xf32>
        %broadcast_in_dim3A_220 = arith.constant 0.000000e+00 : f32
        %broadcast_in_dim3A_221 = vector.broadcast %broadcast_in_dim3A_220 : f32 to vector<16xf32>
        %broadcast_in_dim3A_222 = arith.constant 0.000000e+00 : f32
        %broadcast_in_dim3A_223 = vector.broadcast %broadcast_in_dim3A_222 : f32 to vector<16xf32>
        %broadcast_in_dim3A_224 = arith.constant 0.000000e+00 : f32
        %broadcast_in_dim3A_225 = vector.broadcast %broadcast_in_dim3A_224 : f32 to vector<16xf32>
        %broadcast_in_dim3A_226 = arith.constant 0.000000e+00 : f32
        %broadcast_in_dim3A_227 = vector.broadcast %broadcast_in_dim3A_226 : f32 to vector<16xf32>
        %broadcast_in_dim3A_228 = arith.constant 0.000000e+00 : f32
        %broadcast_in_dim3A_229 = vector.broadcast %broadcast_in_dim3A_228 : f32 to vector<16xf32>
        %broadcast_in_dim3A_230 = arith.constant 0.000000e+00 : f32
        %broadcast_in_dim3A_231 = vector.broadcast %broadcast_in_dim3A_230 : f32 to vector<16xf32>
        %broadcast_in_dim3A_232 = arith.constant 0.000000e+00 : f32
        %broadcast_in_dim3A_233 = vector.broadcast %broadcast_in_dim3A_232 : f32 to vector<16xf32>
        %broadcast_in_dim3A_234 = arith.constant 0.000000e+00 : f32
        %broadcast_in_dim3A_235 = vector.broadcast %broadcast_in_dim3A_234 : f32 to vector<16xf32>
        %broadcast_in_dim3A_236 = arith.constant 0.000000e+00 : f32
        %broadcast_in_dim3A_237 = vector.broadcast %broadcast_in_dim3A_236 : f32 to vector<16xf32>
        %broadcast_in_dim3A_238 = arith.constant 0.000000e+00 : f32
        %broadcast_in_dim3A_239 = vector.broadcast %broadcast_in_dim3A_238 : f32 to vector<16xf32>
        %broadcast_in_dim3A_240 = arith.constant 0.000000e+00 : f32
        %broadcast_in_dim3A_241 = vector.broadcast %broadcast_in_dim3A_240 : f32 to vector<16xf32>
        %scan3A_242 = arith.constant 0 : i32
        %scan3A_243 = arith.constant 2 : i32
        %scan3A_244 = arith.addi %scan3A_242, %scan3A_243 : i32
        %scan3A_245 = arith.constant 1 : i32
        %scan3A_246:32 = scf.for %scan3A_407 = %scan3A_242 to %scan3A_244 step %scan3A_245 iter_args(%scan3A_408 = %broadcast_in_dim3A_179, %scan3A_409 = %broadcast_in_dim3A_181, %scan3A_410 = %broadcast_in_dim3A_183, %scan3A_411 = %broadcast_in_dim3A_185, %scan3A_412 = %broadcast_in_dim3A_187, %scan3A_413 = %broadcast_in_dim3A_189, %scan3A_414 = %broadcast_in_dim3A_191, %scan3A_415 = %broadcast_in_dim3A_193, %scan3A_416 = %broadcast_in_dim3A_195, %scan3A_417 = %broadcast_in_dim3A_197, %scan3A_418 = %broadcast_in_dim3A_199, %scan3A_419 = %broadcast_in_dim3A_201, %scan3A_420 = %broadcast_in_dim3A_203, %scan3A_421 = %broadcast_in_dim3A_205, %scan3A_422 = %broadcast_in_dim3A_207, %scan3A_423 = %broadcast_in_dim3A_209, %scan3A_424 = %broadcast_in_dim3A_211, %scan3A_425 = %broadcast_in_dim3A_213, %scan3A_426 = %broadcast_in_dim3A_215, %scan3A_427 = %broadcast_in_dim3A_217, %scan3A_428 = %broadcast_in_dim3A_219, %scan3A_429 = %broadcast_in_dim3A_221, %scan3A_430 = %broadcast_in_dim3A_223, %scan3A_431 = %broadcast_in_dim3A_225, %scan3A_432 = %broadcast_in_dim3A_227, %scan3A_433 = %broadcast_in_dim3A_229, %scan3A_434 = %broadcast_in_dim3A_231, %scan3A_435 = %broadcast_in_dim3A_233, %scan3A_436 = %broadcast_in_dim3A_235, %scan3A_437 = %broadcast_in_dim3A_237, %scan3A_438 = %broadcast_in_dim3A_239, %scan3A_439 = %broadcast_in_dim3A_241) -> (vector<16xf32>, vector<16xf32>, vector<16xf32>, vector<16xf32>, vector<16xf32>, vector<16xf32>, vector<16xf32>, vector<16xf32>, vector<16xf32>, vector<16xf32>, vector<16xf32>, vector<16xf32>, vector<16xf32>, vector<16xf32>, vector<16xf32>, vector<16xf32>, vector<16xf32>, vector<16xf32>, vector<16xf32>, vector<16xf32>, vector<16xf32>, vector<16xf32>, vector<16xf32>, vector<16xf32>, vector<16xf32>, vector<16xf32>, vector<16xf32>, vector<16xf32>, vector<16xf32>, vector<16xf32>, vector<16xf32>, vector<16xf32>)  : i32 {
          %mul3A_440 = arith.constant 16 : i32
          %mul3A_441 = arith.muli %scan3A_407, %mul3A_440 : i32
          %get3A = arith.index_cast %scan3A_176 : i32 to index
          %get3A_442 = arith.index_cast %mul3A_441 : i32 to index
          %get3A_443 = tpu.vector_load %arg7[%get3A, %get3A_442] {strides = array<i32>} : memref<8x128xf32, #tpu.memory_space<vmem>>, vector<1x16xf32>,
          %get3A_444 = vector.shape_cast %get3A_443 : vector<1x16xf32> to vector<16xf32>
          %add3A_445 = arith.constant 32 : i32
          %add3A_446 = arith.addi %add3A_445, %mul3A_441 : i32
          %get3A_447 = arith.index_cast %scan3A_176 : i32 to index
          %get3A_448 = arith.index_cast %add3A_446 : i32 to index
          %get3A_449 = tpu.vector_load %arg7[%get3A_447, %get3A_448] {strides = array<i32>} : memref<8x128xf32, #tpu.memory_space<vmem>>, vector<1x16xf32>,
          %get3A_450 = vector.shape_cast %get3A_449 : vector<1x16xf32> to vector<16xf32>
          %add3A_451 = arith.constant 64 : i32
          %add3A_452 = arith.addi %add3A_451, %mul3A_441 : i32
          %get3A_453 = arith.index_cast %scan3A_176 : i32 to index
          %get3A_454 = arith.index_cast %add3A_452 : i32 to index
          %get3A_455 = tpu.vector_load %arg7[%get3A_453, %get3A_454] {strides = array<i32>} : memref<8x128xf32, #tpu.memory_space<vmem>>, vector<1x16xf32>,
          %get3A_456 = vector.shape_cast %get3A_455 : vector<1x16xf32> to vector<16xf32>
          %add3A_457 = arith.constant 96 : i32
          %add3A_458 = arith.addi %add3A_457, %mul3A_441 : i32
          %get3A_459 = arith.index_cast %scan3A_176 : i32 to index
          %get3A_460 = arith.index_cast %add3A_458 : i32 to index
          %get3A_461 = tpu.vector_load %arg7[%get3A_459, %get3A_460] {strides = array<i32>} : memref<8x128xf32, #tpu.memory_space<vmem>>, vector<1x16xf32>,
          %get3A_462 = vector.shape_cast %get3A_461 : vector<1x16xf32> to vector<16xf32>
          %add3A_463 = arith.addi %mul3A_178, %mul3A_441 : i32
          %add3A_464 = arith.constant 0 : i32
          %add3A_465 = arith.addi %add3A_463, %add3A_464 : i32
          %broadcast_in_dim3A_466 = arith.constant 0 : i32
          %broadcast_in_dim3A_467 = vector.broadcast %broadcast_in_dim3A_466 : i32 to vector<16x1xi32>
          %gather3A = vector.shape_cast %broadcast_in_dim3A_467 : vector<16x1xi32> to vector<16xi32>
          %gather3A_468 = tpu.dynamic_gather %get3A_444[%gather3A] in [0] : vector<16xf32>, vector<16xi32> -> vector<16xf32>
          %broadcast_in_dim3A_469 = arith.constant 0 : i32
          %broadcast_in_dim3A_470 = vector.broadcast %broadcast_in_dim3A_469 : i32 to vector<16x1xi32>
          %gather3A_471 = vector.shape_cast %broadcast_in_dim3A_470 : vector<16x1xi32> to vector<16xi32>
          %gather3A_472 = tpu.dynamic_gather %get3A_450[%gather3A_471] in [0] : vector<16xf32>, vector<16xi32> -> vector<16xf32>
          %broadcast_in_dim3A_473 = arith.constant 0 : i32
          %broadcast_in_dim3A_474 = vector.broadcast %broadcast_in_dim3A_473 : i32 to vector<16x1xi32>
          %gather3A_475 = vector.shape_cast %broadcast_in_dim3A_474 : vector<16x1xi32> to vector<16xi32>
          %gather3A_476 = tpu.dynamic_gather %get3A_456[%gather3A_475] in [0] : vector<16xf32>, vector<16xi32> -> vector<16xf32>
          %broadcast_in_dim3A_477 = arith.constant 0 : i32
          %broadcast_in_dim3A_478 = vector.broadcast %broadcast_in_dim3A_477 : i32 to vector<16x1xi32>
          %gather3A_479 = vector.shape_cast %broadcast_in_dim3A_478 : vector<16x1xi32> to vector<16xi32>
          %gather3A_480 = tpu.dynamic_gather %get3A_462[%gather3A_479] in [0] : vector<16xf32>, vector<16xi32> -> vector<16xf32>
          %get3A_481 = arith.index_cast %add3A_465 : i32 to index
          %get3A_482 = arith.constant 0 : index
          %get3A_483 = tpu.vector_load %arg8[%get3A_481, %get3A_482] {strides = array<i32>} : memref<256x128xi32, #tpu.memory_space<vmem>>, vector<1x16xi32>,
          %get3A_484 = vector.shape_cast %get3A_483 : vector<1x16xi32> to vector<16xi32>
          %shift_left3A = arith.constant 16 : i32
          %shift_left3A_485 = vector.broadcast %shift_left3A : i32 to vector<16xi32>
          %shift_left3A_486 = arith.shli %get3A_484, %shift_left3A_485 : vector<16xi32>
          %bitcast_convert_type3A = tpu.bitcast %shift_left3A_486 : vector<16xi32> -> vector<16xf32>
          %and3A = arith.constant -65536 : i32
          %and3A_487 = vector.broadcast %and3A : i32 to vector<16xi32>
          %and3A_488 = arith.andi %get3A_484, %and3A_487 : vector<16xi32>
          %bitcast_convert_type3A_489 = tpu.bitcast %and3A_488 : vector<16xi32> -> vector<16xf32>
          %get3A_490 = arith.index_cast %add3A_465 : i32 to index
          %get3A_491 = arith.constant 64 : index
          %get3A_492 = tpu.vector_load %arg8[%get3A_490, %get3A_491] {strides = array<i32>} : memref<256x128xi32, #tpu.memory_space<vmem>>, vector<1x16xi32>,
          %get3A_493 = vector.shape_cast %get3A_492 : vector<1x16xi32> to vector<16xi32>
          %shift_left3A_494 = arith.constant 16 : i32
          %shift_left3A_495 = vector.broadcast %shift_left3A_494 : i32 to vector<16xi32>
          %shift_left3A_496 = arith.shli %get3A_493, %shift_left3A_495 : vector<16xi32>
          %bitcast_convert_type3A_497 = tpu.bitcast %shift_left3A_496 : vector<16xi32> -> vector<16xf32>
          %and3A_498 = arith.constant -65536 : i32
          %and3A_499 = vector.broadcast %and3A_498 : i32 to vector<16xi32>
          %and3A_500 = arith.andi %get3A_493, %and3A_499 : vector<16xi32>
          %bitcast_convert_type3A_501 = tpu.bitcast %and3A_500 : vector<16xi32> -> vector<16xf32>
          %mul3A_502 = arith.mulf %gather3A_468, %bitcast_convert_type3A : vector<16xf32>
          %add3A_503 = arith.addf %scan3A_408, %mul3A_502 : vector<16xf32>
          %mul3A_504 = arith.mulf %gather3A_472, %bitcast_convert_type3A_489 : vector<16xf32>
          %add3A_505 = arith.addf %add3A_503, %mul3A_504 : vector<16xf32>
          %mul3A_506 = arith.mulf %gather3A_476, %bitcast_convert_type3A_497 : vector<16xf32>
          %add3A_507 = arith.addf %add3A_505, %mul3A_506 : vector<16xf32>
          %mul3A_508 = arith.mulf %gather3A_480, %bitcast_convert_type3A_501 : vector<16xf32>
          %add3A_509 = arith.addf %add3A_507, %mul3A_508 : vector<16xf32>
          %get3A_510 = arith.index_cast %add3A_465 : i32 to index
          %get3A_511 = arith.constant 16 : index
          %get3A_512 = tpu.vector_load %arg8[%get3A_510, %get3A_511] {strides = array<i32>} : memref<256x128xi32, #tpu.memory_space<vmem>>, vector<1x16xi32>,
          %get3A_513 = vector.shape_cast %get3A_512 : vector<1x16xi32> to vector<16xi32>
          %shift_left3A_514 = arith.constant 16 : i32
          %shift_left3A_515 = vector.broadcast %shift_left3A_514 : i32 to vector<16xi32>
          %shift_left3A_516 = arith.shli %get3A_513, %shift_left3A_515 : vector<16xi32>
          %bitcast_convert_type3A_517 = tpu.bitcast %shift_left3A_516 : vector<16xi32> -> vector<16xf32>
          %and3A_518 = arith.constant -65536 : i32
          %and3A_519 = vector.broadcast %and3A_518 : i32 to vector<16xi32>
          %and3A_520 = arith.andi %get3A_513, %and3A_519 : vector<16xi32>
          %bitcast_convert_type3A_521 = tpu.bitcast %and3A_520 : vector<16xi32> -> vector<16xf32>
          %get3A_522 = arith.index_cast %add3A_465 : i32 to index
          %get3A_523 = arith.constant 80 : index
          %get3A_524 = tpu.vector_load %arg8[%get3A_522, %get3A_523] {strides = array<i32>} : memref<256x128xi32, #tpu.memory_space<vmem>>, vector<1x16xi32>,
          %get3A_525 = vector.shape_cast %get3A_524 : vector<1x16xi32> to vector<16xi32>
          %shift_left3A_526 = arith.constant 16 : i32
          %shift_left3A_527 = vector.broadcast %shift_left3A_526 : i32 to vector<16xi32>
          %shift_left3A_528 = arith.shli %get3A_525, %shift_left3A_527 : vector<16xi32>
          %bitcast_convert_type3A_529 = tpu.bitcast %shift_left3A_528 : vector<16xi32> -> vector<16xf32>
          %and3A_530 = arith.constant -65536 : i32
          %and3A_531 = vector.broadcast %and3A_530 : i32 to vector<16xi32>
          %and3A_532 = arith.andi %get3A_525, %and3A_531 : vector<16xi32>
          %bitcast_convert_type3A_533 = tpu.bitcast %and3A_532 : vector<16xi32> -> vector<16xf32>
          %mul3A_534 = arith.mulf %gather3A_468, %bitcast_convert_type3A_517 : vector<16xf32>
          %add3A_535 = arith.addf %scan3A_409, %mul3A_534 : vector<16xf32>
          %mul3A_536 = arith.mulf %gather3A_472, %bitcast_convert_type3A_521 : vector<16xf32>
          %add3A_537 = arith.addf %add3A_535, %mul3A_536 : vector<16xf32>
          %mul3A_538 = arith.mulf %gather3A_476, %bitcast_convert_type3A_529 : vector<16xf32>
          %add3A_539 = arith.addf %add3A_537, %mul3A_538 : vector<16xf32>
          %mul3A_540 = arith.mulf %gather3A_480, %bitcast_convert_type3A_533 : vector<16xf32>
          %add3A_541 = arith.addf %add3A_539, %mul3A_540 : vector<16xf32>
          %get3A_542 = arith.index_cast %add3A_465 : i32 to index
          %get3A_543 = arith.constant 32 : index
          %get3A_544 = tpu.vector_load %arg8[%get3A_542, %get3A_543] {strides = array<i32>} : memref<256x128xi32, #tpu.memory_space<vmem>>, vector<1x16xi32>,
          %get3A_545 = vector.shape_cast %get3A_544 : vector<1x16xi32> to vector<16xi32>
          %shift_left3A_546 = arith.constant 16 : i32
          %shift_left3A_547 = vector.broadcast %shift_left3A_546 : i32 to vector<16xi32>
          %shift_left3A_548 = arith.shli %get3A_545, %shift_left3A_547 : vector<16xi32>
          %bitcast_convert_type3A_549 = tpu.bitcast %shift_left3A_548 : vector<16xi32> -> vector<16xf32>
          %and3A_550 = arith.constant -65536 : i32
          %and3A_551 = vector.broadcast %and3A_550 : i32 to vector<16xi32>
          %and3A_552 = arith.andi %get3A_545, %and3A_551 : vector<16xi32>
          %bitcast_convert_type3A_553 = tpu.bitcast %and3A_552 : vector<16xi32> -> vector<16xf32>
          %get3A_554 = arith.index_cast %add3A_465 : i32 to index
          %get3A_555 = arith.constant 96 : index
          %get3A_556 = tpu.vector_load %arg8[%get3A_554, %get3A_555] {strides = array<i32>} : memref<256x128xi32, #tpu.memory_space<vmem>>, vector<1x16xi32>,
          %get3A_557 = vector.shape_cast %get3A_556 : vector<1x16xi32> to vector<16xi32>
          %shift_left3A_558 = arith.constant 16 : i32
          %shift_left3A_559 = vector.broadcast %shift_left3A_558 : i32 to vector<16xi32>
          %shift_left3A_560 = arith.shli %get3A_557, %shift_left3A_559 : vector<16xi32>
          %bitcast_convert_type3A_561 = tpu.bitcast %shift_left3A_560 : vector<16xi32> -> vector<16xf32>
          %and3A_562 = arith.constant -65536 : i32
          %and3A_563 = vector.broadcast %and3A_562 : i32 to vector<16xi32>
          %and3A_564 = arith.andi %get3A_557, %and3A_563 : vector<16xi32>
          %bitcast_convert_type3A_565 = tpu.bitcast %and3A_564 : vector<16xi32> -> vector<16xf32>
          %mul3A_566 = arith.mulf %gather3A_468, %bitcast_convert_type3A_549 : vector<16xf32>
          %add3A_567 = arith.addf %scan3A_410, %mul3A_566 : vector<16xf32>
          %mul3A_568 = arith.mulf %gather3A_472, %bitcast_convert_type3A_553 : vector<16xf32>
          %add3A_569 = arith.addf %add3A_567, %mul3A_568 : vector<16xf32>
          %mul3A_570 = arith.mulf %gather3A_476, %bitcast_convert_type3A_561 : vector<16xf32>
          %add3A_571 = arith.addf %add3A_569, %mul3A_570 : vector<16xf32>
          %mul3A_572 = arith.mulf %gather3A_480, %bitcast_convert_type3A_565 : vector<16xf32>
          %add3A_573 = arith.addf %add3A_571, %mul3A_572 : vector<16xf32>
          %get3A_574 = arith.index_cast %add3A_465 : i32 to index
          %get3A_575 = arith.constant 48 : index
          %get3A_576 = tpu.vector_load %arg8[%get3A_574, %get3A_575] {strides = array<i32>} : memref<256x128xi32, #tpu.memory_space<vmem>>, vector<1x16xi32>,
          %get3A_577 = vector.shape_cast %get3A_576 : vector<1x16xi32> to vector<16xi32>
          %shift_left3A_578 = arith.constant 16 : i32
          %shift_left3A_579 = vector.broadcast %shift_left3A_578 : i32 to vector<16xi32>
          %shift_left3A_580 = arith.shli %get3A_577, %shift_left3A_579 : vector<16xi32>
          %bitcast_convert_type3A_581 = tpu.bitcast %shift_left3A_580 : vector<16xi32> -> vector<16xf32>
          %and3A_582 = arith.constant -65536 : i32
          %and3A_583 = vector.broadcast %and3A_582 : i32 to vector<16xi32>
          %and3A_584 = arith.andi %get3A_577, %and3A_583 : vector<16xi32>
          %bitcast_convert_type3A_585 = tpu.bitcast %and3A_584 : vector<16xi32> -> vector<16xf32>
          %get3A_586 = arith.index_cast %add3A_465 : i32 to index
          %get3A_587 = arith.constant 112 : index
          %get3A_588 = tpu.vector_load %arg8[%get3A_586, %get3A_587] {strides = array<i32>} : memref<256x128xi32, #tpu.memory_space<vmem>>, vector<1x16xi32>,
          %get3A_589 = vector.shape_cast %get3A_588 : vector<1x16xi32> to vector<16xi32>
          %shift_left3A_590 = arith.constant 16 : i32
          %shift_left3A_591 = vector.broadcast %shift_left3A_590 : i32 to vector<16xi32>
          %shift_left3A_592 = arith.shli %get3A_589, %shift_left3A_591 : vector<16xi32>
          %bitcast_convert_type3A_593 = tpu.bitcast %shift_left3A_592 : vector<16xi32> -> vector<16xf32>
          %and3A_594 = arith.constant -65536 : i32
          %and3A_595 = vector.broadcast %and3A_594 : i32 to vector<16xi32>
          %and3A_596 = arith.andi %get3A_589, %and3A_595 : vector<16xi32>
          %bitcast_convert_type3A_597 = tpu.bitcast %and3A_596 : vector<16xi32> -> vector<16xf32>
          %mul3A_598 = arith.mulf %gather3A_468, %bitcast_convert_type3A_581 : vector<16xf32>
          %add3A_599 = arith.addf %scan3A_411, %mul3A_598 : vector<16xf32>
          %mul3A_600 = arith.mulf %gather3A_472, %bitcast_convert_type3A_585 : vector<16xf32>
          %add3A_601 = arith.addf %add3A_599, %mul3A_600 : vector<16xf32>
          %mul3A_602 = arith.mulf %gather3A_476, %bitcast_convert_type3A_593 : vector<16xf32>
          %add3A_603 = arith.addf %add3A_601, %mul3A_602 : vector<16xf32>
          %mul3A_604 = arith.mulf %gather3A_480, %bitcast_convert_type3A_597 : vector<16xf32>
          %add3A_605 = arith.addf %add3A_603, %mul3A_604 : vector<16xf32>
          %add3A_606 = arith.addi %mul3A_178, %mul3A_441 : i32
          %add3A_607 = arith.constant 1 : i32
          %add3A_608 = arith.addi %add3A_606, %add3A_607 : i32
          %broadcast_in_dim3A_609 = arith.constant 1 : i32
          %broadcast_in_dim3A_610 = vector.broadcast %broadcast_in_dim3A_609 : i32 to vector<16x1xi32>
          %gather3A_611 = vector.shape_cast %broadcast_in_dim3A_610 : vector<16x1xi32> to vector<16xi32>
          %gather3A_612 = tpu.dynamic_gather %get3A_444[%gather3A_611] in [0] : vector<16xf32>, vector<16xi32> -> vector<16xf32>
          %broadcast_in_dim3A_613 = arith.constant 1 : i32
          %broadcast_in_dim3A_614 = vector.broadcast %broadcast_in_dim3A_613 : i32 to vector<16x1xi32>
          %gather3A_615 = vector.shape_cast %broadcast_in_dim3A_614 : vector<16x1xi32> to vector<16xi32>
          %gather3A_616 = tpu.dynamic_gather %get3A_450[%gather3A_615] in [0] : vector<16xf32>, vector<16xi32> -> vector<16xf32>
          %broadcast_in_dim3A_617 = arith.constant 1 : i32
          %broadcast_in_dim3A_618 = vector.broadcast %broadcast_in_dim3A_617 : i32 to vector<16x1xi32>
          %gather3A_619 = vector.shape_cast %broadcast_in_dim3A_618 : vector<16x1xi32> to vector<16xi32>
          %gather3A_620 = tpu.dynamic_gather %get3A_456[%gather3A_619] in [0] : vector<16xf32>, vector<16xi32> -> vector<16xf32>
          %broadcast_in_dim3A_621 = arith.constant 1 : i32
          %broadcast_in_dim3A_622 = vector.broadcast %broadcast_in_dim3A_621 : i32 to vector<16x1xi32>
          %gather3A_623 = vector.shape_cast %broadcast_in_dim3A_622 : vector<16x1xi32> to vector<16xi32>
          %gather3A_624 = tpu.dynamic_gather %get3A_462[%gather3A_623] in [0] : vector<16xf32>, vector<16xi32> -> vector<16xf32>
          %get3A_625 = arith.index_cast %add3A_608 : i32 to index
          %get3A_626 = arith.constant 0 : index
          %get3A_627 = tpu.vector_load %arg8[%get3A_625, %get3A_626] {strides = array<i32>} : memref<256x128xi32, #tpu.memory_space<vmem>>, vector<1x16xi32>,
          %get3A_628 = vector.shape_cast %get3A_627 : vector<1x16xi32> to vector<16xi32>
          %shift_left3A_629 = arith.constant 16 : i32
          %shift_left3A_630 = vector.broadcast %shift_left3A_629 : i32 to vector<16xi32>
          %shift_left3A_631 = arith.shli %get3A_628, %shift_left3A_630 : vector<16xi32>
          %bitcast_convert_type3A_632 = tpu.bitcast %shift_left3A_631 : vector<16xi32> -> vector<16xf32>
          %and3A_633 = arith.constant -65536 : i32
          %and3A_634 = vector.broadcast %and3A_633 : i32 to vector<16xi32>
          %and3A_635 = arith.andi %get3A_628, %and3A_634 : vector<16xi32>
          %bitcast_convert_type3A_636 = tpu.bitcast %and3A_635 : vector<16xi32> -> vector<16xf32>
          %get3A_637 = arith.index_cast %add3A_608 : i32 to index
          %get3A_638 = arith.constant 64 : index
          %get3A_639 = tpu.vector_load %arg8[%get3A_637, %get3A_638] {strides = array<i32>} : memref<256x128xi32, #tpu.memory_space<vmem>>, vector<1x16xi32>,
          %get3A_640 = vector.shape_cast %get3A_639 : vector<1x16xi32> to vector<16xi32>
          %shift_left3A_641 = arith.constant 16 : i32
          %shift_left3A_642 = vector.broadcast %shift_left3A_641 : i32 to vector<16xi32>
          %shift_left3A_643 = arith.shli %get3A_640, %shift_left3A_642 : vector<16xi32>
          %bitcast_convert_type3A_644 = tpu.bitcast %shift_left3A_643 : vector<16xi32> -> vector<16xf32>
          %and3A_645 = arith.constant -65536 : i32
          %and3A_646 = vector.broadcast %and3A_645 : i32 to vector<16xi32>
          %and3A_647 = arith.andi %get3A_640, %and3A_646 : vector<16xi32>
          %bitcast_convert_type3A_648 = tpu.bitcast %and3A_647 : vector<16xi32> -> vector<16xf32>
          %mul3A_649 = arith.mulf %gather3A_612, %bitcast_convert_type3A_632 : vector<16xf32>
          %add3A_650 = arith.addf %scan3A_412, %mul3A_649 : vector<16xf32>
          %mul3A_651 = arith.mulf %gather3A_616, %bitcast_convert_type3A_636 : vector<16xf32>
          %add3A_652 = arith.addf %add3A_650, %mul3A_651 : vector<16xf32>
          %mul3A_653 = arith.mulf %gather3A_620, %bitcast_convert_type3A_644 : vector<16xf32>
          %add3A_654 = arith.addf %add3A_652, %mul3A_653 : vector<16xf32>
          %mul3A_655 = arith.mulf %gather3A_624, %bitcast_convert_type3A_648 : vector<16xf32>
          %add3A_656 = arith.addf %add3A_654, %mul3A_655 : vector<16xf32>
          %get3A_657 = arith.index_cast %add3A_608 : i32 to index
          %get3A_658 = arith.constant 16 : index
          %get3A_659 = tpu.vector_load %arg8[%get3A_657, %get3A_658] {strides = array<i32>} : memref<256x128xi32, #tpu.memory_space<vmem>>, vector<1x16xi32>,
          %get3A_660 = vector.shape_cast %get3A_659 : vector<1x16xi32> to vector<16xi32>
          %shift_left3A_661 = arith.constant 16 : i32
          %shift_left3A_662 = vector.broadcast %shift_left3A_661 : i32 to vector<16xi32>
          %shift_left3A_663 = arith.shli %get3A_660, %shift_left3A_662 : vector<16xi32>
          %bitcast_convert_type3A_664 = tpu.bitcast %shift_left3A_663 : vector<16xi32> -> vector<16xf32>
          %and3A_665 = arith.constant -65536 : i32
          %and3A_666 = vector.broadcast %and3A_665 : i32 to vector<16xi32>
          %and3A_667 = arith.andi %get3A_660, %and3A_666 : vector<16xi32>
          %bitcast_convert_type3A_668 = tpu.bitcast %and3A_667 : vector<16xi32> -> vector<16xf32>
          %get3A_669 = arith.index_cast %add3A_608 : i32 to index
          %get3A_670 = arith.constant 80 : index
          %get3A_671 = tpu.vector_load %arg8[%get3A_669, %get3A_670] {strides = array<i32>} : memref<256x128xi32, #tpu.memory_space<vmem>>, vector<1x16xi32>,
          %get3A_672 = vector.shape_cast %get3A_671 : vector<1x16xi32> to vector<16xi32>
          %shift_left3A_673 = arith.constant 16 : i32
          %shift_left3A_674 = vector.broadcast %shift_left3A_673 : i32 to vector<16xi32>
          %shift_left3A_675 = arith.shli %get3A_672, %shift_left3A_674 : vector<16xi32>
          %bitcast_convert_type3A_676 = tpu.bitcast %shift_left3A_675 : vector<16xi32> -> vector<16xf32>
          %and3A_677 = arith.constant -65536 : i32
          %and3A_678 = vector.broadcast %and3A_677 : i32 to vector<16xi32>
          %and3A_679 = arith.andi %get3A_672, %and3A_678 : vector<16xi32>
          %bitcast_convert_type3A_680 = tpu.bitcast %and3A_679 : vector<16xi32> -> vector<16xf32>
          %mul3A_681 = arith.mulf %gather3A_612, %bitcast_convert_type3A_664 : vector<16xf32>
          %add3A_682 = arith.addf %scan3A_413, %mul3A_681 : vector<16xf32>
          %mul3A_683 = arith.mulf %gather3A_616, %bitcast_convert_type3A_668 : vector<16xf32>
          %add3A_684 = arith.addf %add3A_682, %mul3A_683 : vector<16xf32>
          %mul3A_685 = arith.mulf %gather3A_620, %bitcast_convert_type3A_676 : vector<16xf32>
          %add3A_686 = arith.addf %add3A_684, %mul3A_685 : vector<16xf32>
          %mul3A_687 = arith.mulf %gather3A_624, %bitcast_convert_type3A_680 : vector<16xf32>
          %add3A_688 = arith.addf %add3A_686, %mul3A_687 : vector<16xf32>
          %get3A_689 = arith.index_cast %add3A_608 : i32 to index
          %get3A_690 = arith.constant 32 : index
          %get3A_691 = tpu.vector_load %arg8[%get3A_689, %get3A_690] {strides = array<i32>} : memref<256x128xi32, #tpu.memory_space<vmem>>, vector<1x16xi32>,
          %get3A_692 = vector.shape_cast %get3A_691 : vector<1x16xi32> to vector<16xi32>
          %shift_left3A_693 = arith.constant 16 : i32
          %shift_left3A_694 = vector.broadcast %shift_left3A_693 : i32 to vector<16xi32>
          %shift_left3A_695 = arith.shli %get3A_692, %shift_left3A_694 : vector<16xi32>
          %bitcast_convert_type3A_696 = tpu.bitcast %shift_left3A_695 : vector<16xi32> -> vector<16xf32>
          %and3A_697 = arith.constant -65536 : i32
          %and3A_698 = vector.broadcast %and3A_697 : i32 to vector<16xi32>
          %and3A_699 = arith.andi %get3A_692, %and3A_698 : vector<16xi32>
          %bitcast_convert_type3A_700 = tpu.bitcast %and3A_699 : vector<16xi32> -> vector<16xf32>
          %get3A_701 = arith.index_cast %add3A_608 : i32 to index
          %get3A_702 = arith.constant 96 : index
          %get3A_703 = tpu.vector_load %arg8[%get3A_701, %get3A_702] {strides = array<i32>} : memref<256x128xi32, #tpu.memory_space<vmem>>, vector<1x16xi32>,
          %get3A_704 = vector.shape_cast %get3A_703 : vector<1x16xi32> to vector<16xi32>
          %shift_left3A_705 = arith.constant 16 : i32
          %shift_left3A_706 = vector.broadcast %shift_left3A_705 : i32 to vector<16xi32>
          %shift_left3A_707 = arith.shli %get3A_704, %shift_left3A_706 : vector<16xi32>
          %bitcast_convert_type3A_708 = tpu.bitcast %shift_left3A_707 : vector<16xi32> -> vector<16xf32>
          %and3A_709 = arith.constant -65536 : i32
          %and3A_710 = vector.broadcast %and3A_709 : i32 to vector<16xi32>
          %and3A_711 = arith.andi %get3A_704, %and3A_710 : vector<16xi32>
          %bitcast_convert_type3A_712 = tpu.bitcast %and3A_711 : vector<16xi32> -> vector<16xf32>
          %mul3A_713 = arith.mulf %gather3A_612, %bitcast_convert_type3A_696 : vector<16xf32>
          %add3A_714 = arith.addf %scan3A_414, %mul3A_713 : vector<16xf32>
          %mul3A_715 = arith.mulf %gather3A_616, %bitcast_convert_type3A_700 : vector<16xf32>
          %add3A_716 = arith.addf %add3A_714, %mul3A_715 : vector<16xf32>
          %mul3A_717 = arith.mulf %gather3A_620, %bitcast_convert_type3A_708 : vector<16xf32>
          %add3A_718 = arith.addf %add3A_716, %mul3A_717 : vector<16xf32>
          %mul3A_719 = arith.mulf %gather3A_624, %bitcast_convert_type3A_712 : vector<16xf32>
          %add3A_720 = arith.addf %add3A_718, %mul3A_719 : vector<16xf32>
          %get3A_721 = arith.index_cast %add3A_608 : i32 to index
          %get3A_722 = arith.constant 48 : index
          %get3A_723 = tpu.vector_load %arg8[%get3A_721, %get3A_722] {strides = array<i32>} : memref<256x128xi32, #tpu.memory_space<vmem>>, vector<1x16xi32>,
          %get3A_724 = vector.shape_cast %get3A_723 : vector<1x16xi32> to vector<16xi32>
          %shift_left3A_725 = arith.constant 16 : i32
          %shift_left3A_726 = vector.broadcast %shift_left3A_725 : i32 to vector<16xi32>
          %shift_left3A_727 = arith.shli %get3A_724, %shift_left3A_726 : vector<16xi32>
          %bitcast_convert_type3A_728 = tpu.bitcast %shift_left3A_727 : vector<16xi32> -> vector<16xf32>
          %and3A_729 = arith.constant -65536 : i32
          %and3A_730 = vector.broadcast %and3A_729 : i32 to vector<16xi32>
          %and3A_731 = arith.andi %get3A_724, %and3A_730 : vector<16xi32>
          %bitcast_convert_type3A_732 = tpu.bitcast %and3A_731 : vector<16xi32> -> vector<16xf32>
          %get3A_733 = arith.index_cast %add3A_608 : i32 to index
          %get3A_734 = arith.constant 112 : index
          %get3A_735 = tpu.vector_load %arg8[%get3A_733, %get3A_734] {strides = array<i32>} : memref<256x128xi32, #tpu.memory_space<vmem>>, vector<1x16xi32>,
          %get3A_736 = vector.shape_cast %get3A_735 : vector<1x16xi32> to vector<16xi32>
          %shift_left3A_737 = arith.constant 16 : i32
          %shift_left3A_738 = vector.broadcast %shift_left3A_737 : i32 to vector<16xi32>
          %shift_left3A_739 = arith.shli %get3A_736, %shift_left3A_738 : vector<16xi32>
          %bitcast_convert_type3A_740 = tpu.bitcast %shift_left3A_739 : vector<16xi32> -> vector<16xf32>
          %and3A_741 = arith.constant -65536 : i32
          %and3A_742 = vector.broadcast %and3A_741 : i32 to vector<16xi32>
          %and3A_743 = arith.andi %get3A_736, %and3A_742 : vector<16xi32>
          %bitcast_convert_type3A_744 = tpu.bitcast %and3A_743 : vector<16xi32> -> vector<16xf32>
          %mul3A_745 = arith.mulf %gather3A_612, %bitcast_convert_type3A_728 : vector<16xf32>
          %add3A_746 = arith.addf %scan3A_415, %mul3A_745 : vector<16xf32>
          %mul3A_747 = arith.mulf %gather3A_616, %bitcast_convert_type3A_732 : vector<16xf32>
          %add3A_748 = arith.addf %add3A_746, %mul3A_747 : vector<16xf32>
          %mul3A_749 = arith.mulf %gather3A_620, %bitcast_convert_type3A_740 : vector<16xf32>
          %add3A_750 = arith.addf %add3A_748, %mul3A_749 : vector<16xf32>
          %mul3A_751 = arith.mulf %gather3A_624, %bitcast_convert_type3A_744 : vector<16xf32>
          %add3A_752 = arith.addf %add3A_750, %mul3A_751 : vector<16xf32>
          %add3A_753 = arith.addi %mul3A_178, %mul3A_441 : i32
          %add3A_754 = arith.constant 2 : i32
          %add3A_755 = arith.addi %add3A_753, %add3A_754 : i32
          %broadcast_in_dim3A_756 = arith.constant 2 : i32
          %broadcast_in_dim3A_757 = vector.broadcast %broadcast_in_dim3A_756 : i32 to vector<16x1xi32>
          %gather3A_758 = vector.shape_cast %broadcast_in_dim3A_757 : vector<16x1xi32> to vector<16xi32>
          %gather3A_759 = tpu.dynamic_gather %get3A_444[%gather3A_758] in [0] : vector<16xf32>, vector<16xi32> -> vector<16xf32>
          %broadcast_in_dim3A_760 = arith.constant 2 : i32
          %broadcast_in_dim3A_761 = vector.broadcast %broadcast_in_dim3A_760 : i32 to vector<16x1xi32>
          %gather3A_762 = vector.shape_cast %broadcast_in_dim3A_761 : vector<16x1xi32> to vector<16xi32>
          %gather3A_763 = tpu.dynamic_gather %get3A_450[%gather3A_762] in [0] : vector<16xf32>, vector<16xi32> -> vector<16xf32>
          %broadcast_in_dim3A_764 = arith.constant 2 : i32
          %broadcast_in_dim3A_765 = vector.broadcast %broadcast_in_dim3A_764 : i32 to vector<16x1xi32>
          %gather3A_766 = vector.shape_cast %broadcast_in_dim3A_765 : vector<16x1xi32> to vector<16xi32>
          %gather3A_767 = tpu.dynamic_gather %get3A_456[%gather3A_766] in [0] : vector<16xf32>, vector<16xi32> -> vector<16xf32>
          %broadcast_in_dim3A_768 = arith.constant 2 : i32
          %broadcast_in_dim3A_769 = vector.broadcast %broadcast_in_dim3A_768 : i32 to vector<16x1xi32>
          %gather3A_770 = vector.shape_cast %broadcast_in_dim3A_769 : vector<16x1xi32> to vector<16xi32>
          %gather3A_771 = tpu.dynamic_gather %get3A_462[%gather3A_770] in [0] : vector<16xf32>, vector<16xi32> -> vector<16xf32>
          %get3A_772 = arith.index_cast %add3A_755 : i32 to index
          %get3A_773 = arith.constant 0 : index
          %get3A_774 = tpu.vector_load %arg8[%get3A_772, %get3A_773] {strides = array<i32>} : memref<256x128xi32, #tpu.memory_space<vmem>>, vector<1x16xi32>,
          %get3A_775 = vector.shape_cast %get3A_774 : vector<1x16xi32> to vector<16xi32>
          %shift_left3A_776 = arith.constant 16 : i32
          %shift_left3A_777 = vector.broadcast %shift_left3A_776 : i32 to vector<16xi32>
          %shift_left3A_778 = arith.shli %get3A_775, %shift_left3A_777 : vector<16xi32>
          %bitcast_convert_type3A_779 = tpu.bitcast %shift_left3A_778 : vector<16xi32> -> vector<16xf32>
          %and3A_780 = arith.constant -65536 : i32
          %and3A_781 = vector.broadcast %and3A_780 : i32 to vector<16xi32>
          %and3A_782 = arith.andi %get3A_775, %and3A_781 : vector<16xi32>
          %bitcast_convert_type3A_783 = tpu.bitcast %and3A_782 : vector<16xi32> -> vector<16xf32>
          %get3A_784 = arith.index_cast %add3A_755 : i32 to index
          %get3A_785 = arith.constant 64 : index
          %get3A_786 = tpu.vector_load %arg8[%get3A_784, %get3A_785] {strides = array<i32>} : memref<256x128xi32, #tpu.memory_space<vmem>>, vector<1x16xi32>,
          %get3A_787 = vector.shape_cast %get3A_786 : vector<1x16xi32> to vector<16xi32>
          %shift_left3A_788 = arith.constant 16 : i32
          %shift_left3A_789 = vector.broadcast %shift_left3A_788 : i32 to vector<16xi32>
          %shift_left3A_790 = arith.shli %get3A_787, %shift_left3A_789 : vector<16xi32>
          %bitcast_convert_type3A_791 = tpu.bitcast %shift_left3A_790 : vector<16xi32> -> vector<16xf32>
          %and3A_792 = arith.constant -65536 : i32
          %and3A_793 = vector.broadcast %and3A_792 : i32 to vector<16xi32>
          %and3A_794 = arith.andi %get3A_787, %and3A_793 : vector<16xi32>
          %bitcast_convert_type3A_795 = tpu.bitcast %and3A_794 : vector<16xi32> -> vector<16xf32>
          %mul3A_796 = arith.mulf %gather3A_759, %bitcast_convert_type3A_779 : vector<16xf32>
          %add3A_797 = arith.addf %scan3A_416, %mul3A_796 : vector<16xf32>
          %mul3A_798 = arith.mulf %gather3A_763, %bitcast_convert_type3A_783 : vector<16xf32>
          %add3A_799 = arith.addf %add3A_797, %mul3A_798 : vector<16xf32>
          %mul3A_800 = arith.mulf %gather3A_767, %bitcast_convert_type3A_791 : vector<16xf32>
          %add3A_801 = arith.addf %add3A_799, %mul3A_800 : vector<16xf32>
          %mul3A_802 = arith.mulf %gather3A_771, %bitcast_convert_type3A_795 : vector<16xf32>
          %add3A_803 = arith.addf %add3A_801, %mul3A_802 : vector<16xf32>
          %get3A_804 = arith.index_cast %add3A_755 : i32 to index
          %get3A_805 = arith.constant 16 : index
          %get3A_806 = tpu.vector_load %arg8[%get3A_804, %get3A_805] {strides = array<i32>} : memref<256x128xi32, #tpu.memory_space<vmem>>, vector<1x16xi32>,
          %get3A_807 = vector.shape_cast %get3A_806 : vector<1x16xi32> to vector<16xi32>
          %shift_left3A_808 = arith.constant 16 : i32
          %shift_left3A_809 = vector.broadcast %shift_left3A_808 : i32 to vector<16xi32>
          %shift_left3A_810 = arith.shli %get3A_807, %shift_left3A_809 : vector<16xi32>
          %bitcast_convert_type3A_811 = tpu.bitcast %shift_left3A_810 : vector<16xi32> -> vector<16xf32>
          %and3A_812 = arith.constant -65536 : i32
          %and3A_813 = vector.broadcast %and3A_812 : i32 to vector<16xi32>
          %and3A_814 = arith.andi %get3A_807, %and3A_813 : vector<16xi32>
          %bitcast_convert_type3A_815 = tpu.bitcast %and3A_814 : vector<16xi32> -> vector<16xf32>
          %get3A_816 = arith.index_cast %add3A_755 : i32 to index
          %get3A_817 = arith.constant 80 : index
          %get3A_818 = tpu.vector_load %arg8[%get3A_816, %get3A_817] {strides = array<i32>} : memref<256x128xi32, #tpu.memory_space<vmem>>, vector<1x16xi32>,
          %get3A_819 = vector.shape_cast %get3A_818 : vector<1x16xi32> to vector<16xi32>
          %shift_left3A_820 = arith.constant 16 : i32
          %shift_left3A_821 = vector.broadcast %shift_left3A_820 : i32 to vector<16xi32>
          %shift_left3A_822 = arith.shli %get3A_819, %shift_left3A_821 : vector<16xi32>
          %bitcast_convert_type3A_823 = tpu.bitcast %shift_left3A_822 : vector<16xi32> -> vector<16xf32>
          %and3A_824 = arith.constant -65536 : i32
          %and3A_825 = vector.broadcast %and3A_824 : i32 to vector<16xi32>
          %and3A_826 = arith.andi %get3A_819, %and3A_825 : vector<16xi32>
          %bitcast_convert_type3A_827 = tpu.bitcast %and3A_826 : vector<16xi32> -> vector<16xf32>
          %mul3A_828 = arith.mulf %gather3A_759, %bitcast_convert_type3A_811 : vector<16xf32>
          %add3A_829 = arith.addf %scan3A_417, %mul3A_828 : vector<16xf32>
          %mul3A_830 = arith.mulf %gather3A_763, %bitcast_convert_type3A_815 : vector<16xf32>
          %add3A_831 = arith.addf %add3A_829, %mul3A_830 : vector<16xf32>
          %mul3A_832 = arith.mulf %gather3A_767, %bitcast_convert_type3A_823 : vector<16xf32>
          %add3A_833 = arith.addf %add3A_831, %mul3A_832 : vector<16xf32>
          %mul3A_834 = arith.mulf %gather3A_771, %bitcast_convert_type3A_827 : vector<16xf32>
          %add3A_835 = arith.addf %add3A_833, %mul3A_834 : vector<16xf32>
          %get3A_836 = arith.index_cast %add3A_755 : i32 to index
          %get3A_837 = arith.constant 32 : index
          %get3A_838 = tpu.vector_load %arg8[%get3A_836, %get3A_837] {strides = array<i32>} : memref<256x128xi32, #tpu.memory_space<vmem>>, vector<1x16xi32>,
          %get3A_839 = vector.shape_cast %get3A_838 : vector<1x16xi32> to vector<16xi32>
          %shift_left3A_840 = arith.constant 16 : i32
          %shift_left3A_841 = vector.broadcast %shift_left3A_840 : i32 to vector<16xi32>
          %shift_left3A_842 = arith.shli %get3A_839, %shift_left3A_841 : vector<16xi32>
          %bitcast_convert_type3A_843 = tpu.bitcast %shift_left3A_842 : vector<16xi32> -> vector<16xf32>
          %and3A_844 = arith.constant -65536 : i32
          %and3A_845 = vector.broadcast %and3A_844 : i32 to vector<16xi32>
          %and3A_846 = arith.andi %get3A_839, %and3A_845 : vector<16xi32>
          %bitcast_convert_type3A_847 = tpu.bitcast %and3A_846 : vector<16xi32> -> vector<16xf32>
          %get3A_848 = arith.index_cast %add3A_755 : i32 to index
          %get3A_849 = arith.constant 96 : index
          %get3A_850 = tpu.vector_load %arg8[%get3A_848, %get3A_849] {strides = array<i32>} : memref<256x128xi32, #tpu.memory_space<vmem>>, vector<1x16xi32>,
          %get3A_851 = vector.shape_cast %get3A_850 : vector<1x16xi32> to vector<16xi32>
          %shift_left3A_852 = arith.constant 16 : i32
          %shift_left3A_853 = vector.broadcast %shift_left3A_852 : i32 to vector<16xi32>
          %shift_left3A_854 = arith.shli %get3A_851, %shift_left3A_853 : vector<16xi32>
          %bitcast_convert_type3A_855 = tpu.bitcast %shift_left3A_854 : vector<16xi32> -> vector<16xf32>
          %and3A_856 = arith.constant -65536 : i32
          %and3A_857 = vector.broadcast %and3A_856 : i32 to vector<16xi32>
          %and3A_858 = arith.andi %get3A_851, %and3A_857 : vector<16xi32>
          %bitcast_convert_type3A_859 = tpu.bitcast %and3A_858 : vector<16xi32> -> vector<16xf32>
          %mul3A_860 = arith.mulf %gather3A_759, %bitcast_convert_type3A_843 : vector<16xf32>
          %add3A_861 = arith.addf %scan3A_418, %mul3A_860 : vector<16xf32>
          %mul3A_862 = arith.mulf %gather3A_763, %bitcast_convert_type3A_847 : vector<16xf32>
          %add3A_863 = arith.addf %add3A_861, %mul3A_862 : vector<16xf32>
          %mul3A_864 = arith.mulf %gather3A_767, %bitcast_convert_type3A_855 : vector<16xf32>
          %add3A_865 = arith.addf %add3A_863, %mul3A_864 : vector<16xf32>
          %mul3A_866 = arith.mulf %gather3A_771, %bitcast_convert_type3A_859 : vector<16xf32>
          %add3A_867 = arith.addf %add3A_865, %mul3A_866 : vector<16xf32>
          %get3A_868 = arith.index_cast %add3A_755 : i32 to index
          %get3A_869 = arith.constant 48 : index
          %get3A_870 = tpu.vector_load %arg8[%get3A_868, %get3A_869] {strides = array<i32>} : memref<256x128xi32, #tpu.memory_space<vmem>>, vector<1x16xi32>,
          %get3A_871 = vector.shape_cast %get3A_870 : vector<1x16xi32> to vector<16xi32>
          %shift_left3A_872 = arith.constant 16 : i32
          %shift_left3A_873 = vector.broadcast %shift_left3A_872 : i32 to vector<16xi32>
          %shift_left3A_874 = arith.shli %get3A_871, %shift_left3A_873 : vector<16xi32>
          %bitcast_convert_type3A_875 = tpu.bitcast %shift_left3A_874 : vector<16xi32> -> vector<16xf32>
          %and3A_876 = arith.constant -65536 : i32
          %and3A_877 = vector.broadcast %and3A_876 : i32 to vector<16xi32>
          %and3A_878 = arith.andi %get3A_871, %and3A_877 : vector<16xi32>
          %bitcast_convert_type3A_879 = tpu.bitcast %and3A_878 : vector<16xi32> -> vector<16xf32>
          %get3A_880 = arith.index_cast %add3A_755 : i32 to index
          %get3A_881 = arith.constant 112 : index
          %get3A_882 = tpu.vector_load %arg8[%get3A_880, %get3A_881] {strides = array<i32>} : memref<256x128xi32, #tpu.memory_space<vmem>>, vector<1x16xi32>,
          %get3A_883 = vector.shape_cast %get3A_882 : vector<1x16xi32> to vector<16xi32>
          %shift_left3A_884 = arith.constant 16 : i32
          %shift_left3A_885 = vector.broadcast %shift_left3A_884 : i32 to vector<16xi32>
          %shift_left3A_886 = arith.shli %get3A_883, %shift_left3A_885 : vector<16xi32>
          %bitcast_convert_type3A_887 = tpu.bitcast %shift_left3A_886 : vector<16xi32> -> vector<16xf32>
          %and3A_888 = arith.constant -65536 : i32
          %and3A_889 = vector.broadcast %and3A_888 : i32 to vector<16xi32>
          %and3A_890 = arith.andi %get3A_883, %and3A_889 : vector<16xi32>
          %bitcast_convert_type3A_891 = tpu.bitcast %and3A_890 : vector<16xi32> -> vector<16xf32>
          %mul3A_892 = arith.mulf %gather3A_759, %bitcast_convert_type3A_875 : vector<16xf32>
          %add3A_893 = arith.addf %scan3A_419, %mul3A_892 : vector<16xf32>
          %mul3A_894 = arith.mulf %gather3A_763, %bitcast_convert_type3A_879 : vector<16xf32>
          %add3A_895 = arith.addf %add3A_893, %mul3A_894 : vector<16xf32>
          %mul3A_896 = arith.mulf %gather3A_767, %bitcast_convert_type3A_887 : vector<16xf32>
          %add3A_897 = arith.addf %add3A_895, %mul3A_896 : vector<16xf32>
          %mul3A_898 = arith.mulf %gather3A_771, %bitcast_convert_type3A_891 : vector<16xf32>
          %add3A_899 = arith.addf %add3A_897, %mul3A_898 : vector<16xf32>
          %add3A_900 = arith.addi %mul3A_178, %mul3A_441 : i32
          %add3A_901 = arith.constant 3 : i32
          %add3A_902 = arith.addi %add3A_900, %add3A_901 : i32
          %broadcast_in_dim3A_903 = arith.constant 3 : i32
          %broadcast_in_dim3A_904 = vector.broadcast %broadcast_in_dim3A_903 : i32 to vector<16x1xi32>
          %gather3A_905 = vector.shape_cast %broadcast_in_dim3A_904 : vector<16x1xi32> to vector<16xi32>
          %gather3A_906 = tpu.dynamic_gather %get3A_444[%gather3A_905] in [0] : vector<16xf32>, vector<16xi32> -> vector<16xf32>
          %broadcast_in_dim3A_907 = arith.constant 3 : i32
          %broadcast_in_dim3A_908 = vector.broadcast %broadcast_in_dim3A_907 : i32 to vector<16x1xi32>
          %gather3A_909 = vector.shape_cast %broadcast_in_dim3A_908 : vector<16x1xi32> to vector<16xi32>
          %gather3A_910 = tpu.dynamic_gather %get3A_450[%gather3A_909] in [0] : vector<16xf32>, vector<16xi32> -> vector<16xf32>
          %broadcast_in_dim3A_911 = arith.constant 3 : i32
          %broadcast_in_dim3A_912 = vector.broadcast %broadcast_in_dim3A_911 : i32 to vector<16x1xi32>
          %gather3A_913 = vector.shape_cast %broadcast_in_dim3A_912 : vector<16x1xi32> to vector<16xi32>
          %gather3A_914 = tpu.dynamic_gather %get3A_456[%gather3A_913] in [0] : vector<16xf32>, vector<16xi32> -> vector<16xf32>
          %broadcast_in_dim3A_915 = arith.constant 3 : i32
          %broadcast_in_dim3A_916 = vector.broadcast %broadcast_in_dim3A_915 : i32 to vector<16x1xi32>
          %gather3A_917 = vector.shape_cast %broadcast_in_dim3A_916 : vector<16x1xi32> to vector<16xi32>
          %gather3A_918 = tpu.dynamic_gather %get3A_462[%gather3A_917] in [0] : vector<16xf32>, vector<16xi32> -> vector<16xf32>
          %get3A_919 = arith.index_cast %add3A_902 : i32 to index
          %get3A_920 = arith.constant 0 : index
          %get3A_921 = tpu.vector_load %arg8[%get3A_919, %get3A_920] {strides = array<i32>} : memref<256x128xi32, #tpu.memory_space<vmem>>, vector<1x16xi32>,
          %get3A_922 = vector.shape_cast %get3A_921 : vector<1x16xi32> to vector<16xi32>
          %shift_left3A_923 = arith.constant 16 : i32
          %shift_left3A_924 = vector.broadcast %shift_left3A_923 : i32 to vector<16xi32>
          %shift_left3A_925 = arith.shli %get3A_922, %shift_left3A_924 : vector<16xi32>
          %bitcast_convert_type3A_926 = tpu.bitcast %shift_left3A_925 : vector<16xi32> -> vector<16xf32>
          %and3A_927 = arith.constant -65536 : i32
          %and3A_928 = vector.broadcast %and3A_927 : i32 to vector<16xi32>
          %and3A_929 = arith.andi %get3A_922, %and3A_928 : vector<16xi32>
          %bitcast_convert_type3A_930 = tpu.bitcast %and3A_929 : vector<16xi32> -> vector<16xf32>
          %get3A_931 = arith.index_cast %add3A_902 : i32 to index
          %get3A_932 = arith.constant 64 : index
          %get3A_933 = tpu.vector_load %arg8[%get3A_931, %get3A_932] {strides = array<i32>} : memref<256x128xi32, #tpu.memory_space<vmem>>, vector<1x16xi32>,
          %get3A_934 = vector.shape_cast %get3A_933 : vector<1x16xi32> to vector<16xi32>
          %shift_left3A_935 = arith.constant 16 : i32
          %shift_left3A_936 = vector.broadcast %shift_left3A_935 : i32 to vector<16xi32>
          %shift_left3A_937 = arith.shli %get3A_934, %shift_left3A_936 : vector<16xi32>
          %bitcast_convert_type3A_938 = tpu.bitcast %shift_left3A_937 : vector<16xi32> -> vector<16xf32>
          %and3A_939 = arith.constant -65536 : i32
          %and3A_940 = vector.broadcast %and3A_939 : i32 to vector<16xi32>
          %and3A_941 = arith.andi %get3A_934, %and3A_940 : vector<16xi32>
          %bitcast_convert_type3A_942 = tpu.bitcast %and3A_941 : vector<16xi32> -> vector<16xf32>
          %mul3A_943 = arith.mulf %gather3A_906, %bitcast_convert_type3A_926 : vector<16xf32>
          %add3A_944 = arith.addf %scan3A_420, %mul3A_943 : vector<16xf32>
          %mul3A_945 = arith.mulf %gather3A_910, %bitcast_convert_type3A_930 : vector<16xf32>
          %add3A_946 = arith.addf %add3A_944, %mul3A_945 : vector<16xf32>
          %mul3A_947 = arith.mulf %gather3A_914, %bitcast_convert_type3A_938 : vector<16xf32>
          %add3A_948 = arith.addf %add3A_946, %mul3A_947 : vector<16xf32>
          %mul3A_949 = arith.mulf %gather3A_918, %bitcast_convert_type3A_942 : vector<16xf32>
          %add3A_950 = arith.addf %add3A_948, %mul3A_949 : vector<16xf32>
          %get3A_951 = arith.index_cast %add3A_902 : i32 to index
          %get3A_952 = arith.constant 16 : index
          %get3A_953 = tpu.vector_load %arg8[%get3A_951, %get3A_952] {strides = array<i32>} : memref<256x128xi32, #tpu.memory_space<vmem>>, vector<1x16xi32>,
          %get3A_954 = vector.shape_cast %get3A_953 : vector<1x16xi32> to vector<16xi32>
          %shift_left3A_955 = arith.constant 16 : i32
          %shift_left3A_956 = vector.broadcast %shift_left3A_955 : i32 to vector<16xi32>
          %shift_left3A_957 = arith.shli %get3A_954, %shift_left3A_956 : vector<16xi32>
          %bitcast_convert_type3A_958 = tpu.bitcast %shift_left3A_957 : vector<16xi32> -> vector<16xf32>
          %and3A_959 = arith.constant -65536 : i32
          %and3A_960 = vector.broadcast %and3A_959 : i32 to vector<16xi32>
          %and3A_961 = arith.andi %get3A_954, %and3A_960 : vector<16xi32>
          %bitcast_convert_type3A_962 = tpu.bitcast %and3A_961 : vector<16xi32> -> vector<16xf32>
          %get3A_963 = arith.index_cast %add3A_902 : i32 to index
          %get3A_964 = arith.constant 80 : index
          %get3A_965 = tpu.vector_load %arg8[%get3A_963, %get3A_964] {strides = array<i32>} : memref<256x128xi32, #tpu.memory_space<vmem>>, vector<1x16xi32>,
          %get3A_966 = vector.shape_cast %get3A_965 : vector<1x16xi32> to vector<16xi32>
          %shift_left3A_967 = arith.constant 16 : i32
          %shift_left3A_968 = vector.broadcast %shift_left3A_967 : i32 to vector<16xi32>
          %shift_left3A_969 = arith.shli %get3A_966, %shift_left3A_968 : vector<16xi32>
          %bitcast_convert_type3A_970 = tpu.bitcast %shift_left3A_969 : vector<16xi32> -> vector<16xf32>
          %and3A_971 = arith.constant -65536 : i32
          %and3A_972 = vector.broadcast %and3A_971 : i32 to vector<16xi32>
          %and3A_973 = arith.andi %get3A_966, %and3A_972 : vector<16xi32>
          %bitcast_convert_type3A_974 = tpu.bitcast %and3A_973 : vector<16xi32> -> vector<16xf32>
          %mul3A_975 = arith.mulf %gather3A_906, %bitcast_convert_type3A_958 : vector<16xf32>
          %add3A_976 = arith.addf %scan3A_421, %mul3A_975 : vector<16xf32>
          %mul3A_977 = arith.mulf %gather3A_910, %bitcast_convert_type3A_962 : vector<16xf32>
          %add3A_978 = arith.addf %add3A_976, %mul3A_977 : vector<16xf32>
          %mul3A_979 = arith.mulf %gather3A_914, %bitcast_convert_type3A_970 : vector<16xf32>
          %add3A_980 = arith.addf %add3A_978, %mul3A_979 : vector<16xf32>
          %mul3A_981 = arith.mulf %gather3A_918, %bitcast_convert_type3A_974 : vector<16xf32>
          %add3A_982 = arith.addf %add3A_980, %mul3A_981 : vector<16xf32>
          %get3A_983 = arith.index_cast %add3A_902 : i32 to index
          %get3A_984 = arith.constant 32 : index
          %get3A_985 = tpu.vector_load %arg8[%get3A_983, %get3A_984] {strides = array<i32>} : memref<256x128xi32, #tpu.memory_space<vmem>>, vector<1x16xi32>,
          %get3A_986 = vector.shape_cast %get3A_985 : vector<1x16xi32> to vector<16xi32>
          %shift_left3A_987 = arith.constant 16 : i32
          %shift_left3A_988 = vector.broadcast %shift_left3A_987 : i32 to vector<16xi32>
          %shift_left3A_989 = arith.shli %get3A_986, %shift_left3A_988 : vector<16xi32>
          %bitcast_convert_type3A_990 = tpu.bitcast %shift_left3A_989 : vector<16xi32> -> vector<16xf32>
          %and3A_991 = arith.constant -65536 : i32
          %and3A_992 = vector.broadcast %and3A_991 : i32 to vector<16xi32>
          %and3A_993 = arith.andi %get3A_986, %and3A_992 : vector<16xi32>
          %bitcast_convert_type3A_994 = tpu.bitcast %and3A_993 : vector<16xi32> -> vector<16xf32>
          %get3A_995 = arith.index_cast %add3A_902 : i32 to index
          %get3A_996 = arith.constant 96 : index
          %get3A_997 = tpu.vector_load %arg8[%get3A_995, %get3A_996] {strides = array<i32>} : memref<256x128xi32, #tpu.memory_space<vmem>>, vector<1x16xi32>,
          %get3A_998 = vector.shape_cast %get3A_997 : vector<1x16xi32> to vector<16xi32>
          %shift_left3A_999 = arith.constant 16 : i32
          %shift_left3A_1000 = vector.broadcast %shift_left3A_999 : i32 to vector<16xi32>
          %shift_left3A_1001 = arith.shli %get3A_998, %shift_left3A_1000 : vector<16xi32>
          %bitcast_convert_type3A_1002 = tpu.bitcast %shift_left3A_1001 : vector<16xi32> -> vector<16xf32>
          %and3A_1003 = arith.constant -65536 : i32
          %and3A_1004 = vector.broadcast %and3A_1003 : i32 to vector<16xi32>
          %and3A_1005 = arith.andi %get3A_998, %and3A_1004 : vector<16xi32>
          %bitcast_convert_type3A_1006 = tpu.bitcast %and3A_1005 : vector<16xi32> -> vector<16xf32>
          %mul3A_1007 = arith.mulf %gather3A_906, %bitcast_convert_type3A_990 : vector<16xf32>
          %add3A_1008 = arith.addf %scan3A_422, %mul3A_1007 : vector<16xf32>
          %mul3A_1009 = arith.mulf %gather3A_910, %bitcast_convert_type3A_994 : vector<16xf32>
          %add3A_1010 = arith.addf %add3A_1008, %mul3A_1009 : vector<16xf32>
          %mul3A_1011 = arith.mulf %gather3A_914, %bitcast_convert_type3A_1002 : vector<16xf32>
          %add3A_1012 = arith.addf %add3A_1010, %mul3A_1011 : vector<16xf32>
          %mul3A_1013 = arith.mulf %gather3A_918, %bitcast_convert_type3A_1006 : vector<16xf32>
          %add3A_1014 = arith.addf %add3A_1012, %mul3A_1013 : vector<16xf32>
          %get3A_1015 = arith.index_cast %add3A_902 : i32 to index
          %get3A_1016 = arith.constant 48 : index
          %get3A_1017 = tpu.vector_load %arg8[%get3A_1015, %get3A_1016] {strides = array<i32>} : memref<256x128xi32, #tpu.memory_space<vmem>>, vector<1x16xi32>,
          %get3A_1018 = vector.shape_cast %get3A_1017 : vector<1x16xi32> to vector<16xi32>
          %shift_left3A_1019 = arith.constant 16 : i32
          %shift_left3A_1020 = vector.broadcast %shift_left3A_1019 : i32 to vector<16xi32>
          %shift_left3A_1021 = arith.shli %get3A_1018, %shift_left3A_1020 : vector<16xi32>
          %bitcast_convert_type3A_1022 = tpu.bitcast %shift_left3A_1021 : vector<16xi32> -> vector<16xf32>
          %and3A_1023 = arith.constant -65536 : i32
          %and3A_1024 = vector.broadcast %and3A_1023 : i32 to vector<16xi32>
          %and3A_1025 = arith.andi %get3A_1018, %and3A_1024 : vector<16xi32>
          %bitcast_convert_type3A_1026 = tpu.bitcast %and3A_1025 : vector<16xi32> -> vector<16xf32>
          %get3A_1027 = arith.index_cast %add3A_902 : i32 to index
          %get3A_1028 = arith.constant 112 : index
          %get3A_1029 = tpu.vector_load %arg8[%get3A_1027, %get3A_1028] {strides = array<i32>} : memref<256x128xi32, #tpu.memory_space<vmem>>, vector<1x16xi32>,
          %get3A_1030 = vector.shape_cast %get3A_1029 : vector<1x16xi32> to vector<16xi32>
          %shift_left3A_1031 = arith.constant 16 : i32
          %shift_left3A_1032 = vector.broadcast %shift_left3A_1031 : i32 to vector<16xi32>
          %shift_left3A_1033 = arith.shli %get3A_1030, %shift_left3A_1032 : vector<16xi32>
          %bitcast_convert_type3A_1034 = tpu.bitcast %shift_left3A_1033 : vector<16xi32> -> vector<16xf32>
          %and3A_1035 = arith.constant -65536 : i32
          %and3A_1036 = vector.broadcast %and3A_1035 : i32 to vector<16xi32>
          %and3A_1037 = arith.andi %get3A_1030, %and3A_1036 : vector<16xi32>
          %bitcast_convert_type3A_1038 = tpu.bitcast %and3A_1037 : vector<16xi32> -> vector<16xf32>
          %mul3A_1039 = arith.mulf %gather3A_906, %bitcast_convert_type3A_1022 : vector<16xf32>
          %add3A_1040 = arith.addf %scan3A_423, %mul3A_1039 : vector<16xf32>
          %mul3A_1041 = arith.mulf %gather3A_910, %bitcast_convert_type3A_1026 : vector<16xf32>
          %add3A_1042 = arith.addf %add3A_1040, %mul3A_1041 : vector<16xf32>
          %mul3A_1043 = arith.mulf %gather3A_914, %bitcast_convert_type3A_1034 : vector<16xf32>
          %add3A_1044 = arith.addf %add3A_1042, %mul3A_1043 : vector<16xf32>
          %mul3A_1045 = arith.mulf %gather3A_918, %bitcast_convert_type3A_1038 : vector<16xf32>
          %add3A_1046 = arith.addf %add3A_1044, %mul3A_1045 : vector<16xf32>
          %add3A_1047 = arith.addi %mul3A_178, %mul3A_441 : i32
          %add3A_1048 = arith.constant 4 : i32
          %add3A_1049 = arith.addi %add3A_1047, %add3A_1048 : i32
          %broadcast_in_dim3A_1050 = arith.constant 4 : i32
          %broadcast_in_dim3A_1051 = vector.broadcast %broadcast_in_dim3A_1050 : i32 to vector<16x1xi32>
          %gather3A_1052 = vector.shape_cast %broadcast_in_dim3A_1051 : vector<16x1xi32> to vector<16xi32>
          %gather3A_1053 = tpu.dynamic_gather %get3A_444[%gather3A_1052] in [0] : vector<16xf32>, vector<16xi32> -> vector<16xf32>
          %broadcast_in_dim3A_1054 = arith.constant 4 : i32
          %broadcast_in_dim3A_1055 = vector.broadcast %broadcast_in_dim3A_1054 : i32 to vector<16x1xi32>
          %gather3A_1056 = vector.shape_cast %broadcast_in_dim3A_1055 : vector<16x1xi32> to vector<16xi32>
          %gather3A_1057 = tpu.dynamic_gather %get3A_450[%gather3A_1056] in [0] : vector<16xf32>, vector<16xi32> -> vector<16xf32>
          %broadcast_in_dim3A_1058 = arith.constant 4 : i32
          %broadcast_in_dim3A_1059 = vector.broadcast %broadcast_in_dim3A_1058 : i32 to vector<16x1xi32>
          %gather3A_1060 = vector.shape_cast %broadcast_in_dim3A_1059 : vector<16x1xi32> to vector<16xi32>
          %gather3A_1061 = tpu.dynamic_gather %get3A_456[%gather3A_1060] in [0] : vector<16xf32>, vector<16xi32> -> vector<16xf32>
          %broadcast_in_dim3A_1062 = arith.constant 4 : i32
          %broadcast_in_dim3A_1063 = vector.broadcast %broadcast_in_dim3A_1062 : i32 to vector<16x1xi32>
          %gather3A_1064 = vector.shape_cast %broadcast_in_dim3A_1063 : vector<16x1xi32> to vector<16xi32>
          %gather3A_1065 = tpu.dynamic_gather %get3A_462[%gather3A_1064] in [0] : vector<16xf32>, vector<16xi32> -> vector<16xf32>
          %get3A_1066 = arith.index_cast %add3A_1049 : i32 to index
          %get3A_1067 = arith.constant 0 : index
          %get3A_1068 = tpu.vector_load %arg8[%get3A_1066, %get3A_1067] {strides = array<i32>} : memref<256x128xi32, #tpu.memory_space<vmem>>, vector<1x16xi32>,
          %get3A_1069 = vector.shape_cast %get3A_1068 : vector<1x16xi32> to vector<16xi32>
          %shift_left3A_1070 = arith.constant 16 : i32
          %shift_left3A_1071 = vector.broadcast %shift_left3A_1070 : i32 to vector<16xi32>
          %shift_left3A_1072 = arith.shli %get3A_1069, %shift_left3A_1071 : vector<16xi32>
          %bitcast_convert_type3A_1073 = tpu.bitcast %shift_left3A_1072 : vector<16xi32> -> vector<16xf32>
          %and3A_1074 = arith.constant -65536 : i32
          %and3A_1075 = vector.broadcast %and3A_1074 : i32 to vector<16xi32>
          %and3A_1076 = arith.andi %get3A_1069, %and3A_1075 : vector<16xi32>
          %bitcast_convert_type3A_1077 = tpu.bitcast %and3A_1076 : vector<16xi32> -> vector<16xf32>
          %get3A_1078 = arith.index_cast %add3A_1049 : i32 to index
          %get3A_1079 = arith.constant 64 : index
          %get3A_1080 = tpu.vector_load %arg8[%get3A_1078, %get3A_1079] {strides = array<i32>} : memref<256x128xi32, #tpu.memory_space<vmem>>, vector<1x16xi32>,
          %get3A_1081 = vector.shape_cast %get3A_1080 : vector<1x16xi32> to vector<16xi32>
          %shift_left3A_1082 = arith.constant 16 : i32
          %shift_left3A_1083 = vector.broadcast %shift_left3A_1082 : i32 to vector<16xi32>
          %shift_left3A_1084 = arith.shli %get3A_1081, %shift_left3A_1083 : vector<16xi32>
          %bitcast_convert_type3A_1085 = tpu.bitcast %shift_left3A_1084 : vector<16xi32> -> vector<16xf32>
          %and3A_1086 = arith.constant -65536 : i32
          %and3A_1087 = vector.broadcast %and3A_1086 : i32 to vector<16xi32>
          %and3A_1088 = arith.andi %get3A_1081, %and3A_1087 : vector<16xi32>
          %bitcast_convert_type3A_1089 = tpu.bitcast %and3A_1088 : vector<16xi32> -> vector<16xf32>
          %mul3A_1090 = arith.mulf %gather3A_1053, %bitcast_convert_type3A_1073 : vector<16xf32>
          %add3A_1091 = arith.addf %scan3A_424, %mul3A_1090 : vector<16xf32>
          %mul3A_1092 = arith.mulf %gather3A_1057, %bitcast_convert_type3A_1077 : vector<16xf32>
          %add3A_1093 = arith.addf %add3A_1091, %mul3A_1092 : vector<16xf32>
          %mul3A_1094 = arith.mulf %gather3A_1061, %bitcast_convert_type3A_1085 : vector<16xf32>
          %add3A_1095 = arith.addf %add3A_1093, %mul3A_1094 : vector<16xf32>
          %mul3A_1096 = arith.mulf %gather3A_1065, %bitcast_convert_type3A_1089 : vector<16xf32>
          %add3A_1097 = arith.addf %add3A_1095, %mul3A_1096 : vector<16xf32>
          %get3A_1098 = arith.index_cast %add3A_1049 : i32 to index
          %get3A_1099 = arith.constant 16 : index
          %get3A_1100 = tpu.vector_load %arg8[%get3A_1098, %get3A_1099] {strides = array<i32>} : memref<256x128xi32, #tpu.memory_space<vmem>>, vector<1x16xi32>,
          %get3A_1101 = vector.shape_cast %get3A_1100 : vector<1x16xi32> to vector<16xi32>
          %shift_left3A_1102 = arith.constant 16 : i32
          %shift_left3A_1103 = vector.broadcast %shift_left3A_1102 : i32 to vector<16xi32>
          %shift_left3A_1104 = arith.shli %get3A_1101, %shift_left3A_1103 : vector<16xi32>
          %bitcast_convert_type3A_1105 = tpu.bitcast %shift_left3A_1104 : vector<16xi32> -> vector<16xf32>
          %and3A_1106 = arith.constant -65536 : i32
          %and3A_1107 = vector.broadcast %and3A_1106 : i32 to vector<16xi32>
          %and3A_1108 = arith.andi %get3A_1101, %and3A_1107 : vector<16xi32>
          %bitcast_convert_type3A_1109 = tpu.bitcast %and3A_1108 : vector<16xi32> -> vector<16xf32>
          %get3A_1110 = arith.index_cast %add3A_1049 : i32 to index
          %get3A_1111 = arith.constant 80 : index
          %get3A_1112 = tpu.vector_load %arg8[%get3A_1110, %get3A_1111] {strides = array<i32>} : memref<256x128xi32, #tpu.memory_space<vmem>>, vector<1x16xi32>,
          %get3A_1113 = vector.shape_cast %get3A_1112 : vector<1x16xi32> to vector<16xi32>
          %shift_left3A_1114 = arith.constant 16 : i32
          %shift_left3A_1115 = vector.broadcast %shift_left3A_1114 : i32 to vector<16xi32>
          %shift_left3A_1116 = arith.shli %get3A_1113, %shift_left3A_1115 : vector<16xi32>
          %bitcast_convert_type3A_1117 = tpu.bitcast %shift_left3A_1116 : vector<16xi32> -> vector<16xf32>
          %and3A_1118 = arith.constant -65536 : i32
          %and3A_1119 = vector.broadcast %and3A_1118 : i32 to vector<16xi32>
          %and3A_1120 = arith.andi %get3A_1113, %and3A_1119 : vector<16xi32>
          %bitcast_convert_type3A_1121 = tpu.bitcast %and3A_1120 : vector<16xi32> -> vector<16xf32>
          %mul3A_1122 = arith.mulf %gather3A_1053, %bitcast_convert_type3A_1105 : vector<16xf32>
          %add3A_1123 = arith.addf %scan3A_425, %mul3A_1122 : vector<16xf32>
          %mul3A_1124 = arith.mulf %gather3A_1057, %bitcast_convert_type3A_1109 : vector<16xf32>
          %add3A_1125 = arith.addf %add3A_1123, %mul3A_1124 : vector<16xf32>
          %mul3A_1126 = arith.mulf %gather3A_1061, %bitcast_convert_type3A_1117 : vector<16xf32>
          %add3A_1127 = arith.addf %add3A_1125, %mul3A_1126 : vector<16xf32>
          %mul3A_1128 = arith.mulf %gather3A_1065, %bitcast_convert_type3A_1121 : vector<16xf32>
          %add3A_1129 = arith.addf %add3A_1127, %mul3A_1128 : vector<16xf32>
          %get3A_1130 = arith.index_cast %add3A_1049 : i32 to index
          %get3A_1131 = arith.constant 32 : index
          %get3A_1132 = tpu.vector_load %arg8[%get3A_1130, %get3A_1131] {strides = array<i32>} : memref<256x128xi32, #tpu.memory_space<vmem>>, vector<1x16xi32>,
          %get3A_1133 = vector.shape_cast %get3A_1132 : vector<1x16xi32> to vector<16xi32>
          %shift_left3A_1134 = arith.constant 16 : i32
          %shift_left3A_1135 = vector.broadcast %shift_left3A_1134 : i32 to vector<16xi32>
          %shift_left3A_1136 = arith.shli %get3A_1133, %shift_left3A_1135 : vector<16xi32>
          %bitcast_convert_type3A_1137 = tpu.bitcast %shift_left3A_1136 : vector<16xi32> -> vector<16xf32>
          %and3A_1138 = arith.constant -65536 : i32
          %and3A_1139 = vector.broadcast %and3A_1138 : i32 to vector<16xi32>
          %and3A_1140 = arith.andi %get3A_1133, %and3A_1139 : vector<16xi32>
          %bitcast_convert_type3A_1141 = tpu.bitcast %and3A_1140 : vector<16xi32> -> vector<16xf32>
          %get3A_1142 = arith.index_cast %add3A_1049 : i32 to index
          %get3A_1143 = arith.constant 96 : index
          %get3A_1144 = tpu.vector_load %arg8[%get3A_1142, %get3A_1143] {strides = array<i32>} : memref<256x128xi32, #tpu.memory_space<vmem>>, vector<1x16xi32>,
          %get3A_1145 = vector.shape_cast %get3A_1144 : vector<1x16xi32> to vector<16xi32>
          %shift_left3A_1146 = arith.constant 16 : i32
          %shift_left3A_1147 = vector.broadcast %shift_left3A_1146 : i32 to vector<16xi32>
          %shift_left3A_1148 = arith.shli %get3A_1145, %shift_left3A_1147 : vector<16xi32>
          %bitcast_convert_type3A_1149 = tpu.bitcast %shift_left3A_1148 : vector<16xi32> -> vector<16xf32>
          %and3A_1150 = arith.constant -65536 : i32
          %and3A_1151 = vector.broadcast %and3A_1150 : i32 to vector<16xi32>
          %and3A_1152 = arith.andi %get3A_1145, %and3A_1151 : vector<16xi32>
          %bitcast_convert_type3A_1153 = tpu.bitcast %and3A_1152 : vector<16xi32> -> vector<16xf32>
          %mul3A_1154 = arith.mulf %gather3A_1053, %bitcast_convert_type3A_1137 : vector<16xf32>
          %add3A_1155 = arith.addf %scan3A_426, %mul3A_1154 : vector<16xf32>
          %mul3A_1156 = arith.mulf %gather3A_1057, %bitcast_convert_type3A_1141 : vector<16xf32>
          %add3A_1157 = arith.addf %add3A_1155, %mul3A_1156 : vector<16xf32>
          %mul3A_1158 = arith.mulf %gather3A_1061, %bitcast_convert_type3A_1149 : vector<16xf32>
          %add3A_1159 = arith.addf %add3A_1157, %mul3A_1158 : vector<16xf32>
          %mul3A_1160 = arith.mulf %gather3A_1065, %bitcast_convert_type3A_1153 : vector<16xf32>
          %add3A_1161 = arith.addf %add3A_1159, %mul3A_1160 : vector<16xf32>
          %get3A_1162 = arith.index_cast %add3A_1049 : i32 to index
          %get3A_1163 = arith.constant 48 : index
          %get3A_1164 = tpu.vector_load %arg8[%get3A_1162, %get3A_1163] {strides = array<i32>} : memref<256x128xi32, #tpu.memory_space<vmem>>, vector<1x16xi32>,
          %get3A_1165 = vector.shape_cast %get3A_1164 : vector<1x16xi32> to vector<16xi32>
          %shift_left3A_1166 = arith.constant 16 : i32
          %shift_left3A_1167 = vector.broadcast %shift_left3A_1166 : i32 to vector<16xi32>
          %shift_left3A_1168 = arith.shli %get3A_1165, %shift_left3A_1167 : vector<16xi32>
          %bitcast_convert_type3A_1169 = tpu.bitcast %shift_left3A_1168 : vector<16xi32> -> vector<16xf32>
          %and3A_1170 = arith.constant -65536 : i32
          %and3A_1171 = vector.broadcast %and3A_1170 : i32 to vector<16xi32>
          %and3A_1172 = arith.andi %get3A_1165, %and3A_1171 : vector<16xi32>
          %bitcast_convert_type3A_1173 = tpu.bitcast %and3A_1172 : vector<16xi32> -> vector<16xf32>
          %get3A_1174 = arith.index_cast %add3A_1049 : i32 to index
          %get3A_1175 = arith.constant 112 : index
          %get3A_1176 = tpu.vector_load %arg8[%get3A_1174, %get3A_1175] {strides = array<i32>} : memref<256x128xi32, #tpu.memory_space<vmem>>, vector<1x16xi32>,
          %get3A_1177 = vector.shape_cast %get3A_1176 : vector<1x16xi32> to vector<16xi32>
          %shift_left3A_1178 = arith.constant 16 : i32
          %shift_left3A_1179 = vector.broadcast %shift_left3A_1178 : i32 to vector<16xi32>
          %shift_left3A_1180 = arith.shli %get3A_1177, %shift_left3A_1179 : vector<16xi32>
          %bitcast_convert_type3A_1181 = tpu.bitcast %shift_left3A_1180 : vector<16xi32> -> vector<16xf32>
          %and3A_1182 = arith.constant -65536 : i32
          %and3A_1183 = vector.broadcast %and3A_1182 : i32 to vector<16xi32>
          %and3A_1184 = arith.andi %get3A_1177, %and3A_1183 : vector<16xi32>
          %bitcast_convert_type3A_1185 = tpu.bitcast %and3A_1184 : vector<16xi32> -> vector<16xf32>
          %mul3A_1186 = arith.mulf %gather3A_1053, %bitcast_convert_type3A_1169 : vector<16xf32>
          %add3A_1187 = arith.addf %scan3A_427, %mul3A_1186 : vector<16xf32>
          %mul3A_1188 = arith.mulf %gather3A_1057, %bitcast_convert_type3A_1173 : vector<16xf32>
          %add3A_1189 = arith.addf %add3A_1187, %mul3A_1188 : vector<16xf32>
          %mul3A_1190 = arith.mulf %gather3A_1061, %bitcast_convert_type3A_1181 : vector<16xf32>
          %add3A_1191 = arith.addf %add3A_1189, %mul3A_1190 : vector<16xf32>
          %mul3A_1192 = arith.mulf %gather3A_1065, %bitcast_convert_type3A_1185 : vector<16xf32>
          %add3A_1193 = arith.addf %add3A_1191, %mul3A_1192 : vector<16xf32>
          %add3A_1194 = arith.addi %mul3A_178, %mul3A_441 : i32
          %add3A_1195 = arith.constant 5 : i32
          %add3A_1196 = arith.addi %add3A_1194, %add3A_1195 : i32
          %broadcast_in_dim3A_1197 = arith.constant 5 : i32
          %broadcast_in_dim3A_1198 = vector.broadcast %broadcast_in_dim3A_1197 : i32 to vector<16x1xi32>
          %gather3A_1199 = vector.shape_cast %broadcast_in_dim3A_1198 : vector<16x1xi32> to vector<16xi32>
          %gather3A_1200 = tpu.dynamic_gather %get3A_444[%gather3A_1199] in [0] : vector<16xf32>, vector<16xi32> -> vector<16xf32>
          %broadcast_in_dim3A_1201 = arith.constant 5 : i32
          %broadcast_in_dim3A_1202 = vector.broadcast %broadcast_in_dim3A_1201 : i32 to vector<16x1xi32>
          %gather3A_1203 = vector.shape_cast %broadcast_in_dim3A_1202 : vector<16x1xi32> to vector<16xi32>
          %gather3A_1204 = tpu.dynamic_gather %get3A_450[%gather3A_1203] in [0] : vector<16xf32>, vector<16xi32> -> vector<16xf32>
          %broadcast_in_dim3A_1205 = arith.constant 5 : i32
          %broadcast_in_dim3A_1206 = vector.broadcast %broadcast_in_dim3A_1205 : i32 to vector<16x1xi32>
          %gather3A_1207 = vector.shape_cast %broadcast_in_dim3A_1206 : vector<16x1xi32> to vector<16xi32>
          %gather3A_1208 = tpu.dynamic_gather %get3A_456[%gather3A_1207] in [0] : vector<16xf32>, vector<16xi32> -> vector<16xf32>
          %broadcast_in_dim3A_1209 = arith.constant 5 : i32
          %broadcast_in_dim3A_1210 = vector.broadcast %broadcast_in_dim3A_1209 : i32 to vector<16x1xi32>
          %gather3A_1211 = vector.shape_cast %broadcast_in_dim3A_1210 : vector<16x1xi32> to vector<16xi32>
          %gather3A_1212 = tpu.dynamic_gather %get3A_462[%gather3A_1211] in [0] : vector<16xf32>, vector<16xi32> -> vector<16xf32>
          %get3A_1213 = arith.index_cast %add3A_1196 : i32 to index
          %get3A_1214 = arith.constant 0 : index
          %get3A_1215 = tpu.vector_load %arg8[%get3A_1213, %get3A_1214] {strides = array<i32>} : memref<256x128xi32, #tpu.memory_space<vmem>>, vector<1x16xi32>,
          %get3A_1216 = vector.shape_cast %get3A_1215 : vector<1x16xi32> to vector<16xi32>
          %shift_left3A_1217 = arith.constant 16 : i32
          %shift_left3A_1218 = vector.broadcast %shift_left3A_1217 : i32 to vector<16xi32>
          %shift_left3A_1219 = arith.shli %get3A_1216, %shift_left3A_1218 : vector<16xi32>
          %bitcast_convert_type3A_1220 = tpu.bitcast %shift_left3A_1219 : vector<16xi32> -> vector<16xf32>
          %and3A_1221 = arith.constant -65536 : i32
          %and3A_1222 = vector.broadcast %and3A_1221 : i32 to vector<16xi32>
          %and3A_1223 = arith.andi %get3A_1216, %and3A_1222 : vector<16xi32>
          %bitcast_convert_type3A_1224 = tpu.bitcast %and3A_1223 : vector<16xi32> -> vector<16xf32>
          %get3A_1225 = arith.index_cast %add3A_1196 : i32 to index
          %get3A_1226 = arith.constant 64 : index
          %get3A_1227 = tpu.vector_load %arg8[%get3A_1225, %get3A_1226] {strides = array<i32>} : memref<256x128xi32, #tpu.memory_space<vmem>>, vector<1x16xi32>,
          %get3A_1228 = vector.shape_cast %get3A_1227 : vector<1x16xi32> to vector<16xi32>
          %shift_left3A_1229 = arith.constant 16 : i32
          %shift_left3A_1230 = vector.broadcast %shift_left3A_1229 : i32 to vector<16xi32>
          %shift_left3A_1231 = arith.shli %get3A_1228, %shift_left3A_1230 : vector<16xi32>
          %bitcast_convert_type3A_1232 = tpu.bitcast %shift_left3A_1231 : vector<16xi32> -> vector<16xf32>
          %and3A_1233 = arith.constant -65536 : i32
          %and3A_1234 = vector.broadcast %and3A_1233 : i32 to vector<16xi32>
          %and3A_1235 = arith.andi %get3A_1228, %and3A_1234 : vector<16xi32>
          %bitcast_convert_type3A_1236 = tpu.bitcast %and3A_1235 : vector<16xi32> -> vector<16xf32>
          %mul3A_1237 = arith.mulf %gather3A_1200, %bitcast_convert_type3A_1220 : vector<16xf32>
          %add3A_1238 = arith.addf %scan3A_428, %mul3A_1237 : vector<16xf32>
          %mul3A_1239 = arith.mulf %gather3A_1204, %bitcast_convert_type3A_1224 : vector<16xf32>
          %add3A_1240 = arith.addf %add3A_1238, %mul3A_1239 : vector<16xf32>
          %mul3A_1241 = arith.mulf %gather3A_1208, %bitcast_convert_type3A_1232 : vector<16xf32>
          %add3A_1242 = arith.addf %add3A_1240, %mul3A_1241 : vector<16xf32>
          %mul3A_1243 = arith.mulf %gather3A_1212, %bitcast_convert_type3A_1236 : vector<16xf32>
          %add3A_1244 = arith.addf %add3A_1242, %mul3A_1243 : vector<16xf32>
          %get3A_1245 = arith.index_cast %add3A_1196 : i32 to index
          %get3A_1246 = arith.constant 16 : index
          %get3A_1247 = tpu.vector_load %arg8[%get3A_1245, %get3A_1246] {strides = array<i32>} : memref<256x128xi32, #tpu.memory_space<vmem>>, vector<1x16xi32>,
          %get3A_1248 = vector.shape_cast %get3A_1247 : vector<1x16xi32> to vector<16xi32>
          %shift_left3A_1249 = arith.constant 16 : i32
          %shift_left3A_1250 = vector.broadcast %shift_left3A_1249 : i32 to vector<16xi32>
          %shift_left3A_1251 = arith.shli %get3A_1248, %shift_left3A_1250 : vector<16xi32>
          %bitcast_convert_type3A_1252 = tpu.bitcast %shift_left3A_1251 : vector<16xi32> -> vector<16xf32>
          %and3A_1253 = arith.constant -65536 : i32
          %and3A_1254 = vector.broadcast %and3A_1253 : i32 to vector<16xi32>
          %and3A_1255 = arith.andi %get3A_1248, %and3A_1254 : vector<16xi32>
          %bitcast_convert_type3A_1256 = tpu.bitcast %and3A_1255 : vector<16xi32> -> vector<16xf32>
          %get3A_1257 = arith.index_cast %add3A_1196 : i32 to index
          %get3A_1258 = arith.constant 80 : index
          %get3A_1259 = tpu.vector_load %arg8[%get3A_1257, %get3A_1258] {strides = array<i32>} : memref<256x128xi32, #tpu.memory_space<vmem>>, vector<1x16xi32>,
          %get3A_1260 = vector.shape_cast %get3A_1259 : vector<1x16xi32> to vector<16xi32>
          %shift_left3A_1261 = arith.constant 16 : i32
          %shift_left3A_1262 = vector.broadcast %shift_left3A_1261 : i32 to vector<16xi32>
          %shift_left3A_1263 = arith.shli %get3A_1260, %shift_left3A_1262 : vector<16xi32>
          %bitcast_convert_type3A_1264 = tpu.bitcast %shift_left3A_1263 : vector<16xi32> -> vector<16xf32>
          %and3A_1265 = arith.constant -65536 : i32
          %and3A_1266 = vector.broadcast %and3A_1265 : i32 to vector<16xi32>
          %and3A_1267 = arith.andi %get3A_1260, %and3A_1266 : vector<16xi32>
          %bitcast_convert_type3A_1268 = tpu.bitcast %and3A_1267 : vector<16xi32> -> vector<16xf32>
          %mul3A_1269 = arith.mulf %gather3A_1200, %bitcast_convert_type3A_1252 : vector<16xf32>
          %add3A_1270 = arith.addf %scan3A_429, %mul3A_1269 : vector<16xf32>
          %mul3A_1271 = arith.mulf %gather3A_1204, %bitcast_convert_type3A_1256 : vector<16xf32>
          %add3A_1272 = arith.addf %add3A_1270, %mul3A_1271 : vector<16xf32>
          %mul3A_1273 = arith.mulf %gather3A_1208, %bitcast_convert_type3A_1264 : vector<16xf32>
          %add3A_1274 = arith.addf %add3A_1272, %mul3A_1273 : vector<16xf32>
          %mul3A_1275 = arith.mulf %gather3A_1212, %bitcast_convert_type3A_1268 : vector<16xf32>
          %add3A_1276 = arith.addf %add3A_1274, %mul3A_1275 : vector<16xf32>
          %get3A_1277 = arith.index_cast %add3A_1196 : i32 to index
          %get3A_1278 = arith.constant 32 : index
          %get3A_1279 = tpu.vector_load %arg8[%get3A_1277, %get3A_1278] {strides = array<i32>} : memref<256x128xi32, #tpu.memory_space<vmem>>, vector<1x16xi32>,
          %get3A_1280 = vector.shape_cast %get3A_1279 : vector<1x16xi32> to vector<16xi32>
          %shift_left3A_1281 = arith.constant 16 : i32
          %shift_left3A_1282 = vector.broadcast %shift_left3A_1281 : i32 to vector<16xi32>
          %shift_left3A_1283 = arith.shli %get3A_1280, %shift_left3A_1282 : vector<16xi32>
          %bitcast_convert_type3A_1284 = tpu.bitcast %shift_left3A_1283 : vector<16xi32> -> vector<16xf32>
          %and3A_1285 = arith.constant -65536 : i32
          %and3A_1286 = vector.broadcast %and3A_1285 : i32 to vector<16xi32>
          %and3A_1287 = arith.andi %get3A_1280, %and3A_1286 : vector<16xi32>
          %bitcast_convert_type3A_1288 = tpu.bitcast %and3A_1287 : vector<16xi32> -> vector<16xf32>
          %get3A_1289 = arith.index_cast %add3A_1196 : i32 to index
          %get3A_1290 = arith.constant 96 : index
          %get3A_1291 = tpu.vector_load %arg8[%get3A_1289, %get3A_1290] {strides = array<i32>} : memref<256x128xi32, #tpu.memory_space<vmem>>, vector<1x16xi32>,
          %get3A_1292 = vector.shape_cast %get3A_1291 : vector<1x16xi32> to vector<16xi32>
          %shift_left3A_1293 = arith.constant 16 : i32
          %shift_left3A_1294 = vector.broadcast %shift_left3A_1293 : i32 to vector<16xi32>
          %shift_left3A_1295 = arith.shli %get3A_1292, %shift_left3A_1294 : vector<16xi32>
          %bitcast_convert_type3A_1296 = tpu.bitcast %shift_left3A_1295 : vector<16xi32> -> vector<16xf32>
          %and3A_1297 = arith.constant -65536 : i32
          %and3A_1298 = vector.broadcast %and3A_1297 : i32 to vector<16xi32>
          %and3A_1299 = arith.andi %get3A_1292, %and3A_1298 : vector<16xi32>
          %bitcast_convert_type3A_1300 = tpu.bitcast %and3A_1299 : vector<16xi32> -> vector<16xf32>
          %mul3A_1301 = arith.mulf %gather3A_1200, %bitcast_convert_type3A_1284 : vector<16xf32>
          %add3A_1302 = arith.addf %scan3A_430, %mul3A_1301 : vector<16xf32>
          %mul3A_1303 = arith.mulf %gather3A_1204, %bitcast_convert_type3A_1288 : vector<16xf32>
          %add3A_1304 = arith.addf %add3A_1302, %mul3A_1303 : vector<16xf32>
          %mul3A_1305 = arith.mulf %gather3A_1208, %bitcast_convert_type3A_1296 : vector<16xf32>
          %add3A_1306 = arith.addf %add3A_1304, %mul3A_1305 : vector<16xf32>
          %mul3A_1307 = arith.mulf %gather3A_1212, %bitcast_convert_type3A_1300 : vector<16xf32>
          %add3A_1308 = arith.addf %add3A_1306, %mul3A_1307 : vector<16xf32>
          %get3A_1309 = arith.index_cast %add3A_1196 : i32 to index
          %get3A_1310 = arith.constant 48 : index
          %get3A_1311 = tpu.vector_load %arg8[%get3A_1309, %get3A_1310] {strides = array<i32>} : memref<256x128xi32, #tpu.memory_space<vmem>>, vector<1x16xi32>,
          %get3A_1312 = vector.shape_cast %get3A_1311 : vector<1x16xi32> to vector<16xi32>
          %shift_left3A_1313 = arith.constant 16 : i32
          %shift_left3A_1314 = vector.broadcast %shift_left3A_1313 : i32 to vector<16xi32>
          %shift_left3A_1315 = arith.shli %get3A_1312, %shift_left3A_1314 : vector<16xi32>
          %bitcast_convert_type3A_1316 = tpu.bitcast %shift_left3A_1315 : vector<16xi32> -> vector<16xf32>
          %and3A_1317 = arith.constant -65536 : i32
          %and3A_1318 = vector.broadcast %and3A_1317 : i32 to vector<16xi32>
          %and3A_1319 = arith.andi %get3A_1312, %and3A_1318 : vector<16xi32>
          %bitcast_convert_type3A_1320 = tpu.bitcast %and3A_1319 : vector<16xi32> -> vector<16xf32>
          %get3A_1321 = arith.index_cast %add3A_1196 : i32 to index
          %get3A_1322 = arith.constant 112 : index
          %get3A_1323 = tpu.vector_load %arg8[%get3A_1321, %get3A_1322] {strides = array<i32>} : memref<256x128xi32, #tpu.memory_space<vmem>>, vector<1x16xi32>,
          %get3A_1324 = vector.shape_cast %get3A_1323 : vector<1x16xi32> to vector<16xi32>
          %shift_left3A_1325 = arith.constant 16 : i32
          %shift_left3A_1326 = vector.broadcast %shift_left3A_1325 : i32 to vector<16xi32>
          %shift_left3A_1327 = arith.shli %get3A_1324, %shift_left3A_1326 : vector<16xi32>
          %bitcast_convert_type3A_1328 = tpu.bitcast %shift_left3A_1327 : vector<16xi32> -> vector<16xf32>
          %and3A_1329 = arith.constant -65536 : i32
          %and3A_1330 = vector.broadcast %and3A_1329 : i32 to vector<16xi32>
          %and3A_1331 = arith.andi %get3A_1324, %and3A_1330 : vector<16xi32>
          %bitcast_convert_type3A_1332 = tpu.bitcast %and3A_1331 : vector<16xi32> -> vector<16xf32>
          %mul3A_1333 = arith.mulf %gather3A_1200, %bitcast_convert_type3A_1316 : vector<16xf32>
          %add3A_1334 = arith.addf %scan3A_431, %mul3A_1333 : vector<16xf32>
          %mul3A_1335 = arith.mulf %gather3A_1204, %bitcast_convert_type3A_1320 : vector<16xf32>
          %add3A_1336 = arith.addf %add3A_1334, %mul3A_1335 : vector<16xf32>
          %mul3A_1337 = arith.mulf %gather3A_1208, %bitcast_convert_type3A_1328 : vector<16xf32>
          %add3A_1338 = arith.addf %add3A_1336, %mul3A_1337 : vector<16xf32>
          %mul3A_1339 = arith.mulf %gather3A_1212, %bitcast_convert_type3A_1332 : vector<16xf32>
          %add3A_1340 = arith.addf %add3A_1338, %mul3A_1339 : vector<16xf32>
          %add3A_1341 = arith.addi %mul3A_178, %mul3A_441 : i32
          %add3A_1342 = arith.constant 6 : i32
          %add3A_1343 = arith.addi %add3A_1341, %add3A_1342 : i32
          %broadcast_in_dim3A_1344 = arith.constant 6 : i32
          %broadcast_in_dim3A_1345 = vector.broadcast %broadcast_in_dim3A_1344 : i32 to vector<16x1xi32>
          %gather3A_1346 = vector.shape_cast %broadcast_in_dim3A_1345 : vector<16x1xi32> to vector<16xi32>
          %gather3A_1347 = tpu.dynamic_gather %get3A_444[%gather3A_1346] in [0] : vector<16xf32>, vector<16xi32> -> vector<16xf32>
          %broadcast_in_dim3A_1348 = arith.constant 6 : i32
          %broadcast_in_dim3A_1349 = vector.broadcast %broadcast_in_dim3A_1348 : i32 to vector<16x1xi32>
          %gather3A_1350 = vector.shape_cast %broadcast_in_dim3A_1349 : vector<16x1xi32> to vector<16xi32>
          %gather3A_1351 = tpu.dynamic_gather %get3A_450[%gather3A_1350] in [0] : vector<16xf32>, vector<16xi32> -> vector<16xf32>
          %broadcast_in_dim3A_1352 = arith.constant 6 : i32
          %broadcast_in_dim3A_1353 = vector.broadcast %broadcast_in_dim3A_1352 : i32 to vector<16x1xi32>
          %gather3A_1354 = vector.shape_cast %broadcast_in_dim3A_1353 : vector<16x1xi32> to vector<16xi32>
          %gather3A_1355 = tpu.dynamic_gather %get3A_456[%gather3A_1354] in [0] : vector<16xf32>, vector<16xi32> -> vector<16xf32>
          %broadcast_in_dim3A_1356 = arith.constant 6 : i32
          %broadcast_in_dim3A_1357 = vector.broadcast %broadcast_in_dim3A_1356 : i32 to vector<16x1xi32>
          %gather3A_1358 = vector.shape_cast %broadcast_in_dim3A_1357 : vector<16x1xi32> to vector<16xi32>
          %gather3A_1359 = tpu.dynamic_gather %get3A_462[%gather3A_1358] in [0] : vector<16xf32>, vector<16xi32> -> vector<16xf32>
          %get3A_1360 = arith.index_cast %add3A_1343 : i32 to index
          %get3A_1361 = arith.constant 0 : index
          %get3A_1362 = tpu.vector_load %arg8[%get3A_1360, %get3A_1361] {strides = array<i32>} : memref<256x128xi32, #tpu.memory_space<vmem>>, vector<1x16xi32>,
          %get3A_1363 = vector.shape_cast %get3A_1362 : vector<1x16xi32> to vector<16xi32>
          %shift_left3A_1364 = arith.constant 16 : i32
          %shift_left3A_1365 = vector.broadcast %shift_left3A_1364 : i32 to vector<16xi32>
          %shift_left3A_1366 = arith.shli %get3A_1363, %shift_left3A_1365 : vector<16xi32>
          %bitcast_convert_type3A_1367 = tpu.bitcast %shift_left3A_1366 : vector<16xi32> -> vector<16xf32>
          %and3A_1368 = arith.constant -65536 : i32
          %and3A_1369 = vector.broadcast %and3A_1368 : i32 to vector<16xi32>
          %and3A_1370 = arith.andi %get3A_1363, %and3A_1369 : vector<16xi32>
          %bitcast_convert_type3A_1371 = tpu.bitcast %and3A_1370 : vector<16xi32> -> vector<16xf32>
          %get3A_1372 = arith.index_cast %add3A_1343 : i32 to index
          %get3A_1373 = arith.constant 64 : index
          %get3A_1374 = tpu.vector_load %arg8[%get3A_1372, %get3A_1373] {strides = array<i32>} : memref<256x128xi32, #tpu.memory_space<vmem>>, vector<1x16xi32>,
          %get3A_1375 = vector.shape_cast %get3A_1374 : vector<1x16xi32> to vector<16xi32>
          %shift_left3A_1376 = arith.constant 16 : i32
          %shift_left3A_1377 = vector.broadcast %shift_left3A_1376 : i32 to vector<16xi32>
          %shift_left3A_1378 = arith.shli %get3A_1375, %shift_left3A_1377 : vector<16xi32>
          %bitcast_convert_type3A_1379 = tpu.bitcast %shift_left3A_1378 : vector<16xi32> -> vector<16xf32>
          %and3A_1380 = arith.constant -65536 : i32
          %and3A_1381 = vector.broadcast %and3A_1380 : i32 to vector<16xi32>
          %and3A_1382 = arith.andi %get3A_1375, %and3A_1381 : vector<16xi32>
          %bitcast_convert_type3A_1383 = tpu.bitcast %and3A_1382 : vector<16xi32> -> vector<16xf32>
          %mul3A_1384 = arith.mulf %gather3A_1347, %bitcast_convert_type3A_1367 : vector<16xf32>
          %add3A_1385 = arith.addf %scan3A_432, %mul3A_1384 : vector<16xf32>
          %mul3A_1386 = arith.mulf %gather3A_1351, %bitcast_convert_type3A_1371 : vector<16xf32>
          %add3A_1387 = arith.addf %add3A_1385, %mul3A_1386 : vector<16xf32>
          %mul3A_1388 = arith.mulf %gather3A_1355, %bitcast_convert_type3A_1379 : vector<16xf32>
          %add3A_1389 = arith.addf %add3A_1387, %mul3A_1388 : vector<16xf32>
          %mul3A_1390 = arith.mulf %gather3A_1359, %bitcast_convert_type3A_1383 : vector<16xf32>
          %add3A_1391 = arith.addf %add3A_1389, %mul3A_1390 : vector<16xf32>
          %get3A_1392 = arith.index_cast %add3A_1343 : i32 to index
          %get3A_1393 = arith.constant 16 : index
          %get3A_1394 = tpu.vector_load %arg8[%get3A_1392, %get3A_1393] {strides = array<i32>} : memref<256x128xi32, #tpu.memory_space<vmem>>, vector<1x16xi32>,
          %get3A_1395 = vector.shape_cast %get3A_1394 : vector<1x16xi32> to vector<16xi32>
          %shift_left3A_1396 = arith.constant 16 : i32
          %shift_left3A_1397 = vector.broadcast %shift_left3A_1396 : i32 to vector<16xi32>
          %shift_left3A_1398 = arith.shli %get3A_1395, %shift_left3A_1397 : vector<16xi32>
          %bitcast_convert_type3A_1399 = tpu.bitcast %shift_left3A_1398 : vector<16xi32> -> vector<16xf32>
          %and3A_1400 = arith.constant -65536 : i32
          %and3A_1401 = vector.broadcast %and3A_1400 : i32 to vector<16xi32>
          %and3A_1402 = arith.andi %get3A_1395, %and3A_1401 : vector<16xi32>
          %bitcast_convert_type3A_1403 = tpu.bitcast %and3A_1402 : vector<16xi32> -> vector<16xf32>
          %get3A_1404 = arith.index_cast %add3A_1343 : i32 to index
          %get3A_1405 = arith.constant 80 : index
          %get3A_1406 = tpu.vector_load %arg8[%get3A_1404, %get3A_1405] {strides = array<i32>} : memref<256x128xi32, #tpu.memory_space<vmem>>, vector<1x16xi32>,
          %get3A_1407 = vector.shape_cast %get3A_1406 : vector<1x16xi32> to vector<16xi32>
          %shift_left3A_1408 = arith.constant 16 : i32
          %shift_left3A_1409 = vector.broadcast %shift_left3A_1408 : i32 to vector<16xi32>
          %shift_left3A_1410 = arith.shli %get3A_1407, %shift_left3A_1409 : vector<16xi32>
          %bitcast_convert_type3A_1411 = tpu.bitcast %shift_left3A_1410 : vector<16xi32> -> vector<16xf32>
          %and3A_1412 = arith.constant -65536 : i32
          %and3A_1413 = vector.broadcast %and3A_1412 : i32 to vector<16xi32>
          %and3A_1414 = arith.andi %get3A_1407, %and3A_1413 : vector<16xi32>
          %bitcast_convert_type3A_1415 = tpu.bitcast %and3A_1414 : vector<16xi32> -> vector<16xf32>
          %mul3A_1416 = arith.mulf %gather3A_1347, %bitcast_convert_type3A_1399 : vector<16xf32>
          %add3A_1417 = arith.addf %scan3A_433, %mul3A_1416 : vector<16xf32>
          %mul3A_1418 = arith.mulf %gather3A_1351, %bitcast_convert_type3A_1403 : vector<16xf32>
          %add3A_1419 = arith.addf %add3A_1417, %mul3A_1418 : vector<16xf32>
          %mul3A_1420 = arith.mulf %gather3A_1355, %bitcast_convert_type3A_1411 : vector<16xf32>
          %add3A_1421 = arith.addf %add3A_1419, %mul3A_1420 : vector<16xf32>
          %mul3A_1422 = arith.mulf %gather3A_1359, %bitcast_convert_type3A_1415 : vector<16xf32>
          %add3A_1423 = arith.addf %add3A_1421, %mul3A_1422 : vector<16xf32>
          %get3A_1424 = arith.index_cast %add3A_1343 : i32 to index
          %get3A_1425 = arith.constant 32 : index
          %get3A_1426 = tpu.vector_load %arg8[%get3A_1424, %get3A_1425] {strides = array<i32>} : memref<256x128xi32, #tpu.memory_space<vmem>>, vector<1x16xi32>,
          %get3A_1427 = vector.shape_cast %get3A_1426 : vector<1x16xi32> to vector<16xi32>
          %shift_left3A_1428 = arith.constant 16 : i32
          %shift_left3A_1429 = vector.broadcast %shift_left3A_1428 : i32 to vector<16xi32>
          %shift_left3A_1430 = arith.shli %get3A_1427, %shift_left3A_1429 : vector<16xi32>
          %bitcast_convert_type3A_1431 = tpu.bitcast %shift_left3A_1430 : vector<16xi32> -> vector<16xf32>
          %and3A_1432 = arith.constant -65536 : i32
          %and3A_1433 = vector.broadcast %and3A_1432 : i32 to vector<16xi32>
          %and3A_1434 = arith.andi %get3A_1427, %and3A_1433 : vector<16xi32>
          %bitcast_convert_type3A_1435 = tpu.bitcast %and3A_1434 : vector<16xi32> -> vector<16xf32>
          %get3A_1436 = arith.index_cast %add3A_1343 : i32 to index
          %get3A_1437 = arith.constant 96 : index
          %get3A_1438 = tpu.vector_load %arg8[%get3A_1436, %get3A_1437] {strides = array<i32>} : memref<256x128xi32, #tpu.memory_space<vmem>>, vector<1x16xi32>,
          %get3A_1439 = vector.shape_cast %get3A_1438 : vector<1x16xi32> to vector<16xi32>
          %shift_left3A_1440 = arith.constant 16 : i32
          %shift_left3A_1441 = vector.broadcast %shift_left3A_1440 : i32 to vector<16xi32>
          %shift_left3A_1442 = arith.shli %get3A_1439, %shift_left3A_1441 : vector<16xi32>
          %bitcast_convert_type3A_1443 = tpu.bitcast %shift_left3A_1442 : vector<16xi32> -> vector<16xf32>
          %and3A_1444 = arith.constant -65536 : i32
          %and3A_1445 = vector.broadcast %and3A_1444 : i32 to vector<16xi32>
          %and3A_1446 = arith.andi %get3A_1439, %and3A_1445 : vector<16xi32>
          %bitcast_convert_type3A_1447 = tpu.bitcast %and3A_1446 : vector<16xi32> -> vector<16xf32>
          %mul3A_1448 = arith.mulf %gather3A_1347, %bitcast_convert_type3A_1431 : vector<16xf32>
          %add3A_1449 = arith.addf %scan3A_434, %mul3A_1448 : vector<16xf32>
          %mul3A_1450 = arith.mulf %gather3A_1351, %bitcast_convert_type3A_1435 : vector<16xf32>
          %add3A_1451 = arith.addf %add3A_1449, %mul3A_1450 : vector<16xf32>
          %mul3A_1452 = arith.mulf %gather3A_1355, %bitcast_convert_type3A_1443 : vector<16xf32>
          %add3A_1453 = arith.addf %add3A_1451, %mul3A_1452 : vector<16xf32>
          %mul3A_1454 = arith.mulf %gather3A_1359, %bitcast_convert_type3A_1447 : vector<16xf32>
          %add3A_1455 = arith.addf %add3A_1453, %mul3A_1454 : vector<16xf32>
          %get3A_1456 = arith.index_cast %add3A_1343 : i32 to index
          %get3A_1457 = arith.constant 48 : index
          %get3A_1458 = tpu.vector_load %arg8[%get3A_1456, %get3A_1457] {strides = array<i32>} : memref<256x128xi32, #tpu.memory_space<vmem>>, vector<1x16xi32>,
          %get3A_1459 = vector.shape_cast %get3A_1458 : vector<1x16xi32> to vector<16xi32>
          %shift_left3A_1460 = arith.constant 16 : i32
          %shift_left3A_1461 = vector.broadcast %shift_left3A_1460 : i32 to vector<16xi32>
          %shift_left3A_1462 = arith.shli %get3A_1459, %shift_left3A_1461 : vector<16xi32>
          %bitcast_convert_type3A_1463 = tpu.bitcast %shift_left3A_1462 : vector<16xi32> -> vector<16xf32>
          %and3A_1464 = arith.constant -65536 : i32
          %and3A_1465 = vector.broadcast %and3A_1464 : i32 to vector<16xi32>
          %and3A_1466 = arith.andi %get3A_1459, %and3A_1465 : vector<16xi32>
          %bitcast_convert_type3A_1467 = tpu.bitcast %and3A_1466 : vector<16xi32> -> vector<16xf32>
          %get3A_1468 = arith.index_cast %add3A_1343 : i32 to index
          %get3A_1469 = arith.constant 112 : index
          %get3A_1470 = tpu.vector_load %arg8[%get3A_1468, %get3A_1469] {strides = array<i32>} : memref<256x128xi32, #tpu.memory_space<vmem>>, vector<1x16xi32>,
          %get3A_1471 = vector.shape_cast %get3A_1470 : vector<1x16xi32> to vector<16xi32>
          %shift_left3A_1472 = arith.constant 16 : i32
          %shift_left3A_1473 = vector.broadcast %shift_left3A_1472 : i32 to vector<16xi32>
          %shift_left3A_1474 = arith.shli %get3A_1471, %shift_left3A_1473 : vector<16xi32>
          %bitcast_convert_type3A_1475 = tpu.bitcast %shift_left3A_1474 : vector<16xi32> -> vector<16xf32>
          %and3A_1476 = arith.constant -65536 : i32
          %and3A_1477 = vector.broadcast %and3A_1476 : i32 to vector<16xi32>
          %and3A_1478 = arith.andi %get3A_1471, %and3A_1477 : vector<16xi32>
          %bitcast_convert_type3A_1479 = tpu.bitcast %and3A_1478 : vector<16xi32> -> vector<16xf32>
          %mul3A_1480 = arith.mulf %gather3A_1347, %bitcast_convert_type3A_1463 : vector<16xf32>
          %add3A_1481 = arith.addf %scan3A_435, %mul3A_1480 : vector<16xf32>
          %mul3A_1482 = arith.mulf %gather3A_1351, %bitcast_convert_type3A_1467 : vector<16xf32>
          %add3A_1483 = arith.addf %add3A_1481, %mul3A_1482 : vector<16xf32>
          %mul3A_1484 = arith.mulf %gather3A_1355, %bitcast_convert_type3A_1475 : vector<16xf32>
          %add3A_1485 = arith.addf %add3A_1483, %mul3A_1484 : vector<16xf32>
          %mul3A_1486 = arith.mulf %gather3A_1359, %bitcast_convert_type3A_1479 : vector<16xf32>
          %add3A_1487 = arith.addf %add3A_1485, %mul3A_1486 : vector<16xf32>
          %add3A_1488 = arith.addi %mul3A_178, %mul3A_441 : i32
          %add3A_1489 = arith.constant 7 : i32
          %add3A_1490 = arith.addi %add3A_1488, %add3A_1489 : i32
          %broadcast_in_dim3A_1491 = arith.constant 7 : i32
          %broadcast_in_dim3A_1492 = vector.broadcast %broadcast_in_dim3A_1491 : i32 to vector<16x1xi32>
          %gather3A_1493 = vector.shape_cast %broadcast_in_dim3A_1492 : vector<16x1xi32> to vector<16xi32>
          %gather3A_1494 = tpu.dynamic_gather %get3A_444[%gather3A_1493] in [0] : vector<16xf32>, vector<16xi32> -> vector<16xf32>
          %broadcast_in_dim3A_1495 = arith.constant 7 : i32
          %broadcast_in_dim3A_1496 = vector.broadcast %broadcast_in_dim3A_1495 : i32 to vector<16x1xi32>
          %gather3A_1497 = vector.shape_cast %broadcast_in_dim3A_1496 : vector<16x1xi32> to vector<16xi32>
          %gather3A_1498 = tpu.dynamic_gather %get3A_450[%gather3A_1497] in [0] : vector<16xf32>, vector<16xi32> -> vector<16xf32>
          %broadcast_in_dim3A_1499 = arith.constant 7 : i32
          %broadcast_in_dim3A_1500 = vector.broadcast %broadcast_in_dim3A_1499 : i32 to vector<16x1xi32>
          %gather3A_1501 = vector.shape_cast %broadcast_in_dim3A_1500 : vector<16x1xi32> to vector<16xi32>
          %gather3A_1502 = tpu.dynamic_gather %get3A_456[%gather3A_1501] in [0] : vector<16xf32>, vector<16xi32> -> vector<16xf32>
          %broadcast_in_dim3A_1503 = arith.constant 7 : i32
          %broadcast_in_dim3A_1504 = vector.broadcast %broadcast_in_dim3A_1503 : i32 to vector<16x1xi32>
          %gather3A_1505 = vector.shape_cast %broadcast_in_dim3A_1504 : vector<16x1xi32> to vector<16xi32>
          %gather3A_1506 = tpu.dynamic_gather %get3A_462[%gather3A_1505] in [0] : vector<16xf32>, vector<16xi32> -> vector<16xf32>
          %get3A_1507 = arith.index_cast %add3A_1490 : i32 to index
          %get3A_1508 = arith.constant 0 : index
          %get3A_1509 = tpu.vector_load %arg8[%get3A_1507, %get3A_1508] {strides = array<i32>} : memref<256x128xi32, #tpu.memory_space<vmem>>, vector<1x16xi32>,
          %get3A_1510 = vector.shape_cast %get3A_1509 : vector<1x16xi32> to vector<16xi32>
          %shift_left3A_1511 = arith.constant 16 : i32
          %shift_left3A_1512 = vector.broadcast %shift_left3A_1511 : i32 to vector<16xi32>
          %shift_left3A_1513 = arith.shli %get3A_1510, %shift_left3A_1512 : vector<16xi32>
          %bitcast_convert_type3A_1514 = tpu.bitcast %shift_left3A_1513 : vector<16xi32> -> vector<16xf32>
          %and3A_1515 = arith.constant -65536 : i32
          %and3A_1516 = vector.broadcast %and3A_1515 : i32 to vector<16xi32>
          %and3A_1517 = arith.andi %get3A_1510, %and3A_1516 : vector<16xi32>
          %bitcast_convert_type3A_1518 = tpu.bitcast %and3A_1517 : vector<16xi32> -> vector<16xf32>
          %get3A_1519 = arith.index_cast %add3A_1490 : i32 to index
          %get3A_1520 = arith.constant 64 : index
          %get3A_1521 = tpu.vector_load %arg8[%get3A_1519, %get3A_1520] {strides = array<i32>} : memref<256x128xi32, #tpu.memory_space<vmem>>, vector<1x16xi32>,
          %get3A_1522 = vector.shape_cast %get3A_1521 : vector<1x16xi32> to vector<16xi32>
          %shift_left3A_1523 = arith.constant 16 : i32
          %shift_left3A_1524 = vector.broadcast %shift_left3A_1523 : i32 to vector<16xi32>
          %shift_left3A_1525 = arith.shli %get3A_1522, %shift_left3A_1524 : vector<16xi32>
          %bitcast_convert_type3A_1526 = tpu.bitcast %shift_left3A_1525 : vector<16xi32> -> vector<16xf32>
          %and3A_1527 = arith.constant -65536 : i32
          %and3A_1528 = vector.broadcast %and3A_1527 : i32 to vector<16xi32>
          %and3A_1529 = arith.andi %get3A_1522, %and3A_1528 : vector<16xi32>
          %bitcast_convert_type3A_1530 = tpu.bitcast %and3A_1529 : vector<16xi32> -> vector<16xf32>
          %mul3A_1531 = arith.mulf %gather3A_1494, %bitcast_convert_type3A_1514 : vector<16xf32>
          %add3A_1532 = arith.addf %scan3A_436, %mul3A_1531 : vector<16xf32>
          %mul3A_1533 = arith.mulf %gather3A_1498, %bitcast_convert_type3A_1518 : vector<16xf32>
          %add3A_1534 = arith.addf %add3A_1532, %mul3A_1533 : vector<16xf32>
          %mul3A_1535 = arith.mulf %gather3A_1502, %bitcast_convert_type3A_1526 : vector<16xf32>
          %add3A_1536 = arith.addf %add3A_1534, %mul3A_1535 : vector<16xf32>
          %mul3A_1537 = arith.mulf %gather3A_1506, %bitcast_convert_type3A_1530 : vector<16xf32>
          %add3A_1538 = arith.addf %add3A_1536, %mul3A_1537 : vector<16xf32>
          %get3A_1539 = arith.index_cast %add3A_1490 : i32 to index
          %get3A_1540 = arith.constant 16 : index
          %get3A_1541 = tpu.vector_load %arg8[%get3A_1539, %get3A_1540] {strides = array<i32>} : memref<256x128xi32, #tpu.memory_space<vmem>>, vector<1x16xi32>,
          %get3A_1542 = vector.shape_cast %get3A_1541 : vector<1x16xi32> to vector<16xi32>
          %shift_left3A_1543 = arith.constant 16 : i32
          %shift_left3A_1544 = vector.broadcast %shift_left3A_1543 : i32 to vector<16xi32>
          %shift_left3A_1545 = arith.shli %get3A_1542, %shift_left3A_1544 : vector<16xi32>
          %bitcast_convert_type3A_1546 = tpu.bitcast %shift_left3A_1545 : vector<16xi32> -> vector<16xf32>
          %and3A_1547 = arith.constant -65536 : i32
          %and3A_1548 = vector.broadcast %and3A_1547 : i32 to vector<16xi32>
          %and3A_1549 = arith.andi %get3A_1542, %and3A_1548 : vector<16xi32>
          %bitcast_convert_type3A_1550 = tpu.bitcast %and3A_1549 : vector<16xi32> -> vector<16xf32>
          %get3A_1551 = arith.index_cast %add3A_1490 : i32 to index
          %get3A_1552 = arith.constant 80 : index
          %get3A_1553 = tpu.vector_load %arg8[%get3A_1551, %get3A_1552] {strides = array<i32>} : memref<256x128xi32, #tpu.memory_space<vmem>>, vector<1x16xi32>,
          %get3A_1554 = vector.shape_cast %get3A_1553 : vector<1x16xi32> to vector<16xi32>
          %shift_left3A_1555 = arith.constant 16 : i32
          %shift_left3A_1556 = vector.broadcast %shift_left3A_1555 : i32 to vector<16xi32>
          %shift_left3A_1557 = arith.shli %get3A_1554, %shift_left3A_1556 : vector<16xi32>
          %bitcast_convert_type3A_1558 = tpu.bitcast %shift_left3A_1557 : vector<16xi32> -> vector<16xf32>
          %and3A_1559 = arith.constant -65536 : i32
          %and3A_1560 = vector.broadcast %and3A_1559 : i32 to vector<16xi32>
          %and3A_1561 = arith.andi %get3A_1554, %and3A_1560 : vector<16xi32>
          %bitcast_convert_type3A_1562 = tpu.bitcast %and3A_1561 : vector<16xi32> -> vector<16xf32>
          %mul3A_1563 = arith.mulf %gather3A_1494, %bitcast_convert_type3A_1546 : vector<16xf32>
          %add3A_1564 = arith.addf %scan3A_437, %mul3A_1563 : vector<16xf32>
          %mul3A_1565 = arith.mulf %gather3A_1498, %bitcast_convert_type3A_1550 : vector<16xf32>
          %add3A_1566 = arith.addf %add3A_1564, %mul3A_1565 : vector<16xf32>
          %mul3A_1567 = arith.mulf %gather3A_1502, %bitcast_convert_type3A_1558 : vector<16xf32>
          %add3A_1568 = arith.addf %add3A_1566, %mul3A_1567 : vector<16xf32>
          %mul3A_1569 = arith.mulf %gather3A_1506, %bitcast_convert_type3A_1562 : vector<16xf32>
          %add3A_1570 = arith.addf %add3A_1568, %mul3A_1569 : vector<16xf32>
          %get3A_1571 = arith.index_cast %add3A_1490 : i32 to index
          %get3A_1572 = arith.constant 32 : index
          %get3A_1573 = tpu.vector_load %arg8[%get3A_1571, %get3A_1572] {strides = array<i32>} : memref<256x128xi32, #tpu.memory_space<vmem>>, vector<1x16xi32>,
          %get3A_1574 = vector.shape_cast %get3A_1573 : vector<1x16xi32> to vector<16xi32>
          %shift_left3A_1575 = arith.constant 16 : i32
          %shift_left3A_1576 = vector.broadcast %shift_left3A_1575 : i32 to vector<16xi32>
          %shift_left3A_1577 = arith.shli %get3A_1574, %shift_left3A_1576 : vector<16xi32>
          %bitcast_convert_type3A_1578 = tpu.bitcast %shift_left3A_1577 : vector<16xi32> -> vector<16xf32>
          %and3A_1579 = arith.constant -65536 : i32
          %and3A_1580 = vector.broadcast %and3A_1579 : i32 to vector<16xi32>
          %and3A_1581 = arith.andi %get3A_1574, %and3A_1580 : vector<16xi32>
          %bitcast_convert_type3A_1582 = tpu.bitcast %and3A_1581 : vector<16xi32> -> vector<16xf32>
          %get3A_1583 = arith.index_cast %add3A_1490 : i32 to index
          %get3A_1584 = arith.constant 96 : index
          %get3A_1585 = tpu.vector_load %arg8[%get3A_1583, %get3A_1584] {strides = array<i32>} : memref<256x128xi32, #tpu.memory_space<vmem>>, vector<1x16xi32>,
          %get3A_1586 = vector.shape_cast %get3A_1585 : vector<1x16xi32> to vector<16xi32>
          %shift_left3A_1587 = arith.constant 16 : i32
          %shift_left3A_1588 = vector.broadcast %shift_left3A_1587 : i32 to vector<16xi32>
          %shift_left3A_1589 = arith.shli %get3A_1586, %shift_left3A_1588 : vector<16xi32>
          %bitcast_convert_type3A_1590 = tpu.bitcast %shift_left3A_1589 : vector<16xi32> -> vector<16xf32>
          %and3A_1591 = arith.constant -65536 : i32
          %and3A_1592 = vector.broadcast %and3A_1591 : i32 to vector<16xi32>
          %and3A_1593 = arith.andi %get3A_1586, %and3A_1592 : vector<16xi32>
          %bitcast_convert_type3A_1594 = tpu.bitcast %and3A_1593 : vector<16xi32> -> vector<16xf32>
          %mul3A_1595 = arith.mulf %gather3A_1494, %bitcast_convert_type3A_1578 : vector<16xf32>
          %add3A_1596 = arith.addf %scan3A_438, %mul3A_1595 : vector<16xf32>
          %mul3A_1597 = arith.mulf %gather3A_1498, %bitcast_convert_type3A_1582 : vector<16xf32>
          %add3A_1598 = arith.addf %add3A_1596, %mul3A_1597 : vector<16xf32>
          %mul3A_1599 = arith.mulf %gather3A_1502, %bitcast_convert_type3A_1590 : vector<16xf32>
          %add3A_1600 = arith.addf %add3A_1598, %mul3A_1599 : vector<16xf32>
          %mul3A_1601 = arith.mulf %gather3A_1506, %bitcast_convert_type3A_1594 : vector<16xf32>
          %add3A_1602 = arith.addf %add3A_1600, %mul3A_1601 : vector<16xf32>
          %get3A_1603 = arith.index_cast %add3A_1490 : i32 to index
          %get3A_1604 = arith.constant 48 : index
          %get3A_1605 = tpu.vector_load %arg8[%get3A_1603, %get3A_1604] {strides = array<i32>} : memref<256x128xi32, #tpu.memory_space<vmem>>, vector<1x16xi32>,
          %get3A_1606 = vector.shape_cast %get3A_1605 : vector<1x16xi32> to vector<16xi32>
          %shift_left3A_1607 = arith.constant 16 : i32
          %shift_left3A_1608 = vector.broadcast %shift_left3A_1607 : i32 to vector<16xi32>
          %shift_left3A_1609 = arith.shli %get3A_1606, %shift_left3A_1608 : vector<16xi32>
          %bitcast_convert_type3A_1610 = tpu.bitcast %shift_left3A_1609 : vector<16xi32> -> vector<16xf32>
          %and3A_1611 = arith.constant -65536 : i32
          %and3A_1612 = vector.broadcast %and3A_1611 : i32 to vector<16xi32>
          %and3A_1613 = arith.andi %get3A_1606, %and3A_1612 : vector<16xi32>
          %bitcast_convert_type3A_1614 = tpu.bitcast %and3A_1613 : vector<16xi32> -> vector<16xf32>
          %get3A_1615 = arith.index_cast %add3A_1490 : i32 to index
          %get3A_1616 = arith.constant 112 : index
          %get3A_1617 = tpu.vector_load %arg8[%get3A_1615, %get3A_1616] {strides = array<i32>} : memref<256x128xi32, #tpu.memory_space<vmem>>, vector<1x16xi32>,
          %get3A_1618 = vector.shape_cast %get3A_1617 : vector<1x16xi32> to vector<16xi32>
          %shift_left3A_1619 = arith.constant 16 : i32
          %shift_left3A_1620 = vector.broadcast %shift_left3A_1619 : i32 to vector<16xi32>
          %shift_left3A_1621 = arith.shli %get3A_1618, %shift_left3A_1620 : vector<16xi32>
          %bitcast_convert_type3A_1622 = tpu.bitcast %shift_left3A_1621 : vector<16xi32> -> vector<16xf32>
          %and3A_1623 = arith.constant -65536 : i32
          %and3A_1624 = vector.broadcast %and3A_1623 : i32 to vector<16xi32>
          %and3A_1625 = arith.andi %get3A_1618, %and3A_1624 : vector<16xi32>
          %bitcast_convert_type3A_1626 = tpu.bitcast %and3A_1625 : vector<16xi32> -> vector<16xf32>
          %mul3A_1627 = arith.mulf %gather3A_1494, %bitcast_convert_type3A_1610 : vector<16xf32>
          %add3A_1628 = arith.addf %scan3A_439, %mul3A_1627 : vector<16xf32>
          %mul3A_1629 = arith.mulf %gather3A_1498, %bitcast_convert_type3A_1614 : vector<16xf32>
          %add3A_1630 = arith.addf %add3A_1628, %mul3A_1629 : vector<16xf32>
          %mul3A_1631 = arith.mulf %gather3A_1502, %bitcast_convert_type3A_1622 : vector<16xf32>
          %add3A_1632 = arith.addf %add3A_1630, %mul3A_1631 : vector<16xf32>
          %mul3A_1633 = arith.mulf %gather3A_1506, %bitcast_convert_type3A_1626 : vector<16xf32>
          %add3A_1634 = arith.addf %add3A_1632, %mul3A_1633 : vector<16xf32>
          %add3A_1635 = arith.addi %mul3A_178, %mul3A_441 : i32
          %add3A_1636 = arith.constant 8 : i32
          %add3A_1637 = arith.addi %add3A_1635, %add3A_1636 : i32
          %broadcast_in_dim3A_1638 = arith.constant 8 : i32
          %broadcast_in_dim3A_1639 = vector.broadcast %broadcast_in_dim3A_1638 : i32 to vector<16x1xi32>
          %gather3A_1640 = vector.shape_cast %broadcast_in_dim3A_1639 : vector<16x1xi32> to vector<16xi32>
          %gather3A_1641 = tpu.dynamic_gather %get3A_444[%gather3A_1640] in [0] : vector<16xf32>, vector<16xi32> -> vector<16xf32>
          %broadcast_in_dim3A_1642 = arith.constant 8 : i32
          %broadcast_in_dim3A_1643 = vector.broadcast %broadcast_in_dim3A_1642 : i32 to vector<16x1xi32>
          %gather3A_1644 = vector.shape_cast %broadcast_in_dim3A_1643 : vector<16x1xi32> to vector<16xi32>
          %gather3A_1645 = tpu.dynamic_gather %get3A_450[%gather3A_1644] in [0] : vector<16xf32>, vector<16xi32> -> vector<16xf32>
          %broadcast_in_dim3A_1646 = arith.constant 8 : i32
          %broadcast_in_dim3A_1647 = vector.broadcast %broadcast_in_dim3A_1646 : i32 to vector<16x1xi32>
          %gather3A_1648 = vector.shape_cast %broadcast_in_dim3A_1647 : vector<16x1xi32> to vector<16xi32>
          %gather3A_1649 = tpu.dynamic_gather %get3A_456[%gather3A_1648] in [0] : vector<16xf32>, vector<16xi32> -> vector<16xf32>
          %broadcast_in_dim3A_1650 = arith.constant 8 : i32
          %broadcast_in_dim3A_1651 = vector.broadcast %broadcast_in_dim3A_1650 : i32 to vector<16x1xi32>
          %gather3A_1652 = vector.shape_cast %broadcast_in_dim3A_1651 : vector<16x1xi32> to vector<16xi32>
          %gather3A_1653 = tpu.dynamic_gather %get3A_462[%gather3A_1652] in [0] : vector<16xf32>, vector<16xi32> -> vector<16xf32>
          %get3A_1654 = arith.index_cast %add3A_1637 : i32 to index
          %get3A_1655 = arith.constant 0 : index
          %get3A_1656 = tpu.vector_load %arg8[%get3A_1654, %get3A_1655] {strides = array<i32>} : memref<256x128xi32, #tpu.memory_space<vmem>>, vector<1x16xi32>,
          %get3A_1657 = vector.shape_cast %get3A_1656 : vector<1x16xi32> to vector<16xi32>
          %shift_left3A_1658 = arith.constant 16 : i32
          %shift_left3A_1659 = vector.broadcast %shift_left3A_1658 : i32 to vector<16xi32>
          %shift_left3A_1660 = arith.shli %get3A_1657, %shift_left3A_1659 : vector<16xi32>
          %bitcast_convert_type3A_1661 = tpu.bitcast %shift_left3A_1660 : vector<16xi32> -> vector<16xf32>
          %and3A_1662 = arith.constant -65536 : i32
          %and3A_1663 = vector.broadcast %and3A_1662 : i32 to vector<16xi32>
          %and3A_1664 = arith.andi %get3A_1657, %and3A_1663 : vector<16xi32>
          %bitcast_convert_type3A_1665 = tpu.bitcast %and3A_1664 : vector<16xi32> -> vector<16xf32>
          %get3A_1666 = arith.index_cast %add3A_1637 : i32 to index
          %get3A_1667 = arith.constant 64 : index
          %get3A_1668 = tpu.vector_load %arg8[%get3A_1666, %get3A_1667] {strides = array<i32>} : memref<256x128xi32, #tpu.memory_space<vmem>>, vector<1x16xi32>,
          %get3A_1669 = vector.shape_cast %get3A_1668 : vector<1x16xi32> to vector<16xi32>
          %shift_left3A_1670 = arith.constant 16 : i32
          %shift_left3A_1671 = vector.broadcast %shift_left3A_1670 : i32 to vector<16xi32>
          %shift_left3A_1672 = arith.shli %get3A_1669, %shift_left3A_1671 : vector<16xi32>
          %bitcast_convert_type3A_1673 = tpu.bitcast %shift_left3A_1672 : vector<16xi32> -> vector<16xf32>
          %and3A_1674 = arith.constant -65536 : i32
          %and3A_1675 = vector.broadcast %and3A_1674 : i32 to vector<16xi32>
          %and3A_1676 = arith.andi %get3A_1669, %and3A_1675 : vector<16xi32>
          %bitcast_convert_type3A_1677 = tpu.bitcast %and3A_1676 : vector<16xi32> -> vector<16xf32>
          %mul3A_1678 = arith.mulf %gather3A_1641, %bitcast_convert_type3A_1661 : vector<16xf32>
          %add3A_1679 = arith.addf %add3A_509, %mul3A_1678 : vector<16xf32>
          %mul3A_1680 = arith.mulf %gather3A_1645, %bitcast_convert_type3A_1665 : vector<16xf32>
          %add3A_1681 = arith.addf %add3A_1679, %mul3A_1680 : vector<16xf32>
          %mul3A_1682 = arith.mulf %gather3A_1649, %bitcast_convert_type3A_1673 : vector<16xf32>
          %add3A_1683 = arith.addf %add3A_1681, %mul3A_1682 : vector<16xf32>
          %mul3A_1684 = arith.mulf %gather3A_1653, %bitcast_convert_type3A_1677 : vector<16xf32>
          %add3A_1685 = arith.addf %add3A_1683, %mul3A_1684 : vector<16xf32>
          %get3A_1686 = arith.index_cast %add3A_1637 : i32 to index
          %get3A_1687 = arith.constant 16 : index
          %get3A_1688 = tpu.vector_load %arg8[%get3A_1686, %get3A_1687] {strides = array<i32>} : memref<256x128xi32, #tpu.memory_space<vmem>>, vector<1x16xi32>,
          %get3A_1689 = vector.shape_cast %get3A_1688 : vector<1x16xi32> to vector<16xi32>
          %shift_left3A_1690 = arith.constant 16 : i32
          %shift_left3A_1691 = vector.broadcast %shift_left3A_1690 : i32 to vector<16xi32>
          %shift_left3A_1692 = arith.shli %get3A_1689, %shift_left3A_1691 : vector<16xi32>
          %bitcast_convert_type3A_1693 = tpu.bitcast %shift_left3A_1692 : vector<16xi32> -> vector<16xf32>
          %and3A_1694 = arith.constant -65536 : i32
          %and3A_1695 = vector.broadcast %and3A_1694 : i32 to vector<16xi32>
          %and3A_1696 = arith.andi %get3A_1689, %and3A_1695 : vector<16xi32>
          %bitcast_convert_type3A_1697 = tpu.bitcast %and3A_1696 : vector<16xi32> -> vector<16xf32>
          %get3A_1698 = arith.index_cast %add3A_1637 : i32 to index
          %get3A_1699 = arith.constant 80 : index
          %get3A_1700 = tpu.vector_load %arg8[%get3A_1698, %get3A_1699] {strides = array<i32>} : memref<256x128xi32, #tpu.memory_space<vmem>>, vector<1x16xi32>,
          %get3A_1701 = vector.shape_cast %get3A_1700 : vector<1x16xi32> to vector<16xi32>
          %shift_left3A_1702 = arith.constant 16 : i32
          %shift_left3A_1703 = vector.broadcast %shift_left3A_1702 : i32 to vector<16xi32>
          %shift_left3A_1704 = arith.shli %get3A_1701, %shift_left3A_1703 : vector<16xi32>
          %bitcast_convert_type3A_1705 = tpu.bitcast %shift_left3A_1704 : vector<16xi32> -> vector<16xf32>
          %and3A_1706 = arith.constant -65536 : i32
          %and3A_1707 = vector.broadcast %and3A_1706 : i32 to vector<16xi32>
          %and3A_1708 = arith.andi %get3A_1701, %and3A_1707 : vector<16xi32>
          %bitcast_convert_type3A_1709 = tpu.bitcast %and3A_1708 : vector<16xi32> -> vector<16xf32>
          %mul3A_1710 = arith.mulf %gather3A_1641, %bitcast_convert_type3A_1693 : vector<16xf32>
          %add3A_1711 = arith.addf %add3A_541, %mul3A_1710 : vector<16xf32>
          %mul3A_1712 = arith.mulf %gather3A_1645, %bitcast_convert_type3A_1697 : vector<16xf32>
          %add3A_1713 = arith.addf %add3A_1711, %mul3A_1712 : vector<16xf32>
          %mul3A_1714 = arith.mulf %gather3A_1649, %bitcast_convert_type3A_1705 : vector<16xf32>
          %add3A_1715 = arith.addf %add3A_1713, %mul3A_1714 : vector<16xf32>
          %mul3A_1716 = arith.mulf %gather3A_1653, %bitcast_convert_type3A_1709 : vector<16xf32>
          %add3A_1717 = arith.addf %add3A_1715, %mul3A_1716 : vector<16xf32>
          %get3A_1718 = arith.index_cast %add3A_1637 : i32 to index
          %get3A_1719 = arith.constant 32 : index
          %get3A_1720 = tpu.vector_load %arg8[%get3A_1718, %get3A_1719] {strides = array<i32>} : memref<256x128xi32, #tpu.memory_space<vmem>>, vector<1x16xi32>,
          %get3A_1721 = vector.shape_cast %get3A_1720 : vector<1x16xi32> to vector<16xi32>
          %shift_left3A_1722 = arith.constant 16 : i32
          %shift_left3A_1723 = vector.broadcast %shift_left3A_1722 : i32 to vector<16xi32>
          %shift_left3A_1724 = arith.shli %get3A_1721, %shift_left3A_1723 : vector<16xi32>
          %bitcast_convert_type3A_1725 = tpu.bitcast %shift_left3A_1724 : vector<16xi32> -> vector<16xf32>
          %and3A_1726 = arith.constant -65536 : i32
          %and3A_1727 = vector.broadcast %and3A_1726 : i32 to vector<16xi32>
          %and3A_1728 = arith.andi %get3A_1721, %and3A_1727 : vector<16xi32>
          %bitcast_convert_type3A_1729 = tpu.bitcast %and3A_1728 : vector<16xi32> -> vector<16xf32>
          %get3A_1730 = arith.index_cast %add3A_1637 : i32 to index
          %get3A_1731 = arith.constant 96 : index
          %get3A_1732 = tpu.vector_load %arg8[%get3A_1730, %get3A_1731] {strides = array<i32>} : memref<256x128xi32, #tpu.memory_space<vmem>>, vector<1x16xi32>,
          %get3A_1733 = vector.shape_cast %get3A_1732 : vector<1x16xi32> to vector<16xi32>
          %shift_left3A_1734 = arith.constant 16 : i32
          %shift_left3A_1735 = vector.broadcast %shift_left3A_1734 : i32 to vector<16xi32>
          %shift_left3A_1736 = arith.shli %get3A_1733, %shift_left3A_1735 : vector<16xi32>
          %bitcast_convert_type3A_1737 = tpu.bitcast %shift_left3A_1736 : vector<16xi32> -> vector<16xf32>
          %and3A_1738 = arith.constant -65536 : i32
          %and3A_1739 = vector.broadcast %and3A_1738 : i32 to vector<16xi32>
          %and3A_1740 = arith.andi %get3A_1733, %and3A_1739 : vector<16xi32>
          %bitcast_convert_type3A_1741 = tpu.bitcast %and3A_1740 : vector<16xi32> -> vector<16xf32>
          %mul3A_1742 = arith.mulf %gather3A_1641, %bitcast_convert_type3A_1725 : vector<16xf32>
          %add3A_1743 = arith.addf %add3A_573, %mul3A_1742 : vector<16xf32>
          %mul3A_1744 = arith.mulf %gather3A_1645, %bitcast_convert_type3A_1729 : vector<16xf32>
          %add3A_1745 = arith.addf %add3A_1743, %mul3A_1744 : vector<16xf32>
          %mul3A_1746 = arith.mulf %gather3A_1649, %bitcast_convert_type3A_1737 : vector<16xf32>
          %add3A_1747 = arith.addf %add3A_1745, %mul3A_1746 : vector<16xf32>
          %mul3A_1748 = arith.mulf %gather3A_1653, %bitcast_convert_type3A_1741 : vector<16xf32>
          %add3A_1749 = arith.addf %add3A_1747, %mul3A_1748 : vector<16xf32>
          %get3A_1750 = arith.index_cast %add3A_1637 : i32 to index
          %get3A_1751 = arith.constant 48 : index
          %get3A_1752 = tpu.vector_load %arg8[%get3A_1750, %get3A_1751] {strides = array<i32>} : memref<256x128xi32, #tpu.memory_space<vmem>>, vector<1x16xi32>,
          %get3A_1753 = vector.shape_cast %get3A_1752 : vector<1x16xi32> to vector<16xi32>
          %shift_left3A_1754 = arith.constant 16 : i32
          %shift_left3A_1755 = vector.broadcast %shift_left3A_1754 : i32 to vector<16xi32>
          %shift_left3A_1756 = arith.shli %get3A_1753, %shift_left3A_1755 : vector<16xi32>
          %bitcast_convert_type3A_1757 = tpu.bitcast %shift_left3A_1756 : vector<16xi32> -> vector<16xf32>
          %and3A_1758 = arith.constant -65536 : i32
          %and3A_1759 = vector.broadcast %and3A_1758 : i32 to vector<16xi32>
          %and3A_1760 = arith.andi %get3A_1753, %and3A_1759 : vector<16xi32>
          %bitcast_convert_type3A_1761 = tpu.bitcast %and3A_1760 : vector<16xi32> -> vector<16xf32>
          %get3A_1762 = arith.index_cast %add3A_1637 : i32 to index
          %get3A_1763 = arith.constant 112 : index
          %get3A_1764 = tpu.vector_load %arg8[%get3A_1762, %get3A_1763] {strides = array<i32>} : memref<256x128xi32, #tpu.memory_space<vmem>>, vector<1x16xi32>,
          %get3A_1765 = vector.shape_cast %get3A_1764 : vector<1x16xi32> to vector<16xi32>
          %shift_left3A_1766 = arith.constant 16 : i32
          %shift_left3A_1767 = vector.broadcast %shift_left3A_1766 : i32 to vector<16xi32>
          %shift_left3A_1768 = arith.shli %get3A_1765, %shift_left3A_1767 : vector<16xi32>
          %bitcast_convert_type3A_1769 = tpu.bitcast %shift_left3A_1768 : vector<16xi32> -> vector<16xf32>
          %and3A_1770 = arith.constant -65536 : i32
          %and3A_1771 = vector.broadcast %and3A_1770 : i32 to vector<16xi32>
          %and3A_1772 = arith.andi %get3A_1765, %and3A_1771 : vector<16xi32>
          %bitcast_convert_type3A_1773 = tpu.bitcast %and3A_1772 : vector<16xi32> -> vector<16xf32>
          %mul3A_1774 = arith.mulf %gather3A_1641, %bitcast_convert_type3A_1757 : vector<16xf32>
          %add3A_1775 = arith.addf %add3A_605, %mul3A_1774 : vector<16xf32>
          %mul3A_1776 = arith.mulf %gather3A_1645, %bitcast_convert_type3A_1761 : vector<16xf32>
          %add3A_1777 = arith.addf %add3A_1775, %mul3A_1776 : vector<16xf32>
          %mul3A_1778 = arith.mulf %gather3A_1649, %bitcast_convert_type3A_1769 : vector<16xf32>
          %add3A_1779 = arith.addf %add3A_1777, %mul3A_1778 : vector<16xf32>
          %mul3A_1780 = arith.mulf %gather3A_1653, %bitcast_convert_type3A_1773 : vector<16xf32>
          %add3A_1781 = arith.addf %add3A_1779, %mul3A_1780 : vector<16xf32>
          %add3A_1782 = arith.addi %mul3A_178, %mul3A_441 : i32
          %add3A_1783 = arith.constant 9 : i32
          %add3A_1784 = arith.addi %add3A_1782, %add3A_1783 : i32
          %broadcast_in_dim3A_1785 = arith.constant 9 : i32
          %broadcast_in_dim3A_1786 = vector.broadcast %broadcast_in_dim3A_1785 : i32 to vector<16x1xi32>
          %gather3A_1787 = vector.shape_cast %broadcast_in_dim3A_1786 : vector<16x1xi32> to vector<16xi32>
          %gather3A_1788 = tpu.dynamic_gather %get3A_444[%gather3A_1787] in [0] : vector<16xf32>, vector<16xi32> -> vector<16xf32>
          %broadcast_in_dim3A_1789 = arith.constant 9 : i32
          %broadcast_in_dim3A_1790 = vector.broadcast %broadcast_in_dim3A_1789 : i32 to vector<16x1xi32>
          %gather3A_1791 = vector.shape_cast %broadcast_in_dim3A_1790 : vector<16x1xi32> to vector<16xi32>
          %gather3A_1792 = tpu.dynamic_gather %get3A_450[%gather3A_1791] in [0] : vector<16xf32>, vector<16xi32> -> vector<16xf32>
          %broadcast_in_dim3A_1793 = arith.constant 9 : i32
          %broadcast_in_dim3A_1794 = vector.broadcast %broadcast_in_dim3A_1793 : i32 to vector<16x1xi32>
          %gather3A_1795 = vector.shape_cast %broadcast_in_dim3A_1794 : vector<16x1xi32> to vector<16xi32>
          %gather3A_1796 = tpu.dynamic_gather %get3A_456[%gather3A_1795] in [0] : vector<16xf32>, vector<16xi32> -> vector<16xf32>
          %broadcast_in_dim3A_1797 = arith.constant 9 : i32
          %broadcast_in_dim3A_1798 = vector.broadcast %broadcast_in_dim3A_1797 : i32 to vector<16x1xi32>
          %gather3A_1799 = vector.shape_cast %broadcast_in_dim3A_1798 : vector<16x1xi32> to vector<16xi32>
          %gather3A_1800 = tpu.dynamic_gather %get3A_462[%gather3A_1799] in [0] : vector<16xf32>, vector<16xi32> -> vector<16xf32>
          %get3A_1801 = arith.index_cast %add3A_1784 : i32 to index
          %get3A_1802 = arith.constant 0 : index
          %get3A_1803 = tpu.vector_load %arg8[%get3A_1801, %get3A_1802] {strides = array<i32>} : memref<256x128xi32, #tpu.memory_space<vmem>>, vector<1x16xi32>,
          %get3A_1804 = vector.shape_cast %get3A_1803 : vector<1x16xi32> to vector<16xi32>
          %shift_left3A_1805 = arith.constant 16 : i32
          %shift_left3A_1806 = vector.broadcast %shift_left3A_1805 : i32 to vector<16xi32>
          %shift_left3A_1807 = arith.shli %get3A_1804, %shift_left3A_1806 : vector<16xi32>
          %bitcast_convert_type3A_1808 = tpu.bitcast %shift_left3A_1807 : vector<16xi32> -> vector<16xf32>
          %and3A_1809 = arith.constant -65536 : i32
          %and3A_1810 = vector.broadcast %and3A_1809 : i32 to vector<16xi32>
          %and3A_1811 = arith.andi %get3A_1804, %and3A_1810 : vector<16xi32>
          %bitcast_convert_type3A_1812 = tpu.bitcast %and3A_1811 : vector<16xi32> -> vector<16xf32>
          %get3A_1813 = arith.index_cast %add3A_1784 : i32 to index
          %get3A_1814 = arith.constant 64 : index
          %get3A_1815 = tpu.vector_load %arg8[%get3A_1813, %get3A_1814] {strides = array<i32>} : memref<256x128xi32, #tpu.memory_space<vmem>>, vector<1x16xi32>,
          %get3A_1816 = vector.shape_cast %get3A_1815 : vector<1x16xi32> to vector<16xi32>
          %shift_left3A_1817 = arith.constant 16 : i32
          %shift_left3A_1818 = vector.broadcast %shift_left3A_1817 : i32 to vector<16xi32>
          %shift_left3A_1819 = arith.shli %get3A_1816, %shift_left3A_1818 : vector<16xi32>
          %bitcast_convert_type3A_1820 = tpu.bitcast %shift_left3A_1819 : vector<16xi32> -> vector<16xf32>
          %and3A_1821 = arith.constant -65536 : i32
          %and3A_1822 = vector.broadcast %and3A_1821 : i32 to vector<16xi32>
          %and3A_1823 = arith.andi %get3A_1816, %and3A_1822 : vector<16xi32>
          %bitcast_convert_type3A_1824 = tpu.bitcast %and3A_1823 : vector<16xi32> -> vector<16xf32>
          %mul3A_1825 = arith.mulf %gather3A_1788, %bitcast_convert_type3A_1808 : vector<16xf32>
          %add3A_1826 = arith.addf %add3A_656, %mul3A_1825 : vector<16xf32>
          %mul3A_1827 = arith.mulf %gather3A_1792, %bitcast_convert_type3A_1812 : vector<16xf32>
          %add3A_1828 = arith.addf %add3A_1826, %mul3A_1827 : vector<16xf32>
          %mul3A_1829 = arith.mulf %gather3A_1796, %bitcast_convert_type3A_1820 : vector<16xf32>
          %add3A_1830 = arith.addf %add3A_1828, %mul3A_1829 : vector<16xf32>
          %mul3A_1831 = arith.mulf %gather3A_1800, %bitcast_convert_type3A_1824 : vector<16xf32>
          %add3A_1832 = arith.addf %add3A_1830, %mul3A_1831 : vector<16xf32>
          %get3A_1833 = arith.index_cast %add3A_1784 : i32 to index
          %get3A_1834 = arith.constant 16 : index
          %get3A_1835 = tpu.vector_load %arg8[%get3A_1833, %get3A_1834] {strides = array<i32>} : memref<256x128xi32, #tpu.memory_space<vmem>>, vector<1x16xi32>,
          %get3A_1836 = vector.shape_cast %get3A_1835 : vector<1x16xi32> to vector<16xi32>
          %shift_left3A_1837 = arith.constant 16 : i32
          %shift_left3A_1838 = vector.broadcast %shift_left3A_1837 : i32 to vector<16xi32>
          %shift_left3A_1839 = arith.shli %get3A_1836, %shift_left3A_1838 : vector<16xi32>
          %bitcast_convert_type3A_1840 = tpu.bitcast %shift_left3A_1839 : vector<16xi32> -> vector<16xf32>
          %and3A_1841 = arith.constant -65536 : i32
          %and3A_1842 = vector.broadcast %and3A_1841 : i32 to vector<16xi32>
          %and3A_1843 = arith.andi %get3A_1836, %and3A_1842 : vector<16xi32>
          %bitcast_convert_type3A_1844 = tpu.bitcast %and3A_1843 : vector<16xi32> -> vector<16xf32>
          %get3A_1845 = arith.index_cast %add3A_1784 : i32 to index
          %get3A_1846 = arith.constant 80 : index
          %get3A_1847 = tpu.vector_load %arg8[%get3A_1845, %get3A_1846] {strides = array<i32>} : memref<256x128xi32, #tpu.memory_space<vmem>>, vector<1x16xi32>,
          %get3A_1848 = vector.shape_cast %get3A_1847 : vector<1x16xi32> to vector<16xi32>
          %shift_left3A_1849 = arith.constant 16 : i32
          %shift_left3A_1850 = vector.broadcast %shift_left3A_1849 : i32 to vector<16xi32>
          %shift_left3A_1851 = arith.shli %get3A_1848, %shift_left3A_1850 : vector<16xi32>
          %bitcast_convert_type3A_1852 = tpu.bitcast %shift_left3A_1851 : vector<16xi32> -> vector<16xf32>
          %and3A_1853 = arith.constant -65536 : i32
          %and3A_1854 = vector.broadcast %and3A_1853 : i32 to vector<16xi32>
          %and3A_1855 = arith.andi %get3A_1848, %and3A_1854 : vector<16xi32>
          %bitcast_convert_type3A_1856 = tpu.bitcast %and3A_1855 : vector<16xi32> -> vector<16xf32>
          %mul3A_1857 = arith.mulf %gather3A_1788, %bitcast_convert_type3A_1840 : vector<16xf32>
          %add3A_1858 = arith.addf %add3A_688, %mul3A_1857 : vector<16xf32>
          %mul3A_1859 = arith.mulf %gather3A_1792, %bitcast_convert_type3A_1844 : vector<16xf32>
          %add3A_1860 = arith.addf %add3A_1858, %mul3A_1859 : vector<16xf32>
          %mul3A_1861 = arith.mulf %gather3A_1796, %bitcast_convert_type3A_1852 : vector<16xf32>
          %add3A_1862 = arith.addf %add3A_1860, %mul3A_1861 : vector<16xf32>
          %mul3A_1863 = arith.mulf %gather3A_1800, %bitcast_convert_type3A_1856 : vector<16xf32>
          %add3A_1864 = arith.addf %add3A_1862, %mul3A_1863 : vector<16xf32>
          %get3A_1865 = arith.index_cast %add3A_1784 : i32 to index
          %get3A_1866 = arith.constant 32 : index
          %get3A_1867 = tpu.vector_load %arg8[%get3A_1865, %get3A_1866] {strides = array<i32>} : memref<256x128xi32, #tpu.memory_space<vmem>>, vector<1x16xi32>,
          %get3A_1868 = vector.shape_cast %get3A_1867 : vector<1x16xi32> to vector<16xi32>
          %shift_left3A_1869 = arith.constant 16 : i32
          %shift_left3A_1870 = vector.broadcast %shift_left3A_1869 : i32 to vector<16xi32>
          %shift_left3A_1871 = arith.shli %get3A_1868, %shift_left3A_1870 : vector<16xi32>
          %bitcast_convert_type3A_1872 = tpu.bitcast %shift_left3A_1871 : vector<16xi32> -> vector<16xf32>
          %and3A_1873 = arith.constant -65536 : i32
          %and3A_1874 = vector.broadcast %and3A_1873 : i32 to vector<16xi32>
          %and3A_1875 = arith.andi %get3A_1868, %and3A_1874 : vector<16xi32>
          %bitcast_convert_type3A_1876 = tpu.bitcast %and3A_1875 : vector<16xi32> -> vector<16xf32>
          %get3A_1877 = arith.index_cast %add3A_1784 : i32 to index
          %get3A_1878 = arith.constant 96 : index
          %get3A_1879 = tpu.vector_load %arg8[%get3A_1877, %get3A_1878] {strides = array<i32>} : memref<256x128xi32, #tpu.memory_space<vmem>>, vector<1x16xi32>,
          %get3A_1880 = vector.shape_cast %get3A_1879 : vector<1x16xi32> to vector<16xi32>
          %shift_left3A_1881 = arith.constant 16 : i32
          %shift_left3A_1882 = vector.broadcast %shift_left3A_1881 : i32 to vector<16xi32>
          %shift_left3A_1883 = arith.shli %get3A_1880, %shift_left3A_1882 : vector<16xi32>
          %bitcast_convert_type3A_1884 = tpu.bitcast %shift_left3A_1883 : vector<16xi32> -> vector<16xf32>
          %and3A_1885 = arith.constant -65536 : i32
          %and3A_1886 = vector.broadcast %and3A_1885 : i32 to vector<16xi32>
          %and3A_1887 = arith.andi %get3A_1880, %and3A_1886 : vector<16xi32>
          %bitcast_convert_type3A_1888 = tpu.bitcast %and3A_1887 : vector<16xi32> -> vector<16xf32>
          %mul3A_1889 = arith.mulf %gather3A_1788, %bitcast_convert_type3A_1872 : vector<16xf32>
          %add3A_1890 = arith.addf %add3A_720, %mul3A_1889 : vector<16xf32>
          %mul3A_1891 = arith.mulf %gather3A_1792, %bitcast_convert_type3A_1876 : vector<16xf32>
          %add3A_1892 = arith.addf %add3A_1890, %mul3A_1891 : vector<16xf32>
          %mul3A_1893 = arith.mulf %gather3A_1796, %bitcast_convert_type3A_1884 : vector<16xf32>
          %add3A_1894 = arith.addf %add3A_1892, %mul3A_1893 : vector<16xf32>
          %mul3A_1895 = arith.mulf %gather3A_1800, %bitcast_convert_type3A_1888 : vector<16xf32>
          %add3A_1896 = arith.addf %add3A_1894, %mul3A_1895 : vector<16xf32>
          %get3A_1897 = arith.index_cast %add3A_1784 : i32 to index
          %get3A_1898 = arith.constant 48 : index
          %get3A_1899 = tpu.vector_load %arg8[%get3A_1897, %get3A_1898] {strides = array<i32>} : memref<256x128xi32, #tpu.memory_space<vmem>>, vector<1x16xi32>,
          %get3A_1900 = vector.shape_cast %get3A_1899 : vector<1x16xi32> to vector<16xi32>
          %shift_left3A_1901 = arith.constant 16 : i32
          %shift_left3A_1902 = vector.broadcast %shift_left3A_1901 : i32 to vector<16xi32>
          %shift_left3A_1903 = arith.shli %get3A_1900, %shift_left3A_1902 : vector<16xi32>
          %bitcast_convert_type3A_1904 = tpu.bitcast %shift_left3A_1903 : vector<16xi32> -> vector<16xf32>
          %and3A_1905 = arith.constant -65536 : i32
          %and3A_1906 = vector.broadcast %and3A_1905 : i32 to vector<16xi32>
          %and3A_1907 = arith.andi %get3A_1900, %and3A_1906 : vector<16xi32>
          %bitcast_convert_type3A_1908 = tpu.bitcast %and3A_1907 : vector<16xi32> -> vector<16xf32>
          %get3A_1909 = arith.index_cast %add3A_1784 : i32 to index
          %get3A_1910 = arith.constant 112 : index
          %get3A_1911 = tpu.vector_load %arg8[%get3A_1909, %get3A_1910] {strides = array<i32>} : memref<256x128xi32, #tpu.memory_space<vmem>>, vector<1x16xi32>,
          %get3A_1912 = vector.shape_cast %get3A_1911 : vector<1x16xi32> to vector<16xi32>
          %shift_left3A_1913 = arith.constant 16 : i32
          %shift_left3A_1914 = vector.broadcast %shift_left3A_1913 : i32 to vector<16xi32>
          %shift_left3A_1915 = arith.shli %get3A_1912, %shift_left3A_1914 : vector<16xi32>
          %bitcast_convert_type3A_1916 = tpu.bitcast %shift_left3A_1915 : vector<16xi32> -> vector<16xf32>
          %and3A_1917 = arith.constant -65536 : i32
          %and3A_1918 = vector.broadcast %and3A_1917 : i32 to vector<16xi32>
          %and3A_1919 = arith.andi %get3A_1912, %and3A_1918 : vector<16xi32>
          %bitcast_convert_type3A_1920 = tpu.bitcast %and3A_1919 : vector<16xi32> -> vector<16xf32>
          %mul3A_1921 = arith.mulf %gather3A_1788, %bitcast_convert_type3A_1904 : vector<16xf32>
          %add3A_1922 = arith.addf %add3A_752, %mul3A_1921 : vector<16xf32>
          %mul3A_1923 = arith.mulf %gather3A_1792, %bitcast_convert_type3A_1908 : vector<16xf32>
          %add3A_1924 = arith.addf %add3A_1922, %mul3A_1923 : vector<16xf32>
          %mul3A_1925 = arith.mulf %gather3A_1796, %bitcast_convert_type3A_1916 : vector<16xf32>
          %add3A_1926 = arith.addf %add3A_1924, %mul3A_1925 : vector<16xf32>
          %mul3A_1927 = arith.mulf %gather3A_1800, %bitcast_convert_type3A_1920 : vector<16xf32>
          %add3A_1928 = arith.addf %add3A_1926, %mul3A_1927 : vector<16xf32>
          %add3A_1929 = arith.addi %mul3A_178, %mul3A_441 : i32
          %add3A_1930 = arith.constant 10 : i32
          %add3A_1931 = arith.addi %add3A_1929, %add3A_1930 : i32
          %broadcast_in_dim3A_1932 = arith.constant 10 : i32
          %broadcast_in_dim3A_1933 = vector.broadcast %broadcast_in_dim3A_1932 : i32 to vector<16x1xi32>
          %gather3A_1934 = vector.shape_cast %broadcast_in_dim3A_1933 : vector<16x1xi32> to vector<16xi32>
          %gather3A_1935 = tpu.dynamic_gather %get3A_444[%gather3A_1934] in [0] : vector<16xf32>, vector<16xi32> -> vector<16xf32>
          %broadcast_in_dim3A_1936 = arith.constant 10 : i32
          %broadcast_in_dim3A_1937 = vector.broadcast %broadcast_in_dim3A_1936 : i32 to vector<16x1xi32>
          %gather3A_1938 = vector.shape_cast %broadcast_in_dim3A_1937 : vector<16x1xi32> to vector<16xi32>
          %gather3A_1939 = tpu.dynamic_gather %get3A_450[%gather3A_1938] in [0] : vector<16xf32>, vector<16xi32> -> vector<16xf32>
          %broadcast_in_dim3A_1940 = arith.constant 10 : i32
          %broadcast_in_dim3A_1941 = vector.broadcast %broadcast_in_dim3A_1940 : i32 to vector<16x1xi32>
          %gather3A_1942 = vector.shape_cast %broadcast_in_dim3A_1941 : vector<16x1xi32> to vector<16xi32>
          %gather3A_1943 = tpu.dynamic_gather %get3A_456[%gather3A_1942] in [0] : vector<16xf32>, vector<16xi32> -> vector<16xf32>
          %broadcast_in_dim3A_1944 = arith.constant 10 : i32
          %broadcast_in_dim3A_1945 = vector.broadcast %broadcast_in_dim3A_1944 : i32 to vector<16x1xi32>
          %gather3A_1946 = vector.shape_cast %broadcast_in_dim3A_1945 : vector<16x1xi32> to vector<16xi32>
          %gather3A_1947 = tpu.dynamic_gather %get3A_462[%gather3A_1946] in [0] : vector<16xf32>, vector<16xi32> -> vector<16xf32>
          %get3A_1948 = arith.index_cast %add3A_1931 : i32 to index
          %get3A_1949 = arith.constant 0 : index
          %get3A_1950 = tpu.vector_load %arg8[%get3A_1948, %get3A_1949] {strides = array<i32>} : memref<256x128xi32, #tpu.memory_space<vmem>>, vector<1x16xi32>,
          %get3A_1951 = vector.shape_cast %get3A_1950 : vector<1x16xi32> to vector<16xi32>
          %shift_left3A_1952 = arith.constant 16 : i32
          %shift_left3A_1953 = vector.broadcast %shift_left3A_1952 : i32 to vector<16xi32>
          %shift_left3A_1954 = arith.shli %get3A_1951, %shift_left3A_1953 : vector<16xi32>
          %bitcast_convert_type3A_1955 = tpu.bitcast %shift_left3A_1954 : vector<16xi32> -> vector<16xf32>
          %and3A_1956 = arith.constant -65536 : i32
          %and3A_1957 = vector.broadcast %and3A_1956 : i32 to vector<16xi32>
          %and3A_1958 = arith.andi %get3A_1951, %and3A_1957 : vector<16xi32>
          %bitcast_convert_type3A_1959 = tpu.bitcast %and3A_1958 : vector<16xi32> -> vector<16xf32>
          %get3A_1960 = arith.index_cast %add3A_1931 : i32 to index
          %get3A_1961 = arith.constant 64 : index
          %get3A_1962 = tpu.vector_load %arg8[%get3A_1960, %get3A_1961] {strides = array<i32>} : memref<256x128xi32, #tpu.memory_space<vmem>>, vector<1x16xi32>,
          %get3A_1963 = vector.shape_cast %get3A_1962 : vector<1x16xi32> to vector<16xi32>
          %shift_left3A_1964 = arith.constant 16 : i32
          %shift_left3A_1965 = vector.broadcast %shift_left3A_1964 : i32 to vector<16xi32>
          %shift_left3A_1966 = arith.shli %get3A_1963, %shift_left3A_1965 : vector<16xi32>
          %bitcast_convert_type3A_1967 = tpu.bitcast %shift_left3A_1966 : vector<16xi32> -> vector<16xf32>
          %and3A_1968 = arith.constant -65536 : i32
          %and3A_1969 = vector.broadcast %and3A_1968 : i32 to vector<16xi32>
          %and3A_1970 = arith.andi %get3A_1963, %and3A_1969 : vector<16xi32>
          %bitcast_convert_type3A_1971 = tpu.bitcast %and3A_1970 : vector<16xi32> -> vector<16xf32>
          %mul3A_1972 = arith.mulf %gather3A_1935, %bitcast_convert_type3A_1955 : vector<16xf32>
          %add3A_1973 = arith.addf %add3A_803, %mul3A_1972 : vector<16xf32>
          %mul3A_1974 = arith.mulf %gather3A_1939, %bitcast_convert_type3A_1959 : vector<16xf32>
          %add3A_1975 = arith.addf %add3A_1973, %mul3A_1974 : vector<16xf32>
          %mul3A_1976 = arith.mulf %gather3A_1943, %bitcast_convert_type3A_1967 : vector<16xf32>
          %add3A_1977 = arith.addf %add3A_1975, %mul3A_1976 : vector<16xf32>
          %mul3A_1978 = arith.mulf %gather3A_1947, %bitcast_convert_type3A_1971 : vector<16xf32>
          %add3A_1979 = arith.addf %add3A_1977, %mul3A_1978 : vector<16xf32>
          %get3A_1980 = arith.index_cast %add3A_1931 : i32 to index
          %get3A_1981 = arith.constant 16 : index
          %get3A_1982 = tpu.vector_load %arg8[%get3A_1980, %get3A_1981] {strides = array<i32>} : memref<256x128xi32, #tpu.memory_space<vmem>>, vector<1x16xi32>,
          %get3A_1983 = vector.shape_cast %get3A_1982 : vector<1x16xi32> to vector<16xi32>
          %shift_left3A_1984 = arith.constant 16 : i32
          %shift_left3A_1985 = vector.broadcast %shift_left3A_1984 : i32 to vector<16xi32>
          %shift_left3A_1986 = arith.shli %get3A_1983, %shift_left3A_1985 : vector<16xi32>
          %bitcast_convert_type3A_1987 = tpu.bitcast %shift_left3A_1986 : vector<16xi32> -> vector<16xf32>
          %and3A_1988 = arith.constant -65536 : i32
          %and3A_1989 = vector.broadcast %and3A_1988 : i32 to vector<16xi32>
          %and3A_1990 = arith.andi %get3A_1983, %and3A_1989 : vector<16xi32>
          %bitcast_convert_type3A_1991 = tpu.bitcast %and3A_1990 : vector<16xi32> -> vector<16xf32>
          %get3A_1992 = arith.index_cast %add3A_1931 : i32 to index
          %get3A_1993 = arith.constant 80 : index
          %get3A_1994 = tpu.vector_load %arg8[%get3A_1992, %get3A_1993] {strides = array<i32>} : memref<256x128xi32, #tpu.memory_space<vmem>>, vector<1x16xi32>,
          %get3A_1995 = vector.shape_cast %get3A_1994 : vector<1x16xi32> to vector<16xi32>
          %shift_left3A_1996 = arith.constant 16 : i32
          %shift_left3A_1997 = vector.broadcast %shift_left3A_1996 : i32 to vector<16xi32>
          %shift_left3A_1998 = arith.shli %get3A_1995, %shift_left3A_1997 : vector<16xi32>
          %bitcast_convert_type3A_1999 = tpu.bitcast %shift_left3A_1998 : vector<16xi32> -> vector<16xf32>
          %and3A_2000 = arith.constant -65536 : i32
          %and3A_2001 = vector.broadcast %and3A_2000 : i32 to vector<16xi32>
          %and3A_2002 = arith.andi %get3A_1995, %and3A_2001 : vector<16xi32>
          %bitcast_convert_type3A_2003 = tpu.bitcast %and3A_2002 : vector<16xi32> -> vector<16xf32>
          %mul3A_2004 = arith.mulf %gather3A_1935, %bitcast_convert_type3A_1987 : vector<16xf32>
          %add3A_2005 = arith.addf %add3A_835, %mul3A_2004 : vector<16xf32>
          %mul3A_2006 = arith.mulf %gather3A_1939, %bitcast_convert_type3A_1991 : vector<16xf32>
          %add3A_2007 = arith.addf %add3A_2005, %mul3A_2006 : vector<16xf32>
          %mul3A_2008 = arith.mulf %gather3A_1943, %bitcast_convert_type3A_1999 : vector<16xf32>
          %add3A_2009 = arith.addf %add3A_2007, %mul3A_2008 : vector<16xf32>
          %mul3A_2010 = arith.mulf %gather3A_1947, %bitcast_convert_type3A_2003 : vector<16xf32>
          %add3A_2011 = arith.addf %add3A_2009, %mul3A_2010 : vector<16xf32>
          %get3A_2012 = arith.index_cast %add3A_1931 : i32 to index
          %get3A_2013 = arith.constant 32 : index
          %get3A_2014 = tpu.vector_load %arg8[%get3A_2012, %get3A_2013] {strides = array<i32>} : memref<256x128xi32, #tpu.memory_space<vmem>>, vector<1x16xi32>,
          %get3A_2015 = vector.shape_cast %get3A_2014 : vector<1x16xi32> to vector<16xi32>
          %shift_left3A_2016 = arith.constant 16 : i32
          %shift_left3A_2017 = vector.broadcast %shift_left3A_2016 : i32 to vector<16xi32>
          %shift_left3A_2018 = arith.shli %get3A_2015, %shift_left3A_2017 : vector<16xi32>
          %bitcast_convert_type3A_2019 = tpu.bitcast %shift_left3A_2018 : vector<16xi32> -> vector<16xf32>
          %and3A_2020 = arith.constant -65536 : i32
          %and3A_2021 = vector.broadcast %and3A_2020 : i32 to vector<16xi32>
          %and3A_2022 = arith.andi %get3A_2015, %and3A_2021 : vector<16xi32>
          %bitcast_convert_type3A_2023 = tpu.bitcast %and3A_2022 : vector<16xi32> -> vector<16xf32>
          %get3A_2024 = arith.index_cast %add3A_1931 : i32 to index
          %get3A_2025 = arith.constant 96 : index
          %get3A_2026 = tpu.vector_load %arg8[%get3A_2024, %get3A_2025] {strides = array<i32>} : memref<256x128xi32, #tpu.memory_space<vmem>>, vector<1x16xi32>,
          %get3A_2027 = vector.shape_cast %get3A_2026 : vector<1x16xi32> to vector<16xi32>
          %shift_left3A_2028 = arith.constant 16 : i32
          %shift_left3A_2029 = vector.broadcast %shift_left3A_2028 : i32 to vector<16xi32>
          %shift_left3A_2030 = arith.shli %get3A_2027, %shift_left3A_2029 : vector<16xi32>
          %bitcast_convert_type3A_2031 = tpu.bitcast %shift_left3A_2030 : vector<16xi32> -> vector<16xf32>
          %and3A_2032 = arith.constant -65536 : i32
          %and3A_2033 = vector.broadcast %and3A_2032 : i32 to vector<16xi32>
          %and3A_2034 = arith.andi %get3A_2027, %and3A_2033 : vector<16xi32>
          %bitcast_convert_type3A_2035 = tpu.bitcast %and3A_2034 : vector<16xi32> -> vector<16xf32>
          %mul3A_2036 = arith.mulf %gather3A_1935, %bitcast_convert_type3A_2019 : vector<16xf32>
          %add3A_2037 = arith.addf %add3A_867, %mul3A_2036 : vector<16xf32>
          %mul3A_2038 = arith.mulf %gather3A_1939, %bitcast_convert_type3A_2023 : vector<16xf32>
          %add3A_2039 = arith.addf %add3A_2037, %mul3A_2038 : vector<16xf32>
          %mul3A_2040 = arith.mulf %gather3A_1943, %bitcast_convert_type3A_2031 : vector<16xf32>
          %add3A_2041 = arith.addf %add3A_2039, %mul3A_2040 : vector<16xf32>
          %mul3A_2042 = arith.mulf %gather3A_1947, %bitcast_convert_type3A_2035 : vector<16xf32>
          %add3A_2043 = arith.addf %add3A_2041, %mul3A_2042 : vector<16xf32>
          %get3A_2044 = arith.index_cast %add3A_1931 : i32 to index
          %get3A_2045 = arith.constant 48 : index
          %get3A_2046 = tpu.vector_load %arg8[%get3A_2044, %get3A_2045] {strides = array<i32>} : memref<256x128xi32, #tpu.memory_space<vmem>>, vector<1x16xi32>,
          %get3A_2047 = vector.shape_cast %get3A_2046 : vector<1x16xi32> to vector<16xi32>
          %shift_left3A_2048 = arith.constant 16 : i32
          %shift_left3A_2049 = vector.broadcast %shift_left3A_2048 : i32 to vector<16xi32>
          %shift_left3A_2050 = arith.shli %get3A_2047, %shift_left3A_2049 : vector<16xi32>
          %bitcast_convert_type3A_2051 = tpu.bitcast %shift_left3A_2050 : vector<16xi32> -> vector<16xf32>
          %and3A_2052 = arith.constant -65536 : i32
          %and3A_2053 = vector.broadcast %and3A_2052 : i32 to vector<16xi32>
          %and3A_2054 = arith.andi %get3A_2047, %and3A_2053 : vector<16xi32>
          %bitcast_convert_type3A_2055 = tpu.bitcast %and3A_2054 : vector<16xi32> -> vector<16xf32>
          %get3A_2056 = arith.index_cast %add3A_1931 : i32 to index
          %get3A_2057 = arith.constant 112 : index
          %get3A_2058 = tpu.vector_load %arg8[%get3A_2056, %get3A_2057] {strides = array<i32>} : memref<256x128xi32, #tpu.memory_space<vmem>>, vector<1x16xi32>,
          %get3A_2059 = vector.shape_cast %get3A_2058 : vector<1x16xi32> to vector<16xi32>
          %shift_left3A_2060 = arith.constant 16 : i32
          %shift_left3A_2061 = vector.broadcast %shift_left3A_2060 : i32 to vector<16xi32>
          %shift_left3A_2062 = arith.shli %get3A_2059, %shift_left3A_2061 : vector<16xi32>
          %bitcast_convert_type3A_2063 = tpu.bitcast %shift_left3A_2062 : vector<16xi32> -> vector<16xf32>
          %and3A_2064 = arith.constant -65536 : i32
          %and3A_2065 = vector.broadcast %and3A_2064 : i32 to vector<16xi32>
          %and3A_2066 = arith.andi %get3A_2059, %and3A_2065 : vector<16xi32>
          %bitcast_convert_type3A_2067 = tpu.bitcast %and3A_2066 : vector<16xi32> -> vector<16xf32>
          %mul3A_2068 = arith.mulf %gather3A_1935, %bitcast_convert_type3A_2051 : vector<16xf32>
          %add3A_2069 = arith.addf %add3A_899, %mul3A_2068 : vector<16xf32>
          %mul3A_2070 = arith.mulf %gather3A_1939, %bitcast_convert_type3A_2055 : vector<16xf32>
          %add3A_2071 = arith.addf %add3A_2069, %mul3A_2070 : vector<16xf32>
          %mul3A_2072 = arith.mulf %gather3A_1943, %bitcast_convert_type3A_2063 : vector<16xf32>
          %add3A_2073 = arith.addf %add3A_2071, %mul3A_2072 : vector<16xf32>
          %mul3A_2074 = arith.mulf %gather3A_1947, %bitcast_convert_type3A_2067 : vector<16xf32>
          %add3A_2075 = arith.addf %add3A_2073, %mul3A_2074 : vector<16xf32>
          %add3A_2076 = arith.addi %mul3A_178, %mul3A_441 : i32
          %add3A_2077 = arith.constant 11 : i32
          %add3A_2078 = arith.addi %add3A_2076, %add3A_2077 : i32
          %broadcast_in_dim3A_2079 = arith.constant 11 : i32
          %broadcast_in_dim3A_2080 = vector.broadcast %broadcast_in_dim3A_2079 : i32 to vector<16x1xi32>
          %gather3A_2081 = vector.shape_cast %broadcast_in_dim3A_2080 : vector<16x1xi32> to vector<16xi32>
          %gather3A_2082 = tpu.dynamic_gather %get3A_444[%gather3A_2081] in [0] : vector<16xf32>, vector<16xi32> -> vector<16xf32>
          %broadcast_in_dim3A_2083 = arith.constant 11 : i32
          %broadcast_in_dim3A_2084 = vector.broadcast %broadcast_in_dim3A_2083 : i32 to vector<16x1xi32>
          %gather3A_2085 = vector.shape_cast %broadcast_in_dim3A_2084 : vector<16x1xi32> to vector<16xi32>
          %gather3A_2086 = tpu.dynamic_gather %get3A_450[%gather3A_2085] in [0] : vector<16xf32>, vector<16xi32> -> vector<16xf32>
          %broadcast_in_dim3A_2087 = arith.constant 11 : i32
          %broadcast_in_dim3A_2088 = vector.broadcast %broadcast_in_dim3A_2087 : i32 to vector<16x1xi32>
          %gather3A_2089 = vector.shape_cast %broadcast_in_dim3A_2088 : vector<16x1xi32> to vector<16xi32>
          %gather3A_2090 = tpu.dynamic_gather %get3A_456[%gather3A_2089] in [0] : vector<16xf32>, vector<16xi32> -> vector<16xf32>
          %broadcast_in_dim3A_2091 = arith.constant 11 : i32
          %broadcast_in_dim3A_2092 = vector.broadcast %broadcast_in_dim3A_2091 : i32 to vector<16x1xi32>
          %gather3A_2093 = vector.shape_cast %broadcast_in_dim3A_2092 : vector<16x1xi32> to vector<16xi32>
          %gather3A_2094 = tpu.dynamic_gather %get3A_462[%gather3A_2093] in [0] : vector<16xf32>, vector<16xi32> -> vector<16xf32>
          %get3A_2095 = arith.index_cast %add3A_2078 : i32 to index
          %get3A_2096 = arith.constant 0 : index
          %get3A_2097 = tpu.vector_load %arg8[%get3A_2095, %get3A_2096] {strides = array<i32>} : memref<256x128xi32, #tpu.memory_space<vmem>>, vector<1x16xi32>,
          %get3A_2098 = vector.shape_cast %get3A_2097 : vector<1x16xi32> to vector<16xi32>
          %shift_left3A_2099 = arith.constant 16 : i32
          %shift_left3A_2100 = vector.broadcast %shift_left3A_2099 : i32 to vector<16xi32>
          %shift_left3A_2101 = arith.shli %get3A_2098, %shift_left3A_2100 : vector<16xi32>
          %bitcast_convert_type3A_2102 = tpu.bitcast %shift_left3A_2101 : vector<16xi32> -> vector<16xf32>
          %and3A_2103 = arith.constant -65536 : i32
          %and3A_2104 = vector.broadcast %and3A_2103 : i32 to vector<16xi32>
          %and3A_2105 = arith.andi %get3A_2098, %and3A_2104 : vector<16xi32>
          %bitcast_convert_type3A_2106 = tpu.bitcast %and3A_2105 : vector<16xi32> -> vector<16xf32>
          %get3A_2107 = arith.index_cast %add3A_2078 : i32 to index
          %get3A_2108 = arith.constant 64 : index
          %get3A_2109 = tpu.vector_load %arg8[%get3A_2107, %get3A_2108] {strides = array<i32>} : memref<256x128xi32, #tpu.memory_space<vmem>>, vector<1x16xi32>,
          %get3A_2110 = vector.shape_cast %get3A_2109 : vector<1x16xi32> to vector<16xi32>
          %shift_left3A_2111 = arith.constant 16 : i32
          %shift_left3A_2112 = vector.broadcast %shift_left3A_2111 : i32 to vector<16xi32>
          %shift_left3A_2113 = arith.shli %get3A_2110, %shift_left3A_2112 : vector<16xi32>
          %bitcast_convert_type3A_2114 = tpu.bitcast %shift_left3A_2113 : vector<16xi32> -> vector<16xf32>
          %and3A_2115 = arith.constant -65536 : i32
          %and3A_2116 = vector.broadcast %and3A_2115 : i32 to vector<16xi32>
          %and3A_2117 = arith.andi %get3A_2110, %and3A_2116 : vector<16xi32>
          %bitcast_convert_type3A_2118 = tpu.bitcast %and3A_2117 : vector<16xi32> -> vector<16xf32>
          %mul3A_2119 = arith.mulf %gather3A_2082, %bitcast_convert_type3A_2102 : vector<16xf32>
          %add3A_2120 = arith.addf %add3A_950, %mul3A_2119 : vector<16xf32>
          %mul3A_2121 = arith.mulf %gather3A_2086, %bitcast_convert_type3A_2106 : vector<16xf32>
          %add3A_2122 = arith.addf %add3A_2120, %mul3A_2121 : vector<16xf32>
          %mul3A_2123 = arith.mulf %gather3A_2090, %bitcast_convert_type3A_2114 : vector<16xf32>
          %add3A_2124 = arith.addf %add3A_2122, %mul3A_2123 : vector<16xf32>
          %mul3A_2125 = arith.mulf %gather3A_2094, %bitcast_convert_type3A_2118 : vector<16xf32>
          %add3A_2126 = arith.addf %add3A_2124, %mul3A_2125 : vector<16xf32>
          %get3A_2127 = arith.index_cast %add3A_2078 : i32 to index
          %get3A_2128 = arith.constant 16 : index
          %get3A_2129 = tpu.vector_load %arg8[%get3A_2127, %get3A_2128] {strides = array<i32>} : memref<256x128xi32, #tpu.memory_space<vmem>>, vector<1x16xi32>,
          %get3A_2130 = vector.shape_cast %get3A_2129 : vector<1x16xi32> to vector<16xi32>
          %shift_left3A_2131 = arith.constant 16 : i32
          %shift_left3A_2132 = vector.broadcast %shift_left3A_2131 : i32 to vector<16xi32>
          %shift_left3A_2133 = arith.shli %get3A_2130, %shift_left3A_2132 : vector<16xi32>
          %bitcast_convert_type3A_2134 = tpu.bitcast %shift_left3A_2133 : vector<16xi32> -> vector<16xf32>
          %and3A_2135 = arith.constant -65536 : i32
          %and3A_2136 = vector.broadcast %and3A_2135 : i32 to vector<16xi32>
          %and3A_2137 = arith.andi %get3A_2130, %and3A_2136 : vector<16xi32>
          %bitcast_convert_type3A_2138 = tpu.bitcast %and3A_2137 : vector<16xi32> -> vector<16xf32>
          %get3A_2139 = arith.index_cast %add3A_2078 : i32 to index
          %get3A_2140 = arith.constant 80 : index
          %get3A_2141 = tpu.vector_load %arg8[%get3A_2139, %get3A_2140] {strides = array<i32>} : memref<256x128xi32, #tpu.memory_space<vmem>>, vector<1x16xi32>,
          %get3A_2142 = vector.shape_cast %get3A_2141 : vector<1x16xi32> to vector<16xi32>
          %shift_left3A_2143 = arith.constant 16 : i32
          %shift_left3A_2144 = vector.broadcast %shift_left3A_2143 : i32 to vector<16xi32>
          %shift_left3A_2145 = arith.shli %get3A_2142, %shift_left3A_2144 : vector<16xi32>
          %bitcast_convert_type3A_2146 = tpu.bitcast %shift_left3A_2145 : vector<16xi32> -> vector<16xf32>
          %and3A_2147 = arith.constant -65536 : i32
          %and3A_2148 = vector.broadcast %and3A_2147 : i32 to vector<16xi32>
          %and3A_2149 = arith.andi %get3A_2142, %and3A_2148 : vector<16xi32>
          %bitcast_convert_type3A_2150 = tpu.bitcast %and3A_2149 : vector<16xi32> -> vector<16xf32>
          %mul3A_2151 = arith.mulf %gather3A_2082, %bitcast_convert_type3A_2134 : vector<16xf32>
          %add3A_2152 = arith.addf %add3A_982, %mul3A_2151 : vector<16xf32>
          %mul3A_2153 = arith.mulf %gather3A_2086, %bitcast_convert_type3A_2138 : vector<16xf32>
          %add3A_2154 = arith.addf %add3A_2152, %mul3A_2153 : vector<16xf32>
          %mul3A_2155 = arith.mulf %gather3A_2090, %bitcast_convert_type3A_2146 : vector<16xf32>
          %add3A_2156 = arith.addf %add3A_2154, %mul3A_2155 : vector<16xf32>
          %mul3A_2157 = arith.mulf %gather3A_2094, %bitcast_convert_type3A_2150 : vector<16xf32>
          %add3A_2158 = arith.addf %add3A_2156, %mul3A_2157 : vector<16xf32>
          %get3A_2159 = arith.index_cast %add3A_2078 : i32 to index
          %get3A_2160 = arith.constant 32 : index
          %get3A_2161 = tpu.vector_load %arg8[%get3A_2159, %get3A_2160] {strides = array<i32>} : memref<256x128xi32, #tpu.memory_space<vmem>>, vector<1x16xi32>,
          %get3A_2162 = vector.shape_cast %get3A_2161 : vector<1x16xi32> to vector<16xi32>
          %shift_left3A_2163 = arith.constant 16 : i32
          %shift_left3A_2164 = vector.broadcast %shift_left3A_2163 : i32 to vector<16xi32>
          %shift_left3A_2165 = arith.shli %get3A_2162, %shift_left3A_2164 : vector<16xi32>
          %bitcast_convert_type3A_2166 = tpu.bitcast %shift_left3A_2165 : vector<16xi32> -> vector<16xf32>
          %and3A_2167 = arith.constant -65536 : i32
          %and3A_2168 = vector.broadcast %and3A_2167 : i32 to vector<16xi32>
          %and3A_2169 = arith.andi %get3A_2162, %and3A_2168 : vector<16xi32>
          %bitcast_convert_type3A_2170 = tpu.bitcast %and3A_2169 : vector<16xi32> -> vector<16xf32>
          %get3A_2171 = arith.index_cast %add3A_2078 : i32 to index
          %get3A_2172 = arith.constant 96 : index
          %get3A_2173 = tpu.vector_load %arg8[%get3A_2171, %get3A_2172] {strides = array<i32>} : memref<256x128xi32, #tpu.memory_space<vmem>>, vector<1x16xi32>,
          %get3A_2174 = vector.shape_cast %get3A_2173 : vector<1x16xi32> to vector<16xi32>
          %shift_left3A_2175 = arith.constant 16 : i32
          %shift_left3A_2176 = vector.broadcast %shift_left3A_2175 : i32 to vector<16xi32>
          %shift_left3A_2177 = arith.shli %get3A_2174, %shift_left3A_2176 : vector<16xi32>
          %bitcast_convert_type3A_2178 = tpu.bitcast %shift_left3A_2177 : vector<16xi32> -> vector<16xf32>
          %and3A_2179 = arith.constant -65536 : i32
          %and3A_2180 = vector.broadcast %and3A_2179 : i32 to vector<16xi32>
          %and3A_2181 = arith.andi %get3A_2174, %and3A_2180 : vector<16xi32>
          %bitcast_convert_type3A_2182 = tpu.bitcast %and3A_2181 : vector<16xi32> -> vector<16xf32>
          %mul3A_2183 = arith.mulf %gather3A_2082, %bitcast_convert_type3A_2166 : vector<16xf32>
          %add3A_2184 = arith.addf %add3A_1014, %mul3A_2183 : vector<16xf32>
          %mul3A_2185 = arith.mulf %gather3A_2086, %bitcast_convert_type3A_2170 : vector<16xf32>
          %add3A_2186 = arith.addf %add3A_2184, %mul3A_2185 : vector<16xf32>
          %mul3A_2187 = arith.mulf %gather3A_2090, %bitcast_convert_type3A_2178 : vector<16xf32>
          %add3A_2188 = arith.addf %add3A_2186, %mul3A_2187 : vector<16xf32>
          %mul3A_2189 = arith.mulf %gather3A_2094, %bitcast_convert_type3A_2182 : vector<16xf32>
          %add3A_2190 = arith.addf %add3A_2188, %mul3A_2189 : vector<16xf32>
          %get3A_2191 = arith.index_cast %add3A_2078 : i32 to index
          %get3A_2192 = arith.constant 48 : index
          %get3A_2193 = tpu.vector_load %arg8[%get3A_2191, %get3A_2192] {strides = array<i32>} : memref<256x128xi32, #tpu.memory_space<vmem>>, vector<1x16xi32>,
          %get3A_2194 = vector.shape_cast %get3A_2193 : vector<1x16xi32> to vector<16xi32>
          %shift_left3A_2195 = arith.constant 16 : i32
          %shift_left3A_2196 = vector.broadcast %shift_left3A_2195 : i32 to vector<16xi32>
          %shift_left3A_2197 = arith.shli %get3A_2194, %shift_left3A_2196 : vector<16xi32>
          %bitcast_convert_type3A_2198 = tpu.bitcast %shift_left3A_2197 : vector<16xi32> -> vector<16xf32>
          %and3A_2199 = arith.constant -65536 : i32
          %and3A_2200 = vector.broadcast %and3A_2199 : i32 to vector<16xi32>
          %and3A_2201 = arith.andi %get3A_2194, %and3A_2200 : vector<16xi32>
          %bitcast_convert_type3A_2202 = tpu.bitcast %and3A_2201 : vector<16xi32> -> vector<16xf32>
          %get3A_2203 = arith.index_cast %add3A_2078 : i32 to index
          %get3A_2204 = arith.constant 112 : index
          %get3A_2205 = tpu.vector_load %arg8[%get3A_2203, %get3A_2204] {strides = array<i32>} : memref<256x128xi32, #tpu.memory_space<vmem>>, vector<1x16xi32>,
          %get3A_2206 = vector.shape_cast %get3A_2205 : vector<1x16xi32> to vector<16xi32>
          %shift_left3A_2207 = arith.constant 16 : i32
          %shift_left3A_2208 = vector.broadcast %shift_left3A_2207 : i32 to vector<16xi32>
          %shift_left3A_2209 = arith.shli %get3A_2206, %shift_left3A_2208 : vector<16xi32>
          %bitcast_convert_type3A_2210 = tpu.bitcast %shift_left3A_2209 : vector<16xi32> -> vector<16xf32>
          %and3A_2211 = arith.constant -65536 : i32
          %and3A_2212 = vector.broadcast %and3A_2211 : i32 to vector<16xi32>
          %and3A_2213 = arith.andi %get3A_2206, %and3A_2212 : vector<16xi32>
          %bitcast_convert_type3A_2214 = tpu.bitcast %and3A_2213 : vector<16xi32> -> vector<16xf32>
          %mul3A_2215 = arith.mulf %gather3A_2082, %bitcast_convert_type3A_2198 : vector<16xf32>
          %add3A_2216 = arith.addf %add3A_1046, %mul3A_2215 : vector<16xf32>
          %mul3A_2217 = arith.mulf %gather3A_2086, %bitcast_convert_type3A_2202 : vector<16xf32>
          %add3A_2218 = arith.addf %add3A_2216, %mul3A_2217 : vector<16xf32>
          %mul3A_2219 = arith.mulf %gather3A_2090, %bitcast_convert_type3A_2210 : vector<16xf32>
          %add3A_2220 = arith.addf %add3A_2218, %mul3A_2219 : vector<16xf32>
          %mul3A_2221 = arith.mulf %gather3A_2094, %bitcast_convert_type3A_2214 : vector<16xf32>
          %add3A_2222 = arith.addf %add3A_2220, %mul3A_2221 : vector<16xf32>
          %add3A_2223 = arith.addi %mul3A_178, %mul3A_441 : i32
          %add3A_2224 = arith.constant 12 : i32
          %add3A_2225 = arith.addi %add3A_2223, %add3A_2224 : i32
          %broadcast_in_dim3A_2226 = arith.constant 12 : i32
          %broadcast_in_dim3A_2227 = vector.broadcast %broadcast_in_dim3A_2226 : i32 to vector<16x1xi32>
          %gather3A_2228 = vector.shape_cast %broadcast_in_dim3A_2227 : vector<16x1xi32> to vector<16xi32>
          %gather3A_2229 = tpu.dynamic_gather %get3A_444[%gather3A_2228] in [0] : vector<16xf32>, vector<16xi32> -> vector<16xf32>
          %broadcast_in_dim3A_2230 = arith.constant 12 : i32
          %broadcast_in_dim3A_2231 = vector.broadcast %broadcast_in_dim3A_2230 : i32 to vector<16x1xi32>
          %gather3A_2232 = vector.shape_cast %broadcast_in_dim3A_2231 : vector<16x1xi32> to vector<16xi32>
          %gather3A_2233 = tpu.dynamic_gather %get3A_450[%gather3A_2232] in [0] : vector<16xf32>, vector<16xi32> -> vector<16xf32>
          %broadcast_in_dim3A_2234 = arith.constant 12 : i32
          %broadcast_in_dim3A_2235 = vector.broadcast %broadcast_in_dim3A_2234 : i32 to vector<16x1xi32>
          %gather3A_2236 = vector.shape_cast %broadcast_in_dim3A_2235 : vector<16x1xi32> to vector<16xi32>
          %gather3A_2237 = tpu.dynamic_gather %get3A_456[%gather3A_2236] in [0] : vector<16xf32>, vector<16xi32> -> vector<16xf32>
          %broadcast_in_dim3A_2238 = arith.constant 12 : i32
          %broadcast_in_dim3A_2239 = vector.broadcast %broadcast_in_dim3A_2238 : i32 to vector<16x1xi32>
          %gather3A_2240 = vector.shape_cast %broadcast_in_dim3A_2239 : vector<16x1xi32> to vector<16xi32>
          %gather3A_2241 = tpu.dynamic_gather %get3A_462[%gather3A_2240] in [0] : vector<16xf32>, vector<16xi32> -> vector<16xf32>
          %get3A_2242 = arith.index_cast %add3A_2225 : i32 to index
          %get3A_2243 = arith.constant 0 : index
          %get3A_2244 = tpu.vector_load %arg8[%get3A_2242, %get3A_2243] {strides = array<i32>} : memref<256x128xi32, #tpu.memory_space<vmem>>, vector<1x16xi32>,
          %get3A_2245 = vector.shape_cast %get3A_2244 : vector<1x16xi32> to vector<16xi32>
          %shift_left3A_2246 = arith.constant 16 : i32
          %shift_left3A_2247 = vector.broadcast %shift_left3A_2246 : i32 to vector<16xi32>
          %shift_left3A_2248 = arith.shli %get3A_2245, %shift_left3A_2247 : vector<16xi32>
          %bitcast_convert_type3A_2249 = tpu.bitcast %shift_left3A_2248 : vector<16xi32> -> vector<16xf32>
          %and3A_2250 = arith.constant -65536 : i32
          %and3A_2251 = vector.broadcast %and3A_2250 : i32 to vector<16xi32>
          %and3A_2252 = arith.andi %get3A_2245, %and3A_2251 : vector<16xi32>
          %bitcast_convert_type3A_2253 = tpu.bitcast %and3A_2252 : vector<16xi32> -> vector<16xf32>
          %get3A_2254 = arith.index_cast %add3A_2225 : i32 to index
          %get3A_2255 = arith.constant 64 : index
          %get3A_2256 = tpu.vector_load %arg8[%get3A_2254, %get3A_2255] {strides = array<i32>} : memref<256x128xi32, #tpu.memory_space<vmem>>, vector<1x16xi32>,
          %get3A_2257 = vector.shape_cast %get3A_2256 : vector<1x16xi32> to vector<16xi32>
          %shift_left3A_2258 = arith.constant 16 : i32
          %shift_left3A_2259 = vector.broadcast %shift_left3A_2258 : i32 to vector<16xi32>
          %shift_left3A_2260 = arith.shli %get3A_2257, %shift_left3A_2259 : vector<16xi32>
          %bitcast_convert_type3A_2261 = tpu.bitcast %shift_left3A_2260 : vector<16xi32> -> vector<16xf32>
          %and3A_2262 = arith.constant -65536 : i32
          %and3A_2263 = vector.broadcast %and3A_2262 : i32 to vector<16xi32>
          %and3A_2264 = arith.andi %get3A_2257, %and3A_2263 : vector<16xi32>
          %bitcast_convert_type3A_2265 = tpu.bitcast %and3A_2264 : vector<16xi32> -> vector<16xf32>
          %mul3A_2266 = arith.mulf %gather3A_2229, %bitcast_convert_type3A_2249 : vector<16xf32>
          %add3A_2267 = arith.addf %add3A_1097, %mul3A_2266 : vector<16xf32>
          %mul3A_2268 = arith.mulf %gather3A_2233, %bitcast_convert_type3A_2253 : vector<16xf32>
          %add3A_2269 = arith.addf %add3A_2267, %mul3A_2268 : vector<16xf32>
          %mul3A_2270 = arith.mulf %gather3A_2237, %bitcast_convert_type3A_2261 : vector<16xf32>
          %add3A_2271 = arith.addf %add3A_2269, %mul3A_2270 : vector<16xf32>
          %mul3A_2272 = arith.mulf %gather3A_2241, %bitcast_convert_type3A_2265 : vector<16xf32>
          %add3A_2273 = arith.addf %add3A_2271, %mul3A_2272 : vector<16xf32>
          %get3A_2274 = arith.index_cast %add3A_2225 : i32 to index
          %get3A_2275 = arith.constant 16 : index
          %get3A_2276 = tpu.vector_load %arg8[%get3A_2274, %get3A_2275] {strides = array<i32>} : memref<256x128xi32, #tpu.memory_space<vmem>>, vector<1x16xi32>,
          %get3A_2277 = vector.shape_cast %get3A_2276 : vector<1x16xi32> to vector<16xi32>
          %shift_left3A_2278 = arith.constant 16 : i32
          %shift_left3A_2279 = vector.broadcast %shift_left3A_2278 : i32 to vector<16xi32>
          %shift_left3A_2280 = arith.shli %get3A_2277, %shift_left3A_2279 : vector<16xi32>
          %bitcast_convert_type3A_2281 = tpu.bitcast %shift_left3A_2280 : vector<16xi32> -> vector<16xf32>
          %and3A_2282 = arith.constant -65536 : i32
          %and3A_2283 = vector.broadcast %and3A_2282 : i32 to vector<16xi32>
          %and3A_2284 = arith.andi %get3A_2277, %and3A_2283 : vector<16xi32>
          %bitcast_convert_type3A_2285 = tpu.bitcast %and3A_2284 : vector<16xi32> -> vector<16xf32>
          %get3A_2286 = arith.index_cast %add3A_2225 : i32 to index
          %get3A_2287 = arith.constant 80 : index
          %get3A_2288 = tpu.vector_load %arg8[%get3A_2286, %get3A_2287] {strides = array<i32>} : memref<256x128xi32, #tpu.memory_space<vmem>>, vector<1x16xi32>,
          %get3A_2289 = vector.shape_cast %get3A_2288 : vector<1x16xi32> to vector<16xi32>
          %shift_left3A_2290 = arith.constant 16 : i32
          %shift_left3A_2291 = vector.broadcast %shift_left3A_2290 : i32 to vector<16xi32>
          %shift_left3A_2292 = arith.shli %get3A_2289, %shift_left3A_2291 : vector<16xi32>
          %bitcast_convert_type3A_2293 = tpu.bitcast %shift_left3A_2292 : vector<16xi32> -> vector<16xf32>
          %and3A_2294 = arith.constant -65536 : i32
          %and3A_2295 = vector.broadcast %and3A_2294 : i32 to vector<16xi32>
          %and3A_2296 = arith.andi %get3A_2289, %and3A_2295 : vector<16xi32>
          %bitcast_convert_type3A_2297 = tpu.bitcast %and3A_2296 : vector<16xi32> -> vector<16xf32>
          %mul3A_2298 = arith.mulf %gather3A_2229, %bitcast_convert_type3A_2281 : vector<16xf32>
          %add3A_2299 = arith.addf %add3A_1129, %mul3A_2298 : vector<16xf32>
          %mul3A_2300 = arith.mulf %gather3A_2233, %bitcast_convert_type3A_2285 : vector<16xf32>
          %add3A_2301 = arith.addf %add3A_2299, %mul3A_2300 : vector<16xf32>
          %mul3A_2302 = arith.mulf %gather3A_2237, %bitcast_convert_type3A_2293 : vector<16xf32>
          %add3A_2303 = arith.addf %add3A_2301, %mul3A_2302 : vector<16xf32>
          %mul3A_2304 = arith.mulf %gather3A_2241, %bitcast_convert_type3A_2297 : vector<16xf32>
          %add3A_2305 = arith.addf %add3A_2303, %mul3A_2304 : vector<16xf32>
          %get3A_2306 = arith.index_cast %add3A_2225 : i32 to index
          %get3A_2307 = arith.constant 32 : index
          %get3A_2308 = tpu.vector_load %arg8[%get3A_2306, %get3A_2307] {strides = array<i32>} : memref<256x128xi32, #tpu.memory_space<vmem>>, vector<1x16xi32>,
          %get3A_2309 = vector.shape_cast %get3A_2308 : vector<1x16xi32> to vector<16xi32>
          %shift_left3A_2310 = arith.constant 16 : i32
          %shift_left3A_2311 = vector.broadcast %shift_left3A_2310 : i32 to vector<16xi32>
          %shift_left3A_2312 = arith.shli %get3A_2309, %shift_left3A_2311 : vector<16xi32>
          %bitcast_convert_type3A_2313 = tpu.bitcast %shift_left3A_2312 : vector<16xi32> -> vector<16xf32>
          %and3A_2314 = arith.constant -65536 : i32
          %and3A_2315 = vector.broadcast %and3A_2314 : i32 to vector<16xi32>
          %and3A_2316 = arith.andi %get3A_2309, %and3A_2315 : vector<16xi32>
          %bitcast_convert_type3A_2317 = tpu.bitcast %and3A_2316 : vector<16xi32> -> vector<16xf32>
          %get3A_2318 = arith.index_cast %add3A_2225 : i32 to index
          %get3A_2319 = arith.constant 96 : index
          %get3A_2320 = tpu.vector_load %arg8[%get3A_2318, %get3A_2319] {strides = array<i32>} : memref<256x128xi32, #tpu.memory_space<vmem>>, vector<1x16xi32>,
          %get3A_2321 = vector.shape_cast %get3A_2320 : vector<1x16xi32> to vector<16xi32>
          %shift_left3A_2322 = arith.constant 16 : i32
          %shift_left3A_2323 = vector.broadcast %shift_left3A_2322 : i32 to vector<16xi32>
          %shift_left3A_2324 = arith.shli %get3A_2321, %shift_left3A_2323 : vector<16xi32>
          %bitcast_convert_type3A_2325 = tpu.bitcast %shift_left3A_2324 : vector<16xi32> -> vector<16xf32>
          %and3A_2326 = arith.constant -65536 : i32
          %and3A_2327 = vector.broadcast %and3A_2326 : i32 to vector<16xi32>
          %and3A_2328 = arith.andi %get3A_2321, %and3A_2327 : vector<16xi32>
          %bitcast_convert_type3A_2329 = tpu.bitcast %and3A_2328 : vector<16xi32> -> vector<16xf32>
          %mul3A_2330 = arith.mulf %gather3A_2229, %bitcast_convert_type3A_2313 : vector<16xf32>
          %add3A_2331 = arith.addf %add3A_1161, %mul3A_2330 : vector<16xf32>
          %mul3A_2332 = arith.mulf %gather3A_2233, %bitcast_convert_type3A_2317 : vector<16xf32>
          %add3A_2333 = arith.addf %add3A_2331, %mul3A_2332 : vector<16xf32>
          %mul3A_2334 = arith.mulf %gather3A_2237, %bitcast_convert_type3A_2325 : vector<16xf32>
          %add3A_2335 = arith.addf %add3A_2333, %mul3A_2334 : vector<16xf32>
          %mul3A_2336 = arith.mulf %gather3A_2241, %bitcast_convert_type3A_2329 : vector<16xf32>
          %add3A_2337 = arith.addf %add3A_2335, %mul3A_2336 : vector<16xf32>
          %get3A_2338 = arith.index_cast %add3A_2225 : i32 to index
          %get3A_2339 = arith.constant 48 : index
          %get3A_2340 = tpu.vector_load %arg8[%get3A_2338, %get3A_2339] {strides = array<i32>} : memref<256x128xi32, #tpu.memory_space<vmem>>, vector<1x16xi32>,
          %get3A_2341 = vector.shape_cast %get3A_2340 : vector<1x16xi32> to vector<16xi32>
          %shift_left3A_2342 = arith.constant 16 : i32
          %shift_left3A_2343 = vector.broadcast %shift_left3A_2342 : i32 to vector<16xi32>
          %shift_left3A_2344 = arith.shli %get3A_2341, %shift_left3A_2343 : vector<16xi32>
          %bitcast_convert_type3A_2345 = tpu.bitcast %shift_left3A_2344 : vector<16xi32> -> vector<16xf32>
          %and3A_2346 = arith.constant -65536 : i32
          %and3A_2347 = vector.broadcast %and3A_2346 : i32 to vector<16xi32>
          %and3A_2348 = arith.andi %get3A_2341, %and3A_2347 : vector<16xi32>
          %bitcast_convert_type3A_2349 = tpu.bitcast %and3A_2348 : vector<16xi32> -> vector<16xf32>
          %get3A_2350 = arith.index_cast %add3A_2225 : i32 to index
          %get3A_2351 = arith.constant 112 : index
          %get3A_2352 = tpu.vector_load %arg8[%get3A_2350, %get3A_2351] {strides = array<i32>} : memref<256x128xi32, #tpu.memory_space<vmem>>, vector<1x16xi32>,
          %get3A_2353 = vector.shape_cast %get3A_2352 : vector<1x16xi32> to vector<16xi32>
          %shift_left3A_2354 = arith.constant 16 : i32
          %shift_left3A_2355 = vector.broadcast %shift_left3A_2354 : i32 to vector<16xi32>
          %shift_left3A_2356 = arith.shli %get3A_2353, %shift_left3A_2355 : vector<16xi32>
          %bitcast_convert_type3A_2357 = tpu.bitcast %shift_left3A_2356 : vector<16xi32> -> vector<16xf32>
          %and3A_2358 = arith.constant -65536 : i32
          %and3A_2359 = vector.broadcast %and3A_2358 : i32 to vector<16xi32>
          %and3A_2360 = arith.andi %get3A_2353, %and3A_2359 : vector<16xi32>
          %bitcast_convert_type3A_2361 = tpu.bitcast %and3A_2360 : vector<16xi32> -> vector<16xf32>
          %mul3A_2362 = arith.mulf %gather3A_2229, %bitcast_convert_type3A_2345 : vector<16xf32>
          %add3A_2363 = arith.addf %add3A_1193, %mul3A_2362 : vector<16xf32>
          %mul3A_2364 = arith.mulf %gather3A_2233, %bitcast_convert_type3A_2349 : vector<16xf32>
          %add3A_2365 = arith.addf %add3A_2363, %mul3A_2364 : vector<16xf32>
          %mul3A_2366 = arith.mulf %gather3A_2237, %bitcast_convert_type3A_2357 : vector<16xf32>
          %add3A_2367 = arith.addf %add3A_2365, %mul3A_2366 : vector<16xf32>
          %mul3A_2368 = arith.mulf %gather3A_2241, %bitcast_convert_type3A_2361 : vector<16xf32>
          %add3A_2369 = arith.addf %add3A_2367, %mul3A_2368 : vector<16xf32>
          %add3A_2370 = arith.addi %mul3A_178, %mul3A_441 : i32
          %add3A_2371 = arith.constant 13 : i32
          %add3A_2372 = arith.addi %add3A_2370, %add3A_2371 : i32
          %broadcast_in_dim3A_2373 = arith.constant 13 : i32
          %broadcast_in_dim3A_2374 = vector.broadcast %broadcast_in_dim3A_2373 : i32 to vector<16x1xi32>
          %gather3A_2375 = vector.shape_cast %broadcast_in_dim3A_2374 : vector<16x1xi32> to vector<16xi32>
          %gather3A_2376 = tpu.dynamic_gather %get3A_444[%gather3A_2375] in [0] : vector<16xf32>, vector<16xi32> -> vector<16xf32>
          %broadcast_in_dim3A_2377 = arith.constant 13 : i32
          %broadcast_in_dim3A_2378 = vector.broadcast %broadcast_in_dim3A_2377 : i32 to vector<16x1xi32>
          %gather3A_2379 = vector.shape_cast %broadcast_in_dim3A_2378 : vector<16x1xi32> to vector<16xi32>
          %gather3A_2380 = tpu.dynamic_gather %get3A_450[%gather3A_2379] in [0] : vector<16xf32>, vector<16xi32> -> vector<16xf32>
          %broadcast_in_dim3A_2381 = arith.constant 13 : i32
          %broadcast_in_dim3A_2382 = vector.broadcast %broadcast_in_dim3A_2381 : i32 to vector<16x1xi32>
          %gather3A_2383 = vector.shape_cast %broadcast_in_dim3A_2382 : vector<16x1xi32> to vector<16xi32>
          %gather3A_2384 = tpu.dynamic_gather %get3A_456[%gather3A_2383] in [0] : vector<16xf32>, vector<16xi32> -> vector<16xf32>
          %broadcast_in_dim3A_2385 = arith.constant 13 : i32
          %broadcast_in_dim3A_2386 = vector.broadcast %broadcast_in_dim3A_2385 : i32 to vector<16x1xi32>
          %gather3A_2387 = vector.shape_cast %broadcast_in_dim3A_2386 : vector<16x1xi32> to vector<16xi32>
          %gather3A_2388 = tpu.dynamic_gather %get3A_462[%gather3A_2387] in [0] : vector<16xf32>, vector<16xi32> -> vector<16xf32>
          %get3A_2389 = arith.index_cast %add3A_2372 : i32 to index
          %get3A_2390 = arith.constant 0 : index
          %get3A_2391 = tpu.vector_load %arg8[%get3A_2389, %get3A_2390] {strides = array<i32>} : memref<256x128xi32, #tpu.memory_space<vmem>>, vector<1x16xi32>,
          %get3A_2392 = vector.shape_cast %get3A_2391 : vector<1x16xi32> to vector<16xi32>
          %shift_left3A_2393 = arith.constant 16 : i32
          %shift_left3A_2394 = vector.broadcast %shift_left3A_2393 : i32 to vector<16xi32>
          %shift_left3A_2395 = arith.shli %get3A_2392, %shift_left3A_2394 : vector<16xi32>
          %bitcast_convert_type3A_2396 = tpu.bitcast %shift_left3A_2395 : vector<16xi32> -> vector<16xf32>
          %and3A_2397 = arith.constant -65536 : i32
          %and3A_2398 = vector.broadcast %and3A_2397 : i32 to vector<16xi32>
          %and3A_2399 = arith.andi %get3A_2392, %and3A_2398 : vector<16xi32>
          %bitcast_convert_type3A_2400 = tpu.bitcast %and3A_2399 : vector<16xi32> -> vector<16xf32>
          %get3A_2401 = arith.index_cast %add3A_2372 : i32 to index
          %get3A_2402 = arith.constant 64 : index
          %get3A_2403 = tpu.vector_load %arg8[%get3A_2401, %get3A_2402] {strides = array<i32>} : memref<256x128xi32, #tpu.memory_space<vmem>>, vector<1x16xi32>,
          %get3A_2404 = vector.shape_cast %get3A_2403 : vector<1x16xi32> to vector<16xi32>
          %shift_left3A_2405 = arith.constant 16 : i32
          %shift_left3A_2406 = vector.broadcast %shift_left3A_2405 : i32 to vector<16xi32>
          %shift_left3A_2407 = arith.shli %get3A_2404, %shift_left3A_2406 : vector<16xi32>
          %bitcast_convert_type3A_2408 = tpu.bitcast %shift_left3A_2407 : vector<16xi32> -> vector<16xf32>
          %and3A_2409 = arith.constant -65536 : i32
          %and3A_2410 = vector.broadcast %and3A_2409 : i32 to vector<16xi32>
          %and3A_2411 = arith.andi %get3A_2404, %and3A_2410 : vector<16xi32>
          %bitcast_convert_type3A_2412 = tpu.bitcast %and3A_2411 : vector<16xi32> -> vector<16xf32>
          %mul3A_2413 = arith.mulf %gather3A_2376, %bitcast_convert_type3A_2396 : vector<16xf32>
          %add3A_2414 = arith.addf %add3A_1244, %mul3A_2413 : vector<16xf32>
          %mul3A_2415 = arith.mulf %gather3A_2380, %bitcast_convert_type3A_2400 : vector<16xf32>
          %add3A_2416 = arith.addf %add3A_2414, %mul3A_2415 : vector<16xf32>
          %mul3A_2417 = arith.mulf %gather3A_2384, %bitcast_convert_type3A_2408 : vector<16xf32>
          %add3A_2418 = arith.addf %add3A_2416, %mul3A_2417 : vector<16xf32>
          %mul3A_2419 = arith.mulf %gather3A_2388, %bitcast_convert_type3A_2412 : vector<16xf32>
          %add3A_2420 = arith.addf %add3A_2418, %mul3A_2419 : vector<16xf32>
          %get3A_2421 = arith.index_cast %add3A_2372 : i32 to index
          %get3A_2422 = arith.constant 16 : index
          %get3A_2423 = tpu.vector_load %arg8[%get3A_2421, %get3A_2422] {strides = array<i32>} : memref<256x128xi32, #tpu.memory_space<vmem>>, vector<1x16xi32>,
          %get3A_2424 = vector.shape_cast %get3A_2423 : vector<1x16xi32> to vector<16xi32>
          %shift_left3A_2425 = arith.constant 16 : i32
          %shift_left3A_2426 = vector.broadcast %shift_left3A_2425 : i32 to vector<16xi32>
          %shift_left3A_2427 = arith.shli %get3A_2424, %shift_left3A_2426 : vector<16xi32>
          %bitcast_convert_type3A_2428 = tpu.bitcast %shift_left3A_2427 : vector<16xi32> -> vector<16xf32>
          %and3A_2429 = arith.constant -65536 : i32
          %and3A_2430 = vector.broadcast %and3A_2429 : i32 to vector<16xi32>
          %and3A_2431 = arith.andi %get3A_2424, %and3A_2430 : vector<16xi32>
          %bitcast_convert_type3A_2432 = tpu.bitcast %and3A_2431 : vector<16xi32> -> vector<16xf32>
          %get3A_2433 = arith.index_cast %add3A_2372 : i32 to index
          %get3A_2434 = arith.constant 80 : index
          %get3A_2435 = tpu.vector_load %arg8[%get3A_2433, %get3A_2434] {strides = array<i32>} : memref<256x128xi32, #tpu.memory_space<vmem>>, vector<1x16xi32>,
          %get3A_2436 = vector.shape_cast %get3A_2435 : vector<1x16xi32> to vector<16xi32>
          %shift_left3A_2437 = arith.constant 16 : i32
          %shift_left3A_2438 = vector.broadcast %shift_left3A_2437 : i32 to vector<16xi32>
          %shift_left3A_2439 = arith.shli %get3A_2436, %shift_left3A_2438 : vector<16xi32>
          %bitcast_convert_type3A_2440 = tpu.bitcast %shift_left3A_2439 : vector<16xi32> -> vector<16xf32>
          %and3A_2441 = arith.constant -65536 : i32
          %and3A_2442 = vector.broadcast %and3A_2441 : i32 to vector<16xi32>
          %and3A_2443 = arith.andi %get3A_2436, %and3A_2442 : vector<16xi32>
          %bitcast_convert_type3A_2444 = tpu.bitcast %and3A_2443 : vector<16xi32> -> vector<16xf32>
          %mul3A_2445 = arith.mulf %gather3A_2376, %bitcast_convert_type3A_2428 : vector<16xf32>
          %add3A_2446 = arith.addf %add3A_1276, %mul3A_2445 : vector<16xf32>
          %mul3A_2447 = arith.mulf %gather3A_2380, %bitcast_convert_type3A_2432 : vector<16xf32>
          %add3A_2448 = arith.addf %add3A_2446, %mul3A_2447 : vector<16xf32>
          %mul3A_2449 = arith.mulf %gather3A_2384, %bitcast_convert_type3A_2440 : vector<16xf32>
          %add3A_2450 = arith.addf %add3A_2448, %mul3A_2449 : vector<16xf32>
          %mul3A_2451 = arith.mulf %gather3A_2388, %bitcast_convert_type3A_2444 : vector<16xf32>
          %add3A_2452 = arith.addf %add3A_2450, %mul3A_2451 : vector<16xf32>
          %get3A_2453 = arith.index_cast %add3A_2372 : i32 to index
          %get3A_2454 = arith.constant 32 : index
          %get3A_2455 = tpu.vector_load %arg8[%get3A_2453, %get3A_2454] {strides = array<i32>} : memref<256x128xi32, #tpu.memory_space<vmem>>, vector<1x16xi32>,
          %get3A_2456 = vector.shape_cast %get3A_2455 : vector<1x16xi32> to vector<16xi32>
          %shift_left3A_2457 = arith.constant 16 : i32
          %shift_left3A_2458 = vector.broadcast %shift_left3A_2457 : i32 to vector<16xi32>
          %shift_left3A_2459 = arith.shli %get3A_2456, %shift_left3A_2458 : vector<16xi32>
          %bitcast_convert_type3A_2460 = tpu.bitcast %shift_left3A_2459 : vector<16xi32> -> vector<16xf32>
          %and3A_2461 = arith.constant -65536 : i32
          %and3A_2462 = vector.broadcast %and3A_2461 : i32 to vector<16xi32>
          %and3A_2463 = arith.andi %get3A_2456, %and3A_2462 : vector<16xi32>
          %bitcast_convert_type3A_2464 = tpu.bitcast %and3A_2463 : vector<16xi32> -> vector<16xf32>
          %get3A_2465 = arith.index_cast %add3A_2372 : i32 to index
          %get3A_2466 = arith.constant 96 : index
          %get3A_2467 = tpu.vector_load %arg8[%get3A_2465, %get3A_2466] {strides = array<i32>} : memref<256x128xi32, #tpu.memory_space<vmem>>, vector<1x16xi32>,
          %get3A_2468 = vector.shape_cast %get3A_2467 : vector<1x16xi32> to vector<16xi32>
          %shift_left3A_2469 = arith.constant 16 : i32
          %shift_left3A_2470 = vector.broadcast %shift_left3A_2469 : i32 to vector<16xi32>
          %shift_left3A_2471 = arith.shli %get3A_2468, %shift_left3A_2470 : vector<16xi32>
          %bitcast_convert_type3A_2472 = tpu.bitcast %shift_left3A_2471 : vector<16xi32> -> vector<16xf32>
          %and3A_2473 = arith.constant -65536 : i32
          %and3A_2474 = vector.broadcast %and3A_2473 : i32 to vector<16xi32>
          %and3A_2475 = arith.andi %get3A_2468, %and3A_2474 : vector<16xi32>
          %bitcast_convert_type3A_2476 = tpu.bitcast %and3A_2475 : vector<16xi32> -> vector<16xf32>
          %mul3A_2477 = arith.mulf %gather3A_2376, %bitcast_convert_type3A_2460 : vector<16xf32>
          %add3A_2478 = arith.addf %add3A_1308, %mul3A_2477 : vector<16xf32>
          %mul3A_2479 = arith.mulf %gather3A_2380, %bitcast_convert_type3A_2464 : vector<16xf32>
          %add3A_2480 = arith.addf %add3A_2478, %mul3A_2479 : vector<16xf32>
          %mul3A_2481 = arith.mulf %gather3A_2384, %bitcast_convert_type3A_2472 : vector<16xf32>
          %add3A_2482 = arith.addf %add3A_2480, %mul3A_2481 : vector<16xf32>
          %mul3A_2483 = arith.mulf %gather3A_2388, %bitcast_convert_type3A_2476 : vector<16xf32>
          %add3A_2484 = arith.addf %add3A_2482, %mul3A_2483 : vector<16xf32>
          %get3A_2485 = arith.index_cast %add3A_2372 : i32 to index
          %get3A_2486 = arith.constant 48 : index
          %get3A_2487 = tpu.vector_load %arg8[%get3A_2485, %get3A_2486] {strides = array<i32>} : memref<256x128xi32, #tpu.memory_space<vmem>>, vector<1x16xi32>,
          %get3A_2488 = vector.shape_cast %get3A_2487 : vector<1x16xi32> to vector<16xi32>
          %shift_left3A_2489 = arith.constant 16 : i32
          %shift_left3A_2490 = vector.broadcast %shift_left3A_2489 : i32 to vector<16xi32>
          %shift_left3A_2491 = arith.shli %get3A_2488, %shift_left3A_2490 : vector<16xi32>
          %bitcast_convert_type3A_2492 = tpu.bitcast %shift_left3A_2491 : vector<16xi32> -> vector<16xf32>
          %and3A_2493 = arith.constant -65536 : i32
          %and3A_2494 = vector.broadcast %and3A_2493 : i32 to vector<16xi32>
          %and3A_2495 = arith.andi %get3A_2488, %and3A_2494 : vector<16xi32>
          %bitcast_convert_type3A_2496 = tpu.bitcast %and3A_2495 : vector<16xi32> -> vector<16xf32>
          %get3A_2497 = arith.index_cast %add3A_2372 : i32 to index
          %get3A_2498 = arith.constant 112 : index
          %get3A_2499 = tpu.vector_load %arg8[%get3A_2497, %get3A_2498] {strides = array<i32>} : memref<256x128xi32, #tpu.memory_space<vmem>>, vector<1x16xi32>,
          %get3A_2500 = vector.shape_cast %get3A_2499 : vector<1x16xi32> to vector<16xi32>
          %shift_left3A_2501 = arith.constant 16 : i32
          %shift_left3A_2502 = vector.broadcast %shift_left3A_2501 : i32 to vector<16xi32>
          %shift_left3A_2503 = arith.shli %get3A_2500, %shift_left3A_2502 : vector<16xi32>
          %bitcast_convert_type3A_2504 = tpu.bitcast %shift_left3A_2503 : vector<16xi32> -> vector<16xf32>
          %and3A_2505 = arith.constant -65536 : i32
          %and3A_2506 = vector.broadcast %and3A_2505 : i32 to vector<16xi32>
          %and3A_2507 = arith.andi %get3A_2500, %and3A_2506 : vector<16xi32>
          %bitcast_convert_type3A_2508 = tpu.bitcast %and3A_2507 : vector<16xi32> -> vector<16xf32>
          %mul3A_2509 = arith.mulf %gather3A_2376, %bitcast_convert_type3A_2492 : vector<16xf32>
          %add3A_2510 = arith.addf %add3A_1340, %mul3A_2509 : vector<16xf32>
          %mul3A_2511 = arith.mulf %gather3A_2380, %bitcast_convert_type3A_2496 : vector<16xf32>
          %add3A_2512 = arith.addf %add3A_2510, %mul3A_2511 : vector<16xf32>
          %mul3A_2513 = arith.mulf %gather3A_2384, %bitcast_convert_type3A_2504 : vector<16xf32>
          %add3A_2514 = arith.addf %add3A_2512, %mul3A_2513 : vector<16xf32>
          %mul3A_2515 = arith.mulf %gather3A_2388, %bitcast_convert_type3A_2508 : vector<16xf32>
          %add3A_2516 = arith.addf %add3A_2514, %mul3A_2515 : vector<16xf32>
          %add3A_2517 = arith.addi %mul3A_178, %mul3A_441 : i32
          %add3A_2518 = arith.constant 14 : i32
          %add3A_2519 = arith.addi %add3A_2517, %add3A_2518 : i32
          %broadcast_in_dim3A_2520 = arith.constant 14 : i32
          %broadcast_in_dim3A_2521 = vector.broadcast %broadcast_in_dim3A_2520 : i32 to vector<16x1xi32>
          %gather3A_2522 = vector.shape_cast %broadcast_in_dim3A_2521 : vector<16x1xi32> to vector<16xi32>
          %gather3A_2523 = tpu.dynamic_gather %get3A_444[%gather3A_2522] in [0] : vector<16xf32>, vector<16xi32> -> vector<16xf32>
          %broadcast_in_dim3A_2524 = arith.constant 14 : i32
          %broadcast_in_dim3A_2525 = vector.broadcast %broadcast_in_dim3A_2524 : i32 to vector<16x1xi32>
          %gather3A_2526 = vector.shape_cast %broadcast_in_dim3A_2525 : vector<16x1xi32> to vector<16xi32>
          %gather3A_2527 = tpu.dynamic_gather %get3A_450[%gather3A_2526] in [0] : vector<16xf32>, vector<16xi32> -> vector<16xf32>
          %broadcast_in_dim3A_2528 = arith.constant 14 : i32
          %broadcast_in_dim3A_2529 = vector.broadcast %broadcast_in_dim3A_2528 : i32 to vector<16x1xi32>
          %gather3A_2530 = vector.shape_cast %broadcast_in_dim3A_2529 : vector<16x1xi32> to vector<16xi32>
          %gather3A_2531 = tpu.dynamic_gather %get3A_456[%gather3A_2530] in [0] : vector<16xf32>, vector<16xi32> -> vector<16xf32>
          %broadcast_in_dim3A_2532 = arith.constant 14 : i32
          %broadcast_in_dim3A_2533 = vector.broadcast %broadcast_in_dim3A_2532 : i32 to vector<16x1xi32>
          %gather3A_2534 = vector.shape_cast %broadcast_in_dim3A_2533 : vector<16x1xi32> to vector<16xi32>
          %gather3A_2535 = tpu.dynamic_gather %get3A_462[%gather3A_2534] in [0] : vector<16xf32>, vector<16xi32> -> vector<16xf32>
          %get3A_2536 = arith.index_cast %add3A_2519 : i32 to index
          %get3A_2537 = arith.constant 0 : index
          %get3A_2538 = tpu.vector_load %arg8[%get3A_2536, %get3A_2537] {strides = array<i32>} : memref<256x128xi32, #tpu.memory_space<vmem>>, vector<1x16xi32>,
          %get3A_2539 = vector.shape_cast %get3A_2538 : vector<1x16xi32> to vector<16xi32>
          %shift_left3A_2540 = arith.constant 16 : i32
          %shift_left3A_2541 = vector.broadcast %shift_left3A_2540 : i32 to vector<16xi32>
          %shift_left3A_2542 = arith.shli %get3A_2539, %shift_left3A_2541 : vector<16xi32>
          %bitcast_convert_type3A_2543 = tpu.bitcast %shift_left3A_2542 : vector<16xi32> -> vector<16xf32>
          %and3A_2544 = arith.constant -65536 : i32
          %and3A_2545 = vector.broadcast %and3A_2544 : i32 to vector<16xi32>
          %and3A_2546 = arith.andi %get3A_2539, %and3A_2545 : vector<16xi32>
          %bitcast_convert_type3A_2547 = tpu.bitcast %and3A_2546 : vector<16xi32> -> vector<16xf32>
          %get3A_2548 = arith.index_cast %add3A_2519 : i32 to index
          %get3A_2549 = arith.constant 64 : index
          %get3A_2550 = tpu.vector_load %arg8[%get3A_2548, %get3A_2549] {strides = array<i32>} : memref<256x128xi32, #tpu.memory_space<vmem>>, vector<1x16xi32>,
          %get3A_2551 = vector.shape_cast %get3A_2550 : vector<1x16xi32> to vector<16xi32>
          %shift_left3A_2552 = arith.constant 16 : i32
          %shift_left3A_2553 = vector.broadcast %shift_left3A_2552 : i32 to vector<16xi32>
          %shift_left3A_2554 = arith.shli %get3A_2551, %shift_left3A_2553 : vector<16xi32>
          %bitcast_convert_type3A_2555 = tpu.bitcast %shift_left3A_2554 : vector<16xi32> -> vector<16xf32>
          %and3A_2556 = arith.constant -65536 : i32
          %and3A_2557 = vector.broadcast %and3A_2556 : i32 to vector<16xi32>
          %and3A_2558 = arith.andi %get3A_2551, %and3A_2557 : vector<16xi32>
          %bitcast_convert_type3A_2559 = tpu.bitcast %and3A_2558 : vector<16xi32> -> vector<16xf32>
          %mul3A_2560 = arith.mulf %gather3A_2523, %bitcast_convert_type3A_2543 : vector<16xf32>
          %add3A_2561 = arith.addf %add3A_1391, %mul3A_2560 : vector<16xf32>
          %mul3A_2562 = arith.mulf %gather3A_2527, %bitcast_convert_type3A_2547 : vector<16xf32>
          %add3A_2563 = arith.addf %add3A_2561, %mul3A_2562 : vector<16xf32>
          %mul3A_2564 = arith.mulf %gather3A_2531, %bitcast_convert_type3A_2555 : vector<16xf32>
          %add3A_2565 = arith.addf %add3A_2563, %mul3A_2564 : vector<16xf32>
          %mul3A_2566 = arith.mulf %gather3A_2535, %bitcast_convert_type3A_2559 : vector<16xf32>
          %add3A_2567 = arith.addf %add3A_2565, %mul3A_2566 : vector<16xf32>
          %get3A_2568 = arith.index_cast %add3A_2519 : i32 to index
          %get3A_2569 = arith.constant 16 : index
          %get3A_2570 = tpu.vector_load %arg8[%get3A_2568, %get3A_2569] {strides = array<i32>} : memref<256x128xi32, #tpu.memory_space<vmem>>, vector<1x16xi32>,
          %get3A_2571 = vector.shape_cast %get3A_2570 : vector<1x16xi32> to vector<16xi32>
          %shift_left3A_2572 = arith.constant 16 : i32
          %shift_left3A_2573 = vector.broadcast %shift_left3A_2572 : i32 to vector<16xi32>
          %shift_left3A_2574 = arith.shli %get3A_2571, %shift_left3A_2573 : vector<16xi32>
          %bitcast_convert_type3A_2575 = tpu.bitcast %shift_left3A_2574 : vector<16xi32> -> vector<16xf32>
          %and3A_2576 = arith.constant -65536 : i32
          %and3A_2577 = vector.broadcast %and3A_2576 : i32 to vector<16xi32>
          %and3A_2578 = arith.andi %get3A_2571, %and3A_2577 : vector<16xi32>
          %bitcast_convert_type3A_2579 = tpu.bitcast %and3A_2578 : vector<16xi32> -> vector<16xf32>
          %get3A_2580 = arith.index_cast %add3A_2519 : i32 to index
          %get3A_2581 = arith.constant 80 : index
          %get3A_2582 = tpu.vector_load %arg8[%get3A_2580, %get3A_2581] {strides = array<i32>} : memref<256x128xi32, #tpu.memory_space<vmem>>, vector<1x16xi32>,
          %get3A_2583 = vector.shape_cast %get3A_2582 : vector<1x16xi32> to vector<16xi32>
          %shift_left3A_2584 = arith.constant 16 : i32
          %shift_left3A_2585 = vector.broadcast %shift_left3A_2584 : i32 to vector<16xi32>
          %shift_left3A_2586 = arith.shli %get3A_2583, %shift_left3A_2585 : vector<16xi32>
          %bitcast_convert_type3A_2587 = tpu.bitcast %shift_left3A_2586 : vector<16xi32> -> vector<16xf32>
          %and3A_2588 = arith.constant -65536 : i32
          %and3A_2589 = vector.broadcast %and3A_2588 : i32 to vector<16xi32>
          %and3A_2590 = arith.andi %get3A_2583, %and3A_2589 : vector<16xi32>
          %bitcast_convert_type3A_2591 = tpu.bitcast %and3A_2590 : vector<16xi32> -> vector<16xf32>
          %mul3A_2592 = arith.mulf %gather3A_2523, %bitcast_convert_type3A_2575 : vector<16xf32>
          %add3A_2593 = arith.addf %add3A_1423, %mul3A_2592 : vector<16xf32>
          %mul3A_2594 = arith.mulf %gather3A_2527, %bitcast_convert_type3A_2579 : vector<16xf32>
          %add3A_2595 = arith.addf %add3A_2593, %mul3A_2594 : vector<16xf32>
          %mul3A_2596 = arith.mulf %gather3A_2531, %bitcast_convert_type3A_2587 : vector<16xf32>
          %add3A_2597 = arith.addf %add3A_2595, %mul3A_2596 : vector<16xf32>
          %mul3A_2598 = arith.mulf %gather3A_2535, %bitcast_convert_type3A_2591 : vector<16xf32>
          %add3A_2599 = arith.addf %add3A_2597, %mul3A_2598 : vector<16xf32>
          %get3A_2600 = arith.index_cast %add3A_2519 : i32 to index
          %get3A_2601 = arith.constant 32 : index
          %get3A_2602 = tpu.vector_load %arg8[%get3A_2600, %get3A_2601] {strides = array<i32>} : memref<256x128xi32, #tpu.memory_space<vmem>>, vector<1x16xi32>,
          %get3A_2603 = vector.shape_cast %get3A_2602 : vector<1x16xi32> to vector<16xi32>
          %shift_left3A_2604 = arith.constant 16 : i32
          %shift_left3A_2605 = vector.broadcast %shift_left3A_2604 : i32 to vector<16xi32>
          %shift_left3A_2606 = arith.shli %get3A_2603, %shift_left3A_2605 : vector<16xi32>
          %bitcast_convert_type3A_2607 = tpu.bitcast %shift_left3A_2606 : vector<16xi32> -> vector<16xf32>
          %and3A_2608 = arith.constant -65536 : i32
          %and3A_2609 = vector.broadcast %and3A_2608 : i32 to vector<16xi32>
          %and3A_2610 = arith.andi %get3A_2603, %and3A_2609 : vector<16xi32>
          %bitcast_convert_type3A_2611 = tpu.bitcast %and3A_2610 : vector<16xi32> -> vector<16xf32>
          %get3A_2612 = arith.index_cast %add3A_2519 : i32 to index
          %get3A_2613 = arith.constant 96 : index
          %get3A_2614 = tpu.vector_load %arg8[%get3A_2612, %get3A_2613] {strides = array<i32>} : memref<256x128xi32, #tpu.memory_space<vmem>>, vector<1x16xi32>,
          %get3A_2615 = vector.shape_cast %get3A_2614 : vector<1x16xi32> to vector<16xi32>
          %shift_left3A_2616 = arith.constant 16 : i32
          %shift_left3A_2617 = vector.broadcast %shift_left3A_2616 : i32 to vector<16xi32>
          %shift_left3A_2618 = arith.shli %get3A_2615, %shift_left3A_2617 : vector<16xi32>
          %bitcast_convert_type3A_2619 = tpu.bitcast %shift_left3A_2618 : vector<16xi32> -> vector<16xf32>
          %and3A_2620 = arith.constant -65536 : i32
          %and3A_2621 = vector.broadcast %and3A_2620 : i32 to vector<16xi32>
          %and3A_2622 = arith.andi %get3A_2615, %and3A_2621 : vector<16xi32>
          %bitcast_convert_type3A_2623 = tpu.bitcast %and3A_2622 : vector<16xi32> -> vector<16xf32>
          %mul3A_2624 = arith.mulf %gather3A_2523, %bitcast_convert_type3A_2607 : vector<16xf32>
          %add3A_2625 = arith.addf %add3A_1455, %mul3A_2624 : vector<16xf32>
          %mul3A_2626 = arith.mulf %gather3A_2527, %bitcast_convert_type3A_2611 : vector<16xf32>
          %add3A_2627 = arith.addf %add3A_2625, %mul3A_2626 : vector<16xf32>
          %mul3A_2628 = arith.mulf %gather3A_2531, %bitcast_convert_type3A_2619 : vector<16xf32>
          %add3A_2629 = arith.addf %add3A_2627, %mul3A_2628 : vector<16xf32>
          %mul3A_2630 = arith.mulf %gather3A_2535, %bitcast_convert_type3A_2623 : vector<16xf32>
          %add3A_2631 = arith.addf %add3A_2629, %mul3A_2630 : vector<16xf32>
          %get3A_2632 = arith.index_cast %add3A_2519 : i32 to index
          %get3A_2633 = arith.constant 48 : index
          %get3A_2634 = tpu.vector_load %arg8[%get3A_2632, %get3A_2633] {strides = array<i32>} : memref<256x128xi32, #tpu.memory_space<vmem>>, vector<1x16xi32>,
          %get3A_2635 = vector.shape_cast %get3A_2634 : vector<1x16xi32> to vector<16xi32>
          %shift_left3A_2636 = arith.constant 16 : i32
          %shift_left3A_2637 = vector.broadcast %shift_left3A_2636 : i32 to vector<16xi32>
          %shift_left3A_2638 = arith.shli %get3A_2635, %shift_left3A_2637 : vector<16xi32>
          %bitcast_convert_type3A_2639 = tpu.bitcast %shift_left3A_2638 : vector<16xi32> -> vector<16xf32>
          %and3A_2640 = arith.constant -65536 : i32
          %and3A_2641 = vector.broadcast %and3A_2640 : i32 to vector<16xi32>
          %and3A_2642 = arith.andi %get3A_2635, %and3A_2641 : vector<16xi32>
          %bitcast_convert_type3A_2643 = tpu.bitcast %and3A_2642 : vector<16xi32> -> vector<16xf32>
          %get3A_2644 = arith.index_cast %add3A_2519 : i32 to index
          %get3A_2645 = arith.constant 112 : index
          %get3A_2646 = tpu.vector_load %arg8[%get3A_2644, %get3A_2645] {strides = array<i32>} : memref<256x128xi32, #tpu.memory_space<vmem>>, vector<1x16xi32>,
          %get3A_2647 = vector.shape_cast %get3A_2646 : vector<1x16xi32> to vector<16xi32>
          %shift_left3A_2648 = arith.constant 16 : i32
          %shift_left3A_2649 = vector.broadcast %shift_left3A_2648 : i32 to vector<16xi32>
          %shift_left3A_2650 = arith.shli %get3A_2647, %shift_left3A_2649 : vector<16xi32>
          %bitcast_convert_type3A_2651 = tpu.bitcast %shift_left3A_2650 : vector<16xi32> -> vector<16xf32>
          %and3A_2652 = arith.constant -65536 : i32
          %and3A_2653 = vector.broadcast %and3A_2652 : i32 to vector<16xi32>
          %and3A_2654 = arith.andi %get3A_2647, %and3A_2653 : vector<16xi32>
          %bitcast_convert_type3A_2655 = tpu.bitcast %and3A_2654 : vector<16xi32> -> vector<16xf32>
          %mul3A_2656 = arith.mulf %gather3A_2523, %bitcast_convert_type3A_2639 : vector<16xf32>
          %add3A_2657 = arith.addf %add3A_1487, %mul3A_2656 : vector<16xf32>
          %mul3A_2658 = arith.mulf %gather3A_2527, %bitcast_convert_type3A_2643 : vector<16xf32>
          %add3A_2659 = arith.addf %add3A_2657, %mul3A_2658 : vector<16xf32>
          %mul3A_2660 = arith.mulf %gather3A_2531, %bitcast_convert_type3A_2651 : vector<16xf32>
          %add3A_2661 = arith.addf %add3A_2659, %mul3A_2660 : vector<16xf32>
          %mul3A_2662 = arith.mulf %gather3A_2535, %bitcast_convert_type3A_2655 : vector<16xf32>
          %add3A_2663 = arith.addf %add3A_2661, %mul3A_2662 : vector<16xf32>
          %add3A_2664 = arith.addi %mul3A_178, %mul3A_441 : i32
          %add3A_2665 = arith.constant 15 : i32
          %add3A_2666 = arith.addi %add3A_2664, %add3A_2665 : i32
          %broadcast_in_dim3A_2667 = arith.constant 15 : i32
          %broadcast_in_dim3A_2668 = vector.broadcast %broadcast_in_dim3A_2667 : i32 to vector<16x1xi32>
          %gather3A_2669 = vector.shape_cast %broadcast_in_dim3A_2668 : vector<16x1xi32> to vector<16xi32>
          %gather3A_2670 = tpu.dynamic_gather %get3A_444[%gather3A_2669] in [0] : vector<16xf32>, vector<16xi32> -> vector<16xf32>
          %broadcast_in_dim3A_2671 = arith.constant 15 : i32
          %broadcast_in_dim3A_2672 = vector.broadcast %broadcast_in_dim3A_2671 : i32 to vector<16x1xi32>
          %gather3A_2673 = vector.shape_cast %broadcast_in_dim3A_2672 : vector<16x1xi32> to vector<16xi32>
          %gather3A_2674 = tpu.dynamic_gather %get3A_450[%gather3A_2673] in [0] : vector<16xf32>, vector<16xi32> -> vector<16xf32>
          %broadcast_in_dim3A_2675 = arith.constant 15 : i32
          %broadcast_in_dim3A_2676 = vector.broadcast %broadcast_in_dim3A_2675 : i32 to vector<16x1xi32>
          %gather3A_2677 = vector.shape_cast %broadcast_in_dim3A_2676 : vector<16x1xi32> to vector<16xi32>
          %gather3A_2678 = tpu.dynamic_gather %get3A_456[%gather3A_2677] in [0] : vector<16xf32>, vector<16xi32> -> vector<16xf32>
          %broadcast_in_dim3A_2679 = arith.constant 15 : i32
          %broadcast_in_dim3A_2680 = vector.broadcast %broadcast_in_dim3A_2679 : i32 to vector<16x1xi32>
          %gather3A_2681 = vector.shape_cast %broadcast_in_dim3A_2680 : vector<16x1xi32> to vector<16xi32>
          %gather3A_2682 = tpu.dynamic_gather %get3A_462[%gather3A_2681] in [0] : vector<16xf32>, vector<16xi32> -> vector<16xf32>
          %get3A_2683 = arith.index_cast %add3A_2666 : i32 to index
          %get3A_2684 = arith.constant 0 : index
          %get3A_2685 = tpu.vector_load %arg8[%get3A_2683, %get3A_2684] {strides = array<i32>} : memref<256x128xi32, #tpu.memory_space<vmem>>, vector<1x16xi32>,
          %get3A_2686 = vector.shape_cast %get3A_2685 : vector<1x16xi32> to vector<16xi32>
          %shift_left3A_2687 = arith.constant 16 : i32
          %shift_left3A_2688 = vector.broadcast %shift_left3A_2687 : i32 to vector<16xi32>
          %shift_left3A_2689 = arith.shli %get3A_2686, %shift_left3A_2688 : vector<16xi32>
          %bitcast_convert_type3A_2690 = tpu.bitcast %shift_left3A_2689 : vector<16xi32> -> vector<16xf32>
          %and3A_2691 = arith.constant -65536 : i32
          %and3A_2692 = vector.broadcast %and3A_2691 : i32 to vector<16xi32>
          %and3A_2693 = arith.andi %get3A_2686, %and3A_2692 : vector<16xi32>
          %bitcast_convert_type3A_2694 = tpu.bitcast %and3A_2693 : vector<16xi32> -> vector<16xf32>
          %get3A_2695 = arith.index_cast %add3A_2666 : i32 to index
          %get3A_2696 = arith.constant 64 : index
          %get3A_2697 = tpu.vector_load %arg8[%get3A_2695, %get3A_2696] {strides = array<i32>} : memref<256x128xi32, #tpu.memory_space<vmem>>, vector<1x16xi32>,
          %get3A_2698 = vector.shape_cast %get3A_2697 : vector<1x16xi32> to vector<16xi32>
          %shift_left3A_2699 = arith.constant 16 : i32
          %shift_left3A_2700 = vector.broadcast %shift_left3A_2699 : i32 to vector<16xi32>
          %shift_left3A_2701 = arith.shli %get3A_2698, %shift_left3A_2700 : vector<16xi32>
          %bitcast_convert_type3A_2702 = tpu.bitcast %shift_left3A_2701 : vector<16xi32> -> vector<16xf32>
          %and3A_2703 = arith.constant -65536 : i32
          %and3A_2704 = vector.broadcast %and3A_2703 : i32 to vector<16xi32>
          %and3A_2705 = arith.andi %get3A_2698, %and3A_2704 : vector<16xi32>
          %bitcast_convert_type3A_2706 = tpu.bitcast %and3A_2705 : vector<16xi32> -> vector<16xf32>
          %mul3A_2707 = arith.mulf %gather3A_2670, %bitcast_convert_type3A_2690 : vector<16xf32>
          %add3A_2708 = arith.addf %add3A_1538, %mul3A_2707 : vector<16xf32>
          %mul3A_2709 = arith.mulf %gather3A_2674, %bitcast_convert_type3A_2694 : vector<16xf32>
          %add3A_2710 = arith.addf %add3A_2708, %mul3A_2709 : vector<16xf32>
          %mul3A_2711 = arith.mulf %gather3A_2678, %bitcast_convert_type3A_2702 : vector<16xf32>
          %add3A_2712 = arith.addf %add3A_2710, %mul3A_2711 : vector<16xf32>
          %mul3A_2713 = arith.mulf %gather3A_2682, %bitcast_convert_type3A_2706 : vector<16xf32>
          %add3A_2714 = arith.addf %add3A_2712, %mul3A_2713 : vector<16xf32>
          %get3A_2715 = arith.index_cast %add3A_2666 : i32 to index
          %get3A_2716 = arith.constant 16 : index
          %get3A_2717 = tpu.vector_load %arg8[%get3A_2715, %get3A_2716] {strides = array<i32>} : memref<256x128xi32, #tpu.memory_space<vmem>>, vector<1x16xi32>,
          %get3A_2718 = vector.shape_cast %get3A_2717 : vector<1x16xi32> to vector<16xi32>
          %shift_left3A_2719 = arith.constant 16 : i32
          %shift_left3A_2720 = vector.broadcast %shift_left3A_2719 : i32 to vector<16xi32>
          %shift_left3A_2721 = arith.shli %get3A_2718, %shift_left3A_2720 : vector<16xi32>
          %bitcast_convert_type3A_2722 = tpu.bitcast %shift_left3A_2721 : vector<16xi32> -> vector<16xf32>
          %and3A_2723 = arith.constant -65536 : i32
          %and3A_2724 = vector.broadcast %and3A_2723 : i32 to vector<16xi32>
          %and3A_2725 = arith.andi %get3A_2718, %and3A_2724 : vector<16xi32>
          %bitcast_convert_type3A_2726 = tpu.bitcast %and3A_2725 : vector<16xi32> -> vector<16xf32>
          %get3A_2727 = arith.index_cast %add3A_2666 : i32 to index
          %get3A_2728 = arith.constant 80 : index
          %get3A_2729 = tpu.vector_load %arg8[%get3A_2727, %get3A_2728] {strides = array<i32>} : memref<256x128xi32, #tpu.memory_space<vmem>>, vector<1x16xi32>,
          %get3A_2730 = vector.shape_cast %get3A_2729 : vector<1x16xi32> to vector<16xi32>
          %shift_left3A_2731 = arith.constant 16 : i32
          %shift_left3A_2732 = vector.broadcast %shift_left3A_2731 : i32 to vector<16xi32>
          %shift_left3A_2733 = arith.shli %get3A_2730, %shift_left3A_2732 : vector<16xi32>
          %bitcast_convert_type3A_2734 = tpu.bitcast %shift_left3A_2733 : vector<16xi32> -> vector<16xf32>
          %and3A_2735 = arith.constant -65536 : i32
          %and3A_2736 = vector.broadcast %and3A_2735 : i32 to vector<16xi32>
          %and3A_2737 = arith.andi %get3A_2730, %and3A_2736 : vector<16xi32>
          %bitcast_convert_type3A_2738 = tpu.bitcast %and3A_2737 : vector<16xi32> -> vector<16xf32>
          %mul3A_2739 = arith.mulf %gather3A_2670, %bitcast_convert_type3A_2722 : vector<16xf32>
          %add3A_2740 = arith.addf %add3A_1570, %mul3A_2739 : vector<16xf32>
          %mul3A_2741 = arith.mulf %gather3A_2674, %bitcast_convert_type3A_2726 : vector<16xf32>
          %add3A_2742 = arith.addf %add3A_2740, %mul3A_2741 : vector<16xf32>
          %mul3A_2743 = arith.mulf %gather3A_2678, %bitcast_convert_type3A_2734 : vector<16xf32>
          %add3A_2744 = arith.addf %add3A_2742, %mul3A_2743 : vector<16xf32>
          %mul3A_2745 = arith.mulf %gather3A_2682, %bitcast_convert_type3A_2738 : vector<16xf32>
          %add3A_2746 = arith.addf %add3A_2744, %mul3A_2745 : vector<16xf32>
          %get3A_2747 = arith.index_cast %add3A_2666 : i32 to index
          %get3A_2748 = arith.constant 32 : index
          %get3A_2749 = tpu.vector_load %arg8[%get3A_2747, %get3A_2748] {strides = array<i32>} : memref<256x128xi32, #tpu.memory_space<vmem>>, vector<1x16xi32>,
          %get3A_2750 = vector.shape_cast %get3A_2749 : vector<1x16xi32> to vector<16xi32>
          %shift_left3A_2751 = arith.constant 16 : i32
          %shift_left3A_2752 = vector.broadcast %shift_left3A_2751 : i32 to vector<16xi32>
          %shift_left3A_2753 = arith.shli %get3A_2750, %shift_left3A_2752 : vector<16xi32>
          %bitcast_convert_type3A_2754 = tpu.bitcast %shift_left3A_2753 : vector<16xi32> -> vector<16xf32>
          %and3A_2755 = arith.constant -65536 : i32
          %and3A_2756 = vector.broadcast %and3A_2755 : i32 to vector<16xi32>
          %and3A_2757 = arith.andi %get3A_2750, %and3A_2756 : vector<16xi32>
          %bitcast_convert_type3A_2758 = tpu.bitcast %and3A_2757 : vector<16xi32> -> vector<16xf32>
          %get3A_2759 = arith.index_cast %add3A_2666 : i32 to index
          %get3A_2760 = arith.constant 96 : index
          %get3A_2761 = tpu.vector_load %arg8[%get3A_2759, %get3A_2760] {strides = array<i32>} : memref<256x128xi32, #tpu.memory_space<vmem>>, vector<1x16xi32>,
          %get3A_2762 = vector.shape_cast %get3A_2761 : vector<1x16xi32> to vector<16xi32>
          %shift_left3A_2763 = arith.constant 16 : i32
          %shift_left3A_2764 = vector.broadcast %shift_left3A_2763 : i32 to vector<16xi32>
          %shift_left3A_2765 = arith.shli %get3A_2762, %shift_left3A_2764 : vector<16xi32>
          %bitcast_convert_type3A_2766 = tpu.bitcast %shift_left3A_2765 : vector<16xi32> -> vector<16xf32>
          %and3A_2767 = arith.constant -65536 : i32
          %and3A_2768 = vector.broadcast %and3A_2767 : i32 to vector<16xi32>
          %and3A_2769 = arith.andi %get3A_2762, %and3A_2768 : vector<16xi32>
          %bitcast_convert_type3A_2770 = tpu.bitcast %and3A_2769 : vector<16xi32> -> vector<16xf32>
          %mul3A_2771 = arith.mulf %gather3A_2670, %bitcast_convert_type3A_2754 : vector<16xf32>
          %add3A_2772 = arith.addf %add3A_1602, %mul3A_2771 : vector<16xf32>
          %mul3A_2773 = arith.mulf %gather3A_2674, %bitcast_convert_type3A_2758 : vector<16xf32>
          %add3A_2774 = arith.addf %add3A_2772, %mul3A_2773 : vector<16xf32>
          %mul3A_2775 = arith.mulf %gather3A_2678, %bitcast_convert_type3A_2766 : vector<16xf32>
          %add3A_2776 = arith.addf %add3A_2774, %mul3A_2775 : vector<16xf32>
          %mul3A_2777 = arith.mulf %gather3A_2682, %bitcast_convert_type3A_2770 : vector<16xf32>
          %add3A_2778 = arith.addf %add3A_2776, %mul3A_2777 : vector<16xf32>
          %get3A_2779 = arith.index_cast %add3A_2666 : i32 to index
          %get3A_2780 = arith.constant 48 : index
          %get3A_2781 = tpu.vector_load %arg8[%get3A_2779, %get3A_2780] {strides = array<i32>} : memref<256x128xi32, #tpu.memory_space<vmem>>, vector<1x16xi32>,
          %get3A_2782 = vector.shape_cast %get3A_2781 : vector<1x16xi32> to vector<16xi32>
          %shift_left3A_2783 = arith.constant 16 : i32
          %shift_left3A_2784 = vector.broadcast %shift_left3A_2783 : i32 to vector<16xi32>
          %shift_left3A_2785 = arith.shli %get3A_2782, %shift_left3A_2784 : vector<16xi32>
          %bitcast_convert_type3A_2786 = tpu.bitcast %shift_left3A_2785 : vector<16xi32> -> vector<16xf32>
          %and3A_2787 = arith.constant -65536 : i32
          %and3A_2788 = vector.broadcast %and3A_2787 : i32 to vector<16xi32>
          %and3A_2789 = arith.andi %get3A_2782, %and3A_2788 : vector<16xi32>
          %bitcast_convert_type3A_2790 = tpu.bitcast %and3A_2789 : vector<16xi32> -> vector<16xf32>
          %get3A_2791 = arith.index_cast %add3A_2666 : i32 to index
          %get3A_2792 = arith.constant 112 : index
          %get3A_2793 = tpu.vector_load %arg8[%get3A_2791, %get3A_2792] {strides = array<i32>} : memref<256x128xi32, #tpu.memory_space<vmem>>, vector<1x16xi32>,
          %get3A_2794 = vector.shape_cast %get3A_2793 : vector<1x16xi32> to vector<16xi32>
          %shift_left3A_2795 = arith.constant 16 : i32
          %shift_left3A_2796 = vector.broadcast %shift_left3A_2795 : i32 to vector<16xi32>
          %shift_left3A_2797 = arith.shli %get3A_2794, %shift_left3A_2796 : vector<16xi32>
          %bitcast_convert_type3A_2798 = tpu.bitcast %shift_left3A_2797 : vector<16xi32> -> vector<16xf32>
          %and3A_2799 = arith.constant -65536 : i32
          %and3A_2800 = vector.broadcast %and3A_2799 : i32 to vector<16xi32>
          %and3A_2801 = arith.andi %get3A_2794, %and3A_2800 : vector<16xi32>
          %bitcast_convert_type3A_2802 = tpu.bitcast %and3A_2801 : vector<16xi32> -> vector<16xf32>
          %mul3A_2803 = arith.mulf %gather3A_2670, %bitcast_convert_type3A_2786 : vector<16xf32>
          %add3A_2804 = arith.addf %add3A_1634, %mul3A_2803 : vector<16xf32>
          %mul3A_2805 = arith.mulf %gather3A_2674, %bitcast_convert_type3A_2790 : vector<16xf32>
          %add3A_2806 = arith.addf %add3A_2804, %mul3A_2805 : vector<16xf32>
          %mul3A_2807 = arith.mulf %gather3A_2678, %bitcast_convert_type3A_2798 : vector<16xf32>
          %add3A_2808 = arith.addf %add3A_2806, %mul3A_2807 : vector<16xf32>
          %mul3A_2809 = arith.mulf %gather3A_2682, %bitcast_convert_type3A_2802 : vector<16xf32>
          %add3A_2810 = arith.addf %add3A_2808, %mul3A_2809 : vector<16xf32>
          scf.yield %add3A_1685, %add3A_1717, %add3A_1749, %add3A_1781, %add3A_1832, %add3A_1864, %add3A_1896, %add3A_1928, %add3A_1979, %add3A_2011, %add3A_2043, %add3A_2075, %add3A_2126, %add3A_2158, %add3A_2190, %add3A_2222, %add3A_2273, %add3A_2305, %add3A_2337, %add3A_2369, %add3A_2420, %add3A_2452, %add3A_2484, %add3A_2516, %add3A_2567, %add3A_2599, %add3A_2631, %add3A_2663, %add3A_2714, %add3A_2746, %add3A_2778, %add3A_2810 : vector<16xf32>, vector<16xf32>, vector<16xf32>, vector<16xf32>, vector<16xf32>, vector<16xf32>, vector<16xf32>, vector<16xf32>, vector<16xf32>, vector<16xf32>, vector<16xf32>, vector<16xf32>, vector<16xf32>, vector<16xf32>, vector<16xf32>, vector<16xf32>, vector<16xf32>, vector<16xf32>, vector<16xf32>, vector<16xf32>, vector<16xf32>, vector<16xf32>, vector<16xf32>, vector<16xf32>, vector<16xf32>, vector<16xf32>, vector<16xf32>, vector<16xf32>, vector<16xf32>, vector<16xf32>, vector<16xf32>, vector<16xf32>
        }
        %scan3A_247 = arith.constant 2 : i32
        %swap3A = arith.index_cast %scan3A_176 : i32 to index
        %swap3A_248 = arith.constant 0 : index
        %swap3A_249 = tpu.vector_load %arg9[%swap3A, %swap3A_248] {strides = array<i32>} : memref<8x512xf32, #tpu.memory_space<vmem>>, vector<1x16xf32>,
        %swap3A_250 = vector.shape_cast %swap3A_249 : vector<1x16xf32> to vector<16xf32>
        %swap3A_251 = vector.shape_cast %scan3A_246#0 : vector<16xf32> to vector<1x16xf32>
        tpu.vector_store %arg9[%swap3A, %swap3A_248], %swap3A_251 {strides = array<i32>} : memref<8x512xf32, #tpu.memory_space<vmem>>, vector<1x16xf32>,
        %swap3A_252 = arith.index_cast %scan3A_176 : i32 to index
        %swap3A_253 = arith.constant 16 : index
        %swap3A_254 = tpu.vector_load %arg9[%swap3A_252, %swap3A_253] {strides = array<i32>} : memref<8x512xf32, #tpu.memory_space<vmem>>, vector<1x16xf32>,
        %swap3A_255 = vector.shape_cast %swap3A_254 : vector<1x16xf32> to vector<16xf32>
        %swap3A_256 = vector.shape_cast %scan3A_246#1 : vector<16xf32> to vector<1x16xf32>
        tpu.vector_store %arg9[%swap3A_252, %swap3A_253], %swap3A_256 {strides = array<i32>} : memref<8x512xf32, #tpu.memory_space<vmem>>, vector<1x16xf32>,
        %swap3A_257 = arith.index_cast %scan3A_176 : i32 to index
        %swap3A_258 = arith.constant 32 : index
        %swap3A_259 = tpu.vector_load %arg9[%swap3A_257, %swap3A_258] {strides = array<i32>} : memref<8x512xf32, #tpu.memory_space<vmem>>, vector<1x16xf32>,
        %swap3A_260 = vector.shape_cast %swap3A_259 : vector<1x16xf32> to vector<16xf32>
        %swap3A_261 = vector.shape_cast %scan3A_246#2 : vector<16xf32> to vector<1x16xf32>
        tpu.vector_store %arg9[%swap3A_257, %swap3A_258], %swap3A_261 {strides = array<i32>} : memref<8x512xf32, #tpu.memory_space<vmem>>, vector<1x16xf32>,
        %swap3A_262 = arith.index_cast %scan3A_176 : i32 to index
        %swap3A_263 = arith.constant 48 : index
        %swap3A_264 = tpu.vector_load %arg9[%swap3A_262, %swap3A_263] {strides = array<i32>} : memref<8x512xf32, #tpu.memory_space<vmem>>, vector<1x16xf32>,
        %swap3A_265 = vector.shape_cast %swap3A_264 : vector<1x16xf32> to vector<16xf32>
        %swap3A_266 = vector.shape_cast %scan3A_246#3 : vector<16xf32> to vector<1x16xf32>
        tpu.vector_store %arg9[%swap3A_262, %swap3A_263], %swap3A_266 {strides = array<i32>} : memref<8x512xf32, #tpu.memory_space<vmem>>, vector<1x16xf32>,
        %swap3A_267 = arith.index_cast %scan3A_176 : i32 to index
        %swap3A_268 = arith.constant 64 : index
        %swap3A_269 = tpu.vector_load %arg9[%swap3A_267, %swap3A_268] {strides = array<i32>} : memref<8x512xf32, #tpu.memory_space<vmem>>, vector<1x16xf32>,
        %swap3A_270 = vector.shape_cast %swap3A_269 : vector<1x16xf32> to vector<16xf32>
        %swap3A_271 = vector.shape_cast %scan3A_246#4 : vector<16xf32> to vector<1x16xf32>
        tpu.vector_store %arg9[%swap3A_267, %swap3A_268], %swap3A_271 {strides = array<i32>} : memref<8x512xf32, #tpu.memory_space<vmem>>, vector<1x16xf32>,
        %swap3A_272 = arith.index_cast %scan3A_176 : i32 to index
        %swap3A_273 = arith.constant 80 : index
        %swap3A_274 = tpu.vector_load %arg9[%swap3A_272, %swap3A_273] {strides = array<i32>} : memref<8x512xf32, #tpu.memory_space<vmem>>, vector<1x16xf32>,
        %swap3A_275 = vector.shape_cast %swap3A_274 : vector<1x16xf32> to vector<16xf32>
        %swap3A_276 = vector.shape_cast %scan3A_246#5 : vector<16xf32> to vector<1x16xf32>
        tpu.vector_store %arg9[%swap3A_272, %swap3A_273], %swap3A_276 {strides = array<i32>} : memref<8x512xf32, #tpu.memory_space<vmem>>, vector<1x16xf32>,
        %swap3A_277 = arith.index_cast %scan3A_176 : i32 to index
        %swap3A_278 = arith.constant 96 : index
        %swap3A_279 = tpu.vector_load %arg9[%swap3A_277, %swap3A_278] {strides = array<i32>} : memref<8x512xf32, #tpu.memory_space<vmem>>, vector<1x16xf32>,
        %swap3A_280 = vector.shape_cast %swap3A_279 : vector<1x16xf32> to vector<16xf32>
        %swap3A_281 = vector.shape_cast %scan3A_246#6 : vector<16xf32> to vector<1x16xf32>
        tpu.vector_store %arg9[%swap3A_277, %swap3A_278], %swap3A_281 {strides = array<i32>} : memref<8x512xf32, #tpu.memory_space<vmem>>, vector<1x16xf32>,
        %swap3A_282 = arith.index_cast %scan3A_176 : i32 to index
        %swap3A_283 = arith.constant 112 : index
        %swap3A_284 = tpu.vector_load %arg9[%swap3A_282, %swap3A_283] {strides = array<i32>} : memref<8x512xf32, #tpu.memory_space<vmem>>, vector<1x16xf32>,
        %swap3A_285 = vector.shape_cast %swap3A_284 : vector<1x16xf32> to vector<16xf32>
        %swap3A_286 = vector.shape_cast %scan3A_246#7 : vector<16xf32> to vector<1x16xf32>
        tpu.vector_store %arg9[%swap3A_282, %swap3A_283], %swap3A_286 {strides = array<i32>} : memref<8x512xf32, #tpu.memory_space<vmem>>, vector<1x16xf32>,
        %swap3A_287 = arith.index_cast %scan3A_176 : i32 to index
        %swap3A_288 = arith.constant 128 : index
        %swap3A_289 = tpu.vector_load %arg9[%swap3A_287, %swap3A_288] {strides = array<i32>} : memref<8x512xf32, #tpu.memory_space<vmem>>, vector<1x16xf32>,
        %swap3A_290 = vector.shape_cast %swap3A_289 : vector<1x16xf32> to vector<16xf32>
        %swap3A_291 = vector.shape_cast %scan3A_246#8 : vector<16xf32> to vector<1x16xf32>
        tpu.vector_store %arg9[%swap3A_287, %swap3A_288], %swap3A_291 {strides = array<i32>} : memref<8x512xf32, #tpu.memory_space<vmem>>, vector<1x16xf32>,
        %swap3A_292 = arith.index_cast %scan3A_176 : i32 to index
        %swap3A_293 = arith.constant 144 : index
        %swap3A_294 = tpu.vector_load %arg9[%swap3A_292, %swap3A_293] {strides = array<i32>} : memref<8x512xf32, #tpu.memory_space<vmem>>, vector<1x16xf32>,
        %swap3A_295 = vector.shape_cast %swap3A_294 : vector<1x16xf32> to vector<16xf32>
        %swap3A_296 = vector.shape_cast %scan3A_246#9 : vector<16xf32> to vector<1x16xf32>
        tpu.vector_store %arg9[%swap3A_292, %swap3A_293], %swap3A_296 {strides = array<i32>} : memref<8x512xf32, #tpu.memory_space<vmem>>, vector<1x16xf32>,
        %swap3A_297 = arith.index_cast %scan3A_176 : i32 to index
        %swap3A_298 = arith.constant 160 : index
        %swap3A_299 = tpu.vector_load %arg9[%swap3A_297, %swap3A_298] {strides = array<i32>} : memref<8x512xf32, #tpu.memory_space<vmem>>, vector<1x16xf32>,
        %swap3A_300 = vector.shape_cast %swap3A_299 : vector<1x16xf32> to vector<16xf32>
        %swap3A_301 = vector.shape_cast %scan3A_246#10 : vector<16xf32> to vector<1x16xf32>
        tpu.vector_store %arg9[%swap3A_297, %swap3A_298], %swap3A_301 {strides = array<i32>} : memref<8x512xf32, #tpu.memory_space<vmem>>, vector<1x16xf32>,
        %swap3A_302 = arith.index_cast %scan3A_176 : i32 to index
        %swap3A_303 = arith.constant 176 : index
        %swap3A_304 = tpu.vector_load %arg9[%swap3A_302, %swap3A_303] {strides = array<i32>} : memref<8x512xf32, #tpu.memory_space<vmem>>, vector<1x16xf32>,
        %swap3A_305 = vector.shape_cast %swap3A_304 : vector<1x16xf32> to vector<16xf32>
        %swap3A_306 = vector.shape_cast %scan3A_246#11 : vector<16xf32> to vector<1x16xf32>
        tpu.vector_store %arg9[%swap3A_302, %swap3A_303], %swap3A_306 {strides = array<i32>} : memref<8x512xf32, #tpu.memory_space<vmem>>, vector<1x16xf32>,
        %swap3A_307 = arith.index_cast %scan3A_176 : i32 to index
        %swap3A_308 = arith.constant 192 : index
        %swap3A_309 = tpu.vector_load %arg9[%swap3A_307, %swap3A_308] {strides = array<i32>} : memref<8x512xf32, #tpu.memory_space<vmem>>, vector<1x16xf32>,
        %swap3A_310 = vector.shape_cast %swap3A_309 : vector<1x16xf32> to vector<16xf32>
        %swap3A_311 = vector.shape_cast %scan3A_246#12 : vector<16xf32> to vector<1x16xf32>
        tpu.vector_store %arg9[%swap3A_307, %swap3A_308], %swap3A_311 {strides = array<i32>} : memref<8x512xf32, #tpu.memory_space<vmem>>, vector<1x16xf32>,
        %swap3A_312 = arith.index_cast %scan3A_176 : i32 to index
        %swap3A_313 = arith.constant 208 : index
        %swap3A_314 = tpu.vector_load %arg9[%swap3A_312, %swap3A_313] {strides = array<i32>} : memref<8x512xf32, #tpu.memory_space<vmem>>, vector<1x16xf32>,
        %swap3A_315 = vector.shape_cast %swap3A_314 : vector<1x16xf32> to vector<16xf32>
        %swap3A_316 = vector.shape_cast %scan3A_246#13 : vector<16xf32> to vector<1x16xf32>
        tpu.vector_store %arg9[%swap3A_312, %swap3A_313], %swap3A_316 {strides = array<i32>} : memref<8x512xf32, #tpu.memory_space<vmem>>, vector<1x16xf32>,
        %swap3A_317 = arith.index_cast %scan3A_176 : i32 to index
        %swap3A_318 = arith.constant 224 : index
        %swap3A_319 = tpu.vector_load %arg9[%swap3A_317, %swap3A_318] {strides = array<i32>} : memref<8x512xf32, #tpu.memory_space<vmem>>, vector<1x16xf32>,
        %swap3A_320 = vector.shape_cast %swap3A_319 : vector<1x16xf32> to vector<16xf32>
        %swap3A_321 = vector.shape_cast %scan3A_246#14 : vector<16xf32> to vector<1x16xf32>
        tpu.vector_store %arg9[%swap3A_317, %swap3A_318], %swap3A_321 {strides = array<i32>} : memref<8x512xf32, #tpu.memory_space<vmem>>, vector<1x16xf32>,
        %swap3A_322 = arith.index_cast %scan3A_176 : i32 to index
        %swap3A_323 = arith.constant 240 : index
        %swap3A_324 = tpu.vector_load %arg9[%swap3A_322, %swap3A_323] {strides = array<i32>} : memref<8x512xf32, #tpu.memory_space<vmem>>, vector<1x16xf32>,
        %swap3A_325 = vector.shape_cast %swap3A_324 : vector<1x16xf32> to vector<16xf32>
        %swap3A_326 = vector.shape_cast %scan3A_246#15 : vector<16xf32> to vector<1x16xf32>
        tpu.vector_store %arg9[%swap3A_322, %swap3A_323], %swap3A_326 {strides = array<i32>} : memref<8x512xf32, #tpu.memory_space<vmem>>, vector<1x16xf32>,
        %swap3A_327 = arith.index_cast %scan3A_176 : i32 to index
        %swap3A_328 = arith.constant 256 : index
        %swap3A_329 = tpu.vector_load %arg9[%swap3A_327, %swap3A_328] {strides = array<i32>} : memref<8x512xf32, #tpu.memory_space<vmem>>, vector<1x16xf32>,
        %swap3A_330 = vector.shape_cast %swap3A_329 : vector<1x16xf32> to vector<16xf32>
        %swap3A_331 = vector.shape_cast %scan3A_246#16 : vector<16xf32> to vector<1x16xf32>
        tpu.vector_store %arg9[%swap3A_327, %swap3A_328], %swap3A_331 {strides = array<i32>} : memref<8x512xf32, #tpu.memory_space<vmem>>, vector<1x16xf32>,
        %swap3A_332 = arith.index_cast %scan3A_176 : i32 to index
        %swap3A_333 = arith.constant 272 : index
        %swap3A_334 = tpu.vector_load %arg9[%swap3A_332, %swap3A_333] {strides = array<i32>} : memref<8x512xf32, #tpu.memory_space<vmem>>, vector<1x16xf32>,
        %swap3A_335 = vector.shape_cast %swap3A_334 : vector<1x16xf32> to vector<16xf32>
        %swap3A_336 = vector.shape_cast %scan3A_246#17 : vector<16xf32> to vector<1x16xf32>
        tpu.vector_store %arg9[%swap3A_332, %swap3A_333], %swap3A_336 {strides = array<i32>} : memref<8x512xf32, #tpu.memory_space<vmem>>, vector<1x16xf32>,
        %swap3A_337 = arith.index_cast %scan3A_176 : i32 to index
        %swap3A_338 = arith.constant 288 : index
        %swap3A_339 = tpu.vector_load %arg9[%swap3A_337, %swap3A_338] {strides = array<i32>} : memref<8x512xf32, #tpu.memory_space<vmem>>, vector<1x16xf32>,
        %swap3A_340 = vector.shape_cast %swap3A_339 : vector<1x16xf32> to vector<16xf32>
        %swap3A_341 = vector.shape_cast %scan3A_246#18 : vector<16xf32> to vector<1x16xf32>
        tpu.vector_store %arg9[%swap3A_337, %swap3A_338], %swap3A_341 {strides = array<i32>} : memref<8x512xf32, #tpu.memory_space<vmem>>, vector<1x16xf32>,
        %swap3A_342 = arith.index_cast %scan3A_176 : i32 to index
        %swap3A_343 = arith.constant 304 : index
        %swap3A_344 = tpu.vector_load %arg9[%swap3A_342, %swap3A_343] {strides = array<i32>} : memref<8x512xf32, #tpu.memory_space<vmem>>, vector<1x16xf32>,
        %swap3A_345 = vector.shape_cast %swap3A_344 : vector<1x16xf32> to vector<16xf32>
        %swap3A_346 = vector.shape_cast %scan3A_246#19 : vector<16xf32> to vector<1x16xf32>
        tpu.vector_store %arg9[%swap3A_342, %swap3A_343], %swap3A_346 {strides = array<i32>} : memref<8x512xf32, #tpu.memory_space<vmem>>, vector<1x16xf32>,
        %swap3A_347 = arith.index_cast %scan3A_176 : i32 to index
        %swap3A_348 = arith.constant 320 : index
        %swap3A_349 = tpu.vector_load %arg9[%swap3A_347, %swap3A_348] {strides = array<i32>} : memref<8x512xf32, #tpu.memory_space<vmem>>, vector<1x16xf32>,
        %swap3A_350 = vector.shape_cast %swap3A_349 : vector<1x16xf32> to vector<16xf32>
        %swap3A_351 = vector.shape_cast %scan3A_246#20 : vector<16xf32> to vector<1x16xf32>
        tpu.vector_store %arg9[%swap3A_347, %swap3A_348], %swap3A_351 {strides = array<i32>} : memref<8x512xf32, #tpu.memory_space<vmem>>, vector<1x16xf32>,
        %swap3A_352 = arith.index_cast %scan3A_176 : i32 to index
        %swap3A_353 = arith.constant 336 : index
        %swap3A_354 = tpu.vector_load %arg9[%swap3A_352, %swap3A_353] {strides = array<i32>} : memref<8x512xf32, #tpu.memory_space<vmem>>, vector<1x16xf32>,
        %swap3A_355 = vector.shape_cast %swap3A_354 : vector<1x16xf32> to vector<16xf32>
        %swap3A_356 = vector.shape_cast %scan3A_246#21 : vector<16xf32> to vector<1x16xf32>
        tpu.vector_store %arg9[%swap3A_352, %swap3A_353], %swap3A_356 {strides = array<i32>} : memref<8x512xf32, #tpu.memory_space<vmem>>, vector<1x16xf32>,
        %swap3A_357 = arith.index_cast %scan3A_176 : i32 to index
        %swap3A_358 = arith.constant 352 : index
        %swap3A_359 = tpu.vector_load %arg9[%swap3A_357, %swap3A_358] {strides = array<i32>} : memref<8x512xf32, #tpu.memory_space<vmem>>, vector<1x16xf32>,
        %swap3A_360 = vector.shape_cast %swap3A_359 : vector<1x16xf32> to vector<16xf32>
        %swap3A_361 = vector.shape_cast %scan3A_246#22 : vector<16xf32> to vector<1x16xf32>
        tpu.vector_store %arg9[%swap3A_357, %swap3A_358], %swap3A_361 {strides = array<i32>} : memref<8x512xf32, #tpu.memory_space<vmem>>, vector<1x16xf32>,
        %swap3A_362 = arith.index_cast %scan3A_176 : i32 to index
        %swap3A_363 = arith.constant 368 : index
        %swap3A_364 = tpu.vector_load %arg9[%swap3A_362, %swap3A_363] {strides = array<i32>} : memref<8x512xf32, #tpu.memory_space<vmem>>, vector<1x16xf32>,
        %swap3A_365 = vector.shape_cast %swap3A_364 : vector<1x16xf32> to vector<16xf32>
        %swap3A_366 = vector.shape_cast %scan3A_246#23 : vector<16xf32> to vector<1x16xf32>
        tpu.vector_store %arg9[%swap3A_362, %swap3A_363], %swap3A_366 {strides = array<i32>} : memref<8x512xf32, #tpu.memory_space<vmem>>, vector<1x16xf32>,
        %swap3A_367 = arith.index_cast %scan3A_176 : i32 to index
        %swap3A_368 = arith.constant 384 : index
        %swap3A_369 = tpu.vector_load %arg9[%swap3A_367, %swap3A_368] {strides = array<i32>} : memref<8x512xf32, #tpu.memory_space<vmem>>, vector<1x16xf32>,
        %swap3A_370 = vector.shape_cast %swap3A_369 : vector<1x16xf32> to vector<16xf32>
        %swap3A_371 = vector.shape_cast %scan3A_246#24 : vector<16xf32> to vector<1x16xf32>
        tpu.vector_store %arg9[%swap3A_367, %swap3A_368], %swap3A_371 {strides = array<i32>} : memref<8x512xf32, #tpu.memory_space<vmem>>, vector<1x16xf32>,
        %swap3A_372 = arith.index_cast %scan3A_176 : i32 to index
        %swap3A_373 = arith.constant 400 : index
        %swap3A_374 = tpu.vector_load %arg9[%swap3A_372, %swap3A_373] {strides = array<i32>} : memref<8x512xf32, #tpu.memory_space<vmem>>, vector<1x16xf32>,
        %swap3A_375 = vector.shape_cast %swap3A_374 : vector<1x16xf32> to vector<16xf32>
        %swap3A_376 = vector.shape_cast %scan3A_246#25 : vector<16xf32> to vector<1x16xf32>
        tpu.vector_store %arg9[%swap3A_372, %swap3A_373], %swap3A_376 {strides = array<i32>} : memref<8x512xf32, #tpu.memory_space<vmem>>, vector<1x16xf32>,
        %swap3A_377 = arith.index_cast %scan3A_176 : i32 to index
        %swap3A_378 = arith.constant 416 : index
        %swap3A_379 = tpu.vector_load %arg9[%swap3A_377, %swap3A_378] {strides = array<i32>} : memref<8x512xf32, #tpu.memory_space<vmem>>, vector<1x16xf32>,
        %swap3A_380 = vector.shape_cast %swap3A_379 : vector<1x16xf32> to vector<16xf32>
        %swap3A_381 = vector.shape_cast %scan3A_246#26 : vector<16xf32> to vector<1x16xf32>
        tpu.vector_store %arg9[%swap3A_377, %swap3A_378], %swap3A_381 {strides = array<i32>} : memref<8x512xf32, #tpu.memory_space<vmem>>, vector<1x16xf32>,
        %swap3A_382 = arith.index_cast %scan3A_176 : i32 to index
        %swap3A_383 = arith.constant 432 : index
        %swap3A_384 = tpu.vector_load %arg9[%swap3A_382, %swap3A_383] {strides = array<i32>} : memref<8x512xf32, #tpu.memory_space<vmem>>, vector<1x16xf32>,
        %swap3A_385 = vector.shape_cast %swap3A_384 : vector<1x16xf32> to vector<16xf32>
        %swap3A_386 = vector.shape_cast %scan3A_246#27 : vector<16xf32> to vector<1x16xf32>
        tpu.vector_store %arg9[%swap3A_382, %swap3A_383], %swap3A_386 {strides = array<i32>} : memref<8x512xf32, #tpu.memory_space<vmem>>, vector<1x16xf32>,
        %swap3A_387 = arith.index_cast %scan3A_176 : i32 to index
        %swap3A_388 = arith.constant 448 : index
        %swap3A_389 = tpu.vector_load %arg9[%swap3A_387, %swap3A_388] {strides = array<i32>} : memref<8x512xf32, #tpu.memory_space<vmem>>, vector<1x16xf32>,
        %swap3A_390 = vector.shape_cast %swap3A_389 : vector<1x16xf32> to vector<16xf32>
        %swap3A_391 = vector.shape_cast %scan3A_246#28 : vector<16xf32> to vector<1x16xf32>
        tpu.vector_store %arg9[%swap3A_387, %swap3A_388], %swap3A_391 {strides = array<i32>} : memref<8x512xf32, #tpu.memory_space<vmem>>, vector<1x16xf32>,
        %swap3A_392 = arith.index_cast %scan3A_176 : i32 to index
        %swap3A_393 = arith.constant 464 : index
        %swap3A_394 = tpu.vector_load %arg9[%swap3A_392, %swap3A_393] {strides = array<i32>} : memref<8x512xf32, #tpu.memory_space<vmem>>, vector<1x16xf32>,
        %swap3A_395 = vector.shape_cast %swap3A_394 : vector<1x16xf32> to vector<16xf32>
        %swap3A_396 = vector.shape_cast %scan3A_246#29 : vector<16xf32> to vector<1x16xf32>
        tpu.vector_store %arg9[%swap3A_392, %swap3A_393], %swap3A_396 {strides = array<i32>} : memref<8x512xf32, #tpu.memory_space<vmem>>, vector<1x16xf32>,
        %swap3A_397 = arith.index_cast %scan3A_176 : i32 to index
        %swap3A_398 = arith.constant 480 : index
        %swap3A_399 = tpu.vector_load %arg9[%swap3A_397, %swap3A_398] {strides = array<i32>} : memref<8x512xf32, #tpu.memory_space<vmem>>, vector<1x16xf32>,
        %swap3A_400 = vector.shape_cast %swap3A_399 : vector<1x16xf32> to vector<16xf32>
        %swap3A_401 = vector.shape_cast %scan3A_246#30 : vector<16xf32> to vector<1x16xf32>
        tpu.vector_store %arg9[%swap3A_397, %swap3A_398], %swap3A_401 {strides = array<i32>} : memref<8x512xf32, #tpu.memory_space<vmem>>, vector<1x16xf32>,
        %swap3A_402 = arith.index_cast %scan3A_176 : i32 to index
        %swap3A_403 = arith.constant 496 : index
        %swap3A_404 = tpu.vector_load %arg9[%swap3A_402, %swap3A_403] {strides = array<i32>} : memref<8x512xf32, #tpu.memory_space<vmem>>, vector<1x16xf32>,
        %swap3A_405 = vector.shape_cast %swap3A_404 : vector<1x16xf32> to vector<16xf32>
        %swap3A_406 = vector.shape_cast %scan3A_246#31 : vector<16xf32> to vector<1x16xf32>
        tpu.vector_store %arg9[%swap3A_402, %swap3A_403], %swap3A_406 {strides = array<i32>} : memref<8x512xf32, #tpu.memory_space<vmem>>, vector<1x16xf32>,
      }
      %scan3A_175 = arith.constant 8 : i32
      "tpu.region"() ({
        %run_scoped3A = tpu.sem_alloc : memref<!tpu.dma_semaphore, #tpu.memory_space<semaphore_mem>>
        %dma_start3A_176 = arith.constant 0 : i32
        %dma_start3A_177 = tpu.memref_slice %arg5[%add3A_11, %dma_start3A_176] : memref<10240x512xf32, #tpu.memory_space<hbm>> -> memref<8x512xf32, #tpu.memory_space<hbm>>
        %dma_start3A_178 = arith.constant 0 : i32
        %dma_start3A_179 = tpu.memref_slice %arg5[%add3A_11, %dma_start3A_178] : memref<10240x512xf32, #tpu.memory_space<hbm>> -> memref<8x512xf32, #tpu.memory_space<hbm>>
        tpu.enqueue_dma source(%arg9 : memref<8x512xf32, #tpu.memory_space<vmem>>) target(%dma_start3A_179 : memref<8x512xf32, #tpu.memory_space<hbm>>) target_semaphore(%run_scoped3A : memref<!tpu.dma_semaphore, #tpu.memory_space<semaphore_mem>>)
        %dma_wait3A_180 = arith.constant 0 : i32
        %dma_wait3A_181 = tpu.memref_slice %arg5[%add3A_11, %dma_wait3A_180] : memref<10240x512xf32, #tpu.memory_space<hbm>> -> memref<8x512xf32, #tpu.memory_space<hbm>>
        %dma_wait3A_182 = arith.constant 0 : i32
        %dma_wait3A_183 = tpu.memref_slice %arg5[%add3A_11, %dma_wait3A_182] : memref<10240x512xf32, #tpu.memory_space<hbm>> -> memref<8x512xf32, #tpu.memory_space<hbm>>
        tpu.wait_dma2 semaphore(%run_scoped3A : memref<!tpu.dma_semaphore, #tpu.memory_space<semaphore_mem>>) src(%arg9 : memref<8x512xf32, #tpu.memory_space<vmem>>) dst(%dma_wait3A_183 : memref<8x512xf32, #tpu.memory_space<hbm>>)
        tpu.yield
      }) : () -> ()
    }
    %scan3A_7 = arith.constant 40 : i32
    return
  }
}

module attributes {stable_mosaic.version = 14 : i64} {
  func.func @_addr_body(%arg0: i32, %arg1: memref<1000x512xf32, #tpu.memory_space<vmem>>, %arg2: memref<1000x1xi32, #tpu.memory_space<vmem>>, %arg3: memref<1000x1xi32, #tpu.memory_space<vmem>>, %arg4: memref<1000x1xi32, #tpu.memory_space<vmem>>, %arg5: memref<512x64xf32, #tpu.memory_space<vmem>>, %arg6: memref<64xf32, #tpu.memory_space<vmem>>, %arg7: memref<512x32xf32, #tpu.memory_space<vmem>>, %arg8: memref<32xf32, #tpu.memory_space<vmem>>, %arg9: memref<1000x32xi32, #tpu.memory_space<vmem>>, %arg10: memref<1000x128xf32, #tpu.memory_space<vmem>>) attributes {dimension_semantics = [#tpu.dimension_semantics<arbitrary>], iteration_bounds = array<i64: 10>, scalar_prefetch = 0 : i64, scratch_operands = 0 : i64, tpu.core_type = #tpu.core_type<tc>, window_params = [{transform_indices = @transform_0, window_bounds = array<i64: 1000, 512>}, {transform_indices = @transform_1, window_bounds = array<i64: 1000, 1>}, {transform_indices = @transform_2, window_bounds = array<i64: 1000, 1>}, {transform_indices = @transform_3, window_bounds = array<i64: 1000, 1>}, {pipeline_mode = #tpu.pipeline_mode<synchronous>, transform_indices = @transform_4, window_bounds = array<i64: 512, 64>}, {pipeline_mode = #tpu.pipeline_mode<synchronous>, transform_indices = @transform_5, window_bounds = array<i64: 64>}, {pipeline_mode = #tpu.pipeline_mode<synchronous>, transform_indices = @transform_6, window_bounds = array<i64: 512, 32>}, {pipeline_mode = #tpu.pipeline_mode<synchronous>, transform_indices = @transform_7, window_bounds = array<i64: 32>}, {transform_indices = @transform_8, window_bounds = array<i64: 1000, 32>}, {transform_indices = @transform_9, window_bounds = array<i64: 1000, 128>}]} {
    %get3A = arith.constant 0 : index
    %get3A_0 = arith.constant 0 : index
    %get3A_1 = vector.load %arg1[%get3A, %get3A_0] : memref<1000x512xf32, #tpu.memory_space<vmem>>, vector<1000x512xf32>
    %get3A_2 = arith.constant 0 : index
    %get3A_3 = arith.constant 0 : index
    %get3A_4 = vector.load %arg5[%get3A_2, %get3A_3] : memref<512x64xf32, #tpu.memory_space<vmem>>, vector<512x64xf32>
    %dot_general3A = arith.constant dense<0.000000e+00> : vector<1000x64xf32>
    %dot_general3A_5 = tpu.matmul %get3A_1, %get3A_4, %dot_general3A {dimension_numbers = #tpu.dot_dimension_numbers<[1], [0], [0], [1], [0, 0, 1, 1], [], []>, transpose_lhs_hint = false} : vector<1000x512xf32>, vector<512x64xf32>, vector<1000x64xf32> -> vector<1000x64xf32>
    %get3A_6 = arith.constant 0 : index
    %get3A_7 = vector.load %arg6[%get3A_6] : memref<64xf32, #tpu.memory_space<vmem>>, vector<64xf32>
    %broadcast_in_dim3A = vector.shape_cast %get3A_7 : vector<64xf32> to vector<1x64xf32>
    %add3A = vector.broadcast %broadcast_in_dim3A : vector<1x64xf32> to vector<1000x64xf32>
    %add3A_8 = arith.addf %dot_general3A_5, %add3A : vector<1000x64xf32>
    %get3A_9 = arith.constant 0 : index
    %get3A_10 = arith.constant 0 : index
    %get3A_11 = vector.load %arg7[%get3A_9, %get3A_10] : memref<512x32xf32, #tpu.memory_space<vmem>>, vector<512x32xf32>
    %dot_general3A_12 = arith.constant dense<0.000000e+00> : vector<1000x32xf32>
    %dot_general3A_13 = tpu.matmul %get3A_1, %get3A_11, %dot_general3A_12 {dimension_numbers = #tpu.dot_dimension_numbers<[1], [0], [0], [1], [0, 0, 1, 1], [], []>, transpose_lhs_hint = false} : vector<1000x512xf32>, vector<512x32xf32>, vector<1000x32xf32> -> vector<1000x32xf32>
    %get3A_14 = arith.constant 0 : index
    %get3A_15 = vector.load %arg8[%get3A_14] : memref<32xf32, #tpu.memory_space<vmem>>, vector<32xf32>
    %broadcast_in_dim3A_16 = vector.shape_cast %get3A_15 : vector<32xf32> to vector<1x32xf32>
    %add3A_17 = vector.broadcast %broadcast_in_dim3A_16 : vector<1x32xf32> to vector<1000x32xf32>
    %add3A_18 = arith.addf %dot_general3A_13, %add3A_17 : vector<1000x32xf32>
    %slice3A = vector.extract_strided_slice %add3A_18 {offsets = [0, 0], sizes = [1000, 8], strides = [1, 1]} : vector<1000x32xf32> to vector<1000x8xf32>
    %slice3A_19 = vector.extract_strided_slice %add3A_18 {offsets = [0, 8], sizes = [1000, 8], strides = [1, 1]} : vector<1000x32xf32> to vector<1000x8xf32>
    %slice3A_20 = vector.extract_strided_slice %add3A_18 {offsets = [0, 16], sizes = [1000, 8], strides = [1, 1]} : vector<1000x32xf32> to vector<1000x8xf32>
    %slice3A_21 = vector.extract_strided_slice %add3A_18 {offsets = [0, 24], sizes = [1000, 8], strides = [1, 1]} : vector<1000x32xf32> to vector<1000x8xf32>
    %max3A = arith.maximumf %slice3A, %slice3A_19 : vector<1000x8xf32>
    %max3A_22 = arith.maximumf %slice3A_20, %slice3A_21 : vector<1000x8xf32>
    %max3A_23 = arith.maximumf %max3A, %max3A_22 : vector<1000x8xf32>
    %sub3A = arith.subf %slice3A, %max3A_23 : vector<1000x8xf32>
    %exp3A = math.exp %sub3A : vector<1000x8xf32>
    %sub3A_24 = arith.subf %slice3A_19, %max3A_23 : vector<1000x8xf32>
    %exp3A_25 = math.exp %sub3A_24 : vector<1000x8xf32>
    %sub3A_26 = arith.subf %slice3A_20, %max3A_23 : vector<1000x8xf32>
    %exp3A_27 = math.exp %sub3A_26 : vector<1000x8xf32>
    %sub3A_28 = arith.subf %slice3A_21, %max3A_23 : vector<1000x8xf32>
    %exp3A_29 = math.exp %sub3A_28 : vector<1000x8xf32>
    %add3A_30 = arith.addf %exp3A, %exp3A_25 : vector<1000x8xf32>
    %add3A_31 = arith.addf %add3A_30, %exp3A_27 : vector<1000x8xf32>
    %add3A_32 = arith.addf %add3A_31, %exp3A_29 : vector<1000x8xf32>
    %div3A = arith.divf %exp3A, %add3A_32 : vector<1000x8xf32>
    %div3A_33 = arith.divf %exp3A_25, %add3A_32 : vector<1000x8xf32>
    %div3A_34 = arith.divf %exp3A_27, %add3A_32 : vector<1000x8xf32>
    %div3A_35 = arith.divf %exp3A_29, %add3A_32 : vector<1000x8xf32>
    %get3A_36 = arith.constant 0 : index
    %get3A_37 = arith.constant 0 : index
    %get3A_38 = vector.load %arg2[%get3A_36, %get3A_37] : memref<1000x1xi32, #tpu.memory_space<vmem>>, vector<1000x1xi32>
    %convert_element_type3A = arith.sitofp %get3A_38 : vector<1000x1xi32> to vector<1000x1xf32>
    %get3A_39 = arith.constant 0 : index
    %get3A_40 = arith.constant 0 : index
    %get3A_41 = vector.load %arg3[%get3A_39, %get3A_40] : memref<1000x1xi32, #tpu.memory_space<vmem>>, vector<1000x1xi32>
    %convert_element_type3A_42 = arith.sitofp %get3A_41 : vector<1000x1xi32> to vector<1000x1xf32>
    %get3A_43 = arith.constant 0 : index
    %get3A_44 = arith.constant 0 : index
    %get3A_45 = vector.load %arg4[%get3A_43, %get3A_44] : memref<1000x1xi32, #tpu.memory_space<vmem>>, vector<1000x1xi32>
    %iota3A = tpu.iota {dimensions = array<i32: 1>} : vector<1000x8xi32>
    %div3A_46 = arith.constant 2.000000e+02 : f32
    %div3A_47 = vector.broadcast %div3A_46 : f32 to vector<1000x1xf32>
    %div3A_48 = arith.divf %convert_element_type3A, %div3A_47 : vector<1000x1xf32>
    %div3A_49 = arith.constant 2.000000e+02 : f32
    %div3A_50 = vector.broadcast %div3A_49 : f32 to vector<1000x1xf32>
    %div3A_51 = arith.divf %convert_element_type3A_42, %div3A_50 : vector<1000x1xf32>
    %slice3A_52 = vector.extract_strided_slice %add3A_8 {offsets = [0, 0], sizes = [1000, 8], strides = [1, 1]} : vector<1000x64xf32> to vector<1000x8xf32>
    %slice3A_53 = vector.extract_strided_slice %add3A_8 {offsets = [0, 32], sizes = [1000, 8], strides = [1, 1]} : vector<1000x64xf32> to vector<1000x8xf32>
    %div3A_54 = arith.constant 2.000000e+02 : f32
    %div3A_55 = vector.broadcast %div3A_54 : f32 to vector<1000x8xf32>
    %div3A_56 = arith.divf %slice3A_52, %div3A_55 : vector<1000x8xf32>
    %add3A_57 = vector.broadcast %div3A_48 : vector<1000x1xf32> to vector<1000x8xf32>
    %add3A_58 = arith.addf %add3A_57, %div3A_56 : vector<1000x8xf32>
    %mul3A = arith.constant 2.000000e+02 : f32
    %mul3A_59 = vector.broadcast %mul3A : f32 to vector<1000x8xf32>
    %mul3A_60 = arith.mulf %add3A_58, %mul3A_59 : vector<1000x8xf32>
    %sub3A_61 = arith.constant 5.000000e-01 : f32
    %sub3A_62 = vector.broadcast %sub3A_61 : f32 to vector<1000x8xf32>
    %sub3A_63 = arith.subf %mul3A_60, %sub3A_62 : vector<1000x8xf32>
    %div3A_64 = arith.constant 2.000000e+02 : f32
    %div3A_65 = vector.broadcast %div3A_64 : f32 to vector<1000x8xf32>
    %div3A_66 = arith.divf %slice3A_53, %div3A_65 : vector<1000x8xf32>
    %add3A_67 = vector.broadcast %div3A_51 : vector<1000x1xf32> to vector<1000x8xf32>
    %add3A_68 = arith.addf %add3A_67, %div3A_66 : vector<1000x8xf32>
    %mul3A_69 = arith.constant 2.000000e+02 : f32
    %mul3A_70 = vector.broadcast %mul3A_69 : f32 to vector<1000x8xf32>
    %mul3A_71 = arith.mulf %add3A_68, %mul3A_70 : vector<1000x8xf32>
    %sub3A_72 = arith.constant 5.000000e-01 : f32
    %sub3A_73 = vector.broadcast %sub3A_72 : f32 to vector<1000x8xf32>
    %sub3A_74 = arith.subf %mul3A_71, %sub3A_73 : vector<1000x8xf32>
    %floor3A = math.floor %sub3A_63 : vector<1000x8xf32>
    %floor3A_75 = math.floor %sub3A_74 : vector<1000x8xf32>
    %sub3A_76 = arith.subf %sub3A_63, %floor3A : vector<1000x8xf32>
    %sub3A_77 = arith.constant 1.000000e+00 : f32
    %sub3A_78 = vector.broadcast %sub3A_77 : f32 to vector<1000x8xf32>
    %sub3A_79 = arith.subf %sub3A_78, %sub3A_76 : vector<1000x8xf32>
    %sub3A_80 = arith.subf %sub3A_74, %floor3A_75 : vector<1000x8xf32>
    %sub3A_81 = arith.constant 1.000000e+00 : f32
    %sub3A_82 = vector.broadcast %sub3A_81 : f32 to vector<1000x8xf32>
    %sub3A_83 = arith.subf %sub3A_82, %sub3A_80 : vector<1000x8xf32>
    %ge3A = arith.constant 0.000000e+00 : f32
    %ge3A_84 = vector.broadcast %ge3A : f32 to vector<1000x8xf32>
    %ge3A_85 = arith.cmpf oge, %floor3A_75, %ge3A_84 : vector<1000x8xf32>
    %le3A = arith.constant 1.990000e+02 : f32
    %le3A_86 = vector.broadcast %le3A : f32 to vector<1000x8xf32>
    %le3A_87 = arith.cmpf ole, %floor3A_75, %le3A_86 : vector<1000x8xf32>
    %and3A = arith.andi %ge3A_85, %le3A_87 : vector<1000x8xi1>
    %convert_element_type3A_88 = arith.extui %and3A : vector<1000x8xi1> to vector<1000x8xi32>
    %convert_element_type3A_89 = arith.sitofp %convert_element_type3A_88 : vector<1000x8xi32> to vector<1000x8xf32>
    %add3A_90 = arith.constant 1.000000e+00 : f32
    %add3A_91 = vector.broadcast %add3A_90 : f32 to vector<1000x8xf32>
    %add3A_92 = arith.addf %floor3A_75, %add3A_91 : vector<1000x8xf32>
    %ge3A_93 = arith.constant 0.000000e+00 : f32
    %ge3A_94 = vector.broadcast %ge3A_93 : f32 to vector<1000x8xf32>
    %ge3A_95 = arith.cmpf oge, %add3A_92, %ge3A_94 : vector<1000x8xf32>
    %add3A_96 = arith.constant 1.000000e+00 : f32
    %add3A_97 = vector.broadcast %add3A_96 : f32 to vector<1000x8xf32>
    %add3A_98 = arith.addf %floor3A_75, %add3A_97 : vector<1000x8xf32>
    %le3A_99 = arith.constant 1.990000e+02 : f32
    %le3A_100 = vector.broadcast %le3A_99 : f32 to vector<1000x8xf32>
    %le3A_101 = arith.cmpf ole, %add3A_98, %le3A_100 : vector<1000x8xf32>
    %and3A_102 = arith.andi %ge3A_95, %le3A_101 : vector<1000x8xi1>
    %convert_element_type3A_103 = arith.extui %and3A_102 : vector<1000x8xi1> to vector<1000x8xi32>
    %convert_element_type3A_104 = arith.sitofp %convert_element_type3A_103 : vector<1000x8xi32> to vector<1000x8xf32>
    %mul3A_105 = arith.mulf %sub3A_83, %convert_element_type3A_89 : vector<1000x8xf32>
    %eq3A = arith.constant -1.000000e+00 : f32
    %eq3A_106 = vector.broadcast %eq3A : f32 to vector<1000x8xf32>
    %eq3A_107 = arith.cmpf oeq, %floor3A_75, %eq3A_106 : vector<1000x8xf32>
    %convert_element_type3A_108 = arith.extui %eq3A_107 : vector<1000x8xi1> to vector<1000x8xi32>
    %convert_element_type3A_109 = arith.sitofp %convert_element_type3A_108 : vector<1000x8xi32> to vector<1000x8xf32>
    %mul3A_110 = arith.mulf %sub3A_80, %convert_element_type3A_109 : vector<1000x8xf32>
    %add3A_111 = arith.addf %mul3A_105, %mul3A_110 : vector<1000x8xf32>
    %mul3A_112 = arith.mulf %sub3A_80, %convert_element_type3A_104 : vector<1000x8xf32>
    %ge3A_113 = arith.constant 0.000000e+00 : f32
    %ge3A_114 = vector.broadcast %ge3A_113 : f32 to vector<1000x8xf32>
    %ge3A_115 = arith.cmpf oge, %floor3A_75, %ge3A_114 : vector<1000x8xf32>
    %convert_element_type3A_116 = arith.extui %ge3A_115 : vector<1000x8xi1> to vector<1000x8xi32>
    %convert_element_type3A_117 = arith.sitofp %convert_element_type3A_116 : vector<1000x8xi32> to vector<1000x8xf32>
    %mul3A_118 = arith.mulf %mul3A_112, %convert_element_type3A_117 : vector<1000x8xf32>
    %ge3A_119 = arith.constant 0.000000e+00 : f32
    %ge3A_120 = vector.broadcast %ge3A_119 : f32 to vector<1000x8xf32>
    %ge3A_121 = arith.cmpf oge, %floor3A, %ge3A_120 : vector<1000x8xf32>
    %le3A_122 = arith.constant 1.990000e+02 : f32
    %le3A_123 = vector.broadcast %le3A_122 : f32 to vector<1000x8xf32>
    %le3A_124 = arith.cmpf ole, %floor3A, %le3A_123 : vector<1000x8xf32>
    %and3A_125 = arith.andi %ge3A_121, %le3A_124 : vector<1000x8xi1>
    %convert_element_type3A_126 = arith.extui %and3A_125 : vector<1000x8xi1> to vector<1000x8xi32>
    %convert_element_type3A_127 = arith.sitofp %convert_element_type3A_126 : vector<1000x8xi32> to vector<1000x8xf32>
    %add3A_128 = arith.constant 1.000000e+00 : f32
    %add3A_129 = vector.broadcast %add3A_128 : f32 to vector<1000x8xf32>
    %add3A_130 = arith.addf %floor3A, %add3A_129 : vector<1000x8xf32>
    %ge3A_131 = arith.constant 0.000000e+00 : f32
    %ge3A_132 = vector.broadcast %ge3A_131 : f32 to vector<1000x8xf32>
    %ge3A_133 = arith.cmpf oge, %add3A_130, %ge3A_132 : vector<1000x8xf32>
    %add3A_134 = arith.constant 1.000000e+00 : f32
    %add3A_135 = vector.broadcast %add3A_134 : f32 to vector<1000x8xf32>
    %add3A_136 = arith.addf %floor3A, %add3A_135 : vector<1000x8xf32>
    %le3A_137 = arith.constant 1.990000e+02 : f32
    %le3A_138 = vector.broadcast %le3A_137 : f32 to vector<1000x8xf32>
    %le3A_139 = arith.cmpf ole, %add3A_136, %le3A_138 : vector<1000x8xf32>
    %and3A_140 = arith.andi %ge3A_133, %le3A_139 : vector<1000x8xi1>
    %convert_element_type3A_141 = arith.extui %and3A_140 : vector<1000x8xi1> to vector<1000x8xi32>
    %convert_element_type3A_142 = arith.sitofp %convert_element_type3A_141 : vector<1000x8xi32> to vector<1000x8xf32>
    %mul3A_143 = arith.mulf %sub3A_79, %convert_element_type3A_127 : vector<1000x8xf32>
    %eq3A_144 = arith.constant -1.000000e+00 : f32
    %eq3A_145 = vector.broadcast %eq3A_144 : f32 to vector<1000x8xf32>
    %eq3A_146 = arith.cmpf oeq, %floor3A, %eq3A_145 : vector<1000x8xf32>
    %convert_element_type3A_147 = arith.extui %eq3A_146 : vector<1000x8xi1> to vector<1000x8xi32>
    %convert_element_type3A_148 = arith.sitofp %convert_element_type3A_147 : vector<1000x8xi32> to vector<1000x8xf32>
    %mul3A_149 = arith.mulf %sub3A_76, %convert_element_type3A_148 : vector<1000x8xf32>
    %add3A_150 = arith.addf %mul3A_143, %mul3A_149 : vector<1000x8xf32>
    %mul3A_151 = arith.mulf %sub3A_76, %convert_element_type3A_142 : vector<1000x8xf32>
    %ge3A_152 = arith.constant 0.000000e+00 : f32
    %ge3A_153 = vector.broadcast %ge3A_152 : f32 to vector<1000x8xf32>
    %ge3A_154 = arith.cmpf oge, %floor3A, %ge3A_153 : vector<1000x8xf32>
    %convert_element_type3A_155 = arith.extui %ge3A_154 : vector<1000x8xi1> to vector<1000x8xi32>
    %convert_element_type3A_156 = arith.sitofp %convert_element_type3A_155 : vector<1000x8xi32> to vector<1000x8xf32>
    %mul3A_157 = arith.mulf %mul3A_151, %convert_element_type3A_156 : vector<1000x8xf32>
    %jit3A = arith.constant 0 : i32
    %jit3A_158 = arith.constant 199 : i32
    %convert_element_type3A_159 = arith.sitofp %jit3A : i32 to f32
    %max3A_160 = vector.broadcast %convert_element_type3A_159 : f32 to vector<1000x8xf32>
    %max3A_161 = arith.maximumf %max3A_160, %floor3A_75 : vector<1000x8xf32>
    %convert_element_type3A_162 = arith.sitofp %jit3A_158 : i32 to f32
    %min3A = vector.broadcast %convert_element_type3A_162 : f32 to vector<1000x8xf32>
    %min3A_163 = arith.minimumf %min3A, %max3A_161 : vector<1000x8xf32>
    %convert_element_type3A_164 = arith.fptosi %min3A_163 : vector<1000x8xf32> to vector<1000x8xi32>
    %jit3A_165 = arith.constant 0 : i32
    %jit3A_166 = arith.constant 199 : i32
    %convert_element_type3A_167 = arith.sitofp %jit3A_165 : i32 to f32
    %max3A_168 = vector.broadcast %convert_element_type3A_167 : f32 to vector<1000x8xf32>
    %max3A_169 = arith.maximumf %max3A_168, %floor3A : vector<1000x8xf32>
    %convert_element_type3A_170 = arith.sitofp %jit3A_166 : i32 to f32
    %min3A_171 = vector.broadcast %convert_element_type3A_170 : f32 to vector<1000x8xf32>
    %min3A_172 = arith.minimumf %min3A_171, %max3A_169 : vector<1000x8xf32>
    %convert_element_type3A_173 = arith.fptosi %min3A_172 : vector<1000x8xf32> to vector<1000x8xi32>
    %mul3A_174 = arith.constant 200 : i32
    %mul3A_175 = vector.broadcast %mul3A_174 : i32 to vector<1000x1xi32>
    %mul3A_176 = arith.muli %get3A_45, %mul3A_175 : vector<1000x1xi32>
    %add3A_177 = vector.broadcast %mul3A_176 : vector<1000x1xi32> to vector<1000x8xi32>
    %add3A_178 = arith.addi %add3A_177, %convert_element_type3A_164 : vector<1000x8xi32>
    %mul3A_179 = arith.constant 8 : i32
    %mul3A_180 = vector.broadcast %mul3A_179 : i32 to vector<1000x8xi32>
    %mul3A_181 = arith.muli %add3A_178, %mul3A_180 : vector<1000x8xi32>
    %add3A_182 = arith.addi %mul3A_181, %iota3A : vector<1000x8xi32>
    %mul3A_183 = arith.constant 200 : i32
    %mul3A_184 = vector.broadcast %mul3A_183 : i32 to vector<1000x8xi32>
    %mul3A_185 = arith.muli %add3A_182, %mul3A_184 : vector<1000x8xi32>
    %add3A_186 = arith.addi %mul3A_185, %convert_element_type3A_173 : vector<1000x8xi32>
    %mul3A_187 = arith.mulf %div3A, %add3A_150 : vector<1000x8xf32>
    %mul3A_188 = arith.mulf %mul3A_187, %add3A_111 : vector<1000x8xf32>
    %mul3A_189 = arith.mulf %div3A, %mul3A_157 : vector<1000x8xf32>
    %mul3A_190 = arith.mulf %mul3A_189, %add3A_111 : vector<1000x8xf32>
    %mul3A_191 = arith.mulf %div3A, %add3A_150 : vector<1000x8xf32>
    %mul3A_192 = arith.mulf %mul3A_191, %mul3A_118 : vector<1000x8xf32>
    %mul3A_193 = arith.mulf %div3A, %mul3A_157 : vector<1000x8xf32>
    %mul3A_194 = arith.mulf %mul3A_193, %mul3A_118 : vector<1000x8xf32>
    %slice3A_195 = vector.extract_strided_slice %add3A_8 {offsets = [0, 8], sizes = [1000, 8], strides = [1, 1]} : vector<1000x64xf32> to vector<1000x8xf32>
    %slice3A_196 = vector.extract_strided_slice %add3A_8 {offsets = [0, 40], sizes = [1000, 8], strides = [1, 1]} : vector<1000x64xf32> to vector<1000x8xf32>
    %div3A_197 = arith.constant 2.000000e+02 : f32
    %div3A_198 = vector.broadcast %div3A_197 : f32 to vector<1000x8xf32>
    %div3A_199 = arith.divf %slice3A_195, %div3A_198 : vector<1000x8xf32>
    %add3A_200 = vector.broadcast %div3A_48 : vector<1000x1xf32> to vector<1000x8xf32>
    %add3A_201 = arith.addf %add3A_200, %div3A_199 : vector<1000x8xf32>
    %mul3A_202 = arith.constant 2.000000e+02 : f32
    %mul3A_203 = vector.broadcast %mul3A_202 : f32 to vector<1000x8xf32>
    %mul3A_204 = arith.mulf %add3A_201, %mul3A_203 : vector<1000x8xf32>
    %sub3A_205 = arith.constant 5.000000e-01 : f32
    %sub3A_206 = vector.broadcast %sub3A_205 : f32 to vector<1000x8xf32>
    %sub3A_207 = arith.subf %mul3A_204, %sub3A_206 : vector<1000x8xf32>
    %div3A_208 = arith.constant 2.000000e+02 : f32
    %div3A_209 = vector.broadcast %div3A_208 : f32 to vector<1000x8xf32>
    %div3A_210 = arith.divf %slice3A_196, %div3A_209 : vector<1000x8xf32>
    %add3A_211 = vector.broadcast %div3A_51 : vector<1000x1xf32> to vector<1000x8xf32>
    %add3A_212 = arith.addf %add3A_211, %div3A_210 : vector<1000x8xf32>
    %mul3A_213 = arith.constant 2.000000e+02 : f32
    %mul3A_214 = vector.broadcast %mul3A_213 : f32 to vector<1000x8xf32>
    %mul3A_215 = arith.mulf %add3A_212, %mul3A_214 : vector<1000x8xf32>
    %sub3A_216 = arith.constant 5.000000e-01 : f32
    %sub3A_217 = vector.broadcast %sub3A_216 : f32 to vector<1000x8xf32>
    %sub3A_218 = arith.subf %mul3A_215, %sub3A_217 : vector<1000x8xf32>
    %floor3A_219 = math.floor %sub3A_207 : vector<1000x8xf32>
    %floor3A_220 = math.floor %sub3A_218 : vector<1000x8xf32>
    %sub3A_221 = arith.subf %sub3A_207, %floor3A_219 : vector<1000x8xf32>
    %sub3A_222 = arith.constant 1.000000e+00 : f32
    %sub3A_223 = vector.broadcast %sub3A_222 : f32 to vector<1000x8xf32>
    %sub3A_224 = arith.subf %sub3A_223, %sub3A_221 : vector<1000x8xf32>
    %sub3A_225 = arith.subf %sub3A_218, %floor3A_220 : vector<1000x8xf32>
    %sub3A_226 = arith.constant 1.000000e+00 : f32
    %sub3A_227 = vector.broadcast %sub3A_226 : f32 to vector<1000x8xf32>
    %sub3A_228 = arith.subf %sub3A_227, %sub3A_225 : vector<1000x8xf32>
    %ge3A_229 = arith.constant 0.000000e+00 : f32
    %ge3A_230 = vector.broadcast %ge3A_229 : f32 to vector<1000x8xf32>
    %ge3A_231 = arith.cmpf oge, %floor3A_220, %ge3A_230 : vector<1000x8xf32>
    %le3A_232 = arith.constant 1.990000e+02 : f32
    %le3A_233 = vector.broadcast %le3A_232 : f32 to vector<1000x8xf32>
    %le3A_234 = arith.cmpf ole, %floor3A_220, %le3A_233 : vector<1000x8xf32>
    %and3A_235 = arith.andi %ge3A_231, %le3A_234 : vector<1000x8xi1>
    %convert_element_type3A_236 = arith.extui %and3A_235 : vector<1000x8xi1> to vector<1000x8xi32>
    %convert_element_type3A_237 = arith.sitofp %convert_element_type3A_236 : vector<1000x8xi32> to vector<1000x8xf32>
    %add3A_238 = arith.constant 1.000000e+00 : f32
    %add3A_239 = vector.broadcast %add3A_238 : f32 to vector<1000x8xf32>
    %add3A_240 = arith.addf %floor3A_220, %add3A_239 : vector<1000x8xf32>
    %ge3A_241 = arith.constant 0.000000e+00 : f32
    %ge3A_242 = vector.broadcast %ge3A_241 : f32 to vector<1000x8xf32>
    %ge3A_243 = arith.cmpf oge, %add3A_240, %ge3A_242 : vector<1000x8xf32>
    %add3A_244 = arith.constant 1.000000e+00 : f32
    %add3A_245 = vector.broadcast %add3A_244 : f32 to vector<1000x8xf32>
    %add3A_246 = arith.addf %floor3A_220, %add3A_245 : vector<1000x8xf32>
    %le3A_247 = arith.constant 1.990000e+02 : f32
    %le3A_248 = vector.broadcast %le3A_247 : f32 to vector<1000x8xf32>
    %le3A_249 = arith.cmpf ole, %add3A_246, %le3A_248 : vector<1000x8xf32>
    %and3A_250 = arith.andi %ge3A_243, %le3A_249 : vector<1000x8xi1>
    %convert_element_type3A_251 = arith.extui %and3A_250 : vector<1000x8xi1> to vector<1000x8xi32>
    %convert_element_type3A_252 = arith.sitofp %convert_element_type3A_251 : vector<1000x8xi32> to vector<1000x8xf32>
    %mul3A_253 = arith.mulf %sub3A_228, %convert_element_type3A_237 : vector<1000x8xf32>
    %eq3A_254 = arith.constant -1.000000e+00 : f32
    %eq3A_255 = vector.broadcast %eq3A_254 : f32 to vector<1000x8xf32>
    %eq3A_256 = arith.cmpf oeq, %floor3A_220, %eq3A_255 : vector<1000x8xf32>
    %convert_element_type3A_257 = arith.extui %eq3A_256 : vector<1000x8xi1> to vector<1000x8xi32>
    %convert_element_type3A_258 = arith.sitofp %convert_element_type3A_257 : vector<1000x8xi32> to vector<1000x8xf32>
    %mul3A_259 = arith.mulf %sub3A_225, %convert_element_type3A_258 : vector<1000x8xf32>
    %add3A_260 = arith.addf %mul3A_253, %mul3A_259 : vector<1000x8xf32>
    %mul3A_261 = arith.mulf %sub3A_225, %convert_element_type3A_252 : vector<1000x8xf32>
    %ge3A_262 = arith.constant 0.000000e+00 : f32
    %ge3A_263 = vector.broadcast %ge3A_262 : f32 to vector<1000x8xf32>
    %ge3A_264 = arith.cmpf oge, %floor3A_220, %ge3A_263 : vector<1000x8xf32>
    %convert_element_type3A_265 = arith.extui %ge3A_264 : vector<1000x8xi1> to vector<1000x8xi32>
    %convert_element_type3A_266 = arith.sitofp %convert_element_type3A_265 : vector<1000x8xi32> to vector<1000x8xf32>
    %mul3A_267 = arith.mulf %mul3A_261, %convert_element_type3A_266 : vector<1000x8xf32>
    %ge3A_268 = arith.constant 0.000000e+00 : f32
    %ge3A_269 = vector.broadcast %ge3A_268 : f32 to vector<1000x8xf32>
    %ge3A_270 = arith.cmpf oge, %floor3A_219, %ge3A_269 : vector<1000x8xf32>
    %le3A_271 = arith.constant 1.990000e+02 : f32
    %le3A_272 = vector.broadcast %le3A_271 : f32 to vector<1000x8xf32>
    %le3A_273 = arith.cmpf ole, %floor3A_219, %le3A_272 : vector<1000x8xf32>
    %and3A_274 = arith.andi %ge3A_270, %le3A_273 : vector<1000x8xi1>
    %convert_element_type3A_275 = arith.extui %and3A_274 : vector<1000x8xi1> to vector<1000x8xi32>
    %convert_element_type3A_276 = arith.sitofp %convert_element_type3A_275 : vector<1000x8xi32> to vector<1000x8xf32>
    %add3A_277 = arith.constant 1.000000e+00 : f32
    %add3A_278 = vector.broadcast %add3A_277 : f32 to vector<1000x8xf32>
    %add3A_279 = arith.addf %floor3A_219, %add3A_278 : vector<1000x8xf32>
    %ge3A_280 = arith.constant 0.000000e+00 : f32
    %ge3A_281 = vector.broadcast %ge3A_280 : f32 to vector<1000x8xf32>
    %ge3A_282 = arith.cmpf oge, %add3A_279, %ge3A_281 : vector<1000x8xf32>
    %add3A_283 = arith.constant 1.000000e+00 : f32
    %add3A_284 = vector.broadcast %add3A_283 : f32 to vector<1000x8xf32>
    %add3A_285 = arith.addf %floor3A_219, %add3A_284 : vector<1000x8xf32>
    %le3A_286 = arith.constant 1.990000e+02 : f32
    %le3A_287 = vector.broadcast %le3A_286 : f32 to vector<1000x8xf32>
    %le3A_288 = arith.cmpf ole, %add3A_285, %le3A_287 : vector<1000x8xf32>
    %and3A_289 = arith.andi %ge3A_282, %le3A_288 : vector<1000x8xi1>
    %convert_element_type3A_290 = arith.extui %and3A_289 : vector<1000x8xi1> to vector<1000x8xi32>
    %convert_element_type3A_291 = arith.sitofp %convert_element_type3A_290 : vector<1000x8xi32> to vector<1000x8xf32>
    %mul3A_292 = arith.mulf %sub3A_224, %convert_element_type3A_276 : vector<1000x8xf32>
    %eq3A_293 = arith.constant -1.000000e+00 : f32
    %eq3A_294 = vector.broadcast %eq3A_293 : f32 to vector<1000x8xf32>
    %eq3A_295 = arith.cmpf oeq, %floor3A_219, %eq3A_294 : vector<1000x8xf32>
    %convert_element_type3A_296 = arith.extui %eq3A_295 : vector<1000x8xi1> to vector<1000x8xi32>
    %convert_element_type3A_297 = arith.sitofp %convert_element_type3A_296 : vector<1000x8xi32> to vector<1000x8xf32>
    %mul3A_298 = arith.mulf %sub3A_221, %convert_element_type3A_297 : vector<1000x8xf32>
    %add3A_299 = arith.addf %mul3A_292, %mul3A_298 : vector<1000x8xf32>
    %mul3A_300 = arith.mulf %sub3A_221, %convert_element_type3A_291 : vector<1000x8xf32>
    %ge3A_301 = arith.constant 0.000000e+00 : f32
    %ge3A_302 = vector.broadcast %ge3A_301 : f32 to vector<1000x8xf32>
    %ge3A_303 = arith.cmpf oge, %floor3A_219, %ge3A_302 : vector<1000x8xf32>
    %convert_element_type3A_304 = arith.extui %ge3A_303 : vector<1000x8xi1> to vector<1000x8xi32>
    %convert_element_type3A_305 = arith.sitofp %convert_element_type3A_304 : vector<1000x8xi32> to vector<1000x8xf32>
    %mul3A_306 = arith.mulf %mul3A_300, %convert_element_type3A_305 : vector<1000x8xf32>
    %jit3A_307 = arith.constant 0 : i32
    %jit3A_308 = arith.constant 199 : i32
    %convert_element_type3A_309 = arith.sitofp %jit3A_307 : i32 to f32
    %max3A_310 = vector.broadcast %convert_element_type3A_309 : f32 to vector<1000x8xf32>
    %max3A_311 = arith.maximumf %max3A_310, %floor3A_220 : vector<1000x8xf32>
    %convert_element_type3A_312 = arith.sitofp %jit3A_308 : i32 to f32
    %min3A_313 = vector.broadcast %convert_element_type3A_312 : f32 to vector<1000x8xf32>
    %min3A_314 = arith.minimumf %min3A_313, %max3A_311 : vector<1000x8xf32>
    %convert_element_type3A_315 = arith.fptosi %min3A_314 : vector<1000x8xf32> to vector<1000x8xi32>
    %jit3A_316 = arith.constant 0 : i32
    %jit3A_317 = arith.constant 199 : i32
    %convert_element_type3A_318 = arith.sitofp %jit3A_316 : i32 to f32
    %max3A_319 = vector.broadcast %convert_element_type3A_318 : f32 to vector<1000x8xf32>
    %max3A_320 = arith.maximumf %max3A_319, %floor3A_219 : vector<1000x8xf32>
    %convert_element_type3A_321 = arith.sitofp %jit3A_317 : i32 to f32
    %min3A_322 = vector.broadcast %convert_element_type3A_321 : f32 to vector<1000x8xf32>
    %min3A_323 = arith.minimumf %min3A_322, %max3A_320 : vector<1000x8xf32>
    %convert_element_type3A_324 = arith.fptosi %min3A_323 : vector<1000x8xf32> to vector<1000x8xi32>
    %mul3A_325 = arith.constant 200 : i32
    %mul3A_326 = vector.broadcast %mul3A_325 : i32 to vector<1000x1xi32>
    %mul3A_327 = arith.muli %get3A_45, %mul3A_326 : vector<1000x1xi32>
    %add3A_328 = vector.broadcast %mul3A_327 : vector<1000x1xi32> to vector<1000x8xi32>
    %add3A_329 = arith.addi %add3A_328, %convert_element_type3A_315 : vector<1000x8xi32>
    %mul3A_330 = arith.constant 8 : i32
    %mul3A_331 = vector.broadcast %mul3A_330 : i32 to vector<1000x8xi32>
    %mul3A_332 = arith.muli %add3A_329, %mul3A_331 : vector<1000x8xi32>
    %add3A_333 = arith.addi %mul3A_332, %iota3A : vector<1000x8xi32>
    %mul3A_334 = arith.constant 200 : i32
    %mul3A_335 = vector.broadcast %mul3A_334 : i32 to vector<1000x8xi32>
    %mul3A_336 = arith.muli %add3A_333, %mul3A_335 : vector<1000x8xi32>
    %add3A_337 = arith.addi %mul3A_336, %convert_element_type3A_324 : vector<1000x8xi32>
    %mul3A_338 = arith.mulf %div3A_33, %add3A_299 : vector<1000x8xf32>
    %mul3A_339 = arith.mulf %mul3A_338, %add3A_260 : vector<1000x8xf32>
    %mul3A_340 = arith.mulf %div3A_33, %mul3A_306 : vector<1000x8xf32>
    %mul3A_341 = arith.mulf %mul3A_340, %add3A_260 : vector<1000x8xf32>
    %mul3A_342 = arith.mulf %div3A_33, %add3A_299 : vector<1000x8xf32>
    %mul3A_343 = arith.mulf %mul3A_342, %mul3A_267 : vector<1000x8xf32>
    %mul3A_344 = arith.mulf %div3A_33, %mul3A_306 : vector<1000x8xf32>
    %mul3A_345 = arith.mulf %mul3A_344, %mul3A_267 : vector<1000x8xf32>
    %slice3A_346 = vector.extract_strided_slice %add3A_8 {offsets = [0, 16], sizes = [1000, 8], strides = [1, 1]} : vector<1000x64xf32> to vector<1000x8xf32>
    %slice3A_347 = vector.extract_strided_slice %add3A_8 {offsets = [0, 48], sizes = [1000, 8], strides = [1, 1]} : vector<1000x64xf32> to vector<1000x8xf32>
    %div3A_348 = arith.constant 2.000000e+02 : f32
    %div3A_349 = vector.broadcast %div3A_348 : f32 to vector<1000x8xf32>
    %div3A_350 = arith.divf %slice3A_346, %div3A_349 : vector<1000x8xf32>
    %add3A_351 = vector.broadcast %div3A_48 : vector<1000x1xf32> to vector<1000x8xf32>
    %add3A_352 = arith.addf %add3A_351, %div3A_350 : vector<1000x8xf32>
    %mul3A_353 = arith.constant 2.000000e+02 : f32
    %mul3A_354 = vector.broadcast %mul3A_353 : f32 to vector<1000x8xf32>
    %mul3A_355 = arith.mulf %add3A_352, %mul3A_354 : vector<1000x8xf32>
    %sub3A_356 = arith.constant 5.000000e-01 : f32
    %sub3A_357 = vector.broadcast %sub3A_356 : f32 to vector<1000x8xf32>
    %sub3A_358 = arith.subf %mul3A_355, %sub3A_357 : vector<1000x8xf32>
    %div3A_359 = arith.constant 2.000000e+02 : f32
    %div3A_360 = vector.broadcast %div3A_359 : f32 to vector<1000x8xf32>
    %div3A_361 = arith.divf %slice3A_347, %div3A_360 : vector<1000x8xf32>
    %add3A_362 = vector.broadcast %div3A_51 : vector<1000x1xf32> to vector<1000x8xf32>
    %add3A_363 = arith.addf %add3A_362, %div3A_361 : vector<1000x8xf32>
    %mul3A_364 = arith.constant 2.000000e+02 : f32
    %mul3A_365 = vector.broadcast %mul3A_364 : f32 to vector<1000x8xf32>
    %mul3A_366 = arith.mulf %add3A_363, %mul3A_365 : vector<1000x8xf32>
    %sub3A_367 = arith.constant 5.000000e-01 : f32
    %sub3A_368 = vector.broadcast %sub3A_367 : f32 to vector<1000x8xf32>
    %sub3A_369 = arith.subf %mul3A_366, %sub3A_368 : vector<1000x8xf32>
    %floor3A_370 = math.floor %sub3A_358 : vector<1000x8xf32>
    %floor3A_371 = math.floor %sub3A_369 : vector<1000x8xf32>
    %sub3A_372 = arith.subf %sub3A_358, %floor3A_370 : vector<1000x8xf32>
    %sub3A_373 = arith.constant 1.000000e+00 : f32
    %sub3A_374 = vector.broadcast %sub3A_373 : f32 to vector<1000x8xf32>
    %sub3A_375 = arith.subf %sub3A_374, %sub3A_372 : vector<1000x8xf32>
    %sub3A_376 = arith.subf %sub3A_369, %floor3A_371 : vector<1000x8xf32>
    %sub3A_377 = arith.constant 1.000000e+00 : f32
    %sub3A_378 = vector.broadcast %sub3A_377 : f32 to vector<1000x8xf32>
    %sub3A_379 = arith.subf %sub3A_378, %sub3A_376 : vector<1000x8xf32>
    %ge3A_380 = arith.constant 0.000000e+00 : f32
    %ge3A_381 = vector.broadcast %ge3A_380 : f32 to vector<1000x8xf32>
    %ge3A_382 = arith.cmpf oge, %floor3A_371, %ge3A_381 : vector<1000x8xf32>
    %le3A_383 = arith.constant 1.990000e+02 : f32
    %le3A_384 = vector.broadcast %le3A_383 : f32 to vector<1000x8xf32>
    %le3A_385 = arith.cmpf ole, %floor3A_371, %le3A_384 : vector<1000x8xf32>
    %and3A_386 = arith.andi %ge3A_382, %le3A_385 : vector<1000x8xi1>
    %convert_element_type3A_387 = arith.extui %and3A_386 : vector<1000x8xi1> to vector<1000x8xi32>
    %convert_element_type3A_388 = arith.sitofp %convert_element_type3A_387 : vector<1000x8xi32> to vector<1000x8xf32>
    %add3A_389 = arith.constant 1.000000e+00 : f32
    %add3A_390 = vector.broadcast %add3A_389 : f32 to vector<1000x8xf32>
    %add3A_391 = arith.addf %floor3A_371, %add3A_390 : vector<1000x8xf32>
    %ge3A_392 = arith.constant 0.000000e+00 : f32
    %ge3A_393 = vector.broadcast %ge3A_392 : f32 to vector<1000x8xf32>
    %ge3A_394 = arith.cmpf oge, %add3A_391, %ge3A_393 : vector<1000x8xf32>
    %add3A_395 = arith.constant 1.000000e+00 : f32
    %add3A_396 = vector.broadcast %add3A_395 : f32 to vector<1000x8xf32>
    %add3A_397 = arith.addf %floor3A_371, %add3A_396 : vector<1000x8xf32>
    %le3A_398 = arith.constant 1.990000e+02 : f32
    %le3A_399 = vector.broadcast %le3A_398 : f32 to vector<1000x8xf32>
    %le3A_400 = arith.cmpf ole, %add3A_397, %le3A_399 : vector<1000x8xf32>
    %and3A_401 = arith.andi %ge3A_394, %le3A_400 : vector<1000x8xi1>
    %convert_element_type3A_402 = arith.extui %and3A_401 : vector<1000x8xi1> to vector<1000x8xi32>
    %convert_element_type3A_403 = arith.sitofp %convert_element_type3A_402 : vector<1000x8xi32> to vector<1000x8xf32>
    %mul3A_404 = arith.mulf %sub3A_379, %convert_element_type3A_388 : vector<1000x8xf32>
    %eq3A_405 = arith.constant -1.000000e+00 : f32
    %eq3A_406 = vector.broadcast %eq3A_405 : f32 to vector<1000x8xf32>
    %eq3A_407 = arith.cmpf oeq, %floor3A_371, %eq3A_406 : vector<1000x8xf32>
    %convert_element_type3A_408 = arith.extui %eq3A_407 : vector<1000x8xi1> to vector<1000x8xi32>
    %convert_element_type3A_409 = arith.sitofp %convert_element_type3A_408 : vector<1000x8xi32> to vector<1000x8xf32>
    %mul3A_410 = arith.mulf %sub3A_376, %convert_element_type3A_409 : vector<1000x8xf32>
    %add3A_411 = arith.addf %mul3A_404, %mul3A_410 : vector<1000x8xf32>
    %mul3A_412 = arith.mulf %sub3A_376, %convert_element_type3A_403 : vector<1000x8xf32>
    %ge3A_413 = arith.constant 0.000000e+00 : f32
    %ge3A_414 = vector.broadcast %ge3A_413 : f32 to vector<1000x8xf32>
    %ge3A_415 = arith.cmpf oge, %floor3A_371, %ge3A_414 : vector<1000x8xf32>
    %convert_element_type3A_416 = arith.extui %ge3A_415 : vector<1000x8xi1> to vector<1000x8xi32>
    %convert_element_type3A_417 = arith.sitofp %convert_element_type3A_416 : vector<1000x8xi32> to vector<1000x8xf32>
    %mul3A_418 = arith.mulf %mul3A_412, %convert_element_type3A_417 : vector<1000x8xf32>
    %ge3A_419 = arith.constant 0.000000e+00 : f32
    %ge3A_420 = vector.broadcast %ge3A_419 : f32 to vector<1000x8xf32>
    %ge3A_421 = arith.cmpf oge, %floor3A_370, %ge3A_420 : vector<1000x8xf32>
    %le3A_422 = arith.constant 1.990000e+02 : f32
    %le3A_423 = vector.broadcast %le3A_422 : f32 to vector<1000x8xf32>
    %le3A_424 = arith.cmpf ole, %floor3A_370, %le3A_423 : vector<1000x8xf32>
    %and3A_425 = arith.andi %ge3A_421, %le3A_424 : vector<1000x8xi1>
    %convert_element_type3A_426 = arith.extui %and3A_425 : vector<1000x8xi1> to vector<1000x8xi32>
    %convert_element_type3A_427 = arith.sitofp %convert_element_type3A_426 : vector<1000x8xi32> to vector<1000x8xf32>
    %add3A_428 = arith.constant 1.000000e+00 : f32
    %add3A_429 = vector.broadcast %add3A_428 : f32 to vector<1000x8xf32>
    %add3A_430 = arith.addf %floor3A_370, %add3A_429 : vector<1000x8xf32>
    %ge3A_431 = arith.constant 0.000000e+00 : f32
    %ge3A_432 = vector.broadcast %ge3A_431 : f32 to vector<1000x8xf32>
    %ge3A_433 = arith.cmpf oge, %add3A_430, %ge3A_432 : vector<1000x8xf32>
    %add3A_434 = arith.constant 1.000000e+00 : f32
    %add3A_435 = vector.broadcast %add3A_434 : f32 to vector<1000x8xf32>
    %add3A_436 = arith.addf %floor3A_370, %add3A_435 : vector<1000x8xf32>
    %le3A_437 = arith.constant 1.990000e+02 : f32
    %le3A_438 = vector.broadcast %le3A_437 : f32 to vector<1000x8xf32>
    %le3A_439 = arith.cmpf ole, %add3A_436, %le3A_438 : vector<1000x8xf32>
    %and3A_440 = arith.andi %ge3A_433, %le3A_439 : vector<1000x8xi1>
    %convert_element_type3A_441 = arith.extui %and3A_440 : vector<1000x8xi1> to vector<1000x8xi32>
    %convert_element_type3A_442 = arith.sitofp %convert_element_type3A_441 : vector<1000x8xi32> to vector<1000x8xf32>
    %mul3A_443 = arith.mulf %sub3A_375, %convert_element_type3A_427 : vector<1000x8xf32>
    %eq3A_444 = arith.constant -1.000000e+00 : f32
    %eq3A_445 = vector.broadcast %eq3A_444 : f32 to vector<1000x8xf32>
    %eq3A_446 = arith.cmpf oeq, %floor3A_370, %eq3A_445 : vector<1000x8xf32>
    %convert_element_type3A_447 = arith.extui %eq3A_446 : vector<1000x8xi1> to vector<1000x8xi32>
    %convert_element_type3A_448 = arith.sitofp %convert_element_type3A_447 : vector<1000x8xi32> to vector<1000x8xf32>
    %mul3A_449 = arith.mulf %sub3A_372, %convert_element_type3A_448 : vector<1000x8xf32>
    %add3A_450 = arith.addf %mul3A_443, %mul3A_449 : vector<1000x8xf32>
    %mul3A_451 = arith.mulf %sub3A_372, %convert_element_type3A_442 : vector<1000x8xf32>
    %ge3A_452 = arith.constant 0.000000e+00 : f32
    %ge3A_453 = vector.broadcast %ge3A_452 : f32 to vector<1000x8xf32>
    %ge3A_454 = arith.cmpf oge, %floor3A_370, %ge3A_453 : vector<1000x8xf32>
    %convert_element_type3A_455 = arith.extui %ge3A_454 : vector<1000x8xi1> to vector<1000x8xi32>
    %convert_element_type3A_456 = arith.sitofp %convert_element_type3A_455 : vector<1000x8xi32> to vector<1000x8xf32>
    %mul3A_457 = arith.mulf %mul3A_451, %convert_element_type3A_456 : vector<1000x8xf32>
    %jit3A_458 = arith.constant 0 : i32
    %jit3A_459 = arith.constant 199 : i32
    %convert_element_type3A_460 = arith.sitofp %jit3A_458 : i32 to f32
    %max3A_461 = vector.broadcast %convert_element_type3A_460 : f32 to vector<1000x8xf32>
    %max3A_462 = arith.maximumf %max3A_461, %floor3A_371 : vector<1000x8xf32>
    %convert_element_type3A_463 = arith.sitofp %jit3A_459 : i32 to f32
    %min3A_464 = vector.broadcast %convert_element_type3A_463 : f32 to vector<1000x8xf32>
    %min3A_465 = arith.minimumf %min3A_464, %max3A_462 : vector<1000x8xf32>
    %convert_element_type3A_466 = arith.fptosi %min3A_465 : vector<1000x8xf32> to vector<1000x8xi32>
    %jit3A_467 = arith.constant 0 : i32
    %jit3A_468 = arith.constant 199 : i32
    %convert_element_type3A_469 = arith.sitofp %jit3A_467 : i32 to f32
    %max3A_470 = vector.broadcast %convert_element_type3A_469 : f32 to vector<1000x8xf32>
    %max3A_471 = arith.maximumf %max3A_470, %floor3A_370 : vector<1000x8xf32>
    %convert_element_type3A_472 = arith.sitofp %jit3A_468 : i32 to f32
    %min3A_473 = vector.broadcast %convert_element_type3A_472 : f32 to vector<1000x8xf32>
    %min3A_474 = arith.minimumf %min3A_473, %max3A_471 : vector<1000x8xf32>
    %convert_element_type3A_475 = arith.fptosi %min3A_474 : vector<1000x8xf32> to vector<1000x8xi32>
    %mul3A_476 = arith.constant 200 : i32
    %mul3A_477 = vector.broadcast %mul3A_476 : i32 to vector<1000x1xi32>
    %mul3A_478 = arith.muli %get3A_45, %mul3A_477 : vector<1000x1xi32>
    %add3A_479 = vector.broadcast %mul3A_478 : vector<1000x1xi32> to vector<1000x8xi32>
    %add3A_480 = arith.addi %add3A_479, %convert_element_type3A_466 : vector<1000x8xi32>
    %mul3A_481 = arith.constant 8 : i32
    %mul3A_482 = vector.broadcast %mul3A_481 : i32 to vector<1000x8xi32>
    %mul3A_483 = arith.muli %add3A_480, %mul3A_482 : vector<1000x8xi32>
    %add3A_484 = arith.addi %mul3A_483, %iota3A : vector<1000x8xi32>
    %mul3A_485 = arith.constant 200 : i32
    %mul3A_486 = vector.broadcast %mul3A_485 : i32 to vector<1000x8xi32>
    %mul3A_487 = arith.muli %add3A_484, %mul3A_486 : vector<1000x8xi32>
    %add3A_488 = arith.addi %mul3A_487, %convert_element_type3A_475 : vector<1000x8xi32>
    %mul3A_489 = arith.mulf %div3A_34, %add3A_450 : vector<1000x8xf32>
    %mul3A_490 = arith.mulf %mul3A_489, %add3A_411 : vector<1000x8xf32>
    %mul3A_491 = arith.mulf %div3A_34, %mul3A_457 : vector<1000x8xf32>
    %mul3A_492 = arith.mulf %mul3A_491, %add3A_411 : vector<1000x8xf32>
    %mul3A_493 = arith.mulf %div3A_34, %add3A_450 : vector<1000x8xf32>
    %mul3A_494 = arith.mulf %mul3A_493, %mul3A_418 : vector<1000x8xf32>
    %mul3A_495 = arith.mulf %div3A_34, %mul3A_457 : vector<1000x8xf32>
    %mul3A_496 = arith.mulf %mul3A_495, %mul3A_418 : vector<1000x8xf32>
    %slice3A_497 = vector.extract_strided_slice %add3A_8 {offsets = [0, 24], sizes = [1000, 8], strides = [1, 1]} : vector<1000x64xf32> to vector<1000x8xf32>
    %slice3A_498 = vector.extract_strided_slice %add3A_8 {offsets = [0, 56], sizes = [1000, 8], strides = [1, 1]} : vector<1000x64xf32> to vector<1000x8xf32>
    %div3A_499 = arith.constant 2.000000e+02 : f32
    %div3A_500 = vector.broadcast %div3A_499 : f32 to vector<1000x8xf32>
    %div3A_501 = arith.divf %slice3A_497, %div3A_500 : vector<1000x8xf32>
    %add3A_502 = vector.broadcast %div3A_48 : vector<1000x1xf32> to vector<1000x8xf32>
    %add3A_503 = arith.addf %add3A_502, %div3A_501 : vector<1000x8xf32>
    %mul3A_504 = arith.constant 2.000000e+02 : f32
    %mul3A_505 = vector.broadcast %mul3A_504 : f32 to vector<1000x8xf32>
    %mul3A_506 = arith.mulf %add3A_503, %mul3A_505 : vector<1000x8xf32>
    %sub3A_507 = arith.constant 5.000000e-01 : f32
    %sub3A_508 = vector.broadcast %sub3A_507 : f32 to vector<1000x8xf32>
    %sub3A_509 = arith.subf %mul3A_506, %sub3A_508 : vector<1000x8xf32>
    %div3A_510 = arith.constant 2.000000e+02 : f32
    %div3A_511 = vector.broadcast %div3A_510 : f32 to vector<1000x8xf32>
    %div3A_512 = arith.divf %slice3A_498, %div3A_511 : vector<1000x8xf32>
    %add3A_513 = vector.broadcast %div3A_51 : vector<1000x1xf32> to vector<1000x8xf32>
    %add3A_514 = arith.addf %add3A_513, %div3A_512 : vector<1000x8xf32>
    %mul3A_515 = arith.constant 2.000000e+02 : f32
    %mul3A_516 = vector.broadcast %mul3A_515 : f32 to vector<1000x8xf32>
    %mul3A_517 = arith.mulf %add3A_514, %mul3A_516 : vector<1000x8xf32>
    %sub3A_518 = arith.constant 5.000000e-01 : f32
    %sub3A_519 = vector.broadcast %sub3A_518 : f32 to vector<1000x8xf32>
    %sub3A_520 = arith.subf %mul3A_517, %sub3A_519 : vector<1000x8xf32>
    %floor3A_521 = math.floor %sub3A_509 : vector<1000x8xf32>
    %floor3A_522 = math.floor %sub3A_520 : vector<1000x8xf32>
    %sub3A_523 = arith.subf %sub3A_509, %floor3A_521 : vector<1000x8xf32>
    %sub3A_524 = arith.constant 1.000000e+00 : f32
    %sub3A_525 = vector.broadcast %sub3A_524 : f32 to vector<1000x8xf32>
    %sub3A_526 = arith.subf %sub3A_525, %sub3A_523 : vector<1000x8xf32>
    %sub3A_527 = arith.subf %sub3A_520, %floor3A_522 : vector<1000x8xf32>
    %sub3A_528 = arith.constant 1.000000e+00 : f32
    %sub3A_529 = vector.broadcast %sub3A_528 : f32 to vector<1000x8xf32>
    %sub3A_530 = arith.subf %sub3A_529, %sub3A_527 : vector<1000x8xf32>
    %ge3A_531 = arith.constant 0.000000e+00 : f32
    %ge3A_532 = vector.broadcast %ge3A_531 : f32 to vector<1000x8xf32>
    %ge3A_533 = arith.cmpf oge, %floor3A_522, %ge3A_532 : vector<1000x8xf32>
    %le3A_534 = arith.constant 1.990000e+02 : f32
    %le3A_535 = vector.broadcast %le3A_534 : f32 to vector<1000x8xf32>
    %le3A_536 = arith.cmpf ole, %floor3A_522, %le3A_535 : vector<1000x8xf32>
    %and3A_537 = arith.andi %ge3A_533, %le3A_536 : vector<1000x8xi1>
    %convert_element_type3A_538 = arith.extui %and3A_537 : vector<1000x8xi1> to vector<1000x8xi32>
    %convert_element_type3A_539 = arith.sitofp %convert_element_type3A_538 : vector<1000x8xi32> to vector<1000x8xf32>
    %add3A_540 = arith.constant 1.000000e+00 : f32
    %add3A_541 = vector.broadcast %add3A_540 : f32 to vector<1000x8xf32>
    %add3A_542 = arith.addf %floor3A_522, %add3A_541 : vector<1000x8xf32>
    %ge3A_543 = arith.constant 0.000000e+00 : f32
    %ge3A_544 = vector.broadcast %ge3A_543 : f32 to vector<1000x8xf32>
    %ge3A_545 = arith.cmpf oge, %add3A_542, %ge3A_544 : vector<1000x8xf32>
    %add3A_546 = arith.constant 1.000000e+00 : f32
    %add3A_547 = vector.broadcast %add3A_546 : f32 to vector<1000x8xf32>
    %add3A_548 = arith.addf %floor3A_522, %add3A_547 : vector<1000x8xf32>
    %le3A_549 = arith.constant 1.990000e+02 : f32
    %le3A_550 = vector.broadcast %le3A_549 : f32 to vector<1000x8xf32>
    %le3A_551 = arith.cmpf ole, %add3A_548, %le3A_550 : vector<1000x8xf32>
    %and3A_552 = arith.andi %ge3A_545, %le3A_551 : vector<1000x8xi1>
    %convert_element_type3A_553 = arith.extui %and3A_552 : vector<1000x8xi1> to vector<1000x8xi32>
    %convert_element_type3A_554 = arith.sitofp %convert_element_type3A_553 : vector<1000x8xi32> to vector<1000x8xf32>
    %mul3A_555 = arith.mulf %sub3A_530, %convert_element_type3A_539 : vector<1000x8xf32>
    %eq3A_556 = arith.constant -1.000000e+00 : f32
    %eq3A_557 = vector.broadcast %eq3A_556 : f32 to vector<1000x8xf32>
    %eq3A_558 = arith.cmpf oeq, %floor3A_522, %eq3A_557 : vector<1000x8xf32>
    %convert_element_type3A_559 = arith.extui %eq3A_558 : vector<1000x8xi1> to vector<1000x8xi32>
    %convert_element_type3A_560 = arith.sitofp %convert_element_type3A_559 : vector<1000x8xi32> to vector<1000x8xf32>
    %mul3A_561 = arith.mulf %sub3A_527, %convert_element_type3A_560 : vector<1000x8xf32>
    %add3A_562 = arith.addf %mul3A_555, %mul3A_561 : vector<1000x8xf32>
    %mul3A_563 = arith.mulf %sub3A_527, %convert_element_type3A_554 : vector<1000x8xf32>
    %ge3A_564 = arith.constant 0.000000e+00 : f32
    %ge3A_565 = vector.broadcast %ge3A_564 : f32 to vector<1000x8xf32>
    %ge3A_566 = arith.cmpf oge, %floor3A_522, %ge3A_565 : vector<1000x8xf32>
    %convert_element_type3A_567 = arith.extui %ge3A_566 : vector<1000x8xi1> to vector<1000x8xi32>
    %convert_element_type3A_568 = arith.sitofp %convert_element_type3A_567 : vector<1000x8xi32> to vector<1000x8xf32>
    %mul3A_569 = arith.mulf %mul3A_563, %convert_element_type3A_568 : vector<1000x8xf32>
    %ge3A_570 = arith.constant 0.000000e+00 : f32
    %ge3A_571 = vector.broadcast %ge3A_570 : f32 to vector<1000x8xf32>
    %ge3A_572 = arith.cmpf oge, %floor3A_521, %ge3A_571 : vector<1000x8xf32>
    %le3A_573 = arith.constant 1.990000e+02 : f32
    %le3A_574 = vector.broadcast %le3A_573 : f32 to vector<1000x8xf32>
    %le3A_575 = arith.cmpf ole, %floor3A_521, %le3A_574 : vector<1000x8xf32>
    %and3A_576 = arith.andi %ge3A_572, %le3A_575 : vector<1000x8xi1>
    %convert_element_type3A_577 = arith.extui %and3A_576 : vector<1000x8xi1> to vector<1000x8xi32>
    %convert_element_type3A_578 = arith.sitofp %convert_element_type3A_577 : vector<1000x8xi32> to vector<1000x8xf32>
    %add3A_579 = arith.constant 1.000000e+00 : f32
    %add3A_580 = vector.broadcast %add3A_579 : f32 to vector<1000x8xf32>
    %add3A_581 = arith.addf %floor3A_521, %add3A_580 : vector<1000x8xf32>
    %ge3A_582 = arith.constant 0.000000e+00 : f32
    %ge3A_583 = vector.broadcast %ge3A_582 : f32 to vector<1000x8xf32>
    %ge3A_584 = arith.cmpf oge, %add3A_581, %ge3A_583 : vector<1000x8xf32>
    %add3A_585 = arith.constant 1.000000e+00 : f32
    %add3A_586 = vector.broadcast %add3A_585 : f32 to vector<1000x8xf32>
    %add3A_587 = arith.addf %floor3A_521, %add3A_586 : vector<1000x8xf32>
    %le3A_588 = arith.constant 1.990000e+02 : f32
    %le3A_589 = vector.broadcast %le3A_588 : f32 to vector<1000x8xf32>
    %le3A_590 = arith.cmpf ole, %add3A_587, %le3A_589 : vector<1000x8xf32>
    %and3A_591 = arith.andi %ge3A_584, %le3A_590 : vector<1000x8xi1>
    %convert_element_type3A_592 = arith.extui %and3A_591 : vector<1000x8xi1> to vector<1000x8xi32>
    %convert_element_type3A_593 = arith.sitofp %convert_element_type3A_592 : vector<1000x8xi32> to vector<1000x8xf32>
    %mul3A_594 = arith.mulf %sub3A_526, %convert_element_type3A_578 : vector<1000x8xf32>
    %eq3A_595 = arith.constant -1.000000e+00 : f32
    %eq3A_596 = vector.broadcast %eq3A_595 : f32 to vector<1000x8xf32>
    %eq3A_597 = arith.cmpf oeq, %floor3A_521, %eq3A_596 : vector<1000x8xf32>
    %convert_element_type3A_598 = arith.extui %eq3A_597 : vector<1000x8xi1> to vector<1000x8xi32>
    %convert_element_type3A_599 = arith.sitofp %convert_element_type3A_598 : vector<1000x8xi32> to vector<1000x8xf32>
    %mul3A_600 = arith.mulf %sub3A_523, %convert_element_type3A_599 : vector<1000x8xf32>
    %add3A_601 = arith.addf %mul3A_594, %mul3A_600 : vector<1000x8xf32>
    %mul3A_602 = arith.mulf %sub3A_523, %convert_element_type3A_593 : vector<1000x8xf32>
    %ge3A_603 = arith.constant 0.000000e+00 : f32
    %ge3A_604 = vector.broadcast %ge3A_603 : f32 to vector<1000x8xf32>
    %ge3A_605 = arith.cmpf oge, %floor3A_521, %ge3A_604 : vector<1000x8xf32>
    %convert_element_type3A_606 = arith.extui %ge3A_605 : vector<1000x8xi1> to vector<1000x8xi32>
    %convert_element_type3A_607 = arith.sitofp %convert_element_type3A_606 : vector<1000x8xi32> to vector<1000x8xf32>
    %mul3A_608 = arith.mulf %mul3A_602, %convert_element_type3A_607 : vector<1000x8xf32>
    %jit3A_609 = arith.constant 0 : i32
    %jit3A_610 = arith.constant 199 : i32
    %convert_element_type3A_611 = arith.sitofp %jit3A_609 : i32 to f32
    %max3A_612 = vector.broadcast %convert_element_type3A_611 : f32 to vector<1000x8xf32>
    %max3A_613 = arith.maximumf %max3A_612, %floor3A_522 : vector<1000x8xf32>
    %convert_element_type3A_614 = arith.sitofp %jit3A_610 : i32 to f32
    %min3A_615 = vector.broadcast %convert_element_type3A_614 : f32 to vector<1000x8xf32>
    %min3A_616 = arith.minimumf %min3A_615, %max3A_613 : vector<1000x8xf32>
    %convert_element_type3A_617 = arith.fptosi %min3A_616 : vector<1000x8xf32> to vector<1000x8xi32>
    %jit3A_618 = arith.constant 0 : i32
    %jit3A_619 = arith.constant 199 : i32
    %convert_element_type3A_620 = arith.sitofp %jit3A_618 : i32 to f32
    %max3A_621 = vector.broadcast %convert_element_type3A_620 : f32 to vector<1000x8xf32>
    %max3A_622 = arith.maximumf %max3A_621, %floor3A_521 : vector<1000x8xf32>
    %convert_element_type3A_623 = arith.sitofp %jit3A_619 : i32 to f32
    %min3A_624 = vector.broadcast %convert_element_type3A_623 : f32 to vector<1000x8xf32>
    %min3A_625 = arith.minimumf %min3A_624, %max3A_622 : vector<1000x8xf32>
    %convert_element_type3A_626 = arith.fptosi %min3A_625 : vector<1000x8xf32> to vector<1000x8xi32>
    %mul3A_627 = arith.constant 200 : i32
    %mul3A_628 = vector.broadcast %mul3A_627 : i32 to vector<1000x1xi32>
    %mul3A_629 = arith.muli %get3A_45, %mul3A_628 : vector<1000x1xi32>
    %add3A_630 = vector.broadcast %mul3A_629 : vector<1000x1xi32> to vector<1000x8xi32>
    %add3A_631 = arith.addi %add3A_630, %convert_element_type3A_617 : vector<1000x8xi32>
    %mul3A_632 = arith.constant 8 : i32
    %mul3A_633 = vector.broadcast %mul3A_632 : i32 to vector<1000x8xi32>
    %mul3A_634 = arith.muli %add3A_631, %mul3A_633 : vector<1000x8xi32>
    %add3A_635 = arith.addi %mul3A_634, %iota3A : vector<1000x8xi32>
    %mul3A_636 = arith.constant 200 : i32
    %mul3A_637 = vector.broadcast %mul3A_636 : i32 to vector<1000x8xi32>
    %mul3A_638 = arith.muli %add3A_635, %mul3A_637 : vector<1000x8xi32>
    %add3A_639 = arith.addi %mul3A_638, %convert_element_type3A_626 : vector<1000x8xi32>
    %mul3A_640 = arith.mulf %div3A_35, %add3A_601 : vector<1000x8xf32>
    %mul3A_641 = arith.mulf %mul3A_640, %add3A_562 : vector<1000x8xf32>
    %mul3A_642 = arith.mulf %div3A_35, %mul3A_608 : vector<1000x8xf32>
    %mul3A_643 = arith.mulf %mul3A_642, %add3A_562 : vector<1000x8xf32>
    %mul3A_644 = arith.mulf %div3A_35, %add3A_601 : vector<1000x8xf32>
    %mul3A_645 = arith.mulf %mul3A_644, %mul3A_569 : vector<1000x8xf32>
    %mul3A_646 = arith.mulf %div3A_35, %mul3A_608 : vector<1000x8xf32>
    %mul3A_647 = arith.mulf %mul3A_646, %mul3A_569 : vector<1000x8xf32>
    %concatenate3A = tpu.concatenate %add3A_186, %add3A_337, %add3A_488, %add3A_639 in 1 : vector<1000x8xi32>, vector<1000x8xi32>, vector<1000x8xi32>, vector<1000x8xi32> -> vector<1000x32xi32>
    %swap3A = arith.constant 0 : index
    %swap3A_648 = arith.constant 0 : index
    %swap3A_649 = vector.load %arg9[%swap3A, %swap3A_648] : memref<1000x32xi32, #tpu.memory_space<vmem>>, vector<1000x32xi32>
    tpu.vector_store %arg9[%swap3A, %swap3A_648], %concatenate3A {strides = array<i32>} : memref<1000x32xi32, #tpu.memory_space<vmem>>, vector<1000x32xi32>,
    %concatenate3A_650 = tpu.concatenate %mul3A_188, %mul3A_339, %mul3A_490, %mul3A_641, %mul3A_190, %mul3A_341, %mul3A_492, %mul3A_643, %mul3A_192, %mul3A_343, %mul3A_494, %mul3A_645, %mul3A_194, %mul3A_345, %mul3A_496, %mul3A_647 in 1 : vector<1000x8xf32>, vector<1000x8xf32>, vector<1000x8xf32>, vector<1000x8xf32>, vector<1000x8xf32>, vector<1000x8xf32>, vector<1000x8xf32>, vector<1000x8xf32>, vector<1000x8xf32>, vector<1000x8xf32>, vector<1000x8xf32>, vector<1000x8xf32>, vector<1000x8xf32>, vector<1000x8xf32>, vector<1000x8xf32>, vector<1000x8xf32> -> vector<1000x128xf32>
    %swap3A_651 = arith.constant 0 : index
    %swap3A_652 = arith.constant 0 : index
    %swap3A_653 = vector.load %arg10[%swap3A_651, %swap3A_652] : memref<1000x128xf32, #tpu.memory_space<vmem>>, vector<1000x128xf32>
    tpu.vector_store %arg10[%swap3A_651, %swap3A_652], %concatenate3A_650 {strides = array<i32>} : memref<1000x128xf32, #tpu.memory_space<vmem>>, vector<1000x128xf32>,
    return
  }
  func.func @transform_0(%arg0: i32) -> (i32, i32) {
    %c0_i32 = arith.constant 0 : i32
    %c0_i32_0 = arith.constant 0 : i32
    return %arg0, %c0_i32 : i32, i32
  }
  func.func @transform_1(%arg0: i32) -> (i32, i32) {
    %c0_i32 = arith.constant 0 : i32
    %c0_i32_0 = arith.constant 0 : i32
    return %arg0, %c0_i32 : i32, i32
  }
  func.func @transform_2(%arg0: i32) -> (i32, i32) {
    %c0_i32 = arith.constant 0 : i32
    %c0_i32_0 = arith.constant 0 : i32
    return %arg0, %c0_i32 : i32, i32
  }
  func.func @transform_3(%arg0: i32) -> (i32, i32) {
    %c0_i32 = arith.constant 0 : i32
    %c0_i32_0 = arith.constant 0 : i32
    return %arg0, %c0_i32 : i32, i32
  }
  func.func @transform_4(%arg0: i32) -> (i32, i32) {
    %c0_i32 = arith.constant 0 : i32
    %c0_i32_0 = arith.constant 0 : i32
    %c0_i32_1 = arith.constant 0 : i32
    return %c0_i32, %c0_i32_0 : i32, i32
  }
  func.func @transform_5(%arg0: i32) -> i32 {
    %c0_i32 = arith.constant 0 : i32
    %c0_i32_0 = arith.constant 0 : i32
    return %c0_i32 : i32
  }
  func.func @transform_6(%arg0: i32) -> (i32, i32) {
    %c0_i32 = arith.constant 0 : i32
    %c0_i32_0 = arith.constant 0 : i32
    %c0_i32_1 = arith.constant 0 : i32
    return %c0_i32, %c0_i32_0 : i32, i32
  }
  func.func @transform_7(%arg0: i32) -> i32 {
    %c0_i32 = arith.constant 0 : i32
    %c0_i32_0 = arith.constant 0 : i32
    return %c0_i32 : i32
  }
  func.func @transform_8(%arg0: i32) -> (i32, i32) {
    %c0_i32 = arith.constant 0 : i32
    %c0_i32_0 = arith.constant 0 : i32
    return %arg0, %c0_i32 : i32, i32
  }
  func.func @transform_9(%arg0: i32) -> (i32, i32) {
    %c0_i32 = arith.constant 0 : i32
    %c0_i32_0 = arith.constant 0 : i32
    return %arg0, %c0_i32 : i32, i32
  }
}

module attributes {stable_mosaic.version = 14 : i64} {
  func.func @_val_proj_body(%arg0: i32, %arg1: i32, %arg2: memref<1x512x8x200xf32, #tpu.memory_space<vmem>>, %arg3: memref<1x512x8x200xf32, #tpu.memory_space<vmem>>, %arg4: memref<512x512xf32, #tpu.memory_space<vmem>>, %arg5: memref<512xf32, #tpu.memory_space<vmem>>, %arg6: memref<12800x128xi32, #tpu.memory_space<vmem>>) attributes {dimension_semantics = [#tpu.dimension_semantics<arbitrary>, #tpu.dimension_semantics<arbitrary>], iteration_bounds = array<i64: 2, 25>, scalar_prefetch = 0 : i64, scratch_operands = 0 : i64, tpu.core_type = #tpu.core_type<tc>, window_params = [{transform_indices = @transform_0, window_bounds = array<i64: 1, 512, 8, 200>}, {transform_indices = @transform_1, window_bounds = array<i64: 1, 512, 8, 200>}, {pipeline_mode = #tpu.pipeline_mode<synchronous>, transform_indices = @transform_2, window_bounds = array<i64: 512, 512>}, {pipeline_mode = #tpu.pipeline_mode<synchronous>, transform_indices = @transform_3, window_bounds = array<i64: 512>}, {transform_indices = @transform_4, window_bounds = array<i64: 12800, 128>}]} {
    %get3A = arith.constant 0 : index
    %get3A_0 = vector.load %arg5[%get3A] : memref<512xf32, #tpu.memory_space<vmem>>, vector<512xf32>
    %broadcast_in_dim3A = vector.shape_cast %get3A_0 : vector<512xf32> to vector<1x512xf32>
    %get3A_1 = arith.constant 0 : index
    %get3A_2 = arith.constant 0 : index
    %get3A_3 = vector.load %arg4[%get3A_1, %get3A_2] : memref<512x512xf32, #tpu.memory_space<vmem>>, vector<512x512xf32>
    %convert_element_type3A = arith.truncf %get3A_3 : vector<512x512xf32> to vector<512x512xbf16>
    %get3A_4 = arith.constant 0 : index
    %get3A_5 = arith.constant 0 : index
    %get3A_6 = arith.constant 0 : index
    %get3A_7 = arith.constant 0 : index
    %get3A_8 = vector.load %arg2[%get3A_4, %get3A_5, %get3A_6, %get3A_7] : memref<1x512x8x200xf32, #tpu.memory_space<vmem>>, vector<1x512x1x200xf32>
    %get3A_9 = vector.shape_cast %get3A_8 : vector<1x512x1x200xf32> to vector<512x200xf32>
    %convert_element_type3A_10 = arith.truncf %get3A_9 : vector<512x200xf32> to vector<512x200xbf16>
    %dot_general3A = arith.constant dense<0.000000e+00> : vector<200x512xf32>
    %dot_general3A_11 = tpu.matmul %convert_element_type3A_10, %convert_element_type3A, %dot_general3A {dimension_numbers = #tpu.dot_dimension_numbers<[0], [0], [1], [1], [0, 1, 1, 1], [], []>, transpose_lhs_hint = false} : vector<512x200xbf16>, vector<512x512xbf16>, vector<200x512xf32> -> vector<200x512xf32>
    %add3A = vector.broadcast %broadcast_in_dim3A : vector<1x512xf32> to vector<200x512xf32>
    %add3A_12 = arith.addf %dot_general3A_11, %add3A : vector<200x512xf32>
    %get3A_13 = arith.constant 0 : index
    %get3A_14 = arith.constant 0 : index
    %get3A_15 = arith.constant 1 : index
    %get3A_16 = arith.constant 0 : index
    %get3A_17 = vector.load %arg2[%get3A_13, %get3A_14, %get3A_15, %get3A_16] : memref<1x512x8x200xf32, #tpu.memory_space<vmem>>, vector<1x512x1x200xf32>
    %get3A_18 = vector.shape_cast %get3A_17 : vector<1x512x1x200xf32> to vector<512x200xf32>
    %convert_element_type3A_19 = arith.truncf %get3A_18 : vector<512x200xf32> to vector<512x200xbf16>
    %dot_general3A_20 = arith.constant dense<0.000000e+00> : vector<200x512xf32>
    %dot_general3A_21 = tpu.matmul %convert_element_type3A_19, %convert_element_type3A, %dot_general3A_20 {dimension_numbers = #tpu.dot_dimension_numbers<[0], [0], [1], [1], [0, 1, 1, 1], [], []>, transpose_lhs_hint = false} : vector<512x200xbf16>, vector<512x512xbf16>, vector<200x512xf32> -> vector<200x512xf32>
    %add3A_22 = vector.broadcast %broadcast_in_dim3A : vector<1x512xf32> to vector<200x512xf32>
    %add3A_23 = arith.addf %dot_general3A_21, %add3A_22 : vector<200x512xf32>
    %get3A_24 = arith.constant 0 : index
    %get3A_25 = arith.constant 0 : index
    %get3A_26 = arith.constant 2 : index
    %get3A_27 = arith.constant 0 : index
    %get3A_28 = vector.load %arg2[%get3A_24, %get3A_25, %get3A_26, %get3A_27] : memref<1x512x8x200xf32, #tpu.memory_space<vmem>>, vector<1x512x1x200xf32>
    %get3A_29 = vector.shape_cast %get3A_28 : vector<1x512x1x200xf32> to vector<512x200xf32>
    %convert_element_type3A_30 = arith.truncf %get3A_29 : vector<512x200xf32> to vector<512x200xbf16>
    %dot_general3A_31 = arith.constant dense<0.000000e+00> : vector<200x512xf32>
    %dot_general3A_32 = tpu.matmul %convert_element_type3A_30, %convert_element_type3A, %dot_general3A_31 {dimension_numbers = #tpu.dot_dimension_numbers<[0], [0], [1], [1], [0, 1, 1, 1], [], []>, transpose_lhs_hint = false} : vector<512x200xbf16>, vector<512x512xbf16>, vector<200x512xf32> -> vector<200x512xf32>
    %add3A_33 = vector.broadcast %broadcast_in_dim3A : vector<1x512xf32> to vector<200x512xf32>
    %add3A_34 = arith.addf %dot_general3A_32, %add3A_33 : vector<200x512xf32>
    %get3A_35 = arith.constant 0 : index
    %get3A_36 = arith.constant 0 : index
    %get3A_37 = arith.constant 3 : index
    %get3A_38 = arith.constant 0 : index
    %get3A_39 = vector.load %arg2[%get3A_35, %get3A_36, %get3A_37, %get3A_38] : memref<1x512x8x200xf32, #tpu.memory_space<vmem>>, vector<1x512x1x200xf32>
    %get3A_40 = vector.shape_cast %get3A_39 : vector<1x512x1x200xf32> to vector<512x200xf32>
    %convert_element_type3A_41 = arith.truncf %get3A_40 : vector<512x200xf32> to vector<512x200xbf16>
    %dot_general3A_42 = arith.constant dense<0.000000e+00> : vector<200x512xf32>
    %dot_general3A_43 = tpu.matmul %convert_element_type3A_41, %convert_element_type3A, %dot_general3A_42 {dimension_numbers = #tpu.dot_dimension_numbers<[0], [0], [1], [1], [0, 1, 1, 1], [], []>, transpose_lhs_hint = false} : vector<512x200xbf16>, vector<512x512xbf16>, vector<200x512xf32> -> vector<200x512xf32>
    %add3A_44 = vector.broadcast %broadcast_in_dim3A : vector<1x512xf32> to vector<200x512xf32>
    %add3A_45 = arith.addf %dot_general3A_43, %add3A_44 : vector<200x512xf32>
    %get3A_46 = arith.constant 0 : index
    %get3A_47 = arith.constant 0 : index
    %get3A_48 = arith.constant 4 : index
    %get3A_49 = arith.constant 0 : index
    %get3A_50 = vector.load %arg2[%get3A_46, %get3A_47, %get3A_48, %get3A_49] : memref<1x512x8x200xf32, #tpu.memory_space<vmem>>, vector<1x512x1x200xf32>
    %get3A_51 = vector.shape_cast %get3A_50 : vector<1x512x1x200xf32> to vector<512x200xf32>
    %convert_element_type3A_52 = arith.truncf %get3A_51 : vector<512x200xf32> to vector<512x200xbf16>
    %dot_general3A_53 = arith.constant dense<0.000000e+00> : vector<200x512xf32>
    %dot_general3A_54 = tpu.matmul %convert_element_type3A_52, %convert_element_type3A, %dot_general3A_53 {dimension_numbers = #tpu.dot_dimension_numbers<[0], [0], [1], [1], [0, 1, 1, 1], [], []>, transpose_lhs_hint = false} : vector<512x200xbf16>, vector<512x512xbf16>, vector<200x512xf32> -> vector<200x512xf32>
    %add3A_55 = vector.broadcast %broadcast_in_dim3A : vector<1x512xf32> to vector<200x512xf32>
    %add3A_56 = arith.addf %dot_general3A_54, %add3A_55 : vector<200x512xf32>
    %get3A_57 = arith.constant 0 : index
    %get3A_58 = arith.constant 0 : index
    %get3A_59 = arith.constant 5 : index
    %get3A_60 = arith.constant 0 : index
    %get3A_61 = vector.load %arg2[%get3A_57, %get3A_58, %get3A_59, %get3A_60] : memref<1x512x8x200xf32, #tpu.memory_space<vmem>>, vector<1x512x1x200xf32>
    %get3A_62 = vector.shape_cast %get3A_61 : vector<1x512x1x200xf32> to vector<512x200xf32>
    %convert_element_type3A_63 = arith.truncf %get3A_62 : vector<512x200xf32> to vector<512x200xbf16>
    %dot_general3A_64 = arith.constant dense<0.000000e+00> : vector<200x512xf32>
    %dot_general3A_65 = tpu.matmul %convert_element_type3A_63, %convert_element_type3A, %dot_general3A_64 {dimension_numbers = #tpu.dot_dimension_numbers<[0], [0], [1], [1], [0, 1, 1, 1], [], []>, transpose_lhs_hint = false} : vector<512x200xbf16>, vector<512x512xbf16>, vector<200x512xf32> -> vector<200x512xf32>
    %add3A_66 = vector.broadcast %broadcast_in_dim3A : vector<1x512xf32> to vector<200x512xf32>
    %add3A_67 = arith.addf %dot_general3A_65, %add3A_66 : vector<200x512xf32>
    %get3A_68 = arith.constant 0 : index
    %get3A_69 = arith.constant 0 : index
    %get3A_70 = arith.constant 6 : index
    %get3A_71 = arith.constant 0 : index
    %get3A_72 = vector.load %arg2[%get3A_68, %get3A_69, %get3A_70, %get3A_71] : memref<1x512x8x200xf32, #tpu.memory_space<vmem>>, vector<1x512x1x200xf32>
    %get3A_73 = vector.shape_cast %get3A_72 : vector<1x512x1x200xf32> to vector<512x200xf32>
    %convert_element_type3A_74 = arith.truncf %get3A_73 : vector<512x200xf32> to vector<512x200xbf16>
    %dot_general3A_75 = arith.constant dense<0.000000e+00> : vector<200x512xf32>
    %dot_general3A_76 = tpu.matmul %convert_element_type3A_74, %convert_element_type3A, %dot_general3A_75 {dimension_numbers = #tpu.dot_dimension_numbers<[0], [0], [1], [1], [0, 1, 1, 1], [], []>, transpose_lhs_hint = false} : vector<512x200xbf16>, vector<512x512xbf16>, vector<200x512xf32> -> vector<200x512xf32>
    %add3A_77 = vector.broadcast %broadcast_in_dim3A : vector<1x512xf32> to vector<200x512xf32>
    %add3A_78 = arith.addf %dot_general3A_76, %add3A_77 : vector<200x512xf32>
    %get3A_79 = arith.constant 0 : index
    %get3A_80 = arith.constant 0 : index
    %get3A_81 = arith.constant 7 : index
    %get3A_82 = arith.constant 0 : index
    %get3A_83 = vector.load %arg2[%get3A_79, %get3A_80, %get3A_81, %get3A_82] : memref<1x512x8x200xf32, #tpu.memory_space<vmem>>, vector<1x512x1x200xf32>
    %get3A_84 = vector.shape_cast %get3A_83 : vector<1x512x1x200xf32> to vector<512x200xf32>
    %convert_element_type3A_85 = arith.truncf %get3A_84 : vector<512x200xf32> to vector<512x200xbf16>
    %dot_general3A_86 = arith.constant dense<0.000000e+00> : vector<200x512xf32>
    %dot_general3A_87 = tpu.matmul %convert_element_type3A_85, %convert_element_type3A, %dot_general3A_86 {dimension_numbers = #tpu.dot_dimension_numbers<[0], [0], [1], [1], [0, 1, 1, 1], [], []>, transpose_lhs_hint = false} : vector<512x200xbf16>, vector<512x512xbf16>, vector<200x512xf32> -> vector<200x512xf32>
    %add3A_88 = vector.broadcast %broadcast_in_dim3A : vector<1x512xf32> to vector<200x512xf32>
    %add3A_89 = arith.addf %dot_general3A_87, %add3A_88 : vector<200x512xf32>
    %eq3A = arith.constant 24 : i32
    %eq3A_90 = arith.cmpi eq, %arg1, %eq3A : i32
    %get3A_91 = arith.constant 0 : index
    %get3A_92 = arith.constant 0 : index
    %get3A_93 = arith.constant 7 : index
    %get3A_94 = arith.constant 0 : index
    %get3A_95 = vector.load %arg2[%get3A_91, %get3A_92, %get3A_93, %get3A_94] : memref<1x512x8x200xf32, #tpu.memory_space<vmem>>, vector<1x512x1x200xf32>
    %get3A_96 = vector.shape_cast %get3A_95 : vector<1x512x1x200xf32> to vector<512x200xf32>
    %get3A_97 = arith.constant 0 : index
    %get3A_98 = arith.constant 0 : index
    %get3A_99 = arith.constant 0 : index
    %get3A_100 = arith.constant 0 : index
    %get3A_101 = vector.load %arg3[%get3A_97, %get3A_98, %get3A_99, %get3A_100] : memref<1x512x8x200xf32, #tpu.memory_space<vmem>>, vector<1x512x1x200xf32>
    %get3A_102 = vector.shape_cast %get3A_101 : vector<1x512x1x200xf32> to vector<512x200xf32>
    %select_n3A = arith.select %eq3A_90, %get3A_96, %get3A_102 : vector<512x200xf32>
    %convert_element_type3A_103 = arith.truncf %select_n3A : vector<512x200xf32> to vector<512x200xbf16>
    %dot_general3A_104 = arith.constant dense<0.000000e+00> : vector<200x512xf32>
    %dot_general3A_105 = tpu.matmul %convert_element_type3A_103, %convert_element_type3A, %dot_general3A_104 {dimension_numbers = #tpu.dot_dimension_numbers<[0], [0], [1], [1], [0, 1, 1, 1], [], []>, transpose_lhs_hint = false} : vector<512x200xbf16>, vector<512x512xbf16>, vector<200x512xf32> -> vector<200x512xf32>
    %add3A_106 = vector.broadcast %broadcast_in_dim3A : vector<1x512xf32> to vector<200x512xf32>
    %add3A_107 = arith.addf %dot_general3A_105, %add3A_106 : vector<200x512xf32>
    %convert_element_type3A_108 = arith.truncf %add3A_12 : vector<200x512xf32> to vector<200x512xbf16>
    %bitcast_convert_type3A = tpu.bitcast %convert_element_type3A_108 : vector<200x512xbf16> -> vector<200x512xi16>
    %convert_element_type3A_109 = arith.extui %bitcast_convert_type3A : vector<200x512xi16> to vector<200x512xi32>
    %slice3A = vector.extract_strided_slice %convert_element_type3A_109 {offsets = [1, 0], sizes = [199, 512], strides = [1, 1]} : vector<200x512xi32> to vector<199x512xi32>
    %slice3A_110 = vector.extract_strided_slice %convert_element_type3A_109 {offsets = [199, 0], sizes = [1, 512], strides = [1, 1]} : vector<200x512xi32> to vector<1x512xi32>
    %concatenate3A = tpu.concatenate %slice3A, %slice3A_110 in 0 : vector<199x512xi32>, vector<1x512xi32> -> vector<200x512xi32>
    %shift_left3A = arith.constant 16 : i32
    %shift_left3A_111 = vector.broadcast %shift_left3A : i32 to vector<200x512xi32>
    %shift_left3A_112 = arith.shli %concatenate3A, %shift_left3A_111 : vector<200x512xi32>
    %or3A = arith.ori %convert_element_type3A_109, %shift_left3A_112 : vector<200x512xi32>
    %convert_element_type3A_113 = arith.truncf %add3A_23 : vector<200x512xf32> to vector<200x512xbf16>
    %bitcast_convert_type3A_114 = tpu.bitcast %convert_element_type3A_113 : vector<200x512xbf16> -> vector<200x512xi16>
    %convert_element_type3A_115 = arith.extui %bitcast_convert_type3A_114 : vector<200x512xi16> to vector<200x512xi32>
    %slice3A_116 = vector.extract_strided_slice %convert_element_type3A_115 {offsets = [1, 0], sizes = [199, 512], strides = [1, 1]} : vector<200x512xi32> to vector<199x512xi32>
    %slice3A_117 = vector.extract_strided_slice %convert_element_type3A_115 {offsets = [199, 0], sizes = [1, 512], strides = [1, 1]} : vector<200x512xi32> to vector<1x512xi32>
    %concatenate3A_118 = tpu.concatenate %slice3A_116, %slice3A_117 in 0 : vector<199x512xi32>, vector<1x512xi32> -> vector<200x512xi32>
    %shift_left3A_119 = arith.constant 16 : i32
    %shift_left3A_120 = vector.broadcast %shift_left3A_119 : i32 to vector<200x512xi32>
    %shift_left3A_121 = arith.shli %concatenate3A_118, %shift_left3A_120 : vector<200x512xi32>
    %or3A_122 = arith.ori %convert_element_type3A_115, %shift_left3A_121 : vector<200x512xi32>
    %convert_element_type3A_123 = arith.truncf %add3A_34 : vector<200x512xf32> to vector<200x512xbf16>
    %bitcast_convert_type3A_124 = tpu.bitcast %convert_element_type3A_123 : vector<200x512xbf16> -> vector<200x512xi16>
    %convert_element_type3A_125 = arith.extui %bitcast_convert_type3A_124 : vector<200x512xi16> to vector<200x512xi32>
    %slice3A_126 = vector.extract_strided_slice %convert_element_type3A_125 {offsets = [1, 0], sizes = [199, 512], strides = [1, 1]} : vector<200x512xi32> to vector<199x512xi32>
    %slice3A_127 = vector.extract_strided_slice %convert_element_type3A_125 {offsets = [199, 0], sizes = [1, 512], strides = [1, 1]} : vector<200x512xi32> to vector<1x512xi32>
    %concatenate3A_128 = tpu.concatenate %slice3A_126, %slice3A_127 in 0 : vector<199x512xi32>, vector<1x512xi32> -> vector<200x512xi32>
    %shift_left3A_129 = arith.constant 16 : i32
    %shift_left3A_130 = vector.broadcast %shift_left3A_129 : i32 to vector<200x512xi32>
    %shift_left3A_131 = arith.shli %concatenate3A_128, %shift_left3A_130 : vector<200x512xi32>
    %or3A_132 = arith.ori %convert_element_type3A_125, %shift_left3A_131 : vector<200x512xi32>
    %convert_element_type3A_133 = arith.truncf %add3A_45 : vector<200x512xf32> to vector<200x512xbf16>
    %bitcast_convert_type3A_134 = tpu.bitcast %convert_element_type3A_133 : vector<200x512xbf16> -> vector<200x512xi16>
    %convert_element_type3A_135 = arith.extui %bitcast_convert_type3A_134 : vector<200x512xi16> to vector<200x512xi32>
    %slice3A_136 = vector.extract_strided_slice %convert_element_type3A_135 {offsets = [1, 0], sizes = [199, 512], strides = [1, 1]} : vector<200x512xi32> to vector<199x512xi32>
    %slice3A_137 = vector.extract_strided_slice %convert_element_type3A_135 {offsets = [199, 0], sizes = [1, 512], strides = [1, 1]} : vector<200x512xi32> to vector<1x512xi32>
    %concatenate3A_138 = tpu.concatenate %slice3A_136, %slice3A_137 in 0 : vector<199x512xi32>, vector<1x512xi32> -> vector<200x512xi32>
    %shift_left3A_139 = arith.constant 16 : i32
    %shift_left3A_140 = vector.broadcast %shift_left3A_139 : i32 to vector<200x512xi32>
    %shift_left3A_141 = arith.shli %concatenate3A_138, %shift_left3A_140 : vector<200x512xi32>
    %or3A_142 = arith.ori %convert_element_type3A_135, %shift_left3A_141 : vector<200x512xi32>
    %convert_element_type3A_143 = arith.truncf %add3A_56 : vector<200x512xf32> to vector<200x512xbf16>
    %bitcast_convert_type3A_144 = tpu.bitcast %convert_element_type3A_143 : vector<200x512xbf16> -> vector<200x512xi16>
    %convert_element_type3A_145 = arith.extui %bitcast_convert_type3A_144 : vector<200x512xi16> to vector<200x512xi32>
    %slice3A_146 = vector.extract_strided_slice %convert_element_type3A_145 {offsets = [1, 0], sizes = [199, 512], strides = [1, 1]} : vector<200x512xi32> to vector<199x512xi32>
    %slice3A_147 = vector.extract_strided_slice %convert_element_type3A_145 {offsets = [199, 0], sizes = [1, 512], strides = [1, 1]} : vector<200x512xi32> to vector<1x512xi32>
    %concatenate3A_148 = tpu.concatenate %slice3A_146, %slice3A_147 in 0 : vector<199x512xi32>, vector<1x512xi32> -> vector<200x512xi32>
    %shift_left3A_149 = arith.constant 16 : i32
    %shift_left3A_150 = vector.broadcast %shift_left3A_149 : i32 to vector<200x512xi32>
    %shift_left3A_151 = arith.shli %concatenate3A_148, %shift_left3A_150 : vector<200x512xi32>
    %or3A_152 = arith.ori %convert_element_type3A_145, %shift_left3A_151 : vector<200x512xi32>
    %convert_element_type3A_153 = arith.truncf %add3A_67 : vector<200x512xf32> to vector<200x512xbf16>
    %bitcast_convert_type3A_154 = tpu.bitcast %convert_element_type3A_153 : vector<200x512xbf16> -> vector<200x512xi16>
    %convert_element_type3A_155 = arith.extui %bitcast_convert_type3A_154 : vector<200x512xi16> to vector<200x512xi32>
    %slice3A_156 = vector.extract_strided_slice %convert_element_type3A_155 {offsets = [1, 0], sizes = [199, 512], strides = [1, 1]} : vector<200x512xi32> to vector<199x512xi32>
    %slice3A_157 = vector.extract_strided_slice %convert_element_type3A_155 {offsets = [199, 0], sizes = [1, 512], strides = [1, 1]} : vector<200x512xi32> to vector<1x512xi32>
    %concatenate3A_158 = tpu.concatenate %slice3A_156, %slice3A_157 in 0 : vector<199x512xi32>, vector<1x512xi32> -> vector<200x512xi32>
    %shift_left3A_159 = arith.constant 16 : i32
    %shift_left3A_160 = vector.broadcast %shift_left3A_159 : i32 to vector<200x512xi32>
    %shift_left3A_161 = arith.shli %concatenate3A_158, %shift_left3A_160 : vector<200x512xi32>
    %or3A_162 = arith.ori %convert_element_type3A_155, %shift_left3A_161 : vector<200x512xi32>
    %convert_element_type3A_163 = arith.truncf %add3A_78 : vector<200x512xf32> to vector<200x512xbf16>
    %bitcast_convert_type3A_164 = tpu.bitcast %convert_element_type3A_163 : vector<200x512xbf16> -> vector<200x512xi16>
    %convert_element_type3A_165 = arith.extui %bitcast_convert_type3A_164 : vector<200x512xi16> to vector<200x512xi32>
    %slice3A_166 = vector.extract_strided_slice %convert_element_type3A_165 {offsets = [1, 0], sizes = [199, 512], strides = [1, 1]} : vector<200x512xi32> to vector<199x512xi32>
    %slice3A_167 = vector.extract_strided_slice %convert_element_type3A_165 {offsets = [199, 0], sizes = [1, 512], strides = [1, 1]} : vector<200x512xi32> to vector<1x512xi32>
    %concatenate3A_168 = tpu.concatenate %slice3A_166, %slice3A_167 in 0 : vector<199x512xi32>, vector<1x512xi32> -> vector<200x512xi32>
    %shift_left3A_169 = arith.constant 16 : i32
    %shift_left3A_170 = vector.broadcast %shift_left3A_169 : i32 to vector<200x512xi32>
    %shift_left3A_171 = arith.shli %concatenate3A_168, %shift_left3A_170 : vector<200x512xi32>
    %or3A_172 = arith.ori %convert_element_type3A_165, %shift_left3A_171 : vector<200x512xi32>
    %convert_element_type3A_173 = arith.truncf %add3A_89 : vector<200x512xf32> to vector<200x512xbf16>
    %bitcast_convert_type3A_174 = tpu.bitcast %convert_element_type3A_173 : vector<200x512xbf16> -> vector<200x512xi16>
    %convert_element_type3A_175 = arith.extui %bitcast_convert_type3A_174 : vector<200x512xi16> to vector<200x512xi32>
    %slice3A_176 = vector.extract_strided_slice %convert_element_type3A_175 {offsets = [1, 0], sizes = [199, 512], strides = [1, 1]} : vector<200x512xi32> to vector<199x512xi32>
    %slice3A_177 = vector.extract_strided_slice %convert_element_type3A_175 {offsets = [199, 0], sizes = [1, 512], strides = [1, 1]} : vector<200x512xi32> to vector<1x512xi32>
    %concatenate3A_178 = tpu.concatenate %slice3A_176, %slice3A_177 in 0 : vector<199x512xi32>, vector<1x512xi32> -> vector<200x512xi32>
    %shift_left3A_179 = arith.constant 16 : i32
    %shift_left3A_180 = vector.broadcast %shift_left3A_179 : i32 to vector<200x512xi32>
    %shift_left3A_181 = arith.shli %concatenate3A_178, %shift_left3A_180 : vector<200x512xi32>
    %or3A_182 = arith.ori %convert_element_type3A_175, %shift_left3A_181 : vector<200x512xi32>
    %convert_element_type3A_183 = arith.truncf %add3A_107 : vector<200x512xf32> to vector<200x512xbf16>
    %bitcast_convert_type3A_184 = tpu.bitcast %convert_element_type3A_183 : vector<200x512xbf16> -> vector<200x512xi16>
    %convert_element_type3A_185 = arith.extui %bitcast_convert_type3A_184 : vector<200x512xi16> to vector<200x512xi32>
    %slice3A_186 = vector.extract_strided_slice %convert_element_type3A_185 {offsets = [1, 0], sizes = [199, 512], strides = [1, 1]} : vector<200x512xi32> to vector<199x512xi32>
    %slice3A_187 = vector.extract_strided_slice %convert_element_type3A_185 {offsets = [199, 0], sizes = [1, 512], strides = [1, 1]} : vector<200x512xi32> to vector<1x512xi32>
    %concatenate3A_188 = tpu.concatenate %slice3A_186, %slice3A_187 in 0 : vector<199x512xi32>, vector<1x512xi32> -> vector<200x512xi32>
    %shift_left3A_189 = arith.constant 16 : i32
    %shift_left3A_190 = vector.broadcast %shift_left3A_189 : i32 to vector<200x512xi32>
    %shift_left3A_191 = arith.shli %concatenate3A_188, %shift_left3A_190 : vector<200x512xi32>
    %or3A_192 = arith.ori %convert_element_type3A_185, %shift_left3A_191 : vector<200x512xi32>
    %slice3A_193 = vector.extract_strided_slice %or3A {offsets = [0, 0], sizes = [200, 64], strides = [1, 1]} : vector<200x512xi32> to vector<200x64xi32>
    %swap3A = arith.constant 0 : index
    %swap3A_194 = arith.constant 0 : index
    %swap3A_195 = vector.load %arg6[%swap3A, %swap3A_194] : memref<12800x128xi32, #tpu.memory_space<vmem>>, vector<200x64xi32>
    tpu.vector_store %arg6[%swap3A, %swap3A_194], %slice3A_193 {strides = array<i32>} : memref<12800x128xi32, #tpu.memory_space<vmem>>, vector<200x64xi32>,
    %slice3A_196 = vector.extract_strided_slice %or3A_122 {offsets = [0, 0], sizes = [200, 64], strides = [1, 1]} : vector<200x512xi32> to vector<200x64xi32>
    %swap3A_197 = arith.constant 0 : index
    %swap3A_198 = arith.constant 64 : index
    %swap3A_199 = vector.load %arg6[%swap3A_197, %swap3A_198] : memref<12800x128xi32, #tpu.memory_space<vmem>>, vector<200x64xi32>
    tpu.vector_store %arg6[%swap3A_197, %swap3A_198], %slice3A_196 {strides = array<i32>} : memref<12800x128xi32, #tpu.memory_space<vmem>>, vector<200x64xi32>,
    %slice3A_200 = vector.extract_strided_slice %or3A {offsets = [0, 64], sizes = [200, 64], strides = [1, 1]} : vector<200x512xi32> to vector<200x64xi32>
    %swap3A_201 = arith.constant 200 : index
    %swap3A_202 = arith.constant 0 : index
    %swap3A_203 = vector.load %arg6[%swap3A_201, %swap3A_202] : memref<12800x128xi32, #tpu.memory_space<vmem>>, vector<200x64xi32>
    tpu.vector_store %arg6[%swap3A_201, %swap3A_202], %slice3A_200 {strides = array<i32>} : memref<12800x128xi32, #tpu.memory_space<vmem>>, vector<200x64xi32>,
    %slice3A_204 = vector.extract_strided_slice %or3A_122 {offsets = [0, 64], sizes = [200, 64], strides = [1, 1]} : vector<200x512xi32> to vector<200x64xi32>
    %swap3A_205 = arith.constant 200 : index
    %swap3A_206 = arith.constant 64 : index
    %swap3A_207 = vector.load %arg6[%swap3A_205, %swap3A_206] : memref<12800x128xi32, #tpu.memory_space<vmem>>, vector<200x64xi32>
    tpu.vector_store %arg6[%swap3A_205, %swap3A_206], %slice3A_204 {strides = array<i32>} : memref<12800x128xi32, #tpu.memory_space<vmem>>, vector<200x64xi32>,
    %slice3A_208 = vector.extract_strided_slice %or3A {offsets = [0, 128], sizes = [200, 64], strides = [1, 1]} : vector<200x512xi32> to vector<200x64xi32>
    %swap3A_209 = arith.constant 400 : index
    %swap3A_210 = arith.constant 0 : index
    %swap3A_211 = vector.load %arg6[%swap3A_209, %swap3A_210] : memref<12800x128xi32, #tpu.memory_space<vmem>>, vector<200x64xi32>
    tpu.vector_store %arg6[%swap3A_209, %swap3A_210], %slice3A_208 {strides = array<i32>} : memref<12800x128xi32, #tpu.memory_space<vmem>>, vector<200x64xi32>,
    %slice3A_212 = vector.extract_strided_slice %or3A_122 {offsets = [0, 128], sizes = [200, 64], strides = [1, 1]} : vector<200x512xi32> to vector<200x64xi32>
    %swap3A_213 = arith.constant 400 : index
    %swap3A_214 = arith.constant 64 : index
    %swap3A_215 = vector.load %arg6[%swap3A_213, %swap3A_214] : memref<12800x128xi32, #tpu.memory_space<vmem>>, vector<200x64xi32>
    tpu.vector_store %arg6[%swap3A_213, %swap3A_214], %slice3A_212 {strides = array<i32>} : memref<12800x128xi32, #tpu.memory_space<vmem>>, vector<200x64xi32>,
    %slice3A_216 = vector.extract_strided_slice %or3A {offsets = [0, 192], sizes = [200, 64], strides = [1, 1]} : vector<200x512xi32> to vector<200x64xi32>
    %swap3A_217 = arith.constant 600 : index
    %swap3A_218 = arith.constant 0 : index
    %swap3A_219 = vector.load %arg6[%swap3A_217, %swap3A_218] : memref<12800x128xi32, #tpu.memory_space<vmem>>, vector<200x64xi32>
    tpu.vector_store %arg6[%swap3A_217, %swap3A_218], %slice3A_216 {strides = array<i32>} : memref<12800x128xi32, #tpu.memory_space<vmem>>, vector<200x64xi32>,
    %slice3A_220 = vector.extract_strided_slice %or3A_122 {offsets = [0, 192], sizes = [200, 64], strides = [1, 1]} : vector<200x512xi32> to vector<200x64xi32>
    %swap3A_221 = arith.constant 600 : index
    %swap3A_222 = arith.constant 64 : index
    %swap3A_223 = vector.load %arg6[%swap3A_221, %swap3A_222] : memref<12800x128xi32, #tpu.memory_space<vmem>>, vector<200x64xi32>
    tpu.vector_store %arg6[%swap3A_221, %swap3A_222], %slice3A_220 {strides = array<i32>} : memref<12800x128xi32, #tpu.memory_space<vmem>>, vector<200x64xi32>,
    %slice3A_224 = vector.extract_strided_slice %or3A {offsets = [0, 256], sizes = [200, 64], strides = [1, 1]} : vector<200x512xi32> to vector<200x64xi32>
    %swap3A_225 = arith.constant 800 : index
    %swap3A_226 = arith.constant 0 : index
    %swap3A_227 = vector.load %arg6[%swap3A_225, %swap3A_226] : memref<12800x128xi32, #tpu.memory_space<vmem>>, vector<200x64xi32>
    tpu.vector_store %arg6[%swap3A_225, %swap3A_226], %slice3A_224 {strides = array<i32>} : memref<12800x128xi32, #tpu.memory_space<vmem>>, vector<200x64xi32>,
    %slice3A_228 = vector.extract_strided_slice %or3A_122 {offsets = [0, 256], sizes = [200, 64], strides = [1, 1]} : vector<200x512xi32> to vector<200x64xi32>
    %swap3A_229 = arith.constant 800 : index
    %swap3A_230 = arith.constant 64 : index
    %swap3A_231 = vector.load %arg6[%swap3A_229, %swap3A_230] : memref<12800x128xi32, #tpu.memory_space<vmem>>, vector<200x64xi32>
    tpu.vector_store %arg6[%swap3A_229, %swap3A_230], %slice3A_228 {strides = array<i32>} : memref<12800x128xi32, #tpu.memory_space<vmem>>, vector<200x64xi32>,
    %slice3A_232 = vector.extract_strided_slice %or3A {offsets = [0, 320], sizes = [200, 64], strides = [1, 1]} : vector<200x512xi32> to vector<200x64xi32>
    %swap3A_233 = arith.constant 1000 : index
    %swap3A_234 = arith.constant 0 : index
    %swap3A_235 = vector.load %arg6[%swap3A_233, %swap3A_234] : memref<12800x128xi32, #tpu.memory_space<vmem>>, vector<200x64xi32>
    tpu.vector_store %arg6[%swap3A_233, %swap3A_234], %slice3A_232 {strides = array<i32>} : memref<12800x128xi32, #tpu.memory_space<vmem>>, vector<200x64xi32>,
    %slice3A_236 = vector.extract_strided_slice %or3A_122 {offsets = [0, 320], sizes = [200, 64], strides = [1, 1]} : vector<200x512xi32> to vector<200x64xi32>
    %swap3A_237 = arith.constant 1000 : index
    %swap3A_238 = arith.constant 64 : index
    %swap3A_239 = vector.load %arg6[%swap3A_237, %swap3A_238] : memref<12800x128xi32, #tpu.memory_space<vmem>>, vector<200x64xi32>
    tpu.vector_store %arg6[%swap3A_237, %swap3A_238], %slice3A_236 {strides = array<i32>} : memref<12800x128xi32, #tpu.memory_space<vmem>>, vector<200x64xi32>,
    %slice3A_240 = vector.extract_strided_slice %or3A {offsets = [0, 384], sizes = [200, 64], strides = [1, 1]} : vector<200x512xi32> to vector<200x64xi32>
    %swap3A_241 = arith.constant 1200 : index
    %swap3A_242 = arith.constant 0 : index
    %swap3A_243 = vector.load %arg6[%swap3A_241, %swap3A_242] : memref<12800x128xi32, #tpu.memory_space<vmem>>, vector<200x64xi32>
    tpu.vector_store %arg6[%swap3A_241, %swap3A_242], %slice3A_240 {strides = array<i32>} : memref<12800x128xi32, #tpu.memory_space<vmem>>, vector<200x64xi32>,
    %slice3A_244 = vector.extract_strided_slice %or3A_122 {offsets = [0, 384], sizes = [200, 64], strides = [1, 1]} : vector<200x512xi32> to vector<200x64xi32>
    %swap3A_245 = arith.constant 1200 : index
    %swap3A_246 = arith.constant 64 : index
    %swap3A_247 = vector.load %arg6[%swap3A_245, %swap3A_246] : memref<12800x128xi32, #tpu.memory_space<vmem>>, vector<200x64xi32>
    tpu.vector_store %arg6[%swap3A_245, %swap3A_246], %slice3A_244 {strides = array<i32>} : memref<12800x128xi32, #tpu.memory_space<vmem>>, vector<200x64xi32>,
    %slice3A_248 = vector.extract_strided_slice %or3A {offsets = [0, 448], sizes = [200, 64], strides = [1, 1]} : vector<200x512xi32> to vector<200x64xi32>
    %swap3A_249 = arith.constant 1400 : index
    %swap3A_250 = arith.constant 0 : index
    %swap3A_251 = vector.load %arg6[%swap3A_249, %swap3A_250] : memref<12800x128xi32, #tpu.memory_space<vmem>>, vector<200x64xi32>
    tpu.vector_store %arg6[%swap3A_249, %swap3A_250], %slice3A_248 {strides = array<i32>} : memref<12800x128xi32, #tpu.memory_space<vmem>>, vector<200x64xi32>,
    %slice3A_252 = vector.extract_strided_slice %or3A_122 {offsets = [0, 448], sizes = [200, 64], strides = [1, 1]} : vector<200x512xi32> to vector<200x64xi32>
    %swap3A_253 = arith.constant 1400 : index
    %swap3A_254 = arith.constant 64 : index
    %swap3A_255 = vector.load %arg6[%swap3A_253, %swap3A_254] : memref<12800x128xi32, #tpu.memory_space<vmem>>, vector<200x64xi32>
    tpu.vector_store %arg6[%swap3A_253, %swap3A_254], %slice3A_252 {strides = array<i32>} : memref<12800x128xi32, #tpu.memory_space<vmem>>, vector<200x64xi32>,
    %slice3A_256 = vector.extract_strided_slice %or3A_122 {offsets = [0, 0], sizes = [200, 64], strides = [1, 1]} : vector<200x512xi32> to vector<200x64xi32>
    %swap3A_257 = arith.constant 1600 : index
    %swap3A_258 = arith.constant 0 : index
    %swap3A_259 = vector.load %arg6[%swap3A_257, %swap3A_258] : memref<12800x128xi32, #tpu.memory_space<vmem>>, vector<200x64xi32>
    tpu.vector_store %arg6[%swap3A_257, %swap3A_258], %slice3A_256 {strides = array<i32>} : memref<12800x128xi32, #tpu.memory_space<vmem>>, vector<200x64xi32>,
    %slice3A_260 = vector.extract_strided_slice %or3A_132 {offsets = [0, 0], sizes = [200, 64], strides = [1, 1]} : vector<200x512xi32> to vector<200x64xi32>
    %swap3A_261 = arith.constant 1600 : index
    %swap3A_262 = arith.constant 64 : index
    %swap3A_263 = vector.load %arg6[%swap3A_261, %swap3A_262] : memref<12800x128xi32, #tpu.memory_space<vmem>>, vector<200x64xi32>
    tpu.vector_store %arg6[%swap3A_261, %swap3A_262], %slice3A_260 {strides = array<i32>} : memref<12800x128xi32, #tpu.memory_space<vmem>>, vector<200x64xi32>,
    %slice3A_264 = vector.extract_strided_slice %or3A_122 {offsets = [0, 64], sizes = [200, 64], strides = [1, 1]} : vector<200x512xi32> to vector<200x64xi32>
    %swap3A_265 = arith.constant 1800 : index
    %swap3A_266 = arith.constant 0 : index
    %swap3A_267 = vector.load %arg6[%swap3A_265, %swap3A_266] : memref<12800x128xi32, #tpu.memory_space<vmem>>, vector<200x64xi32>
    tpu.vector_store %arg6[%swap3A_265, %swap3A_266], %slice3A_264 {strides = array<i32>} : memref<12800x128xi32, #tpu.memory_space<vmem>>, vector<200x64xi32>,
    %slice3A_268 = vector.extract_strided_slice %or3A_132 {offsets = [0, 64], sizes = [200, 64], strides = [1, 1]} : vector<200x512xi32> to vector<200x64xi32>
    %swap3A_269 = arith.constant 1800 : index
    %swap3A_270 = arith.constant 64 : index
    %swap3A_271 = vector.load %arg6[%swap3A_269, %swap3A_270] : memref<12800x128xi32, #tpu.memory_space<vmem>>, vector<200x64xi32>
    tpu.vector_store %arg6[%swap3A_269, %swap3A_270], %slice3A_268 {strides = array<i32>} : memref<12800x128xi32, #tpu.memory_space<vmem>>, vector<200x64xi32>,
    %slice3A_272 = vector.extract_strided_slice %or3A_122 {offsets = [0, 128], sizes = [200, 64], strides = [1, 1]} : vector<200x512xi32> to vector<200x64xi32>
    %swap3A_273 = arith.constant 2000 : index
    %swap3A_274 = arith.constant 0 : index
    %swap3A_275 = vector.load %arg6[%swap3A_273, %swap3A_274] : memref<12800x128xi32, #tpu.memory_space<vmem>>, vector<200x64xi32>
    tpu.vector_store %arg6[%swap3A_273, %swap3A_274], %slice3A_272 {strides = array<i32>} : memref<12800x128xi32, #tpu.memory_space<vmem>>, vector<200x64xi32>,
    %slice3A_276 = vector.extract_strided_slice %or3A_132 {offsets = [0, 128], sizes = [200, 64], strides = [1, 1]} : vector<200x512xi32> to vector<200x64xi32>
    %swap3A_277 = arith.constant 2000 : index
    %swap3A_278 = arith.constant 64 : index
    %swap3A_279 = vector.load %arg6[%swap3A_277, %swap3A_278] : memref<12800x128xi32, #tpu.memory_space<vmem>>, vector<200x64xi32>
    tpu.vector_store %arg6[%swap3A_277, %swap3A_278], %slice3A_276 {strides = array<i32>} : memref<12800x128xi32, #tpu.memory_space<vmem>>, vector<200x64xi32>,
    %slice3A_280 = vector.extract_strided_slice %or3A_122 {offsets = [0, 192], sizes = [200, 64], strides = [1, 1]} : vector<200x512xi32> to vector<200x64xi32>
    %swap3A_281 = arith.constant 2200 : index
    %swap3A_282 = arith.constant 0 : index
    %swap3A_283 = vector.load %arg6[%swap3A_281, %swap3A_282] : memref<12800x128xi32, #tpu.memory_space<vmem>>, vector<200x64xi32>
    tpu.vector_store %arg6[%swap3A_281, %swap3A_282], %slice3A_280 {strides = array<i32>} : memref<12800x128xi32, #tpu.memory_space<vmem>>, vector<200x64xi32>,
    %slice3A_284 = vector.extract_strided_slice %or3A_132 {offsets = [0, 192], sizes = [200, 64], strides = [1, 1]} : vector<200x512xi32> to vector<200x64xi32>
    %swap3A_285 = arith.constant 2200 : index
    %swap3A_286 = arith.constant 64 : index
    %swap3A_287 = vector.load %arg6[%swap3A_285, %swap3A_286] : memref<12800x128xi32, #tpu.memory_space<vmem>>, vector<200x64xi32>
    tpu.vector_store %arg6[%swap3A_285, %swap3A_286], %slice3A_284 {strides = array<i32>} : memref<12800x128xi32, #tpu.memory_space<vmem>>, vector<200x64xi32>,
    %slice3A_288 = vector.extract_strided_slice %or3A_122 {offsets = [0, 256], sizes = [200, 64], strides = [1, 1]} : vector<200x512xi32> to vector<200x64xi32>
    %swap3A_289 = arith.constant 2400 : index
    %swap3A_290 = arith.constant 0 : index
    %swap3A_291 = vector.load %arg6[%swap3A_289, %swap3A_290] : memref<12800x128xi32, #tpu.memory_space<vmem>>, vector<200x64xi32>
    tpu.vector_store %arg6[%swap3A_289, %swap3A_290], %slice3A_288 {strides = array<i32>} : memref<12800x128xi32, #tpu.memory_space<vmem>>, vector<200x64xi32>,
    %slice3A_292 = vector.extract_strided_slice %or3A_132 {offsets = [0, 256], sizes = [200, 64], strides = [1, 1]} : vector<200x512xi32> to vector<200x64xi32>
    %swap3A_293 = arith.constant 2400 : index
    %swap3A_294 = arith.constant 64 : index
    %swap3A_295 = vector.load %arg6[%swap3A_293, %swap3A_294] : memref<12800x128xi32, #tpu.memory_space<vmem>>, vector<200x64xi32>
    tpu.vector_store %arg6[%swap3A_293, %swap3A_294], %slice3A_292 {strides = array<i32>} : memref<12800x128xi32, #tpu.memory_space<vmem>>, vector<200x64xi32>,
    %slice3A_296 = vector.extract_strided_slice %or3A_122 {offsets = [0, 320], sizes = [200, 64], strides = [1, 1]} : vector<200x512xi32> to vector<200x64xi32>
    %swap3A_297 = arith.constant 2600 : index
    %swap3A_298 = arith.constant 0 : index
    %swap3A_299 = vector.load %arg6[%swap3A_297, %swap3A_298] : memref<12800x128xi32, #tpu.memory_space<vmem>>, vector<200x64xi32>
    tpu.vector_store %arg6[%swap3A_297, %swap3A_298], %slice3A_296 {strides = array<i32>} : memref<12800x128xi32, #tpu.memory_space<vmem>>, vector<200x64xi32>,
    %slice3A_300 = vector.extract_strided_slice %or3A_132 {offsets = [0, 320], sizes = [200, 64], strides = [1, 1]} : vector<200x512xi32> to vector<200x64xi32>
    %swap3A_301 = arith.constant 2600 : index
    %swap3A_302 = arith.constant 64 : index
    %swap3A_303 = vector.load %arg6[%swap3A_301, %swap3A_302] : memref<12800x128xi32, #tpu.memory_space<vmem>>, vector<200x64xi32>
    tpu.vector_store %arg6[%swap3A_301, %swap3A_302], %slice3A_300 {strides = array<i32>} : memref<12800x128xi32, #tpu.memory_space<vmem>>, vector<200x64xi32>,
    %slice3A_304 = vector.extract_strided_slice %or3A_122 {offsets = [0, 384], sizes = [200, 64], strides = [1, 1]} : vector<200x512xi32> to vector<200x64xi32>
    %swap3A_305 = arith.constant 2800 : index
    %swap3A_306 = arith.constant 0 : index
    %swap3A_307 = vector.load %arg6[%swap3A_305, %swap3A_306] : memref<12800x128xi32, #tpu.memory_space<vmem>>, vector<200x64xi32>
    tpu.vector_store %arg6[%swap3A_305, %swap3A_306], %slice3A_304 {strides = array<i32>} : memref<12800x128xi32, #tpu.memory_space<vmem>>, vector<200x64xi32>,
    %slice3A_308 = vector.extract_strided_slice %or3A_132 {offsets = [0, 384], sizes = [200, 64], strides = [1, 1]} : vector<200x512xi32> to vector<200x64xi32>
    %swap3A_309 = arith.constant 2800 : index
    %swap3A_310 = arith.constant 64 : index
    %swap3A_311 = vector.load %arg6[%swap3A_309, %swap3A_310] : memref<12800x128xi32, #tpu.memory_space<vmem>>, vector<200x64xi32>
    tpu.vector_store %arg6[%swap3A_309, %swap3A_310], %slice3A_308 {strides = array<i32>} : memref<12800x128xi32, #tpu.memory_space<vmem>>, vector<200x64xi32>,
    %slice3A_312 = vector.extract_strided_slice %or3A_122 {offsets = [0, 448], sizes = [200, 64], strides = [1, 1]} : vector<200x512xi32> to vector<200x64xi32>
    %swap3A_313 = arith.constant 3000 : index
    %swap3A_314 = arith.constant 0 : index
    %swap3A_315 = vector.load %arg6[%swap3A_313, %swap3A_314] : memref<12800x128xi32, #tpu.memory_space<vmem>>, vector<200x64xi32>
    tpu.vector_store %arg6[%swap3A_313, %swap3A_314], %slice3A_312 {strides = array<i32>} : memref<12800x128xi32, #tpu.memory_space<vmem>>, vector<200x64xi32>,
    %slice3A_316 = vector.extract_strided_slice %or3A_132 {offsets = [0, 448], sizes = [200, 64], strides = [1, 1]} : vector<200x512xi32> to vector<200x64xi32>
    %swap3A_317 = arith.constant 3000 : index
    %swap3A_318 = arith.constant 64 : index
    %swap3A_319 = vector.load %arg6[%swap3A_317, %swap3A_318] : memref<12800x128xi32, #tpu.memory_space<vmem>>, vector<200x64xi32>
    tpu.vector_store %arg6[%swap3A_317, %swap3A_318], %slice3A_316 {strides = array<i32>} : memref<12800x128xi32, #tpu.memory_space<vmem>>, vector<200x64xi32>,
    %slice3A_320 = vector.extract_strided_slice %or3A_132 {offsets = [0, 0], sizes = [200, 64], strides = [1, 1]} : vector<200x512xi32> to vector<200x64xi32>
    %swap3A_321 = arith.constant 3200 : index
    %swap3A_322 = arith.constant 0 : index
    %swap3A_323 = vector.load %arg6[%swap3A_321, %swap3A_322] : memref<12800x128xi32, #tpu.memory_space<vmem>>, vector<200x64xi32>
    tpu.vector_store %arg6[%swap3A_321, %swap3A_322], %slice3A_320 {strides = array<i32>} : memref<12800x128xi32, #tpu.memory_space<vmem>>, vector<200x64xi32>,
    %slice3A_324 = vector.extract_strided_slice %or3A_142 {offsets = [0, 0], sizes = [200, 64], strides = [1, 1]} : vector<200x512xi32> to vector<200x64xi32>
    %swap3A_325 = arith.constant 3200 : index
    %swap3A_326 = arith.constant 64 : index
    %swap3A_327 = vector.load %arg6[%swap3A_325, %swap3A_326] : memref<12800x128xi32, #tpu.memory_space<vmem>>, vector<200x64xi32>
    tpu.vector_store %arg6[%swap3A_325, %swap3A_326], %slice3A_324 {strides = array<i32>} : memref<12800x128xi32, #tpu.memory_space<vmem>>, vector<200x64xi32>,
    %slice3A_328 = vector.extract_strided_slice %or3A_132 {offsets = [0, 64], sizes = [200, 64], strides = [1, 1]} : vector<200x512xi32> to vector<200x64xi32>
    %swap3A_329 = arith.constant 3400 : index
    %swap3A_330 = arith.constant 0 : index
    %swap3A_331 = vector.load %arg6[%swap3A_329, %swap3A_330] : memref<12800x128xi32, #tpu.memory_space<vmem>>, vector<200x64xi32>
    tpu.vector_store %arg6[%swap3A_329, %swap3A_330], %slice3A_328 {strides = array<i32>} : memref<12800x128xi32, #tpu.memory_space<vmem>>, vector<200x64xi32>,
    %slice3A_332 = vector.extract_strided_slice %or3A_142 {offsets = [0, 64], sizes = [200, 64], strides = [1, 1]} : vector<200x512xi32> to vector<200x64xi32>
    %swap3A_333 = arith.constant 3400 : index
    %swap3A_334 = arith.constant 64 : index
    %swap3A_335 = vector.load %arg6[%swap3A_333, %swap3A_334] : memref<12800x128xi32, #tpu.memory_space<vmem>>, vector<200x64xi32>
    tpu.vector_store %arg6[%swap3A_333, %swap3A_334], %slice3A_332 {strides = array<i32>} : memref<12800x128xi32, #tpu.memory_space<vmem>>, vector<200x64xi32>,
    %slice3A_336 = vector.extract_strided_slice %or3A_132 {offsets = [0, 128], sizes = [200, 64], strides = [1, 1]} : vector<200x512xi32> to vector<200x64xi32>
    %swap3A_337 = arith.constant 3600 : index
    %swap3A_338 = arith.constant 0 : index
    %swap3A_339 = vector.load %arg6[%swap3A_337, %swap3A_338] : memref<12800x128xi32, #tpu.memory_space<vmem>>, vector<200x64xi32>
    tpu.vector_store %arg6[%swap3A_337, %swap3A_338], %slice3A_336 {strides = array<i32>} : memref<12800x128xi32, #tpu.memory_space<vmem>>, vector<200x64xi32>,
    %slice3A_340 = vector.extract_strided_slice %or3A_142 {offsets = [0, 128], sizes = [200, 64], strides = [1, 1]} : vector<200x512xi32> to vector<200x64xi32>
    %swap3A_341 = arith.constant 3600 : index
    %swap3A_342 = arith.constant 64 : index
    %swap3A_343 = vector.load %arg6[%swap3A_341, %swap3A_342] : memref<12800x128xi32, #tpu.memory_space<vmem>>, vector<200x64xi32>
    tpu.vector_store %arg6[%swap3A_341, %swap3A_342], %slice3A_340 {strides = array<i32>} : memref<12800x128xi32, #tpu.memory_space<vmem>>, vector<200x64xi32>,
    %slice3A_344 = vector.extract_strided_slice %or3A_132 {offsets = [0, 192], sizes = [200, 64], strides = [1, 1]} : vector<200x512xi32> to vector<200x64xi32>
    %swap3A_345 = arith.constant 3800 : index
    %swap3A_346 = arith.constant 0 : index
    %swap3A_347 = vector.load %arg6[%swap3A_345, %swap3A_346] : memref<12800x128xi32, #tpu.memory_space<vmem>>, vector<200x64xi32>
    tpu.vector_store %arg6[%swap3A_345, %swap3A_346], %slice3A_344 {strides = array<i32>} : memref<12800x128xi32, #tpu.memory_space<vmem>>, vector<200x64xi32>,
    %slice3A_348 = vector.extract_strided_slice %or3A_142 {offsets = [0, 192], sizes = [200, 64], strides = [1, 1]} : vector<200x512xi32> to vector<200x64xi32>
    %swap3A_349 = arith.constant 3800 : index
    %swap3A_350 = arith.constant 64 : index
    %swap3A_351 = vector.load %arg6[%swap3A_349, %swap3A_350] : memref<12800x128xi32, #tpu.memory_space<vmem>>, vector<200x64xi32>
    tpu.vector_store %arg6[%swap3A_349, %swap3A_350], %slice3A_348 {strides = array<i32>} : memref<12800x128xi32, #tpu.memory_space<vmem>>, vector<200x64xi32>,
    %slice3A_352 = vector.extract_strided_slice %or3A_132 {offsets = [0, 256], sizes = [200, 64], strides = [1, 1]} : vector<200x512xi32> to vector<200x64xi32>
    %swap3A_353 = arith.constant 4000 : index
    %swap3A_354 = arith.constant 0 : index
    %swap3A_355 = vector.load %arg6[%swap3A_353, %swap3A_354] : memref<12800x128xi32, #tpu.memory_space<vmem>>, vector<200x64xi32>
    tpu.vector_store %arg6[%swap3A_353, %swap3A_354], %slice3A_352 {strides = array<i32>} : memref<12800x128xi32, #tpu.memory_space<vmem>>, vector<200x64xi32>,
    %slice3A_356 = vector.extract_strided_slice %or3A_142 {offsets = [0, 256], sizes = [200, 64], strides = [1, 1]} : vector<200x512xi32> to vector<200x64xi32>
    %swap3A_357 = arith.constant 4000 : index
    %swap3A_358 = arith.constant 64 : index
    %swap3A_359 = vector.load %arg6[%swap3A_357, %swap3A_358] : memref<12800x128xi32, #tpu.memory_space<vmem>>, vector<200x64xi32>
    tpu.vector_store %arg6[%swap3A_357, %swap3A_358], %slice3A_356 {strides = array<i32>} : memref<12800x128xi32, #tpu.memory_space<vmem>>, vector<200x64xi32>,
    %slice3A_360 = vector.extract_strided_slice %or3A_132 {offsets = [0, 320], sizes = [200, 64], strides = [1, 1]} : vector<200x512xi32> to vector<200x64xi32>
    %swap3A_361 = arith.constant 4200 : index
    %swap3A_362 = arith.constant 0 : index
    %swap3A_363 = vector.load %arg6[%swap3A_361, %swap3A_362] : memref<12800x128xi32, #tpu.memory_space<vmem>>, vector<200x64xi32>
    tpu.vector_store %arg6[%swap3A_361, %swap3A_362], %slice3A_360 {strides = array<i32>} : memref<12800x128xi32, #tpu.memory_space<vmem>>, vector<200x64xi32>,
    %slice3A_364 = vector.extract_strided_slice %or3A_142 {offsets = [0, 320], sizes = [200, 64], strides = [1, 1]} : vector<200x512xi32> to vector<200x64xi32>
    %swap3A_365 = arith.constant 4200 : index
    %swap3A_366 = arith.constant 64 : index
    %swap3A_367 = vector.load %arg6[%swap3A_365, %swap3A_366] : memref<12800x128xi32, #tpu.memory_space<vmem>>, vector<200x64xi32>
    tpu.vector_store %arg6[%swap3A_365, %swap3A_366], %slice3A_364 {strides = array<i32>} : memref<12800x128xi32, #tpu.memory_space<vmem>>, vector<200x64xi32>,
    %slice3A_368 = vector.extract_strided_slice %or3A_132 {offsets = [0, 384], sizes = [200, 64], strides = [1, 1]} : vector<200x512xi32> to vector<200x64xi32>
    %swap3A_369 = arith.constant 4400 : index
    %swap3A_370 = arith.constant 0 : index
    %swap3A_371 = vector.load %arg6[%swap3A_369, %swap3A_370] : memref<12800x128xi32, #tpu.memory_space<vmem>>, vector<200x64xi32>
    tpu.vector_store %arg6[%swap3A_369, %swap3A_370], %slice3A_368 {strides = array<i32>} : memref<12800x128xi32, #tpu.memory_space<vmem>>, vector<200x64xi32>,
    %slice3A_372 = vector.extract_strided_slice %or3A_142 {offsets = [0, 384], sizes = [200, 64], strides = [1, 1]} : vector<200x512xi32> to vector<200x64xi32>
    %swap3A_373 = arith.constant 4400 : index
    %swap3A_374 = arith.constant 64 : index
    %swap3A_375 = vector.load %arg6[%swap3A_373, %swap3A_374] : memref<12800x128xi32, #tpu.memory_space<vmem>>, vector<200x64xi32>
    tpu.vector_store %arg6[%swap3A_373, %swap3A_374], %slice3A_372 {strides = array<i32>} : memref<12800x128xi32, #tpu.memory_space<vmem>>, vector<200x64xi32>,
    %slice3A_376 = vector.extract_strided_slice %or3A_132 {offsets = [0, 448], sizes = [200, 64], strides = [1, 1]} : vector<200x512xi32> to vector<200x64xi32>
    %swap3A_377 = arith.constant 4600 : index
    %swap3A_378 = arith.constant 0 : index
    %swap3A_379 = vector.load %arg6[%swap3A_377, %swap3A_378] : memref<12800x128xi32, #tpu.memory_space<vmem>>, vector<200x64xi32>
    tpu.vector_store %arg6[%swap3A_377, %swap3A_378], %slice3A_376 {strides = array<i32>} : memref<12800x128xi32, #tpu.memory_space<vmem>>, vector<200x64xi32>,
    %slice3A_380 = vector.extract_strided_slice %or3A_142 {offsets = [0, 448], sizes = [200, 64], strides = [1, 1]} : vector<200x512xi32> to vector<200x64xi32>
    %swap3A_381 = arith.constant 4600 : index
    %swap3A_382 = arith.constant 64 : index
    %swap3A_383 = vector.load %arg6[%swap3A_381, %swap3A_382] : memref<12800x128xi32, #tpu.memory_space<vmem>>, vector<200x64xi32>
    tpu.vector_store %arg6[%swap3A_381, %swap3A_382], %slice3A_380 {strides = array<i32>} : memref<12800x128xi32, #tpu.memory_space<vmem>>, vector<200x64xi32>,
    %slice3A_384 = vector.extract_strided_slice %or3A_142 {offsets = [0, 0], sizes = [200, 64], strides = [1, 1]} : vector<200x512xi32> to vector<200x64xi32>
    %swap3A_385 = arith.constant 4800 : index
    %swap3A_386 = arith.constant 0 : index
    %swap3A_387 = vector.load %arg6[%swap3A_385, %swap3A_386] : memref<12800x128xi32, #tpu.memory_space<vmem>>, vector<200x64xi32>
    tpu.vector_store %arg6[%swap3A_385, %swap3A_386], %slice3A_384 {strides = array<i32>} : memref<12800x128xi32, #tpu.memory_space<vmem>>, vector<200x64xi32>,
    %slice3A_388 = vector.extract_strided_slice %or3A_152 {offsets = [0, 0], sizes = [200, 64], strides = [1, 1]} : vector<200x512xi32> to vector<200x64xi32>
    %swap3A_389 = arith.constant 4800 : index
    %swap3A_390 = arith.constant 64 : index
    %swap3A_391 = vector.load %arg6[%swap3A_389, %swap3A_390] : memref<12800x128xi32, #tpu.memory_space<vmem>>, vector<200x64xi32>
    tpu.vector_store %arg6[%swap3A_389, %swap3A_390], %slice3A_388 {strides = array<i32>} : memref<12800x128xi32, #tpu.memory_space<vmem>>, vector<200x64xi32>,
    %slice3A_392 = vector.extract_strided_slice %or3A_142 {offsets = [0, 64], sizes = [200, 64], strides = [1, 1]} : vector<200x512xi32> to vector<200x64xi32>
    %swap3A_393 = arith.constant 5000 : index
    %swap3A_394 = arith.constant 0 : index
    %swap3A_395 = vector.load %arg6[%swap3A_393, %swap3A_394] : memref<12800x128xi32, #tpu.memory_space<vmem>>, vector<200x64xi32>
    tpu.vector_store %arg6[%swap3A_393, %swap3A_394], %slice3A_392 {strides = array<i32>} : memref<12800x128xi32, #tpu.memory_space<vmem>>, vector<200x64xi32>,
    %slice3A_396 = vector.extract_strided_slice %or3A_152 {offsets = [0, 64], sizes = [200, 64], strides = [1, 1]} : vector<200x512xi32> to vector<200x64xi32>
    %swap3A_397 = arith.constant 5000 : index
    %swap3A_398 = arith.constant 64 : index
    %swap3A_399 = vector.load %arg6[%swap3A_397, %swap3A_398] : memref<12800x128xi32, #tpu.memory_space<vmem>>, vector<200x64xi32>
    tpu.vector_store %arg6[%swap3A_397, %swap3A_398], %slice3A_396 {strides = array<i32>} : memref<12800x128xi32, #tpu.memory_space<vmem>>, vector<200x64xi32>,
    %slice3A_400 = vector.extract_strided_slice %or3A_142 {offsets = [0, 128], sizes = [200, 64], strides = [1, 1]} : vector<200x512xi32> to vector<200x64xi32>
    %swap3A_401 = arith.constant 5200 : index
    %swap3A_402 = arith.constant 0 : index
    %swap3A_403 = vector.load %arg6[%swap3A_401, %swap3A_402] : memref<12800x128xi32, #tpu.memory_space<vmem>>, vector<200x64xi32>
    tpu.vector_store %arg6[%swap3A_401, %swap3A_402], %slice3A_400 {strides = array<i32>} : memref<12800x128xi32, #tpu.memory_space<vmem>>, vector<200x64xi32>,
    %slice3A_404 = vector.extract_strided_slice %or3A_152 {offsets = [0, 128], sizes = [200, 64], strides = [1, 1]} : vector<200x512xi32> to vector<200x64xi32>
    %swap3A_405 = arith.constant 5200 : index
    %swap3A_406 = arith.constant 64 : index
    %swap3A_407 = vector.load %arg6[%swap3A_405, %swap3A_406] : memref<12800x128xi32, #tpu.memory_space<vmem>>, vector<200x64xi32>
    tpu.vector_store %arg6[%swap3A_405, %swap3A_406], %slice3A_404 {strides = array<i32>} : memref<12800x128xi32, #tpu.memory_space<vmem>>, vector<200x64xi32>,
    %slice3A_408 = vector.extract_strided_slice %or3A_142 {offsets = [0, 192], sizes = [200, 64], strides = [1, 1]} : vector<200x512xi32> to vector<200x64xi32>
    %swap3A_409 = arith.constant 5400 : index
    %swap3A_410 = arith.constant 0 : index
    %swap3A_411 = vector.load %arg6[%swap3A_409, %swap3A_410] : memref<12800x128xi32, #tpu.memory_space<vmem>>, vector<200x64xi32>
    tpu.vector_store %arg6[%swap3A_409, %swap3A_410], %slice3A_408 {strides = array<i32>} : memref<12800x128xi32, #tpu.memory_space<vmem>>, vector<200x64xi32>,
    %slice3A_412 = vector.extract_strided_slice %or3A_152 {offsets = [0, 192], sizes = [200, 64], strides = [1, 1]} : vector<200x512xi32> to vector<200x64xi32>
    %swap3A_413 = arith.constant 5400 : index
    %swap3A_414 = arith.constant 64 : index
    %swap3A_415 = vector.load %arg6[%swap3A_413, %swap3A_414] : memref<12800x128xi32, #tpu.memory_space<vmem>>, vector<200x64xi32>
    tpu.vector_store %arg6[%swap3A_413, %swap3A_414], %slice3A_412 {strides = array<i32>} : memref<12800x128xi32, #tpu.memory_space<vmem>>, vector<200x64xi32>,
    %slice3A_416 = vector.extract_strided_slice %or3A_142 {offsets = [0, 256], sizes = [200, 64], strides = [1, 1]} : vector<200x512xi32> to vector<200x64xi32>
    %swap3A_417 = arith.constant 5600 : index
    %swap3A_418 = arith.constant 0 : index
    %swap3A_419 = vector.load %arg6[%swap3A_417, %swap3A_418] : memref<12800x128xi32, #tpu.memory_space<vmem>>, vector<200x64xi32>
    tpu.vector_store %arg6[%swap3A_417, %swap3A_418], %slice3A_416 {strides = array<i32>} : memref<12800x128xi32, #tpu.memory_space<vmem>>, vector<200x64xi32>,
    %slice3A_420 = vector.extract_strided_slice %or3A_152 {offsets = [0, 256], sizes = [200, 64], strides = [1, 1]} : vector<200x512xi32> to vector<200x64xi32>
    %swap3A_421 = arith.constant 5600 : index
    %swap3A_422 = arith.constant 64 : index
    %swap3A_423 = vector.load %arg6[%swap3A_421, %swap3A_422] : memref<12800x128xi32, #tpu.memory_space<vmem>>, vector<200x64xi32>
    tpu.vector_store %arg6[%swap3A_421, %swap3A_422], %slice3A_420 {strides = array<i32>} : memref<12800x128xi32, #tpu.memory_space<vmem>>, vector<200x64xi32>,
    %slice3A_424 = vector.extract_strided_slice %or3A_142 {offsets = [0, 320], sizes = [200, 64], strides = [1, 1]} : vector<200x512xi32> to vector<200x64xi32>
    %swap3A_425 = arith.constant 5800 : index
    %swap3A_426 = arith.constant 0 : index
    %swap3A_427 = vector.load %arg6[%swap3A_425, %swap3A_426] : memref<12800x128xi32, #tpu.memory_space<vmem>>, vector<200x64xi32>
    tpu.vector_store %arg6[%swap3A_425, %swap3A_426], %slice3A_424 {strides = array<i32>} : memref<12800x128xi32, #tpu.memory_space<vmem>>, vector<200x64xi32>,
    %slice3A_428 = vector.extract_strided_slice %or3A_152 {offsets = [0, 320], sizes = [200, 64], strides = [1, 1]} : vector<200x512xi32> to vector<200x64xi32>
    %swap3A_429 = arith.constant 5800 : index
    %swap3A_430 = arith.constant 64 : index
    %swap3A_431 = vector.load %arg6[%swap3A_429, %swap3A_430] : memref<12800x128xi32, #tpu.memory_space<vmem>>, vector<200x64xi32>
    tpu.vector_store %arg6[%swap3A_429, %swap3A_430], %slice3A_428 {strides = array<i32>} : memref<12800x128xi32, #tpu.memory_space<vmem>>, vector<200x64xi32>,
    %slice3A_432 = vector.extract_strided_slice %or3A_142 {offsets = [0, 384], sizes = [200, 64], strides = [1, 1]} : vector<200x512xi32> to vector<200x64xi32>
    %swap3A_433 = arith.constant 6000 : index
    %swap3A_434 = arith.constant 0 : index
    %swap3A_435 = vector.load %arg6[%swap3A_433, %swap3A_434] : memref<12800x128xi32, #tpu.memory_space<vmem>>, vector<200x64xi32>
    tpu.vector_store %arg6[%swap3A_433, %swap3A_434], %slice3A_432 {strides = array<i32>} : memref<12800x128xi32, #tpu.memory_space<vmem>>, vector<200x64xi32>,
    %slice3A_436 = vector.extract_strided_slice %or3A_152 {offsets = [0, 384], sizes = [200, 64], strides = [1, 1]} : vector<200x512xi32> to vector<200x64xi32>
    %swap3A_437 = arith.constant 6000 : index
    %swap3A_438 = arith.constant 64 : index
    %swap3A_439 = vector.load %arg6[%swap3A_437, %swap3A_438] : memref<12800x128xi32, #tpu.memory_space<vmem>>, vector<200x64xi32>
    tpu.vector_store %arg6[%swap3A_437, %swap3A_438], %slice3A_436 {strides = array<i32>} : memref<12800x128xi32, #tpu.memory_space<vmem>>, vector<200x64xi32>,
    %slice3A_440 = vector.extract_strided_slice %or3A_142 {offsets = [0, 448], sizes = [200, 64], strides = [1, 1]} : vector<200x512xi32> to vector<200x64xi32>
    %swap3A_441 = arith.constant 6200 : index
    %swap3A_442 = arith.constant 0 : index
    %swap3A_443 = vector.load %arg6[%swap3A_441, %swap3A_442] : memref<12800x128xi32, #tpu.memory_space<vmem>>, vector<200x64xi32>
    tpu.vector_store %arg6[%swap3A_441, %swap3A_442], %slice3A_440 {strides = array<i32>} : memref<12800x128xi32, #tpu.memory_space<vmem>>, vector<200x64xi32>,
    %slice3A_444 = vector.extract_strided_slice %or3A_152 {offsets = [0, 448], sizes = [200, 64], strides = [1, 1]} : vector<200x512xi32> to vector<200x64xi32>
    %swap3A_445 = arith.constant 6200 : index
    %swap3A_446 = arith.constant 64 : index
    %swap3A_447 = vector.load %arg6[%swap3A_445, %swap3A_446] : memref<12800x128xi32, #tpu.memory_space<vmem>>, vector<200x64xi32>
    tpu.vector_store %arg6[%swap3A_445, %swap3A_446], %slice3A_444 {strides = array<i32>} : memref<12800x128xi32, #tpu.memory_space<vmem>>, vector<200x64xi32>,
    %slice3A_448 = vector.extract_strided_slice %or3A_152 {offsets = [0, 0], sizes = [200, 64], strides = [1, 1]} : vector<200x512xi32> to vector<200x64xi32>
    %swap3A_449 = arith.constant 6400 : index
    %swap3A_450 = arith.constant 0 : index
    %swap3A_451 = vector.load %arg6[%swap3A_449, %swap3A_450] : memref<12800x128xi32, #tpu.memory_space<vmem>>, vector<200x64xi32>
    tpu.vector_store %arg6[%swap3A_449, %swap3A_450], %slice3A_448 {strides = array<i32>} : memref<12800x128xi32, #tpu.memory_space<vmem>>, vector<200x64xi32>,
    %slice3A_452 = vector.extract_strided_slice %or3A_162 {offsets = [0, 0], sizes = [200, 64], strides = [1, 1]} : vector<200x512xi32> to vector<200x64xi32>
    %swap3A_453 = arith.constant 6400 : index
    %swap3A_454 = arith.constant 64 : index
    %swap3A_455 = vector.load %arg6[%swap3A_453, %swap3A_454] : memref<12800x128xi32, #tpu.memory_space<vmem>>, vector<200x64xi32>
    tpu.vector_store %arg6[%swap3A_453, %swap3A_454], %slice3A_452 {strides = array<i32>} : memref<12800x128xi32, #tpu.memory_space<vmem>>, vector<200x64xi32>,
    %slice3A_456 = vector.extract_strided_slice %or3A_152 {offsets = [0, 64], sizes = [200, 64], strides = [1, 1]} : vector<200x512xi32> to vector<200x64xi32>
    %swap3A_457 = arith.constant 6600 : index
    %swap3A_458 = arith.constant 0 : index
    %swap3A_459 = vector.load %arg6[%swap3A_457, %swap3A_458] : memref<12800x128xi32, #tpu.memory_space<vmem>>, vector<200x64xi32>
    tpu.vector_store %arg6[%swap3A_457, %swap3A_458], %slice3A_456 {strides = array<i32>} : memref<12800x128xi32, #tpu.memory_space<vmem>>, vector<200x64xi32>,
    %slice3A_460 = vector.extract_strided_slice %or3A_162 {offsets = [0, 64], sizes = [200, 64], strides = [1, 1]} : vector<200x512xi32> to vector<200x64xi32>
    %swap3A_461 = arith.constant 6600 : index
    %swap3A_462 = arith.constant 64 : index
    %swap3A_463 = vector.load %arg6[%swap3A_461, %swap3A_462] : memref<12800x128xi32, #tpu.memory_space<vmem>>, vector<200x64xi32>
    tpu.vector_store %arg6[%swap3A_461, %swap3A_462], %slice3A_460 {strides = array<i32>} : memref<12800x128xi32, #tpu.memory_space<vmem>>, vector<200x64xi32>,
    %slice3A_464 = vector.extract_strided_slice %or3A_152 {offsets = [0, 128], sizes = [200, 64], strides = [1, 1]} : vector<200x512xi32> to vector<200x64xi32>
    %swap3A_465 = arith.constant 6800 : index
    %swap3A_466 = arith.constant 0 : index
    %swap3A_467 = vector.load %arg6[%swap3A_465, %swap3A_466] : memref<12800x128xi32, #tpu.memory_space<vmem>>, vector<200x64xi32>
    tpu.vector_store %arg6[%swap3A_465, %swap3A_466], %slice3A_464 {strides = array<i32>} : memref<12800x128xi32, #tpu.memory_space<vmem>>, vector<200x64xi32>,
    %slice3A_468 = vector.extract_strided_slice %or3A_162 {offsets = [0, 128], sizes = [200, 64], strides = [1, 1]} : vector<200x512xi32> to vector<200x64xi32>
    %swap3A_469 = arith.constant 6800 : index
    %swap3A_470 = arith.constant 64 : index
    %swap3A_471 = vector.load %arg6[%swap3A_469, %swap3A_470] : memref<12800x128xi32, #tpu.memory_space<vmem>>, vector<200x64xi32>
    tpu.vector_store %arg6[%swap3A_469, %swap3A_470], %slice3A_468 {strides = array<i32>} : memref<12800x128xi32, #tpu.memory_space<vmem>>, vector<200x64xi32>,
    %slice3A_472 = vector.extract_strided_slice %or3A_152 {offsets = [0, 192], sizes = [200, 64], strides = [1, 1]} : vector<200x512xi32> to vector<200x64xi32>
    %swap3A_473 = arith.constant 7000 : index
    %swap3A_474 = arith.constant 0 : index
    %swap3A_475 = vector.load %arg6[%swap3A_473, %swap3A_474] : memref<12800x128xi32, #tpu.memory_space<vmem>>, vector<200x64xi32>
    tpu.vector_store %arg6[%swap3A_473, %swap3A_474], %slice3A_472 {strides = array<i32>} : memref<12800x128xi32, #tpu.memory_space<vmem>>, vector<200x64xi32>,
    %slice3A_476 = vector.extract_strided_slice %or3A_162 {offsets = [0, 192], sizes = [200, 64], strides = [1, 1]} : vector<200x512xi32> to vector<200x64xi32>
    %swap3A_477 = arith.constant 7000 : index
    %swap3A_478 = arith.constant 64 : index
    %swap3A_479 = vector.load %arg6[%swap3A_477, %swap3A_478] : memref<12800x128xi32, #tpu.memory_space<vmem>>, vector<200x64xi32>
    tpu.vector_store %arg6[%swap3A_477, %swap3A_478], %slice3A_476 {strides = array<i32>} : memref<12800x128xi32, #tpu.memory_space<vmem>>, vector<200x64xi32>,
    %slice3A_480 = vector.extract_strided_slice %or3A_152 {offsets = [0, 256], sizes = [200, 64], strides = [1, 1]} : vector<200x512xi32> to vector<200x64xi32>
    %swap3A_481 = arith.constant 7200 : index
    %swap3A_482 = arith.constant 0 : index
    %swap3A_483 = vector.load %arg6[%swap3A_481, %swap3A_482] : memref<12800x128xi32, #tpu.memory_space<vmem>>, vector<200x64xi32>
    tpu.vector_store %arg6[%swap3A_481, %swap3A_482], %slice3A_480 {strides = array<i32>} : memref<12800x128xi32, #tpu.memory_space<vmem>>, vector<200x64xi32>,
    %slice3A_484 = vector.extract_strided_slice %or3A_162 {offsets = [0, 256], sizes = [200, 64], strides = [1, 1]} : vector<200x512xi32> to vector<200x64xi32>
    %swap3A_485 = arith.constant 7200 : index
    %swap3A_486 = arith.constant 64 : index
    %swap3A_487 = vector.load %arg6[%swap3A_485, %swap3A_486] : memref<12800x128xi32, #tpu.memory_space<vmem>>, vector<200x64xi32>
    tpu.vector_store %arg6[%swap3A_485, %swap3A_486], %slice3A_484 {strides = array<i32>} : memref<12800x128xi32, #tpu.memory_space<vmem>>, vector<200x64xi32>,
    %slice3A_488 = vector.extract_strided_slice %or3A_152 {offsets = [0, 320], sizes = [200, 64], strides = [1, 1]} : vector<200x512xi32> to vector<200x64xi32>
    %swap3A_489 = arith.constant 7400 : index
    %swap3A_490 = arith.constant 0 : index
    %swap3A_491 = vector.load %arg6[%swap3A_489, %swap3A_490] : memref<12800x128xi32, #tpu.memory_space<vmem>>, vector<200x64xi32>
    tpu.vector_store %arg6[%swap3A_489, %swap3A_490], %slice3A_488 {strides = array<i32>} : memref<12800x128xi32, #tpu.memory_space<vmem>>, vector<200x64xi32>,
    %slice3A_492 = vector.extract_strided_slice %or3A_162 {offsets = [0, 320], sizes = [200, 64], strides = [1, 1]} : vector<200x512xi32> to vector<200x64xi32>
    %swap3A_493 = arith.constant 7400 : index
    %swap3A_494 = arith.constant 64 : index
    %swap3A_495 = vector.load %arg6[%swap3A_493, %swap3A_494] : memref<12800x128xi32, #tpu.memory_space<vmem>>, vector<200x64xi32>
    tpu.vector_store %arg6[%swap3A_493, %swap3A_494], %slice3A_492 {strides = array<i32>} : memref<12800x128xi32, #tpu.memory_space<vmem>>, vector<200x64xi32>,
    %slice3A_496 = vector.extract_strided_slice %or3A_152 {offsets = [0, 384], sizes = [200, 64], strides = [1, 1]} : vector<200x512xi32> to vector<200x64xi32>
    %swap3A_497 = arith.constant 7600 : index
    %swap3A_498 = arith.constant 0 : index
    %swap3A_499 = vector.load %arg6[%swap3A_497, %swap3A_498] : memref<12800x128xi32, #tpu.memory_space<vmem>>, vector<200x64xi32>
    tpu.vector_store %arg6[%swap3A_497, %swap3A_498], %slice3A_496 {strides = array<i32>} : memref<12800x128xi32, #tpu.memory_space<vmem>>, vector<200x64xi32>,
    %slice3A_500 = vector.extract_strided_slice %or3A_162 {offsets = [0, 384], sizes = [200, 64], strides = [1, 1]} : vector<200x512xi32> to vector<200x64xi32>
    %swap3A_501 = arith.constant 7600 : index
    %swap3A_502 = arith.constant 64 : index
    %swap3A_503 = vector.load %arg6[%swap3A_501, %swap3A_502] : memref<12800x128xi32, #tpu.memory_space<vmem>>, vector<200x64xi32>
    tpu.vector_store %arg6[%swap3A_501, %swap3A_502], %slice3A_500 {strides = array<i32>} : memref<12800x128xi32, #tpu.memory_space<vmem>>, vector<200x64xi32>,
    %slice3A_504 = vector.extract_strided_slice %or3A_152 {offsets = [0, 448], sizes = [200, 64], strides = [1, 1]} : vector<200x512xi32> to vector<200x64xi32>
    %swap3A_505 = arith.constant 7800 : index
    %swap3A_506 = arith.constant 0 : index
    %swap3A_507 = vector.load %arg6[%swap3A_505, %swap3A_506] : memref<12800x128xi32, #tpu.memory_space<vmem>>, vector<200x64xi32>
    tpu.vector_store %arg6[%swap3A_505, %swap3A_506], %slice3A_504 {strides = array<i32>} : memref<12800x128xi32, #tpu.memory_space<vmem>>, vector<200x64xi32>,
    %slice3A_508 = vector.extract_strided_slice %or3A_162 {offsets = [0, 448], sizes = [200, 64], strides = [1, 1]} : vector<200x512xi32> to vector<200x64xi32>
    %swap3A_509 = arith.constant 7800 : index
    %swap3A_510 = arith.constant 64 : index
    %swap3A_511 = vector.load %arg6[%swap3A_509, %swap3A_510] : memref<12800x128xi32, #tpu.memory_space<vmem>>, vector<200x64xi32>
    tpu.vector_store %arg6[%swap3A_509, %swap3A_510], %slice3A_508 {strides = array<i32>} : memref<12800x128xi32, #tpu.memory_space<vmem>>, vector<200x64xi32>,
    %slice3A_512 = vector.extract_strided_slice %or3A_162 {offsets = [0, 0], sizes = [200, 64], strides = [1, 1]} : vector<200x512xi32> to vector<200x64xi32>
    %swap3A_513 = arith.constant 8000 : index
    %swap3A_514 = arith.constant 0 : index
    %swap3A_515 = vector.load %arg6[%swap3A_513, %swap3A_514] : memref<12800x128xi32, #tpu.memory_space<vmem>>, vector<200x64xi32>
    tpu.vector_store %arg6[%swap3A_513, %swap3A_514], %slice3A_512 {strides = array<i32>} : memref<12800x128xi32, #tpu.memory_space<vmem>>, vector<200x64xi32>,
    %slice3A_516 = vector.extract_strided_slice %or3A_172 {offsets = [0, 0], sizes = [200, 64], strides = [1, 1]} : vector<200x512xi32> to vector<200x64xi32>
    %swap3A_517 = arith.constant 8000 : index
    %swap3A_518 = arith.constant 64 : index
    %swap3A_519 = vector.load %arg6[%swap3A_517, %swap3A_518] : memref<12800x128xi32, #tpu.memory_space<vmem>>, vector<200x64xi32>
    tpu.vector_store %arg6[%swap3A_517, %swap3A_518], %slice3A_516 {strides = array<i32>} : memref<12800x128xi32, #tpu.memory_space<vmem>>, vector<200x64xi32>,
    %slice3A_520 = vector.extract_strided_slice %or3A_162 {offsets = [0, 64], sizes = [200, 64], strides = [1, 1]} : vector<200x512xi32> to vector<200x64xi32>
    %swap3A_521 = arith.constant 8200 : index
    %swap3A_522 = arith.constant 0 : index
    %swap3A_523 = vector.load %arg6[%swap3A_521, %swap3A_522] : memref<12800x128xi32, #tpu.memory_space<vmem>>, vector<200x64xi32>
    tpu.vector_store %arg6[%swap3A_521, %swap3A_522], %slice3A_520 {strides = array<i32>} : memref<12800x128xi32, #tpu.memory_space<vmem>>, vector<200x64xi32>,
    %slice3A_524 = vector.extract_strided_slice %or3A_172 {offsets = [0, 64], sizes = [200, 64], strides = [1, 1]} : vector<200x512xi32> to vector<200x64xi32>
    %swap3A_525 = arith.constant 8200 : index
    %swap3A_526 = arith.constant 64 : index
    %swap3A_527 = vector.load %arg6[%swap3A_525, %swap3A_526] : memref<12800x128xi32, #tpu.memory_space<vmem>>, vector<200x64xi32>
    tpu.vector_store %arg6[%swap3A_525, %swap3A_526], %slice3A_524 {strides = array<i32>} : memref<12800x128xi32, #tpu.memory_space<vmem>>, vector<200x64xi32>,
    %slice3A_528 = vector.extract_strided_slice %or3A_162 {offsets = [0, 128], sizes = [200, 64], strides = [1, 1]} : vector<200x512xi32> to vector<200x64xi32>
    %swap3A_529 = arith.constant 8400 : index
    %swap3A_530 = arith.constant 0 : index
    %swap3A_531 = vector.load %arg6[%swap3A_529, %swap3A_530] : memref<12800x128xi32, #tpu.memory_space<vmem>>, vector<200x64xi32>
    tpu.vector_store %arg6[%swap3A_529, %swap3A_530], %slice3A_528 {strides = array<i32>} : memref<12800x128xi32, #tpu.memory_space<vmem>>, vector<200x64xi32>,
    %slice3A_532 = vector.extract_strided_slice %or3A_172 {offsets = [0, 128], sizes = [200, 64], strides = [1, 1]} : vector<200x512xi32> to vector<200x64xi32>
    %swap3A_533 = arith.constant 8400 : index
    %swap3A_534 = arith.constant 64 : index
    %swap3A_535 = vector.load %arg6[%swap3A_533, %swap3A_534] : memref<12800x128xi32, #tpu.memory_space<vmem>>, vector<200x64xi32>
    tpu.vector_store %arg6[%swap3A_533, %swap3A_534], %slice3A_532 {strides = array<i32>} : memref<12800x128xi32, #tpu.memory_space<vmem>>, vector<200x64xi32>,
    %slice3A_536 = vector.extract_strided_slice %or3A_162 {offsets = [0, 192], sizes = [200, 64], strides = [1, 1]} : vector<200x512xi32> to vector<200x64xi32>
    %swap3A_537 = arith.constant 8600 : index
    %swap3A_538 = arith.constant 0 : index
    %swap3A_539 = vector.load %arg6[%swap3A_537, %swap3A_538] : memref<12800x128xi32, #tpu.memory_space<vmem>>, vector<200x64xi32>
    tpu.vector_store %arg6[%swap3A_537, %swap3A_538], %slice3A_536 {strides = array<i32>} : memref<12800x128xi32, #tpu.memory_space<vmem>>, vector<200x64xi32>,
    %slice3A_540 = vector.extract_strided_slice %or3A_172 {offsets = [0, 192], sizes = [200, 64], strides = [1, 1]} : vector<200x512xi32> to vector<200x64xi32>
    %swap3A_541 = arith.constant 8600 : index
    %swap3A_542 = arith.constant 64 : index
    %swap3A_543 = vector.load %arg6[%swap3A_541, %swap3A_542] : memref<12800x128xi32, #tpu.memory_space<vmem>>, vector<200x64xi32>
    tpu.vector_store %arg6[%swap3A_541, %swap3A_542], %slice3A_540 {strides = array<i32>} : memref<12800x128xi32, #tpu.memory_space<vmem>>, vector<200x64xi32>,
    %slice3A_544 = vector.extract_strided_slice %or3A_162 {offsets = [0, 256], sizes = [200, 64], strides = [1, 1]} : vector<200x512xi32> to vector<200x64xi32>
    %swap3A_545 = arith.constant 8800 : index
    %swap3A_546 = arith.constant 0 : index
    %swap3A_547 = vector.load %arg6[%swap3A_545, %swap3A_546] : memref<12800x128xi32, #tpu.memory_space<vmem>>, vector<200x64xi32>
    tpu.vector_store %arg6[%swap3A_545, %swap3A_546], %slice3A_544 {strides = array<i32>} : memref<12800x128xi32, #tpu.memory_space<vmem>>, vector<200x64xi32>,
    %slice3A_548 = vector.extract_strided_slice %or3A_172 {offsets = [0, 256], sizes = [200, 64], strides = [1, 1]} : vector<200x512xi32> to vector<200x64xi32>
    %swap3A_549 = arith.constant 8800 : index
    %swap3A_550 = arith.constant 64 : index
    %swap3A_551 = vector.load %arg6[%swap3A_549, %swap3A_550] : memref<12800x128xi32, #tpu.memory_space<vmem>>, vector<200x64xi32>
    tpu.vector_store %arg6[%swap3A_549, %swap3A_550], %slice3A_548 {strides = array<i32>} : memref<12800x128xi32, #tpu.memory_space<vmem>>, vector<200x64xi32>,
    %slice3A_552 = vector.extract_strided_slice %or3A_162 {offsets = [0, 320], sizes = [200, 64], strides = [1, 1]} : vector<200x512xi32> to vector<200x64xi32>
    %swap3A_553 = arith.constant 9000 : index
    %swap3A_554 = arith.constant 0 : index
    %swap3A_555 = vector.load %arg6[%swap3A_553, %swap3A_554] : memref<12800x128xi32, #tpu.memory_space<vmem>>, vector<200x64xi32>
    tpu.vector_store %arg6[%swap3A_553, %swap3A_554], %slice3A_552 {strides = array<i32>} : memref<12800x128xi32, #tpu.memory_space<vmem>>, vector<200x64xi32>,
    %slice3A_556 = vector.extract_strided_slice %or3A_172 {offsets = [0, 320], sizes = [200, 64], strides = [1, 1]} : vector<200x512xi32> to vector<200x64xi32>
    %swap3A_557 = arith.constant 9000 : index
    %swap3A_558 = arith.constant 64 : index
    %swap3A_559 = vector.load %arg6[%swap3A_557, %swap3A_558] : memref<12800x128xi32, #tpu.memory_space<vmem>>, vector<200x64xi32>
    tpu.vector_store %arg6[%swap3A_557, %swap3A_558], %slice3A_556 {strides = array<i32>} : memref<12800x128xi32, #tpu.memory_space<vmem>>, vector<200x64xi32>,
    %slice3A_560 = vector.extract_strided_slice %or3A_162 {offsets = [0, 384], sizes = [200, 64], strides = [1, 1]} : vector<200x512xi32> to vector<200x64xi32>
    %swap3A_561 = arith.constant 9200 : index
    %swap3A_562 = arith.constant 0 : index
    %swap3A_563 = vector.load %arg6[%swap3A_561, %swap3A_562] : memref<12800x128xi32, #tpu.memory_space<vmem>>, vector<200x64xi32>
    tpu.vector_store %arg6[%swap3A_561, %swap3A_562], %slice3A_560 {strides = array<i32>} : memref<12800x128xi32, #tpu.memory_space<vmem>>, vector<200x64xi32>,
    %slice3A_564 = vector.extract_strided_slice %or3A_172 {offsets = [0, 384], sizes = [200, 64], strides = [1, 1]} : vector<200x512xi32> to vector<200x64xi32>
    %swap3A_565 = arith.constant 9200 : index
    %swap3A_566 = arith.constant 64 : index
    %swap3A_567 = vector.load %arg6[%swap3A_565, %swap3A_566] : memref<12800x128xi32, #tpu.memory_space<vmem>>, vector<200x64xi32>
    tpu.vector_store %arg6[%swap3A_565, %swap3A_566], %slice3A_564 {strides = array<i32>} : memref<12800x128xi32, #tpu.memory_space<vmem>>, vector<200x64xi32>,
    %slice3A_568 = vector.extract_strided_slice %or3A_162 {offsets = [0, 448], sizes = [200, 64], strides = [1, 1]} : vector<200x512xi32> to vector<200x64xi32>
    %swap3A_569 = arith.constant 9400 : index
    %swap3A_570 = arith.constant 0 : index
    %swap3A_571 = vector.load %arg6[%swap3A_569, %swap3A_570] : memref<12800x128xi32, #tpu.memory_space<vmem>>, vector<200x64xi32>
    tpu.vector_store %arg6[%swap3A_569, %swap3A_570], %slice3A_568 {strides = array<i32>} : memref<12800x128xi32, #tpu.memory_space<vmem>>, vector<200x64xi32>,
    %slice3A_572 = vector.extract_strided_slice %or3A_172 {offsets = [0, 448], sizes = [200, 64], strides = [1, 1]} : vector<200x512xi32> to vector<200x64xi32>
    %swap3A_573 = arith.constant 9400 : index
    %swap3A_574 = arith.constant 64 : index
    %swap3A_575 = vector.load %arg6[%swap3A_573, %swap3A_574] : memref<12800x128xi32, #tpu.memory_space<vmem>>, vector<200x64xi32>
    tpu.vector_store %arg6[%swap3A_573, %swap3A_574], %slice3A_572 {strides = array<i32>} : memref<12800x128xi32, #tpu.memory_space<vmem>>, vector<200x64xi32>,
    %slice3A_576 = vector.extract_strided_slice %or3A_172 {offsets = [0, 0], sizes = [200, 64], strides = [1, 1]} : vector<200x512xi32> to vector<200x64xi32>
    %swap3A_577 = arith.constant 9600 : index
    %swap3A_578 = arith.constant 0 : index
    %swap3A_579 = vector.load %arg6[%swap3A_577, %swap3A_578] : memref<12800x128xi32, #tpu.memory_space<vmem>>, vector<200x64xi32>
    tpu.vector_store %arg6[%swap3A_577, %swap3A_578], %slice3A_576 {strides = array<i32>} : memref<12800x128xi32, #tpu.memory_space<vmem>>, vector<200x64xi32>,
    %slice3A_580 = vector.extract_strided_slice %or3A_182 {offsets = [0, 0], sizes = [200, 64], strides = [1, 1]} : vector<200x512xi32> to vector<200x64xi32>
    %swap3A_581 = arith.constant 9600 : index
    %swap3A_582 = arith.constant 64 : index
    %swap3A_583 = vector.load %arg6[%swap3A_581, %swap3A_582] : memref<12800x128xi32, #tpu.memory_space<vmem>>, vector<200x64xi32>
    tpu.vector_store %arg6[%swap3A_581, %swap3A_582], %slice3A_580 {strides = array<i32>} : memref<12800x128xi32, #tpu.memory_space<vmem>>, vector<200x64xi32>,
    %slice3A_584 = vector.extract_strided_slice %or3A_172 {offsets = [0, 64], sizes = [200, 64], strides = [1, 1]} : vector<200x512xi32> to vector<200x64xi32>
    %swap3A_585 = arith.constant 9800 : index
    %swap3A_586 = arith.constant 0 : index
    %swap3A_587 = vector.load %arg6[%swap3A_585, %swap3A_586] : memref<12800x128xi32, #tpu.memory_space<vmem>>, vector<200x64xi32>
    tpu.vector_store %arg6[%swap3A_585, %swap3A_586], %slice3A_584 {strides = array<i32>} : memref<12800x128xi32, #tpu.memory_space<vmem>>, vector<200x64xi32>,
    %slice3A_588 = vector.extract_strided_slice %or3A_182 {offsets = [0, 64], sizes = [200, 64], strides = [1, 1]} : vector<200x512xi32> to vector<200x64xi32>
    %swap3A_589 = arith.constant 9800 : index
    %swap3A_590 = arith.constant 64 : index
    %swap3A_591 = vector.load %arg6[%swap3A_589, %swap3A_590] : memref<12800x128xi32, #tpu.memory_space<vmem>>, vector<200x64xi32>
    tpu.vector_store %arg6[%swap3A_589, %swap3A_590], %slice3A_588 {strides = array<i32>} : memref<12800x128xi32, #tpu.memory_space<vmem>>, vector<200x64xi32>,
    %slice3A_592 = vector.extract_strided_slice %or3A_172 {offsets = [0, 128], sizes = [200, 64], strides = [1, 1]} : vector<200x512xi32> to vector<200x64xi32>
    %swap3A_593 = arith.constant 10000 : index
    %swap3A_594 = arith.constant 0 : index
    %swap3A_595 = vector.load %arg6[%swap3A_593, %swap3A_594] : memref<12800x128xi32, #tpu.memory_space<vmem>>, vector<200x64xi32>
    tpu.vector_store %arg6[%swap3A_593, %swap3A_594], %slice3A_592 {strides = array<i32>} : memref<12800x128xi32, #tpu.memory_space<vmem>>, vector<200x64xi32>,
    %slice3A_596 = vector.extract_strided_slice %or3A_182 {offsets = [0, 128], sizes = [200, 64], strides = [1, 1]} : vector<200x512xi32> to vector<200x64xi32>
    %swap3A_597 = arith.constant 10000 : index
    %swap3A_598 = arith.constant 64 : index
    %swap3A_599 = vector.load %arg6[%swap3A_597, %swap3A_598] : memref<12800x128xi32, #tpu.memory_space<vmem>>, vector<200x64xi32>
    tpu.vector_store %arg6[%swap3A_597, %swap3A_598], %slice3A_596 {strides = array<i32>} : memref<12800x128xi32, #tpu.memory_space<vmem>>, vector<200x64xi32>,
    %slice3A_600 = vector.extract_strided_slice %or3A_172 {offsets = [0, 192], sizes = [200, 64], strides = [1, 1]} : vector<200x512xi32> to vector<200x64xi32>
    %swap3A_601 = arith.constant 10200 : index
    %swap3A_602 = arith.constant 0 : index
    %swap3A_603 = vector.load %arg6[%swap3A_601, %swap3A_602] : memref<12800x128xi32, #tpu.memory_space<vmem>>, vector<200x64xi32>
    tpu.vector_store %arg6[%swap3A_601, %swap3A_602], %slice3A_600 {strides = array<i32>} : memref<12800x128xi32, #tpu.memory_space<vmem>>, vector<200x64xi32>,
    %slice3A_604 = vector.extract_strided_slice %or3A_182 {offsets = [0, 192], sizes = [200, 64], strides = [1, 1]} : vector<200x512xi32> to vector<200x64xi32>
    %swap3A_605 = arith.constant 10200 : index
    %swap3A_606 = arith.constant 64 : index
    %swap3A_607 = vector.load %arg6[%swap3A_605, %swap3A_606] : memref<12800x128xi32, #tpu.memory_space<vmem>>, vector<200x64xi32>
    tpu.vector_store %arg6[%swap3A_605, %swap3A_606], %slice3A_604 {strides = array<i32>} : memref<12800x128xi32, #tpu.memory_space<vmem>>, vector<200x64xi32>,
    %slice3A_608 = vector.extract_strided_slice %or3A_172 {offsets = [0, 256], sizes = [200, 64], strides = [1, 1]} : vector<200x512xi32> to vector<200x64xi32>
    %swap3A_609 = arith.constant 10400 : index
    %swap3A_610 = arith.constant 0 : index
    %swap3A_611 = vector.load %arg6[%swap3A_609, %swap3A_610] : memref<12800x128xi32, #tpu.memory_space<vmem>>, vector<200x64xi32>
    tpu.vector_store %arg6[%swap3A_609, %swap3A_610], %slice3A_608 {strides = array<i32>} : memref<12800x128xi32, #tpu.memory_space<vmem>>, vector<200x64xi32>,
    %slice3A_612 = vector.extract_strided_slice %or3A_182 {offsets = [0, 256], sizes = [200, 64], strides = [1, 1]} : vector<200x512xi32> to vector<200x64xi32>
    %swap3A_613 = arith.constant 10400 : index
    %swap3A_614 = arith.constant 64 : index
    %swap3A_615 = vector.load %arg6[%swap3A_613, %swap3A_614] : memref<12800x128xi32, #tpu.memory_space<vmem>>, vector<200x64xi32>
    tpu.vector_store %arg6[%swap3A_613, %swap3A_614], %slice3A_612 {strides = array<i32>} : memref<12800x128xi32, #tpu.memory_space<vmem>>, vector<200x64xi32>,
    %slice3A_616 = vector.extract_strided_slice %or3A_172 {offsets = [0, 320], sizes = [200, 64], strides = [1, 1]} : vector<200x512xi32> to vector<200x64xi32>
    %swap3A_617 = arith.constant 10600 : index
    %swap3A_618 = arith.constant 0 : index
    %swap3A_619 = vector.load %arg6[%swap3A_617, %swap3A_618] : memref<12800x128xi32, #tpu.memory_space<vmem>>, vector<200x64xi32>
    tpu.vector_store %arg6[%swap3A_617, %swap3A_618], %slice3A_616 {strides = array<i32>} : memref<12800x128xi32, #tpu.memory_space<vmem>>, vector<200x64xi32>,
    %slice3A_620 = vector.extract_strided_slice %or3A_182 {offsets = [0, 320], sizes = [200, 64], strides = [1, 1]} : vector<200x512xi32> to vector<200x64xi32>
    %swap3A_621 = arith.constant 10600 : index
    %swap3A_622 = arith.constant 64 : index
    %swap3A_623 = vector.load %arg6[%swap3A_621, %swap3A_622] : memref<12800x128xi32, #tpu.memory_space<vmem>>, vector<200x64xi32>
    tpu.vector_store %arg6[%swap3A_621, %swap3A_622], %slice3A_620 {strides = array<i32>} : memref<12800x128xi32, #tpu.memory_space<vmem>>, vector<200x64xi32>,
    %slice3A_624 = vector.extract_strided_slice %or3A_172 {offsets = [0, 384], sizes = [200, 64], strides = [1, 1]} : vector<200x512xi32> to vector<200x64xi32>
    %swap3A_625 = arith.constant 10800 : index
    %swap3A_626 = arith.constant 0 : index
    %swap3A_627 = vector.load %arg6[%swap3A_625, %swap3A_626] : memref<12800x128xi32, #tpu.memory_space<vmem>>, vector<200x64xi32>
    tpu.vector_store %arg6[%swap3A_625, %swap3A_626], %slice3A_624 {strides = array<i32>} : memref<12800x128xi32, #tpu.memory_space<vmem>>, vector<200x64xi32>,
    %slice3A_628 = vector.extract_strided_slice %or3A_182 {offsets = [0, 384], sizes = [200, 64], strides = [1, 1]} : vector<200x512xi32> to vector<200x64xi32>
    %swap3A_629 = arith.constant 10800 : index
    %swap3A_630 = arith.constant 64 : index
    %swap3A_631 = vector.load %arg6[%swap3A_629, %swap3A_630] : memref<12800x128xi32, #tpu.memory_space<vmem>>, vector<200x64xi32>
    tpu.vector_store %arg6[%swap3A_629, %swap3A_630], %slice3A_628 {strides = array<i32>} : memref<12800x128xi32, #tpu.memory_space<vmem>>, vector<200x64xi32>,
    %slice3A_632 = vector.extract_strided_slice %or3A_172 {offsets = [0, 448], sizes = [200, 64], strides = [1, 1]} : vector<200x512xi32> to vector<200x64xi32>
    %swap3A_633 = arith.constant 11000 : index
    %swap3A_634 = arith.constant 0 : index
    %swap3A_635 = vector.load %arg6[%swap3A_633, %swap3A_634] : memref<12800x128xi32, #tpu.memory_space<vmem>>, vector<200x64xi32>
    tpu.vector_store %arg6[%swap3A_633, %swap3A_634], %slice3A_632 {strides = array<i32>} : memref<12800x128xi32, #tpu.memory_space<vmem>>, vector<200x64xi32>,
    %slice3A_636 = vector.extract_strided_slice %or3A_182 {offsets = [0, 448], sizes = [200, 64], strides = [1, 1]} : vector<200x512xi32> to vector<200x64xi32>
    %swap3A_637 = arith.constant 11000 : index
    %swap3A_638 = arith.constant 64 : index
    %swap3A_639 = vector.load %arg6[%swap3A_637, %swap3A_638] : memref<12800x128xi32, #tpu.memory_space<vmem>>, vector<200x64xi32>
    tpu.vector_store %arg6[%swap3A_637, %swap3A_638], %slice3A_636 {strides = array<i32>} : memref<12800x128xi32, #tpu.memory_space<vmem>>, vector<200x64xi32>,
    %slice3A_640 = vector.extract_strided_slice %or3A_182 {offsets = [0, 0], sizes = [200, 64], strides = [1, 1]} : vector<200x512xi32> to vector<200x64xi32>
    %swap3A_641 = arith.constant 11200 : index
    %swap3A_642 = arith.constant 0 : index
    %swap3A_643 = vector.load %arg6[%swap3A_641, %swap3A_642] : memref<12800x128xi32, #tpu.memory_space<vmem>>, vector<200x64xi32>
    tpu.vector_store %arg6[%swap3A_641, %swap3A_642], %slice3A_640 {strides = array<i32>} : memref<12800x128xi32, #tpu.memory_space<vmem>>, vector<200x64xi32>,
    %slice3A_644 = vector.extract_strided_slice %or3A_192 {offsets = [0, 0], sizes = [200, 64], strides = [1, 1]} : vector<200x512xi32> to vector<200x64xi32>
    %swap3A_645 = arith.constant 11200 : index
    %swap3A_646 = arith.constant 64 : index
    %swap3A_647 = vector.load %arg6[%swap3A_645, %swap3A_646] : memref<12800x128xi32, #tpu.memory_space<vmem>>, vector<200x64xi32>
    tpu.vector_store %arg6[%swap3A_645, %swap3A_646], %slice3A_644 {strides = array<i32>} : memref<12800x128xi32, #tpu.memory_space<vmem>>, vector<200x64xi32>,
    %slice3A_648 = vector.extract_strided_slice %or3A_182 {offsets = [0, 64], sizes = [200, 64], strides = [1, 1]} : vector<200x512xi32> to vector<200x64xi32>
    %swap3A_649 = arith.constant 11400 : index
    %swap3A_650 = arith.constant 0 : index
    %swap3A_651 = vector.load %arg6[%swap3A_649, %swap3A_650] : memref<12800x128xi32, #tpu.memory_space<vmem>>, vector<200x64xi32>
    tpu.vector_store %arg6[%swap3A_649, %swap3A_650], %slice3A_648 {strides = array<i32>} : memref<12800x128xi32, #tpu.memory_space<vmem>>, vector<200x64xi32>,
    %slice3A_652 = vector.extract_strided_slice %or3A_192 {offsets = [0, 64], sizes = [200, 64], strides = [1, 1]} : vector<200x512xi32> to vector<200x64xi32>
    %swap3A_653 = arith.constant 11400 : index
    %swap3A_654 = arith.constant 64 : index
    %swap3A_655 = vector.load %arg6[%swap3A_653, %swap3A_654] : memref<12800x128xi32, #tpu.memory_space<vmem>>, vector<200x64xi32>
    tpu.vector_store %arg6[%swap3A_653, %swap3A_654], %slice3A_652 {strides = array<i32>} : memref<12800x128xi32, #tpu.memory_space<vmem>>, vector<200x64xi32>,
    %slice3A_656 = vector.extract_strided_slice %or3A_182 {offsets = [0, 128], sizes = [200, 64], strides = [1, 1]} : vector<200x512xi32> to vector<200x64xi32>
    %swap3A_657 = arith.constant 11600 : index
    %swap3A_658 = arith.constant 0 : index
    %swap3A_659 = vector.load %arg6[%swap3A_657, %swap3A_658] : memref<12800x128xi32, #tpu.memory_space<vmem>>, vector<200x64xi32>
    tpu.vector_store %arg6[%swap3A_657, %swap3A_658], %slice3A_656 {strides = array<i32>} : memref<12800x128xi32, #tpu.memory_space<vmem>>, vector<200x64xi32>,
    %slice3A_660 = vector.extract_strided_slice %or3A_192 {offsets = [0, 128], sizes = [200, 64], strides = [1, 1]} : vector<200x512xi32> to vector<200x64xi32>
    %swap3A_661 = arith.constant 11600 : index
    %swap3A_662 = arith.constant 64 : index
    %swap3A_663 = vector.load %arg6[%swap3A_661, %swap3A_662] : memref<12800x128xi32, #tpu.memory_space<vmem>>, vector<200x64xi32>
    tpu.vector_store %arg6[%swap3A_661, %swap3A_662], %slice3A_660 {strides = array<i32>} : memref<12800x128xi32, #tpu.memory_space<vmem>>, vector<200x64xi32>,
    %slice3A_664 = vector.extract_strided_slice %or3A_182 {offsets = [0, 192], sizes = [200, 64], strides = [1, 1]} : vector<200x512xi32> to vector<200x64xi32>
    %swap3A_665 = arith.constant 11800 : index
    %swap3A_666 = arith.constant 0 : index
    %swap3A_667 = vector.load %arg6[%swap3A_665, %swap3A_666] : memref<12800x128xi32, #tpu.memory_space<vmem>>, vector<200x64xi32>
    tpu.vector_store %arg6[%swap3A_665, %swap3A_666], %slice3A_664 {strides = array<i32>} : memref<12800x128xi32, #tpu.memory_space<vmem>>, vector<200x64xi32>,
    %slice3A_668 = vector.extract_strided_slice %or3A_192 {offsets = [0, 192], sizes = [200, 64], strides = [1, 1]} : vector<200x512xi32> to vector<200x64xi32>
    %swap3A_669 = arith.constant 11800 : index
    %swap3A_670 = arith.constant 64 : index
    %swap3A_671 = vector.load %arg6[%swap3A_669, %swap3A_670] : memref<12800x128xi32, #tpu.memory_space<vmem>>, vector<200x64xi32>
    tpu.vector_store %arg6[%swap3A_669, %swap3A_670], %slice3A_668 {strides = array<i32>} : memref<12800x128xi32, #tpu.memory_space<vmem>>, vector<200x64xi32>,
    %slice3A_672 = vector.extract_strided_slice %or3A_182 {offsets = [0, 256], sizes = [200, 64], strides = [1, 1]} : vector<200x512xi32> to vector<200x64xi32>
    %swap3A_673 = arith.constant 12000 : index
    %swap3A_674 = arith.constant 0 : index
    %swap3A_675 = vector.load %arg6[%swap3A_673, %swap3A_674] : memref<12800x128xi32, #tpu.memory_space<vmem>>, vector<200x64xi32>
    tpu.vector_store %arg6[%swap3A_673, %swap3A_674], %slice3A_672 {strides = array<i32>} : memref<12800x128xi32, #tpu.memory_space<vmem>>, vector<200x64xi32>,
    %slice3A_676 = vector.extract_strided_slice %or3A_192 {offsets = [0, 256], sizes = [200, 64], strides = [1, 1]} : vector<200x512xi32> to vector<200x64xi32>
    %swap3A_677 = arith.constant 12000 : index
    %swap3A_678 = arith.constant 64 : index
    %swap3A_679 = vector.load %arg6[%swap3A_677, %swap3A_678] : memref<12800x128xi32, #tpu.memory_space<vmem>>, vector<200x64xi32>
    tpu.vector_store %arg6[%swap3A_677, %swap3A_678], %slice3A_676 {strides = array<i32>} : memref<12800x128xi32, #tpu.memory_space<vmem>>, vector<200x64xi32>,
    %slice3A_680 = vector.extract_strided_slice %or3A_182 {offsets = [0, 320], sizes = [200, 64], strides = [1, 1]} : vector<200x512xi32> to vector<200x64xi32>
    %swap3A_681 = arith.constant 12200 : index
    %swap3A_682 = arith.constant 0 : index
    %swap3A_683 = vector.load %arg6[%swap3A_681, %swap3A_682] : memref<12800x128xi32, #tpu.memory_space<vmem>>, vector<200x64xi32>
    tpu.vector_store %arg6[%swap3A_681, %swap3A_682], %slice3A_680 {strides = array<i32>} : memref<12800x128xi32, #tpu.memory_space<vmem>>, vector<200x64xi32>,
    %slice3A_684 = vector.extract_strided_slice %or3A_192 {offsets = [0, 320], sizes = [200, 64], strides = [1, 1]} : vector<200x512xi32> to vector<200x64xi32>
    %swap3A_685 = arith.constant 12200 : index
    %swap3A_686 = arith.constant 64 : index
    %swap3A_687 = vector.load %arg6[%swap3A_685, %swap3A_686] : memref<12800x128xi32, #tpu.memory_space<vmem>>, vector<200x64xi32>
    tpu.vector_store %arg6[%swap3A_685, %swap3A_686], %slice3A_684 {strides = array<i32>} : memref<12800x128xi32, #tpu.memory_space<vmem>>, vector<200x64xi32>,
    %slice3A_688 = vector.extract_strided_slice %or3A_182 {offsets = [0, 384], sizes = [200, 64], strides = [1, 1]} : vector<200x512xi32> to vector<200x64xi32>
    %swap3A_689 = arith.constant 12400 : index
    %swap3A_690 = arith.constant 0 : index
    %swap3A_691 = vector.load %arg6[%swap3A_689, %swap3A_690] : memref<12800x128xi32, #tpu.memory_space<vmem>>, vector<200x64xi32>
    tpu.vector_store %arg6[%swap3A_689, %swap3A_690], %slice3A_688 {strides = array<i32>} : memref<12800x128xi32, #tpu.memory_space<vmem>>, vector<200x64xi32>,
    %slice3A_692 = vector.extract_strided_slice %or3A_192 {offsets = [0, 384], sizes = [200, 64], strides = [1, 1]} : vector<200x512xi32> to vector<200x64xi32>
    %swap3A_693 = arith.constant 12400 : index
    %swap3A_694 = arith.constant 64 : index
    %swap3A_695 = vector.load %arg6[%swap3A_693, %swap3A_694] : memref<12800x128xi32, #tpu.memory_space<vmem>>, vector<200x64xi32>
    tpu.vector_store %arg6[%swap3A_693, %swap3A_694], %slice3A_692 {strides = array<i32>} : memref<12800x128xi32, #tpu.memory_space<vmem>>, vector<200x64xi32>,
    %slice3A_696 = vector.extract_strided_slice %or3A_182 {offsets = [0, 448], sizes = [200, 64], strides = [1, 1]} : vector<200x512xi32> to vector<200x64xi32>
    %swap3A_697 = arith.constant 12600 : index
    %swap3A_698 = arith.constant 0 : index
    %swap3A_699 = vector.load %arg6[%swap3A_697, %swap3A_698] : memref<12800x128xi32, #tpu.memory_space<vmem>>, vector<200x64xi32>
    tpu.vector_store %arg6[%swap3A_697, %swap3A_698], %slice3A_696 {strides = array<i32>} : memref<12800x128xi32, #tpu.memory_space<vmem>>, vector<200x64xi32>,
    %slice3A_700 = vector.extract_strided_slice %or3A_192 {offsets = [0, 448], sizes = [200, 64], strides = [1, 1]} : vector<200x512xi32> to vector<200x64xi32>
    %swap3A_701 = arith.constant 12600 : index
    %swap3A_702 = arith.constant 64 : index
    %swap3A_703 = vector.load %arg6[%swap3A_701, %swap3A_702] : memref<12800x128xi32, #tpu.memory_space<vmem>>, vector<200x64xi32>
    tpu.vector_store %arg6[%swap3A_701, %swap3A_702], %slice3A_700 {strides = array<i32>} : memref<12800x128xi32, #tpu.memory_space<vmem>>, vector<200x64xi32>,
    return
  }
  func.func @transform_0(%arg0: i32, %arg1: i32) -> (i32, i32, i32, i32) {
    %c0_i32 = arith.constant 0 : i32
    %c0_i32_0 = arith.constant 0 : i32
    %c0_i32_1 = arith.constant 0 : i32
    return %arg0, %c0_i32, %arg1, %c0_i32_0 : i32, i32, i32, i32
  }
  func.func @transform_1(%arg0: i32, %arg1: i32) -> (i32, i32, i32, i32) {
    %add3A = arith.constant 1 : i32
    %add3A_0 = arith.addi %arg1, %add3A : i32
    %min3A = arith.constant 24 : i32
    %min3A_1 = arith.minsi %add3A_0, %min3A : i32
    %c0_i32 = arith.constant 0 : i32
    %c0_i32_2 = arith.constant 0 : i32
    %c0_i32_3 = arith.constant 0 : i32
    return %arg0, %c0_i32, %min3A_1, %c0_i32_2 : i32, i32, i32, i32
  }
  func.func @transform_2(%arg0: i32, %arg1: i32) -> (i32, i32) {
    %c0_i32 = arith.constant 0 : i32
    %c0_i32_0 = arith.constant 0 : i32
    %c0_i32_1 = arith.constant 0 : i32
    return %c0_i32, %c0_i32_0 : i32, i32
  }
  func.func @transform_3(%arg0: i32, %arg1: i32) -> i32 {
    %c0_i32 = arith.constant 0 : i32
    %c0_i32_0 = arith.constant 0 : i32
    return %c0_i32 : i32
  }
  func.func @transform_4(%arg0: i32, %arg1: i32) -> (i32, i32) {
    %mul3A = arith.constant 25 : i32
    %mul3A_0 = arith.muli %arg0, %mul3A : i32
    %add3A = arith.addi %mul3A_0, %arg1 : i32
    %c0_i32 = arith.constant 0 : i32
    %c0_i32_1 = arith.constant 0 : i32
    return %add3A, %c0_i32 : i32, i32
  }
}

module attributes {stable_mosaic.version = 14 : i64} {
  func.func @_out_proj_body(%arg0: i32, %arg1: memref<1000x512xf32, #tpu.memory_space<vmem>>, %arg2: memref<512x512xf32, #tpu.memory_space<vmem>>, %arg3: memref<512xf32, #tpu.memory_space<vmem>>, %arg4: memref<1000x512xf32, #tpu.memory_space<vmem>>, %arg5: memref<1000x512xf32, #tpu.memory_space<vmem>>) attributes {dimension_semantics = [#tpu.dimension_semantics<arbitrary>], iteration_bounds = array<i64: 10>, scalar_prefetch = 0 : i64, scratch_operands = 0 : i64, tpu.core_type = #tpu.core_type<tc>, window_params = [{transform_indices = @transform_0, window_bounds = array<i64: 1000, 512>}, {pipeline_mode = #tpu.pipeline_mode<synchronous>, transform_indices = @transform_1, window_bounds = array<i64: 512, 512>}, {pipeline_mode = #tpu.pipeline_mode<synchronous>, transform_indices = @transform_2, window_bounds = array<i64: 512>}, {transform_indices = @transform_3, window_bounds = array<i64: 1000, 512>}, {transform_indices = @transform_4, window_bounds = array<i64: 1000, 512>}]} {
    %get3A = arith.constant 0 : index
    %get3A_0 = arith.constant 0 : index
    %get3A_1 = vector.load %arg4[%get3A, %get3A_0] : memref<1000x512xf32, #tpu.memory_space<vmem>>, vector<1000x512xf32>
    %get3A_2 = arith.constant 0 : index
    %get3A_3 = arith.constant 0 : index
    %get3A_4 = vector.load %arg1[%get3A_2, %get3A_3] : memref<1000x512xf32, #tpu.memory_space<vmem>>, vector<1000x512xf32>
    %get3A_5 = arith.constant 0 : index
    %get3A_6 = arith.constant 0 : index
    %get3A_7 = vector.load %arg2[%get3A_5, %get3A_6] : memref<512x512xf32, #tpu.memory_space<vmem>>, vector<512x512xf32>
    %dot_general3A = arith.constant dense<0.000000e+00> : vector<1000x512xf32>
    %dot_general3A_8 = tpu.matmul %get3A_4, %get3A_7, %dot_general3A {dimension_numbers = #tpu.dot_dimension_numbers<[1], [0], [0], [1], [0, 0, 1, 1], [], []>, transpose_lhs_hint = false} : vector<1000x512xf32>, vector<512x512xf32>, vector<1000x512xf32> -> vector<1000x512xf32>
    %add3A = arith.addf %get3A_1, %dot_general3A_8 : vector<1000x512xf32>
    %get3A_9 = arith.constant 0 : index
    %get3A_10 = vector.load %arg3[%get3A_9] : memref<512xf32, #tpu.memory_space<vmem>>, vector<512xf32>
    %broadcast_in_dim3A = vector.shape_cast %get3A_10 : vector<512xf32> to vector<1x512xf32>
    %add3A_11 = vector.broadcast %broadcast_in_dim3A : vector<1x512xf32> to vector<1000x512xf32>
    %add3A_12 = arith.addf %add3A, %add3A_11 : vector<1000x512xf32>
    %swap3A = arith.constant 0 : index
    %swap3A_13 = arith.constant 0 : index
    %swap3A_14 = vector.load %arg5[%swap3A, %swap3A_13] : memref<1000x512xf32, #tpu.memory_space<vmem>>, vector<1000x512xf32>
    tpu.vector_store %arg5[%swap3A, %swap3A_13], %add3A_12 {strides = array<i32>} : memref<1000x512xf32, #tpu.memory_space<vmem>>, vector<1000x512xf32>,
    return
  }
  func.func @transform_0(%arg0: i32) -> (i32, i32) {
    %c0_i32 = arith.constant 0 : i32
    %c0_i32_0 = arith.constant 0 : i32
    return %arg0, %c0_i32 : i32, i32
  }
  func.func @transform_1(%arg0: i32) -> (i32, i32) {
    %c0_i32 = arith.constant 0 : i32
    %c0_i32_0 = arith.constant 0 : i32
    %c0_i32_1 = arith.constant 0 : i32
    return %c0_i32, %c0_i32_0 : i32, i32
  }
  func.func @transform_2(%arg0: i32) -> i32 {
    %c0_i32 = arith.constant 0 : i32
    %c0_i32_0 = arith.constant 0 : i32
    return %c0_i32 : i32
  }
  func.func @transform_3(%arg0: i32) -> (i32, i32) {
    %c0_i32 = arith.constant 0 : i32
    %c0_i32_0 = arith.constant 0 : i32
    return %arg0, %c0_i32 : i32, i32
  }
  func.func @transform_4(%arg0: i32) -> (i32, i32) {
    %c0_i32 = arith.constant 0 : i32
    %c0_i32_0 = arith.constant 0 : i32
    return %arg0, %c0_i32 : i32, i32
  }
}

</mosaic_0001>

<sc_bundles>
// kernel: kernel.6.cloned.1.call-start
scs
__scs_entry_jumppad:
0x0: {  	(pc) =	sbr.rel $0x88, $3  }
0x1: {  	(tag) =	ssettag $0x0;
	lr =	simm.s32 $0x1  }
0x2: {  	[smem:$0x3F95] =	sst lr;
	_ =	strace $0xD0000000  }
0x3: {  	_ = 	snop  }
0x4: {  	_ = 	snop  }
0x5: {  	_ = 	snop  }
0x6: {  	_ = 	snop  }
0x7: {  	_ = 	snop  }
__scs_overlays_trampoline_lowered:
0x8: {  	[smem:$0x3FA4] =	sst s0  }
0x9: {  	[smem:$0x3FA5] =	sst s1  }
0xa: {  	[smem:$0x3FA6] =	sst s2  }
0xb: {  	[smem:$0x3FA7] =	sst s3  }
0xc: {  	[smem:$0x3FA8] =	sst s4  }
0xd: {  	[smem:$0x3FA9] =	sst s5  }
0xe: {  	[smem:$0x3FAA] =	sst s6  }
0xf: {  	[smem:$0x3FAB] =	sst s7  }
0x10: {  	[smem:$0x3FAC] =	sst s8  }
0x11: {  	[smem:$0x3FAD] =	sst s9;
	s0 =	simm.s32 @!p0 $0x0  }
0x12: {  	s1 =	sld [smem:$0x3F93];
	s0 =	simm.s32 @p0 $0x1  }
0x13: {  	[smem:$0x3FAE] =	sst s0;
	s0 =	simm.s32 @!p1 $0x0  }
0x14: {  	s2 =	sld [smem:$0x3F92];
	s0 =	simm.s32 @p1 $0x1  }
0x15: {  	[smem:$0x3FAF] =	sst s0;
	s0 =	simm.s32 @!p2 $0x0  }
0x16: {  	s3 =	sld [smem:$0x3FDB];
	s0 =	simm.s32 @p2 $0x1  }
0x17: {  	s4 =	simm.s32 $0x1BF5;
	[smem:$0x3FB1] =	sst s0  }
0x18: {  	s0 =	sld [smem:$0x3F94];
	_ =	swait.ge [sflag:s4], $0x0  }
0x19: {  	s7 =	sld [smem:$0x3F95]  }
0x1a: {  	s8 =	sadd.s32 $0xFFFFE003, lr  }
0x1b: {  	s9 =	sadd.s32 $0xFFFFFEF7, lr;
	s5 =	simm.s32 $0xFFFFFFFF;
	p2 =	slt.u32 s8, $0xFFFFF086  }
0x1c: {  	p1 =	slt.u32 s9, $0xF7A;
	s5 =	simm.s32 @!p2 $0x0  }
0x1d: {  	s5 =	simm.s32 @p1 $0x1;
	p0 =	seq.s32 s7, s2  }
0x1e: {  	s7 =	smul.u32 @!p0 $0xF7A, s2;
	p2 =	seq.s32 @!p0 s5, $0x0  }
0x1f: {  	s9 =	smul.u32 $0xF7A, s1;
	s8 =	simm.s32 @!p0 $0x1BF5;
	p2 =	por !p2, p0  }
0x20: {  	[sflag:s8] =	ssyncset.s32 @!p0 $0xFFFFF086;
	s6 =	sadd.s32 @!p0 s3, s7;
	s7 =	simm.s32 @!p0 $0x108  }
0x21: {  	s3 =	sadd.s32 s3, s9;
	s6 =	sadd.s32 @!p0 $0x88, s6;
	s7 =	simm.s32 @p2 $0x1082  }
0x22: {  	[simem:s7], [sflag:s8] =	dma.local @!p0 [hbm:s6], $0xF7A  }
0x23: {  	s9 =	sor.u32 $0xD0000000, s2;
	s6 =	simm.s32 $0x108;
	_ =	swait.ge @!p0 [sflag:s8], $0x0  }
0x24: {  	s3 =	sadd.s32 $0x88, s3;
	s6 =	simm.s32 @!p1 $0x1082;
	[sflag:s4] =	ssyncset.s32 $0xFFFFF086  }
0x25: {  	[simem:s6], [sflag:s4] =	dma.local [hbm:s3], $0xF7A  }
0x26: {  	[smem:$0x3F95] =	sst s1;
	(tag) =	ssettag s2;
	_ =	strace s9  }
0x27: {  	s1 =	sld [smem:$0x3FA5]  }
0x28: {  	s2 =	sld [smem:$0x3FA6]  }
0x29: {  	s4 =	sld [smem:$0x3FA8]  }
0x2a: {  	p0 =	seq.s32 s5, $0x0;
	s5 =	sld [smem:$0x3FA9]  }
0x2b: {  	s6 =	sld [smem:$0x3FAA]  }
0x2c: {  	s7 =	sld [smem:$0x3FAB]  }
0x2d: {  	s3 =	simm.s32 $0x108;
	s8 =	sld [smem:$0x3FAC]  }
0x2e: {  	s3 =	simm.s32 @!p0 $0x1082;
	s9 =	sld [smem:$0x3FAD]  }
0x2f: {  	lr =	sadd.s32 s0, s3;
	s0 =	sld [smem:$0x3FA4]  }
0x30: {  	s3 =	sld [smem:$0x3FA7]  }
0x31: {  	[smem:$0x3FB0] =	sst s10  }
0x32: {  	s10 =	sld [smem:$0x3FAE];
	_ =	sdelay $0x3  }
0x33: {  	p0 =	seq.s32 s10, $0x1;
	s10 =	sld [smem:$0x3FB0];
	_ =	sdelay $0x3  }
0x34: {  	[smem:$0x3FB0] =	sst s10  }
0x35: {  	s10 =	sld [smem:$0x3FAF];
	_ =	sdelay $0x3  }
0x36: {  	p1 =	seq.s32 s10, $0x1;
	s10 =	sld [smem:$0x3FB0];
	_ =	sdelay $0x3  }
0x37: {  	[smem:$0x3FB0] =	sst s10  }
0x38: {  	s10 =	sld [smem:$0x3FB1]  }
0x39: {  	_ = 	snop;
	(pc) =	sbr.ind lr, $3  }
0x3a: {  	_ = 	snop  }
0x3b: {  	_ = 	snop  }
0x3c: {  	p2 =	seq.s32 s10, $0x1;
	s10 =	sld [smem:$0x3FB0]  }
0x3d: {  	_ =	shalt  }
0x3e: {  	_ =	shalt  }
0x3f: {  	_ =	shalt  }
0x40: {  	_ =	shalt  }
0x41: {  	_ =	shalt  }
0x42: {  	_ =	shalt  }
0x43: {  	_ =	shalt  }
0x44: {  	_ =	shalt  }
0x45: {  	_ =	shalt  }
0x46: {  	_ =	shalt  }
0x47: {  	_ =	shalt  }
0x48: {  	_ =	shalt  }
0x49: {  	_ =	shalt  }
0x4a: {  	_ =	shalt  }
0x4b: {  	_ =	shalt  }
0x4c: {  	_ =	shalt  }
0x4d: {  	_ =	shalt  }
0x4e: {  	_ =	shalt  }
0x4f: {  	_ =	shalt  }
0x50: {  	_ =	shalt  }
0x51: {  	_ =	shalt  }
0x52: {  	_ =	shalt  }
0x53: {  	_ =	shalt  }
0x54: {  	_ =	shalt  }
0x55: {  	_ =	shalt  }
0x56: {  	_ =	shalt  }
0x57: {  	_ =	shalt  }
0x58: {  	_ =	shalt  }
0x59: {  	_ =	shalt  }
0x5a: {  	_ =	shalt  }
0x5b: {  	_ =	shalt  }
0x5c: {  	_ =	shalt  }
0x5d: {  	_ =	shalt  }
0x5e: {  	_ =	shalt  }
0x5f: {  	_ =	shalt  }
0x60: {  	_ =	shalt  }
0x61: {  	_ =	shalt  }
0x62: {  	_ =	shalt  }
0x63: {  	_ =	shalt  }
0x64: {  	_ =	shalt  }
0x65: {  	_ =	shalt  }
0x66: {  	_ =	shalt  }
0x67: {  	_ =	shalt  }
0x68: {  	_ =	shalt  }
0x69: {  	_ =	shalt  }
0x6a: {  	_ =	shalt  }
0x6b: {  	_ =	shalt  }
0x6c: {  	_ =	shalt  }
0x6d: {  	_ =	shalt  }
0x6e: {  	_ =	shalt  }
0x6f: {  	_ =	shalt  }
0x70: {  	_ =	shalt  }
0x71: {  	_ =	shalt  }
0x72: {  	_ =	shalt  }
0x73: {  	_ =	shalt  }
0x74: {  	_ =	shalt  }
0x75: {  	_ =	shalt  }
0x76: {  	_ =	shalt  }
0x77: {  	_ =	shalt  }
0x78: {  	_ =	shalt  }
0x79: {  	_ =	shalt  }
0x7a: {  	_ =	shalt  }
0x7b: {  	_ =	shalt  }
0x7c: {  	_ =	shalt  }
0x7d: {  	_ =	shalt  }
0x7e: {  	_ =	shalt  }
0x7f: {  	_ =	shalt  }
0x80: {  	_ =	shalt  }
0x81: {  	_ =	shalt  }
0x82: {  	_ =	shalt  }
0x83: {  	_ =	shalt  }
0x84: {  	_ =	shalt  }
0x85: {  	_ =	shalt  }
0x86: {  	_ =	shalt  }
0x87: {  	_ =	shalt  }
.Lfunc_end0:
.L_simem_size_0:
called_computation_lowered:
.L_overlay_start_0:
0x88: {  	s2 =	sld [smem:$0x3FD9]  }
0x89: {  	s3 =	sld [smem:$0x3FFE];
	_ =	sdelay $0x1  }
0x8a: {  	s1 =	srdreg.scid  }
0x8b: {  	s0 =	sand.u32 $0x1, s1  }
0x8c: {  	s17 =	sshll.u32 s0, $0xA;
	s2 =	sadd.s32 s3, s2  }
0x8d: {  	s2 =	sadd.s32 s2, s17  }
0x8e: {  	[smem:$0x3FBC] =	sst s2  }
0x8f: {  	_ = 	snop  }
0x90: {  	s2 =	sld [smem:$0x3FD0];
	(tm) =	ssettm $0x1  }
0x91: {  	s18 =	sld [smem:$0x3FFB];
	_ =	sdelay $0x3  }
0x92: {  	_ =	strace s18  }
0x93: {  	s3 =	sld [smem:$0x3FFC];
	_ =	sdelay $0x3  }
0x94: {  	_ =	strace s3  }
0x95: {  	s3 =	sld [smem:$0x3FFD];
	_ =	sdelay $0x3  }
0x96: {  	_ =	strace s3  }
0x97: {  	_ =	strace $0x8FFFFFFF  }
0x98: {  	s19 =	sld [smem:$0x3FDB];
	_ =	sdelay $0x1  }
0x99: {  	s4 =	simm.s32 $_scs_section_size  }
0x9a: {  	s5 =	simm.s32 $_size__tile_overlayer_lowered;
	s6 =	simm.s32 $_tile_overlayer_lowered  }
0x9b: {  	s22 =	simm.s32 $0x1BFF;
	s21 =	sshll.u32 s6, $0x1;
	s3 =	sadd.s32 s4, s19  }
0x9c: {  	s7 =	simm.s32 $0x0;
	s20 =	sshll.u32 s5, $0x1;
	s5 =	sadd.s32 s21, s3  }
0x9d: {  	[timem:s7], [sflag:s22] =	dma.local [hbm:s5], s20  }
0x9e: {  	_ =	swait.ge [sflag:s22], s20  }
0x9f: {  	s4 =	ssub.s32 $0x0, s20;
	[sflag:s22] =	ssyncset.done $0x0  }
0xa0: {  	[sflag:s22] =	ssyncadd.s32 s4;
	_ =	sdelay $0x1  }
0xa1: {  	s23 =	simm.s32 $0x1B8B  }
0xa2: {  	_ =	swait.ge [sflag:s23], $0x1  }
0xa3: {  	[sflag:s23] =	ssyncset.done $0x0  }
0xa4: {  	s25 =	simm.s32 $0x1B8E;
	s24 =	sld [smem:$0x3FFE];
	[sflag:s23] =	ssyncadd.s32 $0xFFFFFFFF  }
0xa5: {  	s26 =	simm.s32 $execute0_lowered;
	[smem:$0x3FD2] =	sst s25  }
0xa6: {  	s5 =	sshll.u32 s26, $0x1;
	_ =	strace $0x80000046;
	[dreg:$0x1] =	wrdreg $0xFFFFFFFF  }
0xa7: {  	s28 =	simm.s32 $_size_execute0_lowered;
	s3 =	sadd.s32 s3, s5;
	[dreg:$0x0] =	wrdreg $0x0  }
0xa8: {  	s5 =	sshll.u32 s28, $0x1;
	[dreg:$0x2] =	wrdreg s3  }
0xa9: {  	[dreg:$0x3] =	wrdreg s5  }
0xaa: {  	[dreg:$0x4] =	wrdreg $0xC0  }
0xab: {  	_ =	task [dreg:s7], $0x5FFFF  }
0xac: {  	[dreg:$0x1] =	wrdreg $0xFFFFFFFF  }
0xad: {  	[dreg:$0x0] =	wrdreg $0x60  }
0xae: {  	[dreg:$0x2] =	wrdreg s24  }
0xaf: {  	[dreg:$0x3] =	wrdreg s2  }
0xb0: {  	[dreg:$0x4] =	wrdreg $0x9  }
0xb1: {  	_ =	task.clear_ibuf [dreg:s7], $0x5FFFF;
	_ =	strace $0x90000046  }
0xb2: {  	s29 =	simm.s32 $0x9;
	_ =	strace $0x80000048  }
0xb3: {  	_ =	swait.ge [sflag:s29], $0x1  }
0xb4: {  	[sflag:s29] =	ssyncadd.s32 $0xFFFFFFFF  }
0xb5: {  	_ =	strace $0x90000048  }
0xb6: {  	_ =	sfence  }
0xb7: {  	s30 =	sld [smem:$0x0];
	_ =	sdelay $0x2  }
0xb8: {  	s31 =	sshll.u32 s1, $0xD;
	s1 =	sshrl.u32 s1, $0x2  }
0xb9: {  	s3 =	sand.u32 $0x4000, s31;
	s1 =	sadd.s32 s1, s30  }
0xba: {  	s0 =	sor.u32 s3, s0;
	s1 =	sshll.u32 s1, $0x11  }
0xbb: {  	s0 =	sor.u32 s1, s0  }
0xbc: {  	s0 =	sadd.s32 $0x8F2B, s0  }
0xbd: {  	[sflag:s0] =	ssyncadd.remote.s32 $0x1  }
0xbe: {  	_ =	sfence.sel $0xFFFF  }
0xbf: {  	[dreg:$0x0] =	wrdreg $0xFFFFFFFF;
	(pc) =	sbr.abs _section_cstart, $3  }
0xc0: {  	[dreg:$0x1] =	wrdreg $0xFFFFFFFF  }
0xc1: {  	_ =	task.clear_ibuf [dreg:s7], $0x2FFFF;
	_ =	strace $0x9FFFFFFF  }
0xc2: {  	(tm) =	ssettm $0x7FFFFFFF  }
0xc3: {  	_ =	shalt  }
tec
execute0_lowered:
.L_overlay_start_1:
0x0: {  	(tag) =	ssettag $0x1  }
0x1: {  	s0 =	rddreg [dreg:$0x0];
	s2 =	simm.s32 $0x0;
	s3 =	srdreg.scid  }
0x2: {  	s1 =	stileid.u32;
	s10 =	simm.s32 $0x400;
	s11 =	simm.s32 $0x20  }
0x3: {  	s12 =	simm.s32 $0x800;
	s13 =	simm.s32 $0x80;
	s14 =	simm.s32 $0x1800  }
0x4: {  	s15 =	simm.s32 $0x100;
	s16 =	simm.s32 $0x2800;
	s17 =	simm.s32 $0x180  }
0x5: {  	s18 =	simm.s32 $0x3800;
	s19 =	simm.s32 $0x200;
	s20 =	simm.s32 $0x4800  }
0x6: {  	s21 =	simm.s32 $0x280;
	s22 =	simm.s32 $0x5800;
	s23 =	simm.s32 $0x300  }
0x7: {  	s24 =	simm.s32 $0x6800;
	s25 =	simm.s32 $0x380;
	s26 =	simm.s32 $0x7800  }
0x8: {  	s28 =	simm.s32 $0x1;
	s29 =	simm.s32 $0x8800;
	s3 =	sand.u32 $0x1, s3  }
0x9: {  	v0 =	vimm.s32 $0x0;
	v2 =	vimm.s32 $0x1;
	v3 =	vimm.s32 $0x2;
	[smem:$0x7FF] =	sst s2;
	s4 =	sadd.s32 $0x669E00, s0;
	s6 =	ssub.s32 $0x2, s3  }
0xa: {  	v8 =	vimm.s32 $0x8;
	v9 =	vimm.s32 $0x9;
	v10 =	vimm.s32 $0xA;
	s8 =	sshll.u32 s1, $0x1;
	s5 =	sadd.s32 $0x641E00, s0;
	s7 =	sshrl.u32 s6, $0x1  }
0xb: {  	v11 =	vimm.s32 $0xB;
	v12 =	vimm.s32 $0xC;
	v13 =	vimm.s32 $0xD;
	s1 =	simm.s32 $0x0;
	_ =	strace $0x80000047;
	s9 =	ssub.s32 s6, s7  }
0xc: {  	v14 =	vimm.s32 $0xE;
	v15 =	vimm.s32 $0xF;
	v4 =	vimm.s32 $0x3;
	s3 =	sor.u32 s3, s8;
	s6 =	sadd.s32 $0x1E00, s0;
	s31 =	smax.u32 s9, $0x1  }
0xd: {  	v5 =	vimm.s32 $0x4;
	v6 =	vimm.s32 $0x5;
	v7 =	vimm.s32 $0x6;
	s7 =	smul.u32 $0x28, s3;
	s9 =	simm.s32 $0x2;
	[dreg:$0x3] =	wrdreg s31  }
.LBB2_1:
0xe: {  	[dreg:$0x4] =	wrdreg s1;
	s31 =	simm.s32 $0x0  }
.LBB2_2:
0xf: {  	s0 =	sadd.s32 s7, s31  }
0x10: {  	s1 =	rddreg [dreg:$0x1];
	s8 =	sshll.u32 s0, $0x7  }
0x11: {  	s3 =	simm.s32 $0x0;
	s30 =	sadd.s32 s1, s8  }
0x12: {  	[tilespmem:s3], [sflag:$0x2] =	stream.linear.gather [hbm4b:s30+s3], $0x400, $0x38;
	[tilespmem:$0x9800] =	vst v63  }
0x13: {  	_ =	swait.ge [sflag:s9], $0x400  }
0x14: {  	[sflag:s9] =	ssyncset.done $0x0  }
0x15: {  	s8 =	sadd.s32 s5, s8;
	[sflag:s9] =	ssyncadd.s32 $0xFFFFFC00  }
0x16: {  	[tilespmem:s10], [sflag:$0x2] =	stream.linear.gather [hbm4b:s8+s3], $0x400, $0x38;
	[tilespmem:$0x9800] =	vst v63  }
0x17: {  	_ =	swait.ge [sflag:s9], $0x400  }
0x18: {  	[sflag:s9] =	ssyncset.done $0x0  }
0x19: {  	[sflag:s9] =	ssyncadd.s32 $0xFFFFFC00  }
0x1a: {  	[tilespmem:s12], [sflag:$0x1] =	stream.indirect.gather [hbm4b:s4+s11], $0x80, s3, s11, $0xb8;
	[tilespmem:$0x9800] =	vst v63  }
0x1b: {  	_ = 	snop  }
0x1c: {  	[tilespmem:s14], [sflag:$0x1] =	stream.indirect.gather [hbm4b:s4+s11], $0x80, s13, s11, $0xb8;
	[tilespmem:$0x9800] =	vst v63  }
0x1d: {  	_ = 	snop  }
0x1e: {  	[tilespmem:s16], [sflag:$0x1] =	stream.indirect.gather [hbm4b:s4+s11], $0x80, s15, s11, $0xb8;
	[tilespmem:$0x9800] =	vst v63  }
0x1f: {  	_ = 	snop  }
0x20: {  	[tilespmem:s18], [sflag:$0x1] =	stream.indirect.gather [hbm4b:s4+s11], $0x80, s17, s11, $0xb8;
	[tilespmem:$0x9800] =	vst v63  }
0x21: {  	_ = 	snop  }
0x22: {  	[tilespmem:s20], [sflag:$0x1] =	stream.indirect.gather [hbm4b:s4+s11], $0x80, s19, s11, $0xb8;
	[tilespmem:$0x9800] =	vst v63  }
0x23: {  	_ = 	snop  }
0x24: {  	[tilespmem:s22], [sflag:$0x1] =	stream.indirect.gather [hbm4b:s4+s11], $0x80, s21, s11, $0xb8;
	[tilespmem:$0x9800] =	vst v63  }
0x25: {  	_ = 	snop  }
0x26: {  	[tilespmem:s24], [sflag:$0x1] =	stream.indirect.gather [hbm4b:s4+s11], $0x80, s23, s11, $0xb8;
	[tilespmem:$0x9800] =	vst v63  }
0x27: {  	_ = 	snop  }
0x28: {  	[tilespmem:s26], [sflag:$0x1] =	stream.indirect.gather [hbm4b:s4+s11], $0x80, s25, s11, $0xb8;
	[tilespmem:$0x9800] =	vst v63  }
0x29: {  	_ =	swait.ge [sflag:s28], $0x1000  }
0x2a: {  	[sflag:s28] =	ssyncset.done $0x0  }
0x2b: {  	[sflag:s28] =	ssyncadd.s32 $0xFFFFF000  }
0x2c: {  	_ =	swait.ge [sflag:s28], $0x1000  }
0x2d: {  	[sflag:s28] =	ssyncset.done $0x0  }
0x2e: {  	[sflag:s28] =	ssyncadd.s32 $0xFFFFF000  }
0x2f: {  	_ =	swait.ge [sflag:s28], $0x1000  }
0x30: {  	[sflag:s28] =	ssyncset.done $0x0  }
0x31: {  	[sflag:s28] =	ssyncadd.s32 $0xFFFFF000  }
0x32: {  	_ =	swait.ge [sflag:s28], $0x1000  }
0x33: {  	[sflag:s28] =	ssyncset.done $0x0  }
0x34: {  	[sflag:s28] =	ssyncadd.s32 $0xFFFFF000  }
0x35: {  	_ =	swait.ge [sflag:s28], $0x1000  }
0x36: {  	[sflag:s28] =	ssyncset.done $0x0  }
0x37: {  	[sflag:s28] =	ssyncadd.s32 $0xFFFFF000  }
0x38: {  	_ =	swait.ge [sflag:s28], $0x1000  }
0x39: {  	[sflag:s28] =	ssyncset.done $0x0  }
0x3a: {  	[sflag:s28] =	ssyncadd.s32 $0xFFFFF000  }
0x3b: {  	_ =	swait.ge [sflag:s28], $0x1000  }
0x3c: {  	[sflag:s28] =	ssyncset.done $0x0  }
0x3d: {  	[sflag:s28] =	ssyncadd.s32 $0xFFFFF000  }
0x3e: {  	_ =	swait.ge [sflag:s28], $0x1000  }
0x3f: {  	[sflag:s28] =	ssyncset.done $0x0  }
0x40: {  	[sflag:s28] =	ssyncadd.s32 $0xFFFFF000  }
.LBB2_3:
0x41: {  	v22 =	vimm.f32 $0.0e+00  }
0x42: {  	v24 =	vimm.f32 $0.0e+00;
	v26 =	vimm.f32 $0.0e+00;
	v36 =	vimm.f32 $0.0e+00  }
0x43: {  	v23 =	vimm.f32 $0.0e+00;
	v29 =	vimm.f32 $0.0e+00;
	v30 =	vimm.f32 $0.0e+00  }
0x44: {  	v38 =	vimm.f32 $0.0e+00;
	v25 =	vimm.f32 $0.0e+00;
	v27 =	vimm.f32 $0.0e+00  }
0x45: {  	v33 =	vimm.f32 $0.0e+00;
	v31 =	vimm.f32 $0.0e+00;
	v32 =	vimm.f32 $0.0e+00  }
0x46: {  	v28 =	vimm.f32 $0.0e+00;
	v34 =	vimm.f32 $0.0e+00;
	v40 =	vimm.f32 $0.0e+00  }
0x47: {  	s8 =	sshll.u32 s3, $0x9;
	v48 =	vimm.f32 $0.0e+00;
	v42 =	vimm.f32 $0.0e+00;
	v35 =	vimm.f32 $0.0e+00  }
0x48: {  	s30 =	sshll.u32 s3, $0xC;
	v45 =	vimm.f32 $0.0e+00;
	v49 =	vimm.f32 $0.0e+00;
	v37 =	vimm.f32 $0.0e+00;
	s8 =	sshrl.u32 s8, $0x2  }
0x49: {  	v44 =	vimm.f32 $0.0e+00;
	v41 =	vimm.f32 $0.0e+00;
	v43 =	vimm.f32 $0.0e+00;
	s30 =	sand.u32 $0x3FFFF000, s30;
	s1 =	sadd.s32 $0x400, s8  }
0x4a: {  	v39 =	vimm.f32 $0.0e+00;
	v46 =	vimm.f32 $0.0e+00;
	s30 =	sor.u32 $0x800, s30;
	v16 =	vmov s1  }
0x4b: {  	v50 =	vimm.f32 $0.0e+00;
	v53 =	vimm.f32 $0.0e+00;
	v17 =	vmov s30  }
0x4c: {  	p0 =	por $0x1, $0x1;
	v52 =	vimm.f32 $0.0e+00;
	v47 =	vimm.f32 $0.0e+00;
	v51 =	vimm.f32 $0.0e+00;
	s30 =	simm.s32 $0x0  }
.LBB2_4:
0x4d: {  	s1 =	sshll.u32 s30, $0x4  }
0x4e: {  	s30 =	sshll.u32 s30, $0xB;
	s1 =	sand.u32 $0x3FFFFFF0, s1  }
0x4f: {  	s30 =	sand.u32 $0x3FFFF800, s30;
	v20 =	vld.idx.msk [tilespmem:v16+s1+$0x0 ss:$0x1], $0xffff  }
0x50: {  	v54 =	vld.idx.msk [tilespmem:v17+s30+$0x0 ss:$0x1], $0xffff  }
0x51: {  	v21 =	vld.idx.msk [tilespmem:v16+s1+$0x20 ss:$0x1], $0xffff  }
0x52: {  	v19 =	vld.idx.msk [tilespmem:v16+s1+$0x40 ss:$0x1], $0xffff  }
0x53: {  	v18 =	vld.idx.msk [tilespmem:v16+s1+$0x60 ss:$0x1], $0xffff  }
0x54: {  	v56 =	vld.idx.msk [tilespmem:v17+s30+$0x40 ss:$0x1], $0xffff;
	v55 =	vperm.xlane v20, v0  }
0x55: {  	v58 =	vld.idx.msk [tilespmem:v17+s30+$0x10 ss:$0x1], $0xffff;
	v57 =	vshll.u32 v54, $0x10  }
0x56: {  	v60 =	vld.idx.msk [tilespmem:v17+s30+$0x20 ss:$0x1], $0xffff;
	v59 =	vperm.xlane v21, v0;
	v57 =	vmul.f32 v57, v55  }
0x57: {  	v54 =	vand.u32 $0xFFFF0000, v54  }
0x58: {  	v61 =	vperm.xlane v19, v0;
	v54 =	vmul.f32 v54, v59;
	v51 =	vadd.f32 v57, v51  }
0x59: {  	v63 =	vld.idx.msk [tilespmem:v17+s30+$0x50 ss:$0x1], $0xffff;
	v62 =	vshll.u32 v56, $0x10;
	v57 =	vperm.xlane v18, v0  }
0x5a: {  	v0 =	vld.idx.msk [tilespmem:v17+s30+$0x60 ss:$0x1], $0xffff;
	v51 =	vadd.f32 v51, v54;
	v54 =	vmul.f32 v62, v61;
	v62 =	vshll.u32 v58, $0x10  }
0x5b: {  	v56 =	vand.u32 $0xFFFF0000, v56;
	v1 =	vshll.u32 v60, $0x10;
	v62 =	vmul.f32 v62, v55  }
0x5c: {  	v1 =	vmul.f32 v1, v55;
	v58 =	vand.u32 $0xFFFF0000, v58;
	v51 =	vadd.f32 v51, v54  }
0x5d: {  	v54 =	vmul.f32 v58, v59;
	v58 =	vand.u32 $0xFFFF0000, v60;
	v47 =	vadd.f32 v62, v47  }
0x5e: {  	v1 =	vadd.f32 v1, v52;
	v60 =	vshll.u32 v63, $0x10;
	v52 =	vmul.f32 v58, v59;
	v58 =	vld.idx.msk [tilespmem:v17+s30+$0x30 ss:$0x1], $0xffff  }
0x5f: {  	v47 =	vadd.f32 v47, v54;
	v54 =	vmul.f32 v60, v61;
	v60 =	vshll.u32 v0, $0x10  }
0x60: {  	v56 =	vmul.f32 v56, v57;
	v1 =	vadd.f32 v1, v52;
	v52 =	vmul.f32 v60, v61  }
0x61: {  	v62 =	vand.u32 $0xFFFF0000, v63;
	v0 =	vand.u32 $0xFFFF0000, v0;
	v47 =	vadd.f32 v47, v54;
	v54 =	vld.idx.msk [tilespmem:v17+s30+$0x80 ss:$0x1], $0xffff  }
0x62: {  	v62 =	vmul.f32 v62, v57;
	v60 =	vld.idx.msk [tilespmem:v17+s30+$0x70 ss:$0x1], $0xffff;
	v0 =	vmul.f32 v0, v57;
	v1 =	vadd.f32 v1, v52  }
0x63: {  	v52 =	vadd.f32 v51, v56;
	v63 =	vshll.u32 v58, $0x10  }
0x64: {  	v51 =	vadd.f32 v47, v62;
	v47 =	vadd.f32 v1, v0;
	v0 =	vmul.f32 v63, v55  }
0x65: {  	v56 =	vperm.xlane v20, v2;
	v62 =	vperm.xlane v21, v2;
	v1 =	vand.u32 $0xFFFF0000, v58;
	v58 =	vld.idx.msk [tilespmem:v17+s30+$0xC0 ss:$0x1], $0xffff  }
0x66: {  	v1 =	vmul.f32 v1, v59;
	v59 =	vld.idx.msk [tilespmem:v17+s30+$0x90 ss:$0x1], $0xffff;
	v0 =	vadd.f32 v0, v53;
	v53 =	vshll.u32 v54, $0x10  }
0x67: {  	v55 =	vshll.u32 v60, $0x10;
	v60 =	vand.u32 $0xFFFF0000, v60;
	v53 =	vmul.f32 v53, v56  }
0x68: {  	v54 =	vand.u32 $0xFFFF0000, v54;
	v0 =	vadd.f32 v0, v1;
	v1 =	vmul.f32 v55, v61  }
0x69: {  	v55 =	vperm.xlane v19, v2;
	v50 =	vadd.f32 v53, v50;
	v53 =	vmul.f32 v54, v62;
	v54 =	vld.idx.msk [tilespmem:v17+s30+$0xA0 ss:$0x1], $0xffff  }
0x6a: {  	v0 =	vadd.f32 v0, v1;
	v1 =	vmul.f32 v60, v57;
	v57 =	vshll.u32 v58, $0x10;
	v60 =	vld.idx.msk [tilespmem:v17+s30+$0xD0 ss:$0x1], $0xffff  }
0x6b: {  	v61 =	vshll.u32 v59, $0x10;
	v53 =	vadd.f32 v50, v53;
	v57 =	vmul.f32 v57, v55  }
0x6c: {  	v58 =	vand.u32 $0xFFFF0000, v58;
	v50 =	vadd.f32 v0, v1;
	v1 =	vmul.f32 v61, v56  }
0x6d: {  	v63 =	vand.u32 $0xFFFF0000, v59;
	v59 =	vld.idx.msk [tilespmem:v17+s30+$0xE0 ss:$0x1], $0xffff;
	v0 =	vperm.xlane v18, v2;
	v53 =	vadd.f32 v53, v57  }
0x6e: {  	v61 =	vld.idx.msk [tilespmem:v17+s30+$0xB0 ss:$0x1], $0xffff;
	v1 =	vadd.f32 v1, v46;
	v46 =	vmul.f32 v63, v62;
	v57 =	vshll.u32 v54, $0x10  }
0x6f: {  	v58 =	vmul.f32 v58, v0;
	v63 =	vshll.u32 v60, $0x10;
	v57 =	vmul.f32 v57, v56  }
0x70: {  	v54 =	vand.u32 $0xFFFF0000, v54;
	v1 =	vadd.f32 v1, v46;
	v63 =	vmul.f32 v63, v55  }
0x71: {  	v46 =	vadd.f32 v53, v58;
	v53 =	vmul.f32 v54, v62;
	v39 =	vadd.f32 v57, v39  }
0x72: {  	v54 =	vand.u32 $0xFFFF0000, v60;
	v60 =	vshll.u32 v59, $0x10;
	v58 =	vld.idx.msk [tilespmem:v17+s30+$0xF0 ss:$0x1], $0xffff;
	v59 =	vand.u32 $0xFFFF0000, v59  }
0x73: {  	v57 =	vshll.u32 v61, $0x10;
	v39 =	vadd.f32 v39, v53;
	v53 =	vmul.f32 v60, v55;
	v60 =	vld.idx.msk [tilespmem:v17+s30+$0x100 ss:$0x1], $0xffff  }
0x74: {  	v54 =	vmul.f32 v54, v0;
	v1 =	vadd.f32 v1, v63;
	v56 =	vmul.f32 v57, v56  }
0x75: {  	v61 =	vand.u32 $0xFFFF0000, v61;
	v57 =	vmul.f32 v59, v0;
	v53 =	vadd.f32 v39, v53  }
0x76: {  	v63 =	vmul.f32 v61, v62;
	v39 =	vadd.f32 v1, v54;
	v1 =	vadd.f32 v56, v43;
	v56 =	vld.idx.msk [tilespmem:v17+s30+$0x110 ss:$0x1], $0xffff  }
0x77: {  	v59 =	vld.idx.msk [tilespmem:v17+s30+$0x140 ss:$0x1], $0xffff;
	v61 =	vshll.u32 v58, $0x10;
	v43 =	vadd.f32 v53, v57;
	v57 =	vperm.xlane v20, v3  }
0x78: {  	v1 =	vadd.f32 v1, v63;
	v53 =	vmul.f32 v61, v55;
	v62 =	vshll.u32 v60, $0x10  }
0x79: {  	v55 =	vand.u32 $0xFFFF0000, v58;
	v58 =	vperm.xlane v21, v3;
	v54 =	vmul.f32 v62, v57  }
0x7a: {  	v61 =	vld.idx.msk [tilespmem:v17+s30+$0x120 ss:$0x1], $0xffff;
	v60 =	vand.u32 $0xFFFF0000, v60;
	v1 =	vadd.f32 v1, v53;
	v53 =	vperm.xlane v19, v3  }
0x7b: {  	v62 =	vld.idx.msk [tilespmem:v17+s30+$0x150 ss:$0x1], $0xffff;
	v41 =	vadd.f32 v54, v41;
	v54 =	vmul.f32 v60, v58;
	v60 =	vshll.u32 v56, $0x10  }
0x7c: {  	v0 =	vmul.f32 v55, v0;
	v55 =	vshll.u32 v59, $0x10;
	v60 =	vmul.f32 v60, v57  }
0x7d: {  	v63 =	vand.u32 $0xFFFF0000, v56;
	v41 =	vadd.f32 v41, v54;
	v54 =	vmul.f32 v55, v53  }
0x7e: {  	v59 =	vand.u32 $0xFFFF0000, v59;
	v55 =	vmul.f32 v63, v58;
	v44 =	vadd.f32 v60, v44;
	v60 =	vld.idx.msk [tilespmem:v17+s30+$0x160 ss:$0x1], $0xffff  }
0x7f: {  	v56 =	vperm.xlane v18, v3;
	v41 =	vadd.f32 v41, v54;
	v54 =	vshll.u32 v61, $0x10  }
0x80: {  	v63 =	vshll.u32 v62, $0x10;
	v44 =	vadd.f32 v44, v55;
	v54 =	vmul.f32 v54, v57;
	v55 =	vld.idx.msk [tilespmem:v17+s30+$0x130 ss:$0x1], $0xffff  }
0x81: {  	v59 =	vmul.f32 v59, v56;
	v63 =	vmul.f32 v63, v53;
	v61 =	vand.u32 $0xFFFF0000, v61  }
0x82: {  	v62 =	vand.u32 $0xFFFF0000, v62;
	v61 =	vmul.f32 v61, v58;
	v37 =	vadd.f32 v54, v37  }
0x83: {  	v2 =	vld.idx.msk [tilespmem:v17+s30+$0x180 ss:$0x1], $0xffff;
	v62 =	vmul.f32 v62, v56;
	v44 =	vadd.f32 v44, v63;
	v63 =	vshll.u32 v60, $0x10  }
0x84: {  	v54 =	vadd.f32 v1, v0;
	v0 =	vadd.f32 v37, v61;
	v1 =	vmul.f32 v63, v53;
	v61 =	vld.idx.msk [tilespmem:v17+s30+$0x170 ss:$0x1], $0xffff  }
0x85: {  	v41 =	vadd.f32 v41, v59;
	v37 =	vadd.f32 v44, v62;
	v63 =	vshll.u32 v55, $0x10  }
0x86: {  	v62 =	vand.u32 $0xFFFF0000, v60;
	v0 =	vadd.f32 v0, v1;
	v1 =	vmul.f32 v63, v57  }
0x87: {  	v59 =	vld.idx.msk [tilespmem:v17+s30+$0x1C0 ss:$0x1], $0xffff;
	v60 =	vperm.xlane v21, v4;
	v55 =	vand.u32 $0xFFFF0000, v55;
	v57 =	vperm.xlane v20, v4  }
0x88: {  	v1 =	vadd.f32 v1, v49;
	v49 =	vmul.f32 v55, v58;
	v55 =	vshll.u32 v2, $0x10  }
0x89: {  	v44 =	vmul.f32 v62, v56;
	v62 =	vld.idx.msk [tilespmem:v17+s30+$0x190 ss:$0x1], $0xffff;
	v58 =	vshll.u32 v61, $0x10;
	v55 =	vmul.f32 v55, v57  }
0x8a: {  	v2 =	vand.u32 $0xFFFF0000, v2;
	v1 =	vadd.f32 v1, v49;
	v49 =	vmul.f32 v58, v53;
	v53 =	vld.idx.msk [tilespmem:v17+s30+$0x1A0 ss:$0x1], $0xffff  }
0x8b: {  	v2 =	vmul.f32 v2, v60;
	v58 =	vperm.xlane v19, v4;
	v45 =	vadd.f32 v55, v45  }
0x8c: {  	v63 =	vshll.u32 v59, $0x10;
	v44 =	vadd.f32 v0, v44;
	v0 =	vand.u32 $0xFFFF0000, v61  }
0x8d: {  	v1 =	vadd.f32 v1, v49;
	v49 =	vld.idx.msk [tilespmem:v17+s30+$0x1D0 ss:$0x1], $0xffff;
	v2 =	vadd.f32 v45, v2;
	v45 =	vmul.f32 v63, v58  }
0x8e: {  	v59 =	vand.u32 $0xFFFF0000, v59;
	v61 =	vld.idx.msk [tilespmem:v17+s30+$0x1E0 ss:$0x1], $0xffff;
	v0 =	vmul.f32 v0, v56;
	v56 =	vshll.u32 v62, $0x10  }
0x8f: {  	v2 =	vadd.f32 v2, v45;
	v45 =	vmul.f32 v56, v57;
	v56 =	vshll.u32 v53, $0x10  }
0x90: {  	v62 =	vand.u32 $0xFFFF0000, v62;
	v55 =	vperm.xlane v18, v4;
	v56 =	vmul.f32 v56, v57  }
0x91: {  	v53 =	vand.u32 $0xFFFF0000, v53;
	v35 =	vadd.f32 v45, v35;
	v45 =	vmul.f32 v62, v60  }
0x92: {  	v53 =	vmul.f32 v53, v60;
	v62 =	vshll.u32 v49, $0x10;
	v42 =	vadd.f32 v56, v42;
	v56 =	vld.idx.msk [tilespmem:v17+s30+$0x1B0 ss:$0x1], $0xffff  }
0x93: {  	v35 =	vadd.f32 v35, v45;
	v45 =	vmul.f32 v62, v58;
	v62 =	vshll.u32 v61, $0x10  }
0x94: {  	v59 =	vmul.f32 v59, v55;
	v42 =	vadd.f32 v42, v53;
	v53 =	vmul.f32 v62, v58  }
0x95: {  	v49 =	vand.u32 $0xFFFF0000, v49;
	v35 =	vadd.f32 v35, v45;
	v45 =	vand.u32 $0xFFFF0000, v61;
	v61 =	vld.idx.msk [tilespmem:v17+s30+$0x200 ss:$0x1], $0xffff  }
0x96: {  	v63 =	vmul.f32 v49, v55;
	v49 =	vadd.f32 v1, v0;
	v62 =	vld.idx.msk [tilespmem:v17+s30+$0x1F0 ss:$0x1], $0xffff;
	v53 =	vadd.f32 v42, v53  }
0x97: {  	v3 =	vmul.f32 v45, v55;
	v45 =	vadd.f32 v2, v59;
	v0 =	vshll.u32 v56, $0x10  }
0x98: {  	v59 =	vperm.xlane v21, v5;
	v42 =	vadd.f32 v35, v63;
	v0 =	vmul.f32 v0, v57  }
0x99: {  	v1 =	vand.u32 $0xFFFF0000, v56;
	v35 =	vadd.f32 v53, v3;
	v3 =	vperm.xlane v20, v5;
	v53 =	vld.idx.msk [tilespmem:v17+s30+$0x240 ss:$0x1], $0xffff  }
0x9a: {  	v56 =	vld.idx.msk [tilespmem:v17+s30+$0x210 ss:$0x1], $0xffff;
	v1 =	vmul.f32 v1, v60;
	v0 =	vadd.f32 v0, v48;
	v60 =	vshll.u32 v61, $0x10  }
0x9b: {  	v2 =	vshll.u32 v62, $0x10;
	v62 =	vand.u32 $0xFFFF0000, v62;
	v48 =	vmul.f32 v60, v3  }
0x9c: {  	v0 =	vadd.f32 v0, v1;
	v1 =	vmul.f32 v2, v58;
	v2 =	vand.u32 $0xFFFF0000, v61  }
0x9d: {  	v58 =	vperm.xlane v19, v5;
	v40 =	vadd.f32 v48, v40;
	v2 =	vmul.f32 v2, v59;
	v48 =	vld.idx.msk [tilespmem:v17+s30+$0x220 ss:$0x1], $0xffff  }
0x9e: {  	v57 =	vld.idx.msk [tilespmem:v17+s30+$0x250 ss:$0x1], $0xffff;
	v63 =	vshll.u32 v53, $0x10;
	v0 =	vadd.f32 v0, v1;
	v1 =	vmul.f32 v62, v55  }
0x9f: {  	v60 =	vshll.u32 v56, $0x10;
	v55 =	vmul.f32 v63, v58;
	v2 =	vadd.f32 v40, v2  }
0xa0: {  	v53 =	vand.u32 $0xFFFF0000, v53;
	v40 =	vadd.f32 v0, v1;
	v1 =	vmul.f32 v60, v3  }
0xa1: {  	v0 =	vperm.xlane v18, v5;
	v60 =	vand.u32 $0xFFFF0000, v56;
	v56 =	vld.idx.msk [tilespmem:v17+s30+$0x260 ss:$0x1], $0xffff;
	v2 =	vadd.f32 v2, v55  }
0xa2: {  	v1 =	vadd.f32 v1, v34;
	v34 =	vmul.f32 v60, v59;
	v55 =	vshll.u32 v48, $0x10;
	v60 =	vld.idx.msk [tilespmem:v17+s30+$0x230 ss:$0x1], $0xffff  }
0xa3: {  	v61 =	vshll.u32 v57, $0x10;
	v53 =	vmul.f32 v53, v0;
	v55 =	vmul.f32 v55, v3  }
0xa4: {  	v61 =	vmul.f32 v61, v58;
	v48 =	vand.u32 $0xFFFF0000, v48;
	v1 =	vadd.f32 v1, v34  }
0xa5: {  	v34 =	vadd.f32 v2, v53;
	v2 =	vadd.f32 v55, v28;
	v28 =	vmul.f32 v48, v59  }
0xa6: {  	v48 =	vand.u32 $0xFFFF0000, v57;
	v55 =	vld.idx.msk [tilespmem:v17+s30+$0x270 ss:$0x1], $0xffff;
	v1 =	vadd.f32 v1, v61;
	v61 =	vshll.u32 v56, $0x10  }
0xa7: {  	v63 =	vld.idx.msk [tilespmem:v17+s30+$0x280 ss:$0x1], $0xffff;
	v2 =	vadd.f32 v2, v28;
	v28 =	vmul.f32 v61, v58;
	v62 =	vshll.u32 v60, $0x10  }
0xa8: {  	v48 =	vmul.f32 v48, v0;
	v56 =	vand.u32 $0xFFFF0000, v56;
	v3 =	vmul.f32 v62, v3  }
0xa9: {  	v61 =	vmul.f32 v56, v0;
	v62 =	vand.u32 $0xFFFF0000, v60;
	v2 =	vadd.f32 v2, v28  }
0xaa: {  	v28 =	vadd.f32 v1, v48;
	v48 =	vld.idx.msk [tilespmem:v17+s30+$0x290 ss:$0x1], $0xffff;
	v1 =	vadd.f32 v3, v32;
	v3 =	vmul.f32 v62, v59  }
0xab: {  	v53 =	vperm.xlane v20, v6;
	v56 =	vld.idx.msk [tilespmem:v17+s30+$0x2C0 ss:$0x1], $0xffff;
	v32 =	vadd.f32 v2, v61;
	v2 =	vshll.u32 v55, $0x10  }
0xac: {  	v1 =	vadd.f32 v1, v3;
	v2 =	vmul.f32 v2, v58;
	v3 =	vshll.u32 v63, $0x10  }
0xad: {  	v58 =	vperm.xlane v21, v6;
	v3 =	vmul.f32 v3, v53  }
0xae: {  	v57 =	vand.u32 $0xFFFF0000, v63;
	v59 =	vld.idx.msk [tilespmem:v17+s30+$0x2A0 ss:$0x1], $0xffff;
	v1 =	vadd.f32 v1, v2;
	v2 =	vperm.xlane v19, v6  }
0xaf: {  	v60 =	vld.idx.msk [tilespmem:v17+s30+$0x2D0 ss:$0x1], $0xffff;
	v3 =	vadd.f32 v3, v31;
	v31 =	vmul.f32 v57, v58;
	v57 =	vshll.u32 v48, $0x10  }
0xb0: {  	v55 =	vand.u32 $0xFFFF0000, v55;
	v63 =	vshll.u32 v56, $0x10;
	v57 =	vmul.f32 v57, v53  }
0xb1: {  	v0 =	vmul.f32 v55, v0;
	v3 =	vadd.f32 v3, v31;
	v31 =	vmul.f32 v63, v2  }
0xb2: {  	v55 =	vperm.xlane v18, v6;
	v48 =	vand.u32 $0xFFFF0000, v48;
	v33 =	vadd.f32 v57, v33;
	v57 =	vld.idx.msk [tilespmem:v17+s30+$0x2E0 ss:$0x1], $0xffff  }
0xb3: {  	v48 =	vmul.f32 v48, v58;
	v3 =	vadd.f32 v3, v31;
	v31 =	vshll.u32 v59, $0x10  }
0xb4: {  	v56 =	vand.u32 $0xFFFF0000, v56;
	v61 =	vshll.u32 v60, $0x10;
	v31 =	vmul.f32 v31, v53  }
0xb5: {  	v60 =	vand.u32 $0xFFFF0000, v60;
	v61 =	vmul.f32 v61, v2;
	v33 =	vadd.f32 v33, v48;
	v48 =	vld.idx.msk [tilespmem:v17+s30+$0x2B0 ss:$0x1], $0xffff  }
0xb6: {  	v62 =	vld.idx.msk [tilespmem:v17+s30+$0x300 ss:$0x1], $0xffff;
	v60 =	vmul.f32 v60, v55;
	v59 =	vand.u32 $0xFFFF0000, v59;
	v27 =	vadd.f32 v31, v27  }
0xb7: {  	v31 =	vmul.f32 v59, v58;
	v59 =	vadd.f32 v33, v61;
	v61 =	vshll.u32 v57, $0x10  }
0xb8: {  	v56 =	vmul.f32 v56, v55;
	v33 =	vadd.f32 v1, v0;
	v1 =	vmul.f32 v61, v2;
	v61 =	vld.idx.msk [tilespmem:v17+s30+$0x2F0 ss:$0x1], $0xffff  }
0xb9: {  	v0 =	vadd.f32 v27, v31;
	v27 =	vadd.f32 v59, v60;
	v60 =	vand.u32 $0xFFFF0000, v57;
	v57 =	vld.idx.msk [tilespmem:v17+s30+$0x320 ss:$0x1], $0xffff  }
0xba: {  	v31 =	vadd.f32 v3, v56;
	v3 =	vshll.u32 v48, $0x10  }
0xbb: {  	v63 =	vshll.u32 v62, $0x10;
	v0 =	vadd.f32 v0, v1;
	v1 =	vmul.f32 v3, v53  }
0xbc: {  	v56 =	vld.idx.msk [tilespmem:v17+s30+$0x340 ss:$0x1], $0xffff;
	v48 =	vand.u32 $0xFFFF0000, v48;
	v3 =	vmul.f32 v60, v55;
	v53 =	vperm.xlane v20, v7  }
0xbd: {  	v1 =	vadd.f32 v1, v25;
	v25 =	vmul.f32 v48, v58;
	v58 =	vperm.xlane v21, v7  }
0xbe: {  	v59 =	vld.idx.msk [tilespmem:v17+s30+$0x310 ss:$0x1], $0xffff;
	v48 =	vmul.f32 v63, v53;
	v60 =	vshll.u32 v61, $0x10;
	v63 =	vshll.u32 v57, $0x10  }
0xbf: {  	v1 =	vadd.f32 v1, v25;
	v2 =	vmul.f32 v60, v2;
	v25 =	vand.u32 $0xFFFF0000, v62  }
0xc0: {  	v60 =	vperm.xlane v19, v7;
	v38 =	vadd.f32 v48, v38;
	v62 =	vmul.f32 v25, v58  }
0xc1: {  	v25 =	vadd.f32 v0, v3;
	v0 =	vand.u32 $0xFFFF0000, v61;
	v3 =	vshll.u32 v56, $0x10  }
0xc2: {  	v1 =	vadd.f32 v1, v2;
	v3 =	vmul.f32 v3, v60;
	v2 =	vadd.f32 v38, v62;
	v38 =	vld.idx.msk [tilespmem:v17+s30+$0x350 ss:$0x1], $0xffff  }
0xc3: {  	v57 =	vand.u32 $0xFFFF0000, v57;
	v61 =	vld.idx.msk [tilespmem:v17+s30+$0x360 ss:$0x1], $0xffff;
	v0 =	vmul.f32 v0, v55;
	v55 =	vshll.u32 v59, $0x10  }
0xc4: {  	v48 =	vperm.xlane v18, v7;
	v2 =	vadd.f32 v2, v3;
	v3 =	vmul.f32 v55, v53  }
0xc5: {  	v56 =	vand.u32 $0xFFFF0000, v56;
	v59 =	vand.u32 $0xFFFF0000, v59;
	v55 =	vmul.f32 v63, v53  }
0xc6: {  	v56 =	vmul.f32 v56, v48;
	v3 =	vadd.f32 v3, v30;
	v30 =	vmul.f32 v59, v58  }
0xc7: {  	v63 =	vmul.f32 v57, v58;
	v57 =	vld.idx.msk [tilespmem:v17+s30+$0x330 ss:$0x1], $0xffff;
	v29 =	vadd.f32 v55, v29;
	v62 =	vshll.u32 v38, $0x10  }
0xc8: {  	v3 =	vadd.f32 v3, v30;
	v30 =	vmul.f32 v62, v60;
	v62 =	vshll.u32 v61, $0x10  }
0xc9: {  	v59 =	vld.idx.msk [tilespmem:v17+s30+$0x370 ss:$0x1], $0xffff;
	v38 =	vand.u32 $0xFFFF0000, v38;
	v29 =	vadd.f32 v29, v63;
	v55 =	vmul.f32 v62, v60  }
0xca: {  	v62 =	vmul.f32 v38, v48;
	v3 =	vadd.f32 v3, v30;
	v30 =	vand.u32 $0xFFFF0000, v61;
	v61 =	vld.idx.msk [tilespmem:v17+s30+$0x380 ss:$0x1], $0xffff  }
0xcb: {  	v38 =	vadd.f32 v2, v56;
	v29 =	vadd.f32 v29, v55;
	v63 =	vmul.f32 v30, v48  }
0xcc: {  	v55 =	vadd.f32 v1, v0;
	v0 =	vshll.u32 v57, $0x10;
	v1 =	vand.u32 $0xFFFF0000, v57  }
0xcd: {  	v30 =	vadd.f32 v3, v62;
	v62 =	vimm.s32 $0x7;
	v0 =	vmul.f32 v0, v53  }
0xce: {  	v2 =	vshll.u32 v59, $0x10;
	v53 =	vld.idx.msk [tilespmem:v17+s30+$0x3C0 ss:$0x1], $0xffff;
	v1 =	vmul.f32 v1, v58;
	v3 =	vperm.xlane v20, v62  }
0xcf: {  	v56 =	vld.idx.msk [tilespmem:v17+s30+$0x390 ss:$0x1], $0xffff;
	v29 =	vadd.f32 v29, v63;
	v0 =	vadd.f32 v0, v23;
	v23 =	vshll.u32 v61, $0x10  }
0xd0: {  	v63 =	vand.u32 $0xFFFF0000, v59;
	v58 =	vperm.xlane v21, v62;
	v23 =	vmul.f32 v23, v3  }
0xd1: {  	v0 =	vadd.f32 v0, v1;
	v1 =	vmul.f32 v2, v60;
	v2 =	vand.u32 $0xFFFF0000, v61  }
0xd2: {  	v59 =	vperm.xlane v19, v62;
	v2 =	vmul.f32 v2, v58;
	v23 =	vadd.f32 v23, v36;
	v36 =	vld.idx.msk [tilespmem:v17+s30+$0x3A0 ss:$0x1], $0xffff  }
0xd3: {  	v57 =	vld.idx.msk [tilespmem:v17+s30+$0x3D0 ss:$0x1], $0xffff;
	v61 =	vshll.u32 v53, $0x10;
	v0 =	vadd.f32 v0, v1;
	v1 =	vmul.f32 v63, v48  }
0xd4: {  	v60 =	vshll.u32 v56, $0x10;
	v48 =	vmul.f32 v61, v59;
	v2 =	vadd.f32 v23, v2  }
0xd5: {  	v53 =	vand.u32 $0xFFFF0000, v53;
	v23 =	vadd.f32 v0, v1;
	v1 =	vmul.f32 v60, v3  }
0xd6: {  	v0 =	vperm.xlane v18, v62;
	v62 =	vand.u32 $0xFFFF0000, v56;
	v56 =	vld.idx.msk [tilespmem:v17+s30+$0x3E0 ss:$0x1], $0xffff;
	v2 =	vadd.f32 v2, v48  }
0xd7: {  	v60 =	vld.idx.msk [tilespmem:v17+s30+$0x3B0 ss:$0x1], $0xffff;
	v1 =	vadd.f32 v1, v26;
	v26 =	vmul.f32 v62, v58;
	v48 =	vshll.u32 v36, $0x10  }
0xd8: {  	v61 =	vshll.u32 v57, $0x10;
	v53 =	vmul.f32 v53, v0;
	v48 =	vmul.f32 v48, v3  }
0xd9: {  	v61 =	vmul.f32 v61, v59;
	v36 =	vand.u32 $0xFFFF0000, v36;
	v1 =	vadd.f32 v1, v26  }
0xda: {  	v26 =	vadd.f32 v2, v53;
	v2 =	vadd.f32 v48, v24;
	v24 =	vmul.f32 v36, v58  }
0xdb: {  	v63 =	vand.u32 $0xFFFF0000, v57;
	v62 =	vld.idx.msk [tilespmem:v17+s30+$0x400 ss:$0x1], $0xffff;
	v57 =	vshll.u32 v56, $0x10;
	v1 =	vadd.f32 v1, v61  }
0xdc: {  	v61 =	vshll.u32 v60, $0x10;
	v2 =	vadd.f32 v2, v24;
	v24 =	vmul.f32 v57, v59  }
0xdd: {  	v53 =	vld.idx.msk [tilespmem:v17+s30+$0x3F0 ss:$0x1], $0xffff;
	v56 =	vand.u32 $0xFFFF0000, v56;
	v36 =	vmul.f32 v63, v0;
	v3 =	vmul.f32 v61, v3  }
0xde: {  	v63 =	vmul.f32 v56, v0;
	v60 =	vand.u32 $0xFFFF0000, v60;
	v56 =	vld.idx.msk [tilespmem:v17+s30+$0x440 ss:$0x1], $0xffff;
	v2 =	vadd.f32 v2, v24  }
0xdf: {  	v24 =	vadd.f32 v1, v36;
	v1 =	vadd.f32 v3, v22;
	v3 =	vmul.f32 v60, v58;
	v36 =	vld.idx.msk [tilespmem:v17+s30+$0x410 ss:$0x1], $0xffff  }
0xe0: {  	v48 =	vperm.xlane v20, v8;
	v57 =	vand.u32 $0xFFFF0000, v62;
	v58 =	vperm.xlane v21, v8  }
0xe1: {  	v22 =	vadd.f32 v2, v63;
	v1 =	vadd.f32 v1, v3;
	v3 =	vshll.u32 v62, $0x10  }
0xe2: {  	v2 =	vshll.u32 v53, $0x10;
	v53 =	vand.u32 $0xFFFF0000, v53;
	v3 =	vmul.f32 v3, v48  }
0xe3: {  	v61 =	vshll.u32 v56, $0x10;
	v2 =	vmul.f32 v2, v59;
	v59 =	vld.idx.msk [tilespmem:v17+s30+$0x420 ss:$0x1], $0xffff;
	v0 =	vmul.f32 v53, v0  }
0xe4: {  	v60 =	vld.idx.msk [tilespmem:v17+s30+$0x450 ss:$0x1], $0xffff;
	v3 =	vadd.f32 v3, v52;
	v52 =	vmul.f32 v57, v58;
	v57 =	vshll.u32 v36, $0x10  }
0xe5: {  	v56 =	vand.u32 $0xFFFF0000, v56;
	v53 =	vperm.xlane v18, v8;
	v57 =	vmul.f32 v57, v48  }
0xe6: {  	v1 =	vadd.f32 v1, v2;
	v2 =	vperm.xlane v19, v8;
	v36 =	vand.u32 $0xFFFF0000, v36  }
0xe7: {  	v56 =	vmul.f32 v56, v53;
	v36 =	vmul.f32 v36, v58;
	v51 =	vadd.f32 v57, v51;
	v57 =	vld.idx.msk [tilespmem:v17+s30+$0x460 ss:$0x1], $0xffff  }
0xe8: {  	v3 =	vadd.f32 v3, v52;
	v62 =	vmul.f32 v61, v2;
	v52 =	vshll.u32 v59, $0x10  }
0xe9: {  	v61 =	vshll.u32 v60, $0x10;
	v36 =	vadd.f32 v51, v36;
	v51 =	vmul.f32 v52, v48;
	v52 =	vld.idx.msk [tilespmem:v17+s30+$0x430 ss:$0x1], $0xffff  }
0xea: {  	v60 =	vand.u32 $0xFFFF0000, v60;
	v61 =	vmul.f32 v61, v2;
	v59 =	vand.u32 $0xFFFF0000, v59  }
0xeb: {  	v3 =	vadd.f32 v3, v62;
	v62 =	vld.idx.msk [tilespmem:v17+s30+$0x480 ss:$0x1], $0xffff;
	v47 =	vadd.f32 v51, v47;
	v51 =	vmul.f32 v59, v58  }
0xec: {  	v60 =	vmul.f32 v60, v53;
	v59 =	vadd.f32 v36, v61;
	v61 =	vshll.u32 v57, $0x10  }
0xed: {  	v36 =	vadd.f32 v1, v0;
	v0 =	vadd.f32 v47, v51;
	v1 =	vmul.f32 v61, v2  }
0xee: {  	v63 =	vand.u32 $0xFFFF0000, v57;
	v61 =	vld.idx.msk [tilespmem:v17+s30+$0x470 ss:$0x1], $0xffff;
	v51 =	vadd.f32 v3, v56;
	v3 =	vshll.u32 v52, $0x10  }
0xef: {  	v47 =	vadd.f32 v59, v60;
	v0 =	vadd.f32 v0, v1;
	v1 =	vmul.f32 v3, v48  }
0xf0: {  	v57 =	vld.idx.msk [tilespmem:v17+s30+$0x4C0 ss:$0x1], $0xffff;
	v56 =	vperm.xlane v20, v9;
	v60 =	vshll.u32 v62, $0x10;
	v52 =	vand.u32 $0xFFFF0000, v52  }
0xf1: {  	v3 =	vmul.f32 v63, v53;
	v48 =	vmul.f32 v52, v58;
	v1 =	vadd.f32 v1, v50  }
0xf2: {  	v59 =	vld.idx.msk [tilespmem:v17+s30+$0x490 ss:$0x1], $0xffff;
	v58 =	vperm.xlane v21, v9;
	v52 =	vand.u32 $0xFFFF0000, v62;
	v50 =	vmul.f32 v60, v56  }
0xf3: {  	v62 =	vperm.xlane v19, v9;
	v60 =	vld.idx.msk [tilespmem:v17+s30+$0x4A0 ss:$0x1], $0xffff;
	v63 =	vshll.u32 v61, $0x10;
	v1 =	vadd.f32 v1, v48  }
0xf4: {  	v2 =	vmul.f32 v63, v2;
	v46 =	vadd.f32 v50, v46;
	v48 =	vmul.f32 v52, v58  }
0xf5: {  	v52 =	vadd.f32 v0, v3;
	v0 =	vand.u32 $0xFFFF0000, v61;
	v3 =	vshll.u32 v57, $0x10  }
0xf6: {  	v3 =	vmul.f32 v3, v62;
	v1 =	vadd.f32 v1, v2;
	v2 =	vadd.f32 v46, v48  }
0xf7: {  	v61 =	vshll.u32 v59, $0x10;
	v0 =	vmul.f32 v0, v53;
	v46 =	vld.idx.msk [tilespmem:v17+s30+$0x4D0 ss:$0x1], $0xffff;
	v48 =	vperm.xlane v18, v9  }
0xf8: {  	v53 =	vld.idx.msk [tilespmem:v17+s30+$0x4E0 ss:$0x1], $0xffff;
	v63 =	vshll.u32 v60, $0x10;
	v2 =	vadd.f32 v2, v3;
	v3 =	vmul.f32 v61, v56  }
0xf9: {  	v57 =	vand.u32 $0xFFFF0000, v57;
	v50 =	vmul.f32 v63, v56  }
0xfa: {  	v59 =	vand.u32 $0xFFFF0000, v59;
	v57 =	vmul.f32 v57, v48;
	v61 =	vld.idx.msk [tilespmem:v17+s30+$0x500 ss:$0x1], $0xffff;
	v3 =	vadd.f32 v3, v39  }
0xfb: {  	v39 =	vmul.f32 v59, v58;
	v59 =	vand.u32 $0xFFFF0000, v60;
	v43 =	vadd.f32 v50, v43  }
0xfc: {  	v60 =	vshll.u32 v46, $0x10;
	v50 =	vmul.f32 v59, v58;
	v59 =	vld.idx.msk [tilespmem:v17+s30+$0x4B0 ss:$0x1], $0xffff;
	v46 =	vand.u32 $0xFFFF0000, v46  }
0xfd: {  	v3 =	vadd.f32 v3, v39;
	v39 =	vmul.f32 v60, v62;
	v60 =	vshll.u32 v53, $0x10  }
0xfe: {  	v53 =	vand.u32 $0xFFFF0000, v53;
	v43 =	vadd.f32 v43, v50;
	v50 =	vmul.f32 v60, v62  }
0xff: {  	v46 =	vmul.f32 v46, v48;
	v63 =	vshll.u32 v61, $0x10;
	v3 =	vadd.f32 v3, v39  }
0x100: {  	v60 =	vld.idx.msk [tilespmem:v17+s30+$0x4F0 ss:$0x1], $0xffff;
	v39 =	vmul.f32 v53, v48;
	v53 =	vadd.f32 v1, v0;
	v43 =	vadd.f32 v43, v50  }
0x101: {  	v0 =	vshll.u32 v59, $0x10;
	v46 =	vadd.f32 v3, v46;
	v3 =	vperm.xlane v20, v10  }
0x102: {  	v50 =	vadd.f32 v2, v57;
	v1 =	vand.u32 $0xFFFF0000, v59;
	v0 =	vmul.f32 v0, v56;
	v56 =	vld.idx.msk [tilespmem:v17+s30+$0x540 ss:$0x1], $0xffff  }
0x103: {  	v59 =	vperm.xlane v19, v10;
	v39 =	vadd.f32 v43, v39;
	v43 =	vmul.f32 v63, v3  }
0x104: {  	v1 =	vmul.f32 v1, v58;
	v58 =	vperm.xlane v21, v10;
	v0 =	vadd.f32 v0, v54;
	v54 =	vld.idx.msk [tilespmem:v17+s30+$0x510 ss:$0x1], $0xffff  }
0x105: {  	v2 =	vshll.u32 v60, $0x10;
	v57 =	vand.u32 $0xFFFF0000, v60;
	v41 =	vadd.f32 v43, v41  }
0x106: {  	v60 =	vld.idx.msk [tilespmem:v17+s30+$0x520 ss:$0x1], $0xffff;
	v0 =	vadd.f32 v0, v1;
	v1 =	vmul.f32 v2, v62;
	v2 =	vand.u32 $0xFFFF0000, v61  }
0x107: {  	v2 =	vmul.f32 v2, v58;
	v61 =	vshll.u32 v56, $0x10;
	v56 =	vand.u32 $0xFFFF0000, v56  }
0x108: {  	v0 =	vadd.f32 v0, v1;
	v1 =	vmul.f32 v57, v48;
	v48 =	vld.idx.msk [tilespmem:v17+s30+$0x550 ss:$0x1], $0xffff;
	v62 =	vmul.f32 v61, v59  }
0x109: {  	v2 =	vadd.f32 v41, v2;
	v63 =	vshll.u32 v54, $0x10;
	v57 =	vand.u32 $0xFFFF0000, v54  }
0x10a: {  	v54 =	vld.idx.msk [tilespmem:v17+s30+$0x560 ss:$0x1], $0xffff;
	v43 =	vadd.f32 v0, v1;
	v0 =	vperm.xlane v18, v10;
	v1 =	vmul.f32 v63, v3  }
0x10b: {  	v41 =	vshll.u32 v60, $0x10;
	v60 =	vand.u32 $0xFFFF0000, v60;
	v2 =	vadd.f32 v2, v62  }
0x10c: {  	v1 =	vadd.f32 v1, v37;
	v37 =	vmul.f32 v57, v58;
	v57 =	vld.idx.msk [tilespmem:v17+s30+$0x530 ss:$0x1], $0xffff;
	v56 =	vmul.f32 v56, v0  }
0x10d: {  	v62 =	vmul.f32 v41, v3;
	v61 =	vshll.u32 v48, $0x10;
	v48 =	vand.u32 $0xFFFF0000, v48  }
0x10e: {  	v1 =	vadd.f32 v1, v37;
	v37 =	vmul.f32 v61, v59;
	v41 =	vadd.f32 v2, v56  }
0x10f: {  	v2 =	vadd.f32 v62, v44;
	v61 =	vmul.f32 v60, v58;
	v62 =	vshll.u32 v54, $0x10;
	v60 =	vld.idx.msk [tilespmem:v17+s30+$0x580 ss:$0x1], $0xffff  }
0x110: {  	v56 =	vld.idx.msk [tilespmem:v17+s30+$0x570 ss:$0x1], $0xffff;
	v48 =	vmul.f32 v48, v0;
	v54 =	vand.u32 $0xFFFF0000, v54;
	v1 =	vadd.f32 v1, v37  }
0x111: {  	v2 =	vadd.f32 v2, v61;
	v37 =	vmul.f32 v62, v59;
	v44 =	vshll.u32 v57, $0x10  }
0x112: {  	v63 =	vmul.f32 v54, v0;
	v3 =	vmul.f32 v44, v3  }
0x113: {  	v54 =	vperm.xlane v20, v11;
	v2 =	vadd.f32 v2, v37;
	v44 =	vadd.f32 v1, v48;
	v48 =	vld.idx.msk [tilespmem:v17+s30+$0x590 ss:$0x1], $0xffff  }
0x114: {  	v57 =	vand.u32 $0xFFFF0000, v57;
	v61 =	vand.u32 $0xFFFF0000, v60;
	v1 =	vadd.f32 v3, v49  }
0x115: {  	v3 =	vmul.f32 v57, v58;
	v37 =	vadd.f32 v2, v63;
	v2 =	vshll.u32 v56, $0x10  }
0x116: {  	v49 =	vld.idx.msk [tilespmem:v17+s30+$0x5C0 ss:$0x1], $0xffff;
	v56 =	vand.u32 $0xFFFF0000, v56;
	v57 =	vperm.xlane v21, v11;
	v2 =	vmul.f32 v2, v59  }
0x117: {  	v0 =	vmul.f32 v56, v0;
	v1 =	vadd.f32 v1, v3;
	v3 =	vshll.u32 v60, $0x10  }
0x118: {  	v59 =	vld.idx.msk [tilespmem:v17+s30+$0x5A0 ss:$0x1], $0xffff;
	v56 =	vperm.xlane v18, v11;
	v3 =	vmul.f32 v3, v54;
	v58 =	vshll.u32 v48, $0x10  }
0x119: {  	v60 =	vld.idx.msk [tilespmem:v17+s30+$0x5D0 ss:$0x1], $0xffff;
	v48 =	vand.u32 $0xFFFF0000, v48;
	v1 =	vadd.f32 v1, v2;
	v2 =	vperm.xlane v19, v11  }
0x11a: {  	v58 =	vmul.f32 v58, v54;
	v48 =	vmul.f32 v48, v57  }
0x11b: {  	v3 =	vadd.f32 v3, v45;
	v45 =	vmul.f32 v61, v57;
	v62 =	vshll.u32 v49, $0x10  }
0x11c: {  	v49 =	vand.u32 $0xFFFF0000, v49;
	v63 =	vmul.f32 v62, v2;
	v42 =	vadd.f32 v58, v42;
	v58 =	vld.idx.msk [tilespmem:v17+s30+$0x5E0 ss:$0x1], $0xffff  }
0x11d: {  	v62 =	vmul.f32 v49, v56;
	v3 =	vadd.f32 v3, v45;
	v45 =	vshll.u32 v59, $0x10  }
0x11e: {  	v61 =	vshll.u32 v60, $0x10;
	v42 =	vadd.f32 v42, v48;
	v45 =	vmul.f32 v45, v54;
	v48 =	vld.idx.msk [tilespmem:v17+s30+$0x5B0 ss:$0x1], $0xffff  }
0x11f: {  	v59 =	vand.u32 $0xFFFF0000, v59;
	v60 =	vand.u32 $0xFFFF0000, v60;
	v49 =	vmul.f32 v61, v2  }
0x120: {  	v61 =	vld.idx.msk [tilespmem:v17+s30+$0x600 ss:$0x1], $0xffff;
	v3 =	vadd.f32 v3, v63;
	v35 =	vadd.f32 v45, v35;
	v45 =	vmul.f32 v59, v57  }
0x121: {  	v42 =	vadd.f32 v42, v49;
	v59 =	vmul.f32 v60, v56;
	v60 =	vshll.u32 v58, $0x10  }
0x122: {  	v49 =	vadd.f32 v1, v0;
	v0 =	vadd.f32 v35, v45;
	v1 =	vmul.f32 v60, v2;
	v60 =	vld.idx.msk [tilespmem:v17+s30+$0x5F0 ss:$0x1], $0xffff  }
0x123: {  	v58 =	vand.u32 $0xFFFF0000, v58;
	v45 =	vadd.f32 v3, v62;
	v3 =	vshll.u32 v48, $0x10  }
0x124: {  	v35 =	vadd.f32 v42, v59;
	v0 =	vadd.f32 v0, v1;
	v1 =	vmul.f32 v3, v54  }
0x125: {  	v59 =	vand.u32 $0xFFFF0000, v48;
	v48 =	vld.idx.msk [tilespmem:v17+s30+$0x640 ss:$0x1], $0xffff;
	v62 =	vshll.u32 v61, $0x10;
	v54 =	vperm.xlane v20, v12  }
0x126: {  	v3 =	vmul.f32 v58, v56;
	v1 =	vadd.f32 v1, v40;
	v40 =	vmul.f32 v59, v57  }
0x127: {  	v58 =	vperm.xlane v21, v12;
	v42 =	vmul.f32 v62, v54;
	v59 =	vld.idx.msk [tilespmem:v17+s30+$0x610 ss:$0x1], $0xffff;
	v63 =	vshll.u32 v60, $0x10  }
0x128: {  	v57 =	vld.idx.msk [tilespmem:v17+s30+$0x620 ss:$0x1], $0xffff;
	v1 =	vadd.f32 v1, v40;
	v2 =	vmul.f32 v63, v2;
	v40 =	vand.u32 $0xFFFF0000, v61  }
0x129: {  	v61 =	vperm.xlane v19, v12;
	v34 =	vadd.f32 v42, v34;
	v40 =	vmul.f32 v40, v58  }
0x12a: {  	v42 =	vadd.f32 v0, v3;
	v0 =	vand.u32 $0xFFFF0000, v60;
	v3 =	vshll.u32 v48, $0x10  }
0x12b: {  	v1 =	vadd.f32 v1, v2;
	v3 =	vmul.f32 v3, v61;
	v2 =	vadd.f32 v34, v40;
	v34 =	vld.idx.msk [tilespmem:v17+s30+$0x650 ss:$0x1], $0xffff  }
0x12c: {  	v60 =	vld.idx.msk [tilespmem:v17+s30+$0x660 ss:$0x1], $0xffff;
	v48 =	vand.u32 $0xFFFF0000, v48;
	v0 =	vmul.f32 v0, v56;
	v40 =	vshll.u32 v59, $0x10  }
0x12d: {  	v62 =	vshll.u32 v57, $0x10;
	v2 =	vadd.f32 v2, v3;
	v3 =	vmul.f32 v40, v54  }
0x12e: {  	v56 =	vperm.xlane v18, v12;
	v59 =	vand.u32 $0xFFFF0000, v59;
	v40 =	vmul.f32 v62, v54  }
0x12f: {  	v57 =	vand.u32 $0xFFFF0000, v57;
	v3 =	vadd.f32 v3, v28;
	v28 =	vmul.f32 v59, v58  }
0x130: {  	v32 =	vadd.f32 v40, v32;
	v40 =	vmul.f32 v57, v58;
	v57 =	vld.idx.msk [tilespmem:v17+s30+$0x630 ss:$0x1], $0xffff;
	v63 =	vshll.u32 v34, $0x10  }
0x131: {  	v59 =	vshll.u32 v60, $0x10;
	v3 =	vadd.f32 v3, v28;
	v28 =	vmul.f32 v63, v61  }
0x132: {  	v62 =	vmul.f32 v48, v56;
	v48 =	vmul.f32 v59, v61;
	v59 =	vld.idx.msk [tilespmem:v17+s30+$0x670 ss:$0x1], $0xffff;
	v32 =	vadd.f32 v32, v40  }
0x133: {  	v34 =	vand.u32 $0xFFFF0000, v34;
	v3 =	vadd.f32 v3, v28;
	v28 =	vand.u32 $0xFFFF0000, v60;
	v60 =	vld.idx.msk [tilespmem:v17+s30+$0x680 ss:$0x1], $0xffff  }
0x134: {  	v34 =	vmul.f32 v34, v56;
	v40 =	vadd.f32 v2, v62;
	v32 =	vadd.f32 v32, v48  }
0x135: {  	v48 =	vadd.f32 v1, v0;
	v28 =	vmul.f32 v28, v56;
	v0 =	vshll.u32 v57, $0x10  }
0x136: {  	v1 =	vand.u32 $0xFFFF0000, v57;
	v34 =	vadd.f32 v3, v34;
	v0 =	vmul.f32 v0, v54  }
0x137: {  	v2 =	vshll.u32 v59, $0x10;
	v3 =	vperm.xlane v20, v13;
	v54 =	vld.idx.msk [tilespmem:v17+s30+$0x6C0 ss:$0x1], $0xffff;
	v1 =	vmul.f32 v1, v58  }
0x138: {  	v57 =	vand.u32 $0xFFFF0000, v59;
	v0 =	vadd.f32 v0, v33;
	v33 =	vld.idx.msk [tilespmem:v17+s30+$0x690 ss:$0x1], $0xffff;
	v63 =	vshll.u32 v60, $0x10  }
0x139: {  	v58 =	vperm.xlane v21, v13;
	v28 =	vadd.f32 v32, v28;
	v32 =	vmul.f32 v63, v3  }
0x13a: {  	v0 =	vadd.f32 v0, v1;
	v1 =	vmul.f32 v2, v61;
	v2 =	vand.u32 $0xFFFF0000, v60  }
0x13b: {  	v59 =	vperm.xlane v19, v13;
	v60 =	vld.idx.msk [tilespmem:v17+s30+$0x6A0 ss:$0x1], $0xffff;
	v2 =	vmul.f32 v2, v58;
	v31 =	vadd.f32 v32, v31  }
0x13c: {  	v62 =	vshll.u32 v54, $0x10;
	v0 =	vadd.f32 v0, v1;
	v1 =	vmul.f32 v57, v56;
	v56 =	vld.idx.msk [tilespmem:v17+s30+$0x6D0 ss:$0x1], $0xffff  }
0x13d: {  	v63 =	vshll.u32 v33, $0x10;
	v2 =	vadd.f32 v31, v2;
	v31 =	vmul.f32 v62, v59  }
0x13e: {  	v54 =	vand.u32 $0xFFFF0000, v54;
	v32 =	vadd.f32 v0, v1;
	v1 =	vmul.f32 v63, v3  }
0x13f: {  	v0 =	vperm.xlane v18, v13;
	v2 =	vadd.f32 v2, v31;
	v31 =	vand.u32 $0xFFFF0000, v33;
	v33 =	vld.idx.msk [tilespmem:v17+s30+$0x6E0 ss:$0x1], $0xffff  }
0x140: {  	v57 =	vld.idx.msk [tilespmem:v17+s30+$0x6B0 ss:$0x1], $0xffff;
	v1 =	vadd.f32 v1, v27;
	v27 =	vmul.f32 v31, v58;
	v31 =	vshll.u32 v60, $0x10  }
0x141: {  	v54 =	vmul.f32 v54, v0;
	v61 =	vshll.u32 v56, $0x10;
	v62 =	vmul.f32 v31, v3  }
0x142: {  	v60 =	vand.u32 $0xFFFF0000, v60;
	v1 =	vadd.f32 v1, v27;
	v27 =	vmul.f32 v61, v59  }
0x143: {  	v31 =	vadd.f32 v2, v54;
	v2 =	vadd.f32 v62, v25;
	v25 =	vmul.f32 v60, v58  }
0x144: {  	v54 =	vand.u32 $0xFFFF0000, v56;
	v56 =	vld.idx.msk [tilespmem:v17+s30+$0x6F0 ss:$0x1], $0xffff;
	v1 =	vadd.f32 v1, v27;
	v27 =	vshll.u32 v33, $0x10  }
0x145: {  	v2 =	vadd.f32 v2, v25;
	v25 =	vmul.f32 v27, v59;
	v27 =	vshll.u32 v57, $0x10  }
0x146: {  	v54 =	vmul.f32 v54, v0;
	v60 =	vld.idx.msk [tilespmem:v17+s30+$0x700 ss:$0x1], $0xffff;
	v33 =	vand.u32 $0xFFFF0000, v33;
	v3 =	vmul.f32 v27, v3  }
0x147: {  	v27 =	vand.u32 $0xFFFF0000, v57;
	v2 =	vadd.f32 v2, v25;
	v25 =	vmul.f32 v33, v0  }
0x148: {  	v33 =	vadd.f32 v1, v54;
	v54 =	vld.idx.msk [tilespmem:v17+s30+$0x710 ss:$0x1], $0xffff;
	v1 =	vadd.f32 v3, v55;
	v3 =	vmul.f32 v27, v58  }
0x149: {  	v27 =	vadd.f32 v2, v25;
	v2 =	vshll.u32 v56, $0x10  }
0x14a: {  	v55 =	vperm.xlane v20, v14;
	v58 =	vld.idx.msk [tilespmem:v17+s30+$0x740 ss:$0x1], $0xffff;
	v1 =	vadd.f32 v1, v3;
	v2 =	vmul.f32 v2, v59  }
0x14b: {  	v57 =	vld.idx.msk [tilespmem:v17+s30+$0x720 ss:$0x1], $0xffff;
	v25 =	vand.u32 $0xFFFF0000, v56;
	v56 =	vperm.xlane v21, v14;
	v3 =	vshll.u32 v60, $0x10  }
0x14c: {  	v0 =	vmul.f32 v25, v0;
	v59 =	vld.idx.msk [tilespmem:v17+s30+$0x730 ss:$0x1], $0xffff;
	v3 =	vmul.f32 v3, v55;
	v1 =	vadd.f32 v1, v2  }
0x14d: {  	v2 =	vand.u32 $0xFFFF0000, v60;
	v61 =	vshll.u32 v54, $0x10;
	v60 =	vperm.xlane v18, v14  }
0x14e: {  	v54 =	vand.u32 $0xFFFF0000, v54;
	v3 =	vadd.f32 v3, v38;
	v2 =	vmul.f32 v2, v56  }
0x14f: {  	v38 =	vmul.f32 v61, v55;
	v61 =	vshll.u32 v58, $0x10;
	v54 =	vmul.f32 v54, v56  }
0x150: {  	v25 =	vadd.f32 v1, v0;
	v0 =	vperm.xlane v19, v14;
	v1 =	vld.idx.msk [tilespmem:v17+s30+$0x750 ss:$0x1], $0xffff;
	v2 =	vadd.f32 v3, v2  }
0x151: {  	v3 =	vshll.u32 v57, $0x10;
	v30 =	vadd.f32 v38, v30;
	v62 =	vshll.u32 v59, $0x10  }
0x152: {  	v58 =	vand.u32 $0xFFFF0000, v58;
	v38 =	vld.idx.msk [tilespmem:v17+s30+$0x760 ss:$0x1], $0xffff;
	v3 =	vmul.f32 v3, v55;
	v55 =	vmul.f32 v62, v55  }
0x153: {  	v57 =	vand.u32 $0xFFFF0000, v57;
	v59 =	vand.u32 $0xFFFF0000, v59;
	v30 =	vadd.f32 v30, v54  }
0x154: {  	v3 =	vadd.f32 v3, v29;
	v29 =	vmul.f32 v57, v56;
	v57 =	vld.idx.msk [tilespmem:v17+s30+$0x770 ss:$0x1], $0xffff;
	v23 =	vadd.f32 v55, v23  }
0x155: {  	v56 =	vmul.f32 v59, v56;
	v63 =	vshll.u32 v1, $0x10;
	v1 =	vand.u32 $0xFFFF0000, v1  }
0x156: {  	v3 =	vadd.f32 v3, v29;
	v29 =	vmul.f32 v61, v0;
	v54 =	vmul.f32 v63, v0  }
0x157: {  	v61 =	vshll.u32 v38, $0x10;
	v23 =	vadd.f32 v23, v56;
	v38 =	vand.u32 $0xFFFF0000, v38  }
0x158: {  	v1 =	vmul.f32 v1, v60;
	v55 =	vmul.f32 v61, v0;
	v2 =	vadd.f32 v2, v29  }
0x159: {  	v63 =	vld.idx.msk [tilespmem:v17+s30+$0x780 ss:$0x1], $0xffff;
	v29 =	vadd.f32 v30, v54;
	v30 =	vmul.f32 v58, v60;
	v62 =	vshll.u32 v57, $0x10  }
0x15a: {  	v61 =	vld.idx.msk [tilespmem:v17+s30+$0x790 ss:$0x1], $0xffff;
	v3 =	vadd.f32 v3, v55;
	v57 =	vand.u32 $0xFFFF0000, v57;
	v0 =	vmul.f32 v62, v0  }
0x15b: {  	v62 =	vmul.f32 v38, v60;
	v38 =	vadd.f32 v2, v30;
	v2 =	vmul.f32 v57, v60  }
0x15c: {  	v30 =	vadd.f32 v29, v1;
	v1 =	vperm.xlane v20, v15;
	v20 =	vld.idx.msk [tilespmem:v17+s30+$0x7D0 ss:$0x1], $0xffff;
	v0 =	vadd.f32 v23, v0  }
0x15d: {  	v18 =	vperm.xlane v18, v15;
	v29 =	vadd.f32 v3, v62;
	v3 =	vld.idx.msk [tilespmem:v17+s30+$0x7C0 ss:$0x1], $0xffff  }
0x15e: {  	v19 =	vperm.xlane v19, v15;
	v23 =	vadd.f32 v0, v2;
	v2 =	vshll.u32 v63, $0x10  }
0x15f: {  	v0 =	vperm.xlane v21, v15;
	v21 =	vshll.u32 v61, $0x10;
	v2 =	vmul.f32 v2, v1  }
0x160: {  	v56 =	vld.idx.msk [tilespmem:v17+s30+$0x7A0 ss:$0x1], $0xffff;
	v55 =	vand.u32 $0xFFFF0000, v63;
	v54 =	vand.u32 $0xFFFF0000, v61;
	v21 =	vmul.f32 v21, v1  }
0x161: {  	v60 =	vshll.u32 v20, $0x10;
	v2 =	vadd.f32 v2, v26;
	v26 =	vmul.f32 v55, v0;
	v55 =	vld.idx.msk [tilespmem:v17+s30+$0x7B0 ss:$0x1], $0xffff  }
0x162: {  	v63 =	vshll.u32 v3, $0x10;
	v21 =	vadd.f32 v21, v24;
	v24 =	vmul.f32 v54, v0  }
0x163: {  	v20 =	vand.u32 $0xFFFF0000, v20;
	v2 =	vadd.f32 v2, v26;
	v26 =	vmul.f32 v63, v19  }
0x164: {  	v61 =	vld.idx.msk [tilespmem:v17+s30+$0x7E0 ss:$0x1], $0xffff;
	v20 =	vmul.f32 v20, v18;
	v21 =	vadd.f32 v21, v24;
	v24 =	vmul.f32 v60, v19  }
0x165: {  	v62 =	vld.idx.msk [tilespmem:v17+s30+$0x7F0 ss:$0x1], $0xffff;
	v3 =	vand.u32 $0xFFFF0000, v3;
	v2 =	vadd.f32 v2, v26;
	v26 =	vshll.u32 v56, $0x10  }
0x166: {  	v21 =	vadd.f32 v21, v24;
	v24 =	vmul.f32 v26, v1;
	v26 =	vshll.u32 v55, $0x10  }
0x167: {  	v3 =	vmul.f32 v3, v18;
	v56 =	vand.u32 $0xFFFF0000, v56;
	v1 =	vmul.f32 v26, v1  }
0x168: {  	v26 =	vand.u32 $0xFFFF0000, v55;
	v22 =	vadd.f32 v24, v22;
	v24 =	vmul.f32 v56, v0  }
0x169: {  	v63 =	vshll.u32 v61, $0x10;
	v0 =	vmul.f32 v26, v0;
	v1 =	vadd.f32 v1, v36  }
0x16a: {  	p1 =	por p0, p0;
	v26 =	vshll.u32 v62, $0x10;
	v22 =	vadd.f32 v22, v24;
	v24 =	vmul.f32 v63, v19  }
.Ltmp0:
0x16b: {  	v36 =	vadd.f32 v2, v3;
	v0 =	vadd.f32 v1, v0;
	v1 =	vmul.f32 v26, v19;
	(pc) =	sbr.rel @p1 .LBB2_4-.Ltmp0, $4  }
0x16c: {  	v19 =	vand.u32 $0xFFFF0000, v61;
	v22 =	vadd.f32 v22, v24;
	v24 =	vand.u32 $0xFFFF0000, v62  }
0x16d: {  	v19 =	vmul.f32 v19, v18;
	v0 =	vadd.f32 v0, v1;
	v1 =	vmul.f32 v24, v18  }
0x16e: {  	v3 =	vimm.s32 $0x2;
	v2 =	vimm.s32 $0x1;
	v26 =	vadd.f32 v21, v20  }
0x16f: {  	p0 =	por $0x0, $0x0;
	s30 =	simm.s32 $0x1;
	v24 =	vadd.f32 v22, v19;
	v22 =	vadd.f32 v0, v1;
	v0 =	vimm.s32 $0x0  }
0x170: {  	[tilespmem:s8+$0x8800] =	vst v51  }
0x171: {  	[tilespmem:s8+$0x8810] =	vst v47  }
0x172: {  	[tilespmem:s8+$0x8820] =	vst v52  }
0x173: {  	[tilespmem:s8+$0x8830] =	vst v53  }
0x174: {  	[tilespmem:s8+$0x8840] =	vst v50  }
0x175: {  	[tilespmem:s8+$0x8850] =	vst v46  }
0x176: {  	[tilespmem:s8+$0x8860] =	vst v39  }
0x177: {  	[tilespmem:s8+$0x8870] =	vst v43  }
0x178: {  	[tilespmem:s8+$0x8C00] =	vst v41  }
0x179: {  	[tilespmem:s8+$0x8C10] =	vst v44  }
0x17a: {  	[tilespmem:s8+$0x8C20] =	vst v37  }
0x17b: {  	[tilespmem:s8+$0x8C30] =	vst v49  }
0x17c: {  	[tilespmem:s8+$0x8C40] =	vst v45  }
0x17d: {  	[tilespmem:s8+$0x8C50] =	vst v35  }
0x17e: {  	[tilespmem:s8+$0x8C60] =	vst v42  }
0x17f: {  	[tilespmem:s8+$0x8C70] =	vst v48  }
0x180: {  	[tilespmem:s8+$0x9000] =	vst v40  }
0x181: {  	[tilespmem:s8+$0x9010] =	vst v34  }
0x182: {  	[tilespmem:s8+$0x9020] =	vst v28  }
0x183: {  	[tilespmem:s8+$0x9030] =	vst v32  }
0x184: {  	[tilespmem:s8+$0x9040] =	vst v31  }
0x185: {  	[tilespmem:s8+$0x9050] =	vst v33  }
0x186: {  	[tilespmem:s8+$0x9060] =	vst v27  }
0x187: {  	[tilespmem:s8+$0x9070] =	vst v25  }
0x188: {  	[tilespmem:s8+$0x9400] =	vst v38  }
0x189: {  	[tilespmem:s8+$0x9410] =	vst v30;
	s3 =	sadd.s32 $0x1, s3  }
0x18a: {  	[tilespmem:s8+$0x9420] =	vst v29;
	p0 =	sne.s32 s3, $0x8  }
.Ltmp1:
0x18b: {  	[tilespmem:s8+$0x9430] =	vst v23;
	(pc) =	sbr.rel @p0 .LBB2_3-.Ltmp1, $4  }
0x18c: {  	[tilespmem:s8+$0x9440] =	vst v36  }
0x18d: {  	[tilespmem:s8+$0x9450] =	vst v26  }
0x18e: {  	[tilespmem:s8+$0x9460] =	vst v24  }
0x18f: {  	[tilespmem:s8+$0x9470] =	vst v22  }
0x190: {  	s31 =	sadd.s32 $0x1, s31  }
0x191: {  	s0 =	sshll.u32 s0, $0x9;
	p0 =	sne.s32 s31, $0x28  }
.Ltmp2:
0x192: {  	s0 =	sadd.s32 s6, s0;
	(pc) =	sbr.rel @p0 .LBB2_2-.Ltmp2, $4  }
0x193: {  	[hbm4b:s0+s2] =	stream.linear.scatter [tilespmem:s29], [sflag:$0x2], $0x1000, $0x38;
	[tilespmem:$0x9800] =	vst v63  }
0x194: {  	_ =	swait.ge [sflag:s9], $0x1000  }
0x195: {  	[sflag:s9] =	ssyncset.done $0x0  }
0x196: {  	[sflag:s9] =	ssyncadd.s32 $0xFFFFF000  }
0x197: {  	s1 =	rddreg [dreg:$0x4]  }
0x198: {  	s0 =	rddreg [dreg:$0x3];
	s1 =	sadd.s32 $0x1, s1  }
0x199: {  	p0 =	sne.s32 s1, s0  }
.Ltmp3:
0x19a: {  	_ = 	snop;
	(pc) =	sbr.rel @p0 .LBB2_1-.Ltmp3, $1  }
0x19b: {  	_ =	sdelay $0x3  }
0x19c: {  	_ =	sfence.sel $0x180000  }
0x19d: {  	[bflag:$0x0] =	sbarrier.arrive $0xFFFF  }
0x19e: {  	_ =	strace $0x90000047  }
0x19f: {  	s0 =	stileid.u32;
	[bflag:$0x2] =	sbarrier.arrive $0xFFFF  }
0x1a0: {  	p0 =	sne.s32 s0, $0x0;
	s0 =	rddreg [dreg:$0x2]  }
0x1a1: {  	s0 =	sadd.s32 @!p0 $0x100000, s0  }
0x1a2: {  	[sflag:s0] =	ssyncadd.tile.s32 @!p0 $0x1;
	_ =	shalt  }
.Lfunc_end2:
_tile_overlayer_lowered:
.L_overlay_start_2:
0x1a3: {  	(tag) =	ssettag $0x2  }
0x1a4: {  	s0 =	rddreg [dreg:$0x0];
	s2 =	stileid.u32  }
0x1a5: {  	s1 =	rddreg [dreg:$0x1];
	p0 =	sne.s32 s2, $0x0  }
0x1a6: {  	s3 =	rddreg [dreg:$0x2];
	[bflag:$0x3] =	sbarrier.arrive $0xFFFF;
	s2 =	simm.s32 @!p0 $0x1C02  }
0x1a7: {  	[timem:s3], [sflag:s2] =	dma.local @!p0 [hbm:s0], s1  }
0x1a8: {  	s0 =	simm.s32 @!p0 $0x2  }
0x1a9: {  	_ =	swait.ge @!p0 [sflag:s0], s1  }
0x1aa: {  	s1 =	ssub.s32 @!p0 $0x0, s1;
	[sflag:s0] =	ssyncset.done @!p0 $0x0  }
0x1ab: {  	[sflag:s0] =	ssyncadd.s32 @!p0 s1  }
0x1ac: {  	[bflag:$0x3] =	sbarrier.arrive $0xFFFF  }
0x1ad: {  	_ =	shalt  }

</sc_bundles>
